<compile_context>
chip_gen: v7x
topology: tpu7x:2x2x1
jax: 0.10.2.dev20260603
libtpu: 0.0.44.dev20260713+nightly
codegen_flags: <defaults>
</compile_context>

<pallas_src>
import jax
import jax.numpy as jnp
from jax import lax
from jax.experimental import pallas as pl
from jax.experimental.pallas import tpu as pltpu
from jax.experimental.pallas import tpu_sc as plsc

_N = 10000
_E = 160000
_NC = 2
_NS = 16
_NP = 10240
_EP = 163840
_NB = 80
_B = 128
_DUMMY = 10100
_RPT = _NP // _NS
_D = 128


_G = 8


def _agg_body(table, srcf, dsti, zrow, out, acc, idx_sf, idx_df, idx_s,
              idx_d, buf, gsem0, gsem1):
    c = lax.axis_index("c")
    s = lax.axis_index("s")

    base = s * _RPT
    pltpu.sync_copy(zrow, acc.at[pl.ds(base, _RPT)])
    plsc.subcore_barrier()

    sbase = (c * _NS + s) * _NB
    dbase = s * _NB
    gsems = (gsem0, gsem1)

    def chunk(g, cc):
        pltpu.sync_copy(srcf.at[pl.ds(sbase + g * _G, _G)], idx_sf)
        pltpu.sync_copy(dsti.at[pl.ds(dbase + g * _G, _G)], idx_df)
        for j in range(_G):
            for k in range(_B // 16):
                sl = pl.ds(k * 16, 16)
                idx_s[j, sl] = idx_sf[j, sl].astype(jnp.int32)
                idx_d[j, sl] = idx_df[j, sl].astype(jnp.int32)
        descs = {0: pltpu.async_copy(table.at[idx_s.at[0]], buf.at[0],
                                     gsems[0])}
        for b in range(_G):
            if b + 1 < _G:
                descs[b + 1] = pltpu.async_copy(
                    table.at[idx_s.at[b + 1]], buf.at[(b + 1) % 2],
                    gsems[(b + 1) % 2])
            descs[b].wait()
            pltpu.sync_copy(buf.at[b % 2], acc.at[idx_d.at[b]], add=True)
        return cc

    lax.fori_loop(0, _NB // _G, chunk, 0)
    plsc.subcore_barrier()

    pltpu.sync_copy(acc.at[pl.ds(base, _RPT)], out.at[c, pl.ds(base, _RPT)])


_sc_agg = pl.kernel(
    _agg_body,
    out_type=jax.ShapeDtypeStruct((_NC, _NP, _D), jnp.float32),
    mesh=plsc.VectorSubcoreMesh(core_axis_name="c", subcore_axis_name="s"),
    scratch_types=[
        pltpu.VMEM_SHARED((_NP, _D), jnp.float32),
        pltpu.VMEM((_G, _B), jnp.float32),
        pltpu.VMEM((_G, _B), jnp.float32),
        pltpu.VMEM((_G, _B), jnp.int32),
        pltpu.VMEM((_G, _B), jnp.int32),
        pltpu.VMEM((2, _B, _D), jnp.float32),
        pltpu.SemaphoreType.DMA,
        pltpu.SemaphoreType.DMA,
    ],
)


def _deg_body(dsti, zrow, onesr, deg_out, acc, idx_df, idx_d, ones_b):
    c = lax.axis_index("c")
    s = lax.axis_index("s")

    base = s * _RPT
    pltpu.sync_copy(zrow, acc.at[pl.ds(base, _RPT)])
    pltpu.sync_copy(onesr, ones_b)
    plsc.subcore_barrier()

    nb2 = _NB // _NC
    dbase = (c * _NS + s) * nb2

    def step(t, cc):
        pltpu.sync_copy(dsti.at[pl.ds(dbase + t, 1)], idx_df)
        for k in range(_B // 16):
            sl = pl.ds(k * 16, 16)
            idx_d[0, sl] = idx_df[0, sl].astype(jnp.int32)
        pltpu.sync_copy(ones_b, acc.at[idx_d.at[0]], add=True)
        return cc

    lax.fori_loop(0, nb2, step, 0)
    plsc.subcore_barrier()

    pltpu.sync_copy(acc.at[pl.ds(base, _RPT)],
                    deg_out.at[c, pl.ds(base, _RPT)])


_sc_deg = pl.kernel(
    _deg_body,
    out_type=jax.ShapeDtypeStruct((_NC, _NP, _D), jnp.float32),
    mesh=plsc.VectorSubcoreMesh(core_axis_name="c", subcore_axis_name="s"),
    scratch_types=[
        pltpu.VMEM_SHARED((_NP, _D), jnp.float32),
        pltpu.VMEM((1, _B), jnp.float32),
        pltpu.VMEM((1, _B), jnp.int32),
        pltpu.VMEM((_B, _D), jnp.float32),
    ],
)

_R = 512
_GB = _NP // _R


def _tc_mid(agg1, degs, xpad, w1l2, bl1, wr1t, wl2t, wr2t):

    def body(agg_ref, deg_ref, x_ref, wl_ref, bl_ref, wr_ref, w2l_ref,
             w2r_ref, p2_ref, r_ref):
        deg = deg_ref[0][:, 0:1] + deg_ref[1][:, 0:1]
        inv = 1.0 / jnp.maximum(deg, 1.0)
        a0 = agg_ref[0] * inv
        a1 = agg_ref[1] * inv
        h = (jnp.dot(a0, wl_ref[0], preferred_element_type=jnp.float32)
             + jnp.dot(a1, wl_ref[1], preferred_element_type=jnp.float32)
             + jnp.dot(x_ref[...], wr_ref[...],
                       preferred_element_type=jnp.float32)
             + bl_ref[...])
        h = jnp.maximum(h, 0.0)
        p = jnp.dot(h, w2l_ref[...], preferred_element_type=jnp.float32)
        r_ref[...] = jnp.dot(h, w2r_ref[...],
                             preferred_element_type=jnp.float32)
        p2_ref[0] = p[:, :128]
        p2_ref[1] = p[:, 128:]

    return pl.pallas_call(
        body,
        grid=(_GB,),
        in_specs=[
            pl.BlockSpec((_NC, _R, 128), lambda i: (0, i, 0)),
            pl.BlockSpec((_NC, _R, 128), lambda i: (0, i, 0)),
            pl.BlockSpec((_R, 256), lambda i: (i, 0)),
            pl.BlockSpec((_NC, 128, 512), lambda i: (0, 0, 0)),
            pl.BlockSpec((1, 512), lambda i: (0, 0)),
            pl.BlockSpec((256, 512), lambda i: (0, 0)),
            pl.BlockSpec((512, 256), lambda i: (0, 0)),
            pl.BlockSpec((512, 256), lambda i: (0, 0)),
        ],
        out_specs=[
            pl.BlockSpec((_NC, _R, 128), lambda i: (0, i, 0)),
            pl.BlockSpec((_R, 256), lambda i: (i, 0)),
        ],
        out_shape=[
            jax.ShapeDtypeStruct((_NC, _NP, 128), jnp.float32),
            jax.ShapeDtypeStruct((_NP, 256), jnp.float32),
        ],
    )(agg1, degs, xpad, w1l2, bl1, wr1t, wl2t, wr2t)


def _tc_out(agg2, degs, r, bl2):

    def body(agg_ref, deg_ref, r_ref, bl_ref, out_ref):
        deg = deg_ref[0][:, 0:1] + deg_ref[1][:, 0:1]
        inv = 1.0 / jnp.maximum(deg, 1.0)
        out_ref[:, :128] = agg_ref[0] * inv + bl_ref[:, :128] + r_ref[:, :128]
        out_ref[:, 128:] = agg_ref[1] * inv + bl_ref[:, 128:] + r_ref[:, 128:]

    return pl.pallas_call(
        body,
        grid=(_GB,),
        in_specs=[
            pl.BlockSpec((_NC, _R, 128), lambda i: (0, i, 0)),
            pl.BlockSpec((_NC, _R, 128), lambda i: (0, i, 0)),
            pl.BlockSpec((_R, 256), lambda i: (i, 0)),
            pl.BlockSpec((1, 256), lambda i: (0, 0)),
        ],
        out_specs=pl.BlockSpec((_R, 256), lambda i: (i, 0)),
        out_shape=jax.ShapeDtypeStruct((_NP, 256), jnp.float32),
    )(agg2, degs, r, bl2)


def kernel(x, edge_index, Wl1, bl1, Wr1, Wl2, bl2, Wr2):
    src = edge_index[0]
    dst = edge_index[1]
    srcp = jnp.concatenate([src, jnp.zeros((_EP - _E,), jnp.int32)])
    dstp = jnp.concatenate([dst, jnp.full((_EP - _E,), _DUMMY, jnp.int32)])
    srcf = jnp.concatenate([srcp, srcp + _NP]).reshape(-1, _B).astype(jnp.float32)
    dsti = dstp.reshape(-1, _B).astype(jnp.float32)

    xpad = jnp.pad(x, ((0, _NP - _N), (0, 0)))
    xh = xpad.reshape(_NP, 2, 128).transpose(1, 0, 2).reshape(2 * _NP, 128)

    zrow = jnp.zeros((_RPT, _D), jnp.float32)
    onesr = jnp.ones((_B, _D), jnp.float32)

    degs = _sc_deg(dsti, zrow, onesr)
    agg1 = _sc_agg(xh, srcf, dsti, zrow)

    w1l2 = jnp.stack([Wl1.T[:128], Wl1.T[128:]])
    p2, r = _tc_mid(agg1, degs, xpad, w1l2, bl1.reshape(1, 512),
                    Wr1.T, Wl2.T, Wr2.T)

    ph = p2.reshape(2 * _NP, 128)
    agg2 = _sc_agg(ph, srcf, dsti, zrow)
    out = _tc_out(agg2, degs, r, bl2.reshape(1, 256))
    return out[:_N]

# --- scband reference (transcript-rebuilt; emitter-appended) ---
"""Pipeline reference for scband-graph-saint-25228637897369 (READ-ONLY COPY).

The authoritative reference and input builder live on the scoring server;
editing this copy changes nothing except your own understanding.
"""

import jax, jax.numpy as jnp
import numpy as np

N = 10000
E = 160000
D_IN = 256
D_H = 512
D_OUT = 256


def setup_inputs(seed: int = 0) -> dict:
    key = jax.random.key(seed)
    ks = jax.random.split(key, 9)
    x = jax.random.normal(ks[0], (N, D_IN), dtype=jnp.float32)
    edge_index = jax.random.randint(ks[1], (2, E), 0, N, dtype=jnp.int32)
    # SAGEConv params: lin_l (applied to aggregated neighbors, has bias),
    # lin_r (applied to root, no bias) -- PyG defaults.
    Wl1 = jax.random.normal(ks[2], (D_H, D_IN), dtype=jnp.float32) * (1.0 / np.sqrt(D_IN))
    bl1 = jnp.zeros((D_H,), dtype=jnp.float32)
    Wr1 = jax.random.normal(ks[3], (D_H, D_IN), dtype=jnp.float32) * (1.0 / np.sqrt(D_IN))
    Wl2 = jax.random.normal(ks[4], (D_OUT, D_H), dtype=jnp.float32) * (1.0 / np.sqrt(D_H))
    bl2 = jnp.zeros((D_OUT,), dtype=jnp.float32)
    Wr2 = jax.random.normal(ks[5], (D_OUT, D_H), dtype=jnp.float32) * (1.0 / np.sqrt(D_H))
    return {"x": x, "edge_index": edge_index, "Wl1": Wl1, "bl1": bl1, "Wr1": Wr1,
            "Wl2": Wl2, "bl2": bl2, "Wr2": Wr2}


def _sage_conv(h, edge_index, Wl, bl, Wr):
    n = h.shape[0]
    src = edge_index[0]
    dst = edge_index[1]
    msgs = h[src]  # gather source node features per edge
    agg = jax.ops.segment_sum(msgs, dst, num_segments=n)
    deg = jax.ops.segment_sum(jnp.ones((edge_index.shape[1],), dtype=h.dtype), dst, num_segments=n)
    agg = agg / jnp.clip(deg, 1.0, None)[:, None]  # mean aggregation
    return agg @ Wl.T + bl + h @ Wr.T


def reference(x, edge_index, Wl1, bl1, Wr1, Wl2, bl2, Wr2):
    # Layer 1 + ReLU (dropout is identity in eval mode)
    h = jax.nn.relu(_sage_conv(x, edge_index, Wl1, bl1, Wr1))
    # Layer 2 (output layer, no activation)
    out = _sage_conv(h, edge_index, Wl2, bl2, Wr2)
    return out

if __name__ == "__main__":
    import jax
    _d = setup_inputs()
    print(jax.jit(kernel)(*tuple(_d.values())))

</pallas_src>

<mosaic_0001>
#map = affine_map<(d0, d1) -> (0, 0)>
#map1 = affine_map<(d0, d1) -> (0, 0, 0)>
module attributes {stable_mosaic.version = 14 : i64} {
  func.func @_agg_body(%arg0: i32, %arg1: i32, %arg2: memref<20480x128xf32, #tpu.memory_space<hbm>>, %arg3: memref<2560x128xf32, #tpu.memory_space<hbm>>, %arg4: memref<1280x128xf32, #tpu.memory_space<hbm>>, %arg5: memref<640x128xf32, #tpu.memory_space<hbm>>, %arg6: memref<2x10240x128xf32, #tpu.memory_space<hbm>>, %arg7: memref<10240x128xf32, #tpu.memory_space<vmem_shared>>, %arg8: memref<8x128xf32, #tpu.memory_space<vmem>>, %arg9: memref<8x128xf32, #tpu.memory_space<vmem>>, %arg10: memref<8x128xi32, #tpu.memory_space<vmem>>, %arg11: memref<8x128xi32, #tpu.memory_space<vmem>>, %arg12: memref<2x128x128xf32, #tpu.memory_space<vmem>>, %arg13: memref<!tpu.dma_semaphore, #tpu.memory_space<semaphore_mem>>, %arg14: memref<!tpu.dma_semaphore, #tpu.memory_space<semaphore_mem>>) attributes {dimension_semantics = [#tpu.dimension_semantics<core_parallel>, #tpu.dimension_semantics<subcore_parallel>], iteration_bounds = array<i64: 2, 16>, scalar_prefetch = 0 : i64, scratch_operands = 8 : i64, tpu.core_type = #tpu.core_type<sc_vector_subcore>, window_params = [{transform_indices = #map}, {transform_indices = #map}, {transform_indices = #map}, {transform_indices = #map}, {transform_indices = #map1}]} {
    %mul3A = arith.constant 640 : i32
    %mul3A_0 = arith.muli %arg1, %mul3A : i32
    "tpu.region"() ({
      %run_scoped3A = tpu.sem_alloc : memref<!tpu.dma_semaphore, #tpu.memory_space<semaphore_mem>>
      %dma_start3A = arith.constant 0 : i32
      %dma_start3A_13 = tpu.memref_slice %arg7[%mul3A_0, %dma_start3A] : memref<10240x128xf32, #tpu.memory_space<vmem_shared>> -> memref<640x128xf32, #tpu.memory_space<vmem_shared>>
      tpu.enqueue_dma source(%arg5 : memref<640x128xf32, #tpu.memory_space<hbm>>) target(%dma_start3A_13 : memref<640x128xf32, #tpu.memory_space<vmem_shared>>) target_semaphore(%run_scoped3A : memref<!tpu.dma_semaphore, #tpu.memory_space<semaphore_mem>>)
      %dma_wait3A = arith.constant 0 : i32
      %dma_wait3A_14 = tpu.memref_slice %arg7[%mul3A_0, %dma_wait3A] : memref<10240x128xf32, #tpu.memory_space<vmem_shared>> -> memref<640x128xf32, #tpu.memory_space<vmem_shared>>
      tpu.wait_dma2 semaphore(%run_scoped3A : memref<!tpu.dma_semaphore, #tpu.memory_space<semaphore_mem>>) src(%arg5 : memref<640x128xf32, #tpu.memory_space<hbm>>) dst(%dma_wait3A_14 : memref<640x128xf32, #tpu.memory_space<vmem_shared>>)
      tpu.yield
    }) : () -> ()
    %barrier3A = arith.constant 0 : index
    tpu.barrier barrier_id(%barrier3A)
    %mul3A_1 = arith.constant 16 : i32
    %mul3A_2 = arith.muli %arg0, %mul3A_1 : i32
    %add3A = arith.addi %mul3A_2, %arg1 : i32
    %mul3A_3 = arith.constant 80 : i32
    %mul3A_4 = arith.muli %add3A, %mul3A_3 : i32
    %mul3A_5 = arith.constant 80 : i32
    %mul3A_6 = arith.muli %arg1, %mul3A_5 : i32
    %scan3A = arith.constant 0 : i32
    %scan3A_7 = arith.constant 0 : i32
    %scan3A_8 = arith.constant 10 : i32
    %scan3A_9 = arith.addi %scan3A_7, %scan3A_8 : i32
    %scan3A_10 = arith.constant 1 : i32
    scf.for %scan3A_13 = %scan3A_7 to %scan3A_9 step %scan3A_10  : i32 {
      %mul3A_14 = arith.constant 8 : i32
      %mul3A_15 = arith.muli %scan3A_13, %mul3A_14 : i32
      %add3A_16 = arith.addi %mul3A_4, %mul3A_15 : i32
      "tpu.region"() ({
        %run_scoped3A_1758 = tpu.sem_alloc : memref<!tpu.dma_semaphore, #tpu.memory_space<semaphore_mem>>
        %dma_start3A_1759 = arith.constant 0 : i32
        %dma_start3A_1760 = tpu.memref_slice %arg3[%add3A_16, %dma_start3A_1759] : memref<2560x128xf32, #tpu.memory_space<hbm>> -> memref<8x128xf32, #tpu.memory_space<hbm>>
        %dma_start3A_1761 = arith.constant 0 : i32
        %dma_start3A_1762 = tpu.memref_slice %arg3[%add3A_16, %dma_start3A_1761] : memref<2560x128xf32, #tpu.memory_space<hbm>> -> memref<8x128xf32, #tpu.memory_space<hbm>>
        tpu.enqueue_dma source(%dma_start3A_1762 : memref<8x128xf32, #tpu.memory_space<hbm>>) target(%arg8 : memref<8x128xf32, #tpu.memory_space<vmem>>) target_semaphore(%run_scoped3A_1758 : memref<!tpu.dma_semaphore, #tpu.memory_space<semaphore_mem>>)
        %dma_wait3A_1763 = arith.constant 0 : i32
        %dma_wait3A_1764 = tpu.memref_slice %arg3[%add3A_16, %dma_wait3A_1763] : memref<2560x128xf32, #tpu.memory_space<hbm>> -> memref<8x128xf32, #tpu.memory_space<hbm>>
        %dma_wait3A_1765 = arith.constant 0 : i32
        %dma_wait3A_1766 = tpu.memref_slice %arg3[%add3A_16, %dma_wait3A_1765] : memref<2560x128xf32, #tpu.memory_space<hbm>> -> memref<8x128xf32, #tpu.memory_space<hbm>>
        tpu.wait_dma2 semaphore(%run_scoped3A_1758 : memref<!tpu.dma_semaphore, #tpu.memory_space<semaphore_mem>>) src(%dma_wait3A_1766 : memref<8x128xf32, #tpu.memory_space<hbm>>) dst(%arg8 : memref<8x128xf32, #tpu.memory_space<vmem>>)
        tpu.yield
      }) : () -> ()
      %mul3A_17 = arith.constant 8 : i32
      %mul3A_18 = arith.muli %scan3A_13, %mul3A_17 : i32
      %add3A_19 = arith.addi %mul3A_6, %mul3A_18 : i32
      "tpu.region"() ({
        %run_scoped3A_1758 = tpu.sem_alloc : memref<!tpu.dma_semaphore, #tpu.memory_space<semaphore_mem>>
        %dma_start3A_1759 = arith.constant 0 : i32
        %dma_start3A_1760 = tpu.memref_slice %arg4[%add3A_19, %dma_start3A_1759] : memref<1280x128xf32, #tpu.memory_space<hbm>> -> memref<8x128xf32, #tpu.memory_space<hbm>>
        %dma_start3A_1761 = arith.constant 0 : i32
        %dma_start3A_1762 = tpu.memref_slice %arg4[%add3A_19, %dma_start3A_1761] : memref<1280x128xf32, #tpu.memory_space<hbm>> -> memref<8x128xf32, #tpu.memory_space<hbm>>
        tpu.enqueue_dma source(%dma_start3A_1762 : memref<8x128xf32, #tpu.memory_space<hbm>>) target(%arg9 : memref<8x128xf32, #tpu.memory_space<vmem>>) target_semaphore(%run_scoped3A_1758 : memref<!tpu.dma_semaphore, #tpu.memory_space<semaphore_mem>>)
        %dma_wait3A_1763 = arith.constant 0 : i32
        %dma_wait3A_1764 = tpu.memref_slice %arg4[%add3A_19, %dma_wait3A_1763] : memref<1280x128xf32, #tpu.memory_space<hbm>> -> memref<8x128xf32, #tpu.memory_space<hbm>>
        %dma_wait3A_1765 = arith.constant 0 : i32
        %dma_wait3A_1766 = tpu.memref_slice %arg4[%add3A_19, %dma_wait3A_1765] : memref<1280x128xf32, #tpu.memory_space<hbm>> -> memref<8x128xf32, #tpu.memory_space<hbm>>
        tpu.wait_dma2 semaphore(%run_scoped3A_1758 : memref<!tpu.dma_semaphore, #tpu.memory_space<semaphore_mem>>) src(%dma_wait3A_1766 : memref<8x128xf32, #tpu.memory_space<hbm>>) dst(%arg9 : memref<8x128xf32, #tpu.memory_space<vmem>>)
        tpu.yield
      }) : () -> ()
      %get3A = arith.constant 0 : i32
      %get3A_20 = arith.index_cast %get3A : i32 to index
      %get3A_21 = arith.constant 0 : index
      %get3A_22 = tpu.vector_load %arg8[%get3A_20, %get3A_21] {strides = array<i32>} : memref<8x128xf32, #tpu.memory_space<vmem>>, vector<1x16xf32>,
      %get3A_23 = vector.shape_cast %get3A_22 : vector<1x16xf32> to vector<16xf32>
      %convert_element_type3A = arith.fptosi %get3A_23 : vector<16xf32> to vector<16xi32>
      %swap3A = arith.constant 0 : i32
      %swap3A_24 = arith.index_cast %swap3A : i32 to index
      %swap3A_25 = arith.constant 0 : index
      %swap3A_26 = tpu.vector_load %arg10[%swap3A_24, %swap3A_25] {strides = array<i32>} : memref<8x128xi32, #tpu.memory_space<vmem>>, vector<1x16xi32>,
      %swap3A_27 = vector.shape_cast %swap3A_26 : vector<1x16xi32> to vector<16xi32>
      %swap3A_28 = vector.shape_cast %convert_element_type3A : vector<16xi32> to vector<1x16xi32>
      tpu.vector_store %arg10[%swap3A_24, %swap3A_25], %swap3A_28 {strides = array<i32>} : memref<8x128xi32, #tpu.memory_space<vmem>>, vector<1x16xi32>,
      %get3A_29 = arith.constant 0 : i32
      %get3A_30 = arith.index_cast %get3A_29 : i32 to index
      %get3A_31 = arith.constant 0 : index
      %get3A_32 = tpu.vector_load %arg9[%get3A_30, %get3A_31] {strides = array<i32>} : memref<8x128xf32, #tpu.memory_space<vmem>>, vector<1x16xf32>,
      %get3A_33 = vector.shape_cast %get3A_32 : vector<1x16xf32> to vector<16xf32>
      %convert_element_type3A_34 = arith.fptosi %get3A_33 : vector<16xf32> to vector<16xi32>
      %swap3A_35 = arith.constant 0 : i32
      %swap3A_36 = arith.index_cast %swap3A_35 : i32 to index
      %swap3A_37 = arith.constant 0 : index
      %swap3A_38 = tpu.vector_load %arg11[%swap3A_36, %swap3A_37] {strides = array<i32>} : memref<8x128xi32, #tpu.memory_space<vmem>>, vector<1x16xi32>,
      %swap3A_39 = vector.shape_cast %swap3A_38 : vector<1x16xi32> to vector<16xi32>
      %swap3A_40 = vector.shape_cast %convert_element_type3A_34 : vector<16xi32> to vector<1x16xi32>
      tpu.vector_store %arg11[%swap3A_36, %swap3A_37], %swap3A_40 {strides = array<i32>} : memref<8x128xi32, #tpu.memory_space<vmem>>, vector<1x16xi32>,
      %get3A_41 = arith.constant 0 : i32
      %get3A_42 = arith.index_cast %get3A_41 : i32 to index
      %get3A_43 = arith.constant 16 : index
      %get3A_44 = tpu.vector_load %arg8[%get3A_42, %get3A_43] {strides = array<i32>} : memref<8x128xf32, #tpu.memory_space<vmem>>, vector<1x16xf32>,
      %get3A_45 = vector.shape_cast %get3A_44 : vector<1x16xf32> to vector<16xf32>
      %convert_element_type3A_46 = arith.fptosi %get3A_45 : vector<16xf32> to vector<16xi32>
      %swap3A_47 = arith.constant 0 : i32
      %swap3A_48 = arith.index_cast %swap3A_47 : i32 to index
      %swap3A_49 = arith.constant 16 : index
      %swap3A_50 = tpu.vector_load %arg10[%swap3A_48, %swap3A_49] {strides = array<i32>} : memref<8x128xi32, #tpu.memory_space<vmem>>, vector<1x16xi32>,
      %swap3A_51 = vector.shape_cast %swap3A_50 : vector<1x16xi32> to vector<16xi32>
      %swap3A_52 = vector.shape_cast %convert_element_type3A_46 : vector<16xi32> to vector<1x16xi32>
      tpu.vector_store %arg10[%swap3A_48, %swap3A_49], %swap3A_52 {strides = array<i32>} : memref<8x128xi32, #tpu.memory_space<vmem>>, vector<1x16xi32>,
      %get3A_53 = arith.constant 0 : i32
      %get3A_54 = arith.index_cast %get3A_53 : i32 to index
      %get3A_55 = arith.constant 16 : index
      %get3A_56 = tpu.vector_load %arg9[%get3A_54, %get3A_55] {strides = array<i32>} : memref<8x128xf32, #tpu.memory_space<vmem>>, vector<1x16xf32>,
      %get3A_57 = vector.shape_cast %get3A_56 : vector<1x16xf32> to vector<16xf32>
      %convert_element_type3A_58 = arith.fptosi %get3A_57 : vector<16xf32> to vector<16xi32>
      %swap3A_59 = arith.constant 0 : i32
      %swap3A_60 = arith.index_cast %swap3A_59 : i32 to index
      %swap3A_61 = arith.constant 16 : index
      %swap3A_62 = tpu.vector_load %arg11[%swap3A_60, %swap3A_61] {strides = array<i32>} : memref<8x128xi32, #tpu.memory_space<vmem>>, vector<1x16xi32>,
      %swap3A_63 = vector.shape_cast %swap3A_62 : vector<1x16xi32> to vector<16xi32>
      %swap3A_64 = vector.shape_cast %convert_element_type3A_58 : vector<16xi32> to vector<1x16xi32>
      tpu.vector_store %arg11[%swap3A_60, %swap3A_61], %swap3A_64 {strides = array<i32>} : memref<8x128xi32, #tpu.memory_space<vmem>>, vector<1x16xi32>,
      %get3A_65 = arith.constant 0 : i32
      %get3A_66 = arith.index_cast %get3A_65 : i32 to index
      %get3A_67 = arith.constant 32 : index
      %get3A_68 = tpu.vector_load %arg8[%get3A_66, %get3A_67] {strides = array<i32>} : memref<8x128xf32, #tpu.memory_space<vmem>>, vector<1x16xf32>,
      %get3A_69 = vector.shape_cast %get3A_68 : vector<1x16xf32> to vector<16xf32>
      %convert_element_type3A_70 = arith.fptosi %get3A_69 : vector<16xf32> to vector<16xi32>
      %swap3A_71 = arith.constant 0 : i32
      %swap3A_72 = arith.index_cast %swap3A_71 : i32 to index
      %swap3A_73 = arith.constant 32 : index
      %swap3A_74 = tpu.vector_load %arg10[%swap3A_72, %swap3A_73] {strides = array<i32>} : memref<8x128xi32, #tpu.memory_space<vmem>>, vector<1x16xi32>,
      %swap3A_75 = vector.shape_cast %swap3A_74 : vector<1x16xi32> to vector<16xi32>
      %swap3A_76 = vector.shape_cast %convert_element_type3A_70 : vector<16xi32> to vector<1x16xi32>
      tpu.vector_store %arg10[%swap3A_72, %swap3A_73], %swap3A_76 {strides = array<i32>} : memref<8x128xi32, #tpu.memory_space<vmem>>, vector<1x16xi32>,
      %get3A_77 = arith.constant 0 : i32
      %get3A_78 = arith.index_cast %get3A_77 : i32 to index
      %get3A_79 = arith.constant 32 : index
      %get3A_80 = tpu.vector_load %arg9[%get3A_78, %get3A_79] {strides = array<i32>} : memref<8x128xf32, #tpu.memory_space<vmem>>, vector<1x16xf32>,
      %get3A_81 = vector.shape_cast %get3A_80 : vector<1x16xf32> to vector<16xf32>
      %convert_element_type3A_82 = arith.fptosi %get3A_81 : vector<16xf32> to vector<16xi32>
      %swap3A_83 = arith.constant 0 : i32
      %swap3A_84 = arith.index_cast %swap3A_83 : i32 to index
      %swap3A_85 = arith.constant 32 : index
      %swap3A_86 = tpu.vector_load %arg11[%swap3A_84, %swap3A_85] {strides = array<i32>} : memref<8x128xi32, #tpu.memory_space<vmem>>, vector<1x16xi32>,
      %swap3A_87 = vector.shape_cast %swap3A_86 : vector<1x16xi32> to vector<16xi32>
      %swap3A_88 = vector.shape_cast %convert_element_type3A_82 : vector<16xi32> to vector<1x16xi32>
      tpu.vector_store %arg11[%swap3A_84, %swap3A_85], %swap3A_88 {strides = array<i32>} : memref<8x128xi32, #tpu.memory_space<vmem>>, vector<1x16xi32>,
      %get3A_89 = arith.constant 0 : i32
      %get3A_90 = arith.index_cast %get3A_89 : i32 to index
      %get3A_91 = arith.constant 48 : index
      %get3A_92 = tpu.vector_load %arg8[%get3A_90, %get3A_91] {strides = array<i32>} : memref<8x128xf32, #tpu.memory_space<vmem>>, vector<1x16xf32>,
      %get3A_93 = vector.shape_cast %get3A_92 : vector<1x16xf32> to vector<16xf32>
      %convert_element_type3A_94 = arith.fptosi %get3A_93 : vector<16xf32> to vector<16xi32>
      %swap3A_95 = arith.constant 0 : i32
      %swap3A_96 = arith.index_cast %swap3A_95 : i32 to index
      %swap3A_97 = arith.constant 48 : index
      %swap3A_98 = tpu.vector_load %arg10[%swap3A_96, %swap3A_97] {strides = array<i32>} : memref<8x128xi32, #tpu.memory_space<vmem>>, vector<1x16xi32>,
      %swap3A_99 = vector.shape_cast %swap3A_98 : vector<1x16xi32> to vector<16xi32>
      %swap3A_100 = vector.shape_cast %convert_element_type3A_94 : vector<16xi32> to vector<1x16xi32>
      tpu.vector_store %arg10[%swap3A_96, %swap3A_97], %swap3A_100 {strides = array<i32>} : memref<8x128xi32, #tpu.memory_space<vmem>>, vector<1x16xi32>,
      %get3A_101 = arith.constant 0 : i32
      %get3A_102 = arith.index_cast %get3A_101 : i32 to index
      %get3A_103 = arith.constant 48 : index
      %get3A_104 = tpu.vector_load %arg9[%get3A_102, %get3A_103] {strides = array<i32>} : memref<8x128xf32, #tpu.memory_space<vmem>>, vector<1x16xf32>,
      %get3A_105 = vector.shape_cast %get3A_104 : vector<1x16xf32> to vector<16xf32>
      %convert_element_type3A_106 = arith.fptosi %get3A_105 : vector<16xf32> to vector<16xi32>
      %swap3A_107 = arith.constant 0 : i32
      %swap3A_108 = arith.index_cast %swap3A_107 : i32 to index
      %swap3A_109 = arith.constant 48 : index
      %swap3A_110 = tpu.vector_load %arg11[%swap3A_108, %swap3A_109] {strides = array<i32>} : memref<8x128xi32, #tpu.memory_space<vmem>>, vector<1x16xi32>,
      %swap3A_111 = vector.shape_cast %swap3A_110 : vector<1x16xi32> to vector<16xi32>
      %swap3A_112 = vector.shape_cast %convert_element_type3A_106 : vector<16xi32> to vector<1x16xi32>
      tpu.vector_store %arg11[%swap3A_108, %swap3A_109], %swap3A_112 {strides = array<i32>} : memref<8x128xi32, #tpu.memory_space<vmem>>, vector<1x16xi32>,
      %get3A_113 = arith.constant 0 : i32
      %get3A_114 = arith.index_cast %get3A_113 : i32 to index
      %get3A_115 = arith.constant 64 : index
      %get3A_116 = tpu.vector_load %arg8[%get3A_114, %get3A_115] {strides = array<i32>} : memref<8x128xf32, #tpu.memory_space<vmem>>, vector<1x16xf32>,
      %get3A_117 = vector.shape_cast %get3A_116 : vector<1x16xf32> to vector<16xf32>
      %convert_element_type3A_118 = arith.fptosi %get3A_117 : vector<16xf32> to vector<16xi32>
      %swap3A_119 = arith.constant 0 : i32
      %swap3A_120 = arith.index_cast %swap3A_119 : i32 to index
      %swap3A_121 = arith.constant 64 : index
      %swap3A_122 = tpu.vector_load %arg10[%swap3A_120, %swap3A_121] {strides = array<i32>} : memref<8x128xi32, #tpu.memory_space<vmem>>, vector<1x16xi32>,
      %swap3A_123 = vector.shape_cast %swap3A_122 : vector<1x16xi32> to vector<16xi32>
      %swap3A_124 = vector.shape_cast %convert_element_type3A_118 : vector<16xi32> to vector<1x16xi32>
      tpu.vector_store %arg10[%swap3A_120, %swap3A_121], %swap3A_124 {strides = array<i32>} : memref<8x128xi32, #tpu.memory_space<vmem>>, vector<1x16xi32>,
      %get3A_125 = arith.constant 0 : i32
      %get3A_126 = arith.index_cast %get3A_125 : i32 to index
      %get3A_127 = arith.constant 64 : index
      %get3A_128 = tpu.vector_load %arg9[%get3A_126, %get3A_127] {strides = array<i32>} : memref<8x128xf32, #tpu.memory_space<vmem>>, vector<1x16xf32>,
      %get3A_129 = vector.shape_cast %get3A_128 : vector<1x16xf32> to vector<16xf32>
      %convert_element_type3A_130 = arith.fptosi %get3A_129 : vector<16xf32> to vector<16xi32>
      %swap3A_131 = arith.constant 0 : i32
      %swap3A_132 = arith.index_cast %swap3A_131 : i32 to index
      %swap3A_133 = arith.constant 64 : index
      %swap3A_134 = tpu.vector_load %arg11[%swap3A_132, %swap3A_133] {strides = array<i32>} : memref<8x128xi32, #tpu.memory_space<vmem>>, vector<1x16xi32>,
      %swap3A_135 = vector.shape_cast %swap3A_134 : vector<1x16xi32> to vector<16xi32>
      %swap3A_136 = vector.shape_cast %convert_element_type3A_130 : vector<16xi32> to vector<1x16xi32>
      tpu.vector_store %arg11[%swap3A_132, %swap3A_133], %swap3A_136 {strides = array<i32>} : memref<8x128xi32, #tpu.memory_space<vmem>>, vector<1x16xi32>,
      %get3A_137 = arith.constant 0 : i32
      %get3A_138 = arith.index_cast %get3A_137 : i32 to index
      %get3A_139 = arith.constant 80 : index
      %get3A_140 = tpu.vector_load %arg8[%get3A_138, %get3A_139] {strides = array<i32>} : memref<8x128xf32, #tpu.memory_space<vmem>>, vector<1x16xf32>,
      %get3A_141 = vector.shape_cast %get3A_140 : vector<1x16xf32> to vector<16xf32>
      %convert_element_type3A_142 = arith.fptosi %get3A_141 : vector<16xf32> to vector<16xi32>
      %swap3A_143 = arith.constant 0 : i32
      %swap3A_144 = arith.index_cast %swap3A_143 : i32 to index
      %swap3A_145 = arith.constant 80 : index
      %swap3A_146 = tpu.vector_load %arg10[%swap3A_144, %swap3A_145] {strides = array<i32>} : memref<8x128xi32, #tpu.memory_space<vmem>>, vector<1x16xi32>,
      %swap3A_147 = vector.shape_cast %swap3A_146 : vector<1x16xi32> to vector<16xi32>
      %swap3A_148 = vector.shape_cast %convert_element_type3A_142 : vector<16xi32> to vector<1x16xi32>
      tpu.vector_store %arg10[%swap3A_144, %swap3A_145], %swap3A_148 {strides = array<i32>} : memref<8x128xi32, #tpu.memory_space<vmem>>, vector<1x16xi32>,
      %get3A_149 = arith.constant 0 : i32
      %get3A_150 = arith.index_cast %get3A_149 : i32 to index
      %get3A_151 = arith.constant 80 : index
      %get3A_152 = tpu.vector_load %arg9[%get3A_150, %get3A_151] {strides = array<i32>} : memref<8x128xf32, #tpu.memory_space<vmem>>, vector<1x16xf32>,
      %get3A_153 = vector.shape_cast %get3A_152 : vector<1x16xf32> to vector<16xf32>
      %convert_element_type3A_154 = arith.fptosi %get3A_153 : vector<16xf32> to vector<16xi32>
      %swap3A_155 = arith.constant 0 : i32
      %swap3A_156 = arith.index_cast %swap3A_155 : i32 to index
      %swap3A_157 = arith.constant 80 : index
      %swap3A_158 = tpu.vector_load %arg11[%swap3A_156, %swap3A_157] {strides = array<i32>} : memref<8x128xi32, #tpu.memory_space<vmem>>, vector<1x16xi32>,
      %swap3A_159 = vector.shape_cast %swap3A_158 : vector<1x16xi32> to vector<16xi32>
      %swap3A_160 = vector.shape_cast %convert_element_type3A_154 : vector<16xi32> to vector<1x16xi32>
      tpu.vector_store %arg11[%swap3A_156, %swap3A_157], %swap3A_160 {strides = array<i32>} : memref<8x128xi32, #tpu.memory_space<vmem>>, vector<1x16xi32>,
      %get3A_161 = arith.constant 0 : i32
      %get3A_162 = arith.index_cast %get3A_161 : i32 to index
      %get3A_163 = arith.constant 96 : index
      %get3A_164 = tpu.vector_load %arg8[%get3A_162, %get3A_163] {strides = array<i32>} : memref<8x128xf32, #tpu.memory_space<vmem>>, vector<1x16xf32>,
      %get3A_165 = vector.shape_cast %get3A_164 : vector<1x16xf32> to vector<16xf32>
      %convert_element_type3A_166 = arith.fptosi %get3A_165 : vector<16xf32> to vector<16xi32>
      %swap3A_167 = arith.constant 0 : i32
      %swap3A_168 = arith.index_cast %swap3A_167 : i32 to index
      %swap3A_169 = arith.constant 96 : index
      %swap3A_170 = tpu.vector_load %arg10[%swap3A_168, %swap3A_169] {strides = array<i32>} : memref<8x128xi32, #tpu.memory_space<vmem>>, vector<1x16xi32>,
      %swap3A_171 = vector.shape_cast %swap3A_170 : vector<1x16xi32> to vector<16xi32>
      %swap3A_172 = vector.shape_cast %convert_element_type3A_166 : vector<16xi32> to vector<1x16xi32>
      tpu.vector_store %arg10[%swap3A_168, %swap3A_169], %swap3A_172 {strides = array<i32>} : memref<8x128xi32, #tpu.memory_space<vmem>>, vector<1x16xi32>,
      %get3A_173 = arith.constant 0 : i32
      %get3A_174 = arith.index_cast %get3A_173 : i32 to index
      %get3A_175 = arith.constant 96 : index
      %get3A_176 = tpu.vector_load %arg9[%get3A_174, %get3A_175] {strides = array<i32>} : memref<8x128xf32, #tpu.memory_space<vmem>>, vector<1x16xf32>,
      %get3A_177 = vector.shape_cast %get3A_176 : vector<1x16xf32> to vector<16xf32>
      %convert_element_type3A_178 = arith.fptosi %get3A_177 : vector<16xf32> to vector<16xi32>
      %swap3A_179 = arith.constant 0 : i32
      %swap3A_180 = arith.index_cast %swap3A_179 : i32 to index
      %swap3A_181 = arith.constant 96 : index
      %swap3A_182 = tpu.vector_load %arg11[%swap3A_180, %swap3A_181] {strides = array<i32>} : memref<8x128xi32, #tpu.memory_space<vmem>>, vector<1x16xi32>,
      %swap3A_183 = vector.shape_cast %swap3A_182 : vector<1x16xi32> to vector<16xi32>
      %swap3A_184 = vector.shape_cast %convert_element_type3A_178 : vector<16xi32> to vector<1x16xi32>
      tpu.vector_store %arg11[%swap3A_180, %swap3A_181], %swap3A_184 {strides = array<i32>} : memref<8x128xi32, #tpu.memory_space<vmem>>, vector<1x16xi32>,
      %get3A_185 = arith.constant 0 : i32
      %get3A_186 = arith.index_cast %get3A_185 : i32 to index
      %get3A_187 = arith.constant 112 : index
      %get3A_188 = tpu.vector_load %arg8[%get3A_186, %get3A_187] {strides = array<i32>} : memref<8x128xf32, #tpu.memory_space<vmem>>, vector<1x16xf32>,
      %get3A_189 = vector.shape_cast %get3A_188 : vector<1x16xf32> to vector<16xf32>
      %convert_element_type3A_190 = arith.fptosi %get3A_189 : vector<16xf32> to vector<16xi32>
      %swap3A_191 = arith.constant 0 : i32
      %swap3A_192 = arith.index_cast %swap3A_191 : i32 to index
      %swap3A_193 = arith.constant 112 : index
      %swap3A_194 = tpu.vector_load %arg10[%swap3A_192, %swap3A_193] {strides = array<i32>} : memref<8x128xi32, #tpu.memory_space<vmem>>, vector<1x16xi32>,
      %swap3A_195 = vector.shape_cast %swap3A_194 : vector<1x16xi32> to vector<16xi32>
      %swap3A_196 = vector.shape_cast %convert_element_type3A_190 : vector<16xi32> to vector<1x16xi32>
      tpu.vector_store %arg10[%swap3A_192, %swap3A_193], %swap3A_196 {strides = array<i32>} : memref<8x128xi32, #tpu.memory_space<vmem>>, vector<1x16xi32>,
      %get3A_197 = arith.constant 0 : i32
      %get3A_198 = arith.index_cast %get3A_197 : i32 to index
      %get3A_199 = arith.constant 112 : index
      %get3A_200 = tpu.vector_load %arg9[%get3A_198, %get3A_199] {strides = array<i32>} : memref<8x128xf32, #tpu.memory_space<vmem>>, vector<1x16xf32>,
      %get3A_201 = vector.shape_cast %get3A_200 : vector<1x16xf32> to vector<16xf32>
      %convert_element_type3A_202 = arith.fptosi %get3A_201 : vector<16xf32> to vector<16xi32>
      %swap3A_203 = arith.constant 0 : i32
      %swap3A_204 = arith.index_cast %swap3A_203 : i32 to index
      %swap3A_205 = arith.constant 112 : index
      %swap3A_206 = tpu.vector_load %arg11[%swap3A_204, %swap3A_205] {strides = array<i32>} : memref<8x128xi32, #tpu.memory_space<vmem>>, vector<1x16xi32>,
      %swap3A_207 = vector.shape_cast %swap3A_206 : vector<1x16xi32> to vector<16xi32>
      %swap3A_208 = vector.shape_cast %convert_element_type3A_202 : vector<16xi32> to vector<1x16xi32>
      tpu.vector_store %arg11[%swap3A_204, %swap3A_205], %swap3A_208 {strides = array<i32>} : memref<8x128xi32, #tpu.memory_space<vmem>>, vector<1x16xi32>,
      %get3A_209 = arith.constant 1 : i32
      %get3A_210 = arith.index_cast %get3A_209 : i32 to index
      %get3A_211 = arith.constant 0 : index
      %get3A_212 = tpu.vector_load %arg8[%get3A_210, %get3A_211] {strides = array<i32>} : memref<8x128xf32, #tpu.memory_space<vmem>>, vector<1x16xf32>,
      %get3A_213 = vector.shape_cast %get3A_212 : vector<1x16xf32> to vector<16xf32>
      %convert_element_type3A_214 = arith.fptosi %get3A_213 : vector<16xf32> to vector<16xi32>
      %swap3A_215 = arith.constant 1 : i32
      %swap3A_216 = arith.index_cast %swap3A_215 : i32 to index
      %swap3A_217 = arith.constant 0 : index
      %swap3A_218 = tpu.vector_load %arg10[%swap3A_216, %swap3A_217] {strides = array<i32>} : memref<8x128xi32, #tpu.memory_space<vmem>>, vector<1x16xi32>,
      %swap3A_219 = vector.shape_cast %swap3A_218 : vector<1x16xi32> to vector<16xi32>
      %swap3A_220 = vector.shape_cast %convert_element_type3A_214 : vector<16xi32> to vector<1x16xi32>
      tpu.vector_store %arg10[%swap3A_216, %swap3A_217], %swap3A_220 {strides = array<i32>} : memref<8x128xi32, #tpu.memory_space<vmem>>, vector<1x16xi32>,
      %get3A_221 = arith.constant 1 : i32
      %get3A_222 = arith.index_cast %get3A_221 : i32 to index
      %get3A_223 = arith.constant 0 : index
      %get3A_224 = tpu.vector_load %arg9[%get3A_222, %get3A_223] {strides = array<i32>} : memref<8x128xf32, #tpu.memory_space<vmem>>, vector<1x16xf32>,
      %get3A_225 = vector.shape_cast %get3A_224 : vector<1x16xf32> to vector<16xf32>
      %convert_element_type3A_226 = arith.fptosi %get3A_225 : vector<16xf32> to vector<16xi32>
      %swap3A_227 = arith.constant 1 : i32
      %swap3A_228 = arith.index_cast %swap3A_227 : i32 to index
      %swap3A_229 = arith.constant 0 : index
      %swap3A_230 = tpu.vector_load %arg11[%swap3A_228, %swap3A_229] {strides = array<i32>} : memref<8x128xi32, #tpu.memory_space<vmem>>, vector<1x16xi32>,
      %swap3A_231 = vector.shape_cast %swap3A_230 : vector<1x16xi32> to vector<16xi32>
      %swap3A_232 = vector.shape_cast %convert_element_type3A_226 : vector<16xi32> to vector<1x16xi32>
      tpu.vector_store %arg11[%swap3A_228, %swap3A_229], %swap3A_232 {strides = array<i32>} : memref<8x128xi32, #tpu.memory_space<vmem>>, vector<1x16xi32>,
      %get3A_233 = arith.constant 1 : i32
      %get3A_234 = arith.index_cast %get3A_233 : i32 to index
      %get3A_235 = arith.constant 16 : index
      %get3A_236 = tpu.vector_load %arg8[%get3A_234, %get3A_235] {strides = array<i32>} : memref<8x128xf32, #tpu.memory_space<vmem>>, vector<1x16xf32>,
      %get3A_237 = vector.shape_cast %get3A_236 : vector<1x16xf32> to vector<16xf32>
      %convert_element_type3A_238 = arith.fptosi %get3A_237 : vector<16xf32> to vector<16xi32>
      %swap3A_239 = arith.constant 1 : i32
      %swap3A_240 = arith.index_cast %swap3A_239 : i32 to index
      %swap3A_241 = arith.constant 16 : index
      %swap3A_242 = tpu.vector_load %arg10[%swap3A_240, %swap3A_241] {strides = array<i32>} : memref<8x128xi32, #tpu.memory_space<vmem>>, vector<1x16xi32>,
      %swap3A_243 = vector.shape_cast %swap3A_242 : vector<1x16xi32> to vector<16xi32>
      %swap3A_244 = vector.shape_cast %convert_element_type3A_238 : vector<16xi32> to vector<1x16xi32>
      tpu.vector_store %arg10[%swap3A_240, %swap3A_241], %swap3A_244 {strides = array<i32>} : memref<8x128xi32, #tpu.memory_space<vmem>>, vector<1x16xi32>,
      %get3A_245 = arith.constant 1 : i32
      %get3A_246 = arith.index_cast %get3A_245 : i32 to index
      %get3A_247 = arith.constant 16 : index
      %get3A_248 = tpu.vector_load %arg9[%get3A_246, %get3A_247] {strides = array<i32>} : memref<8x128xf32, #tpu.memory_space<vmem>>, vector<1x16xf32>,
      %get3A_249 = vector.shape_cast %get3A_248 : vector<1x16xf32> to vector<16xf32>
      %convert_element_type3A_250 = arith.fptosi %get3A_249 : vector<16xf32> to vector<16xi32>
      %swap3A_251 = arith.constant 1 : i32
      %swap3A_252 = arith.index_cast %swap3A_251 : i32 to index
      %swap3A_253 = arith.constant 16 : index
      %swap3A_254 = tpu.vector_load %arg11[%swap3A_252, %swap3A_253] {strides = array<i32>} : memref<8x128xi32, #tpu.memory_space<vmem>>, vector<1x16xi32>,
      %swap3A_255 = vector.shape_cast %swap3A_254 : vector<1x16xi32> to vector<16xi32>
      %swap3A_256 = vector.shape_cast %convert_element_type3A_250 : vector<16xi32> to vector<1x16xi32>
      tpu.vector_store %arg11[%swap3A_252, %swap3A_253], %swap3A_256 {strides = array<i32>} : memref<8x128xi32, #tpu.memory_space<vmem>>, vector<1x16xi32>,
      %get3A_257 = arith.constant 1 : i32
      %get3A_258 = arith.index_cast %get3A_257 : i32 to index
      %get3A_259 = arith.constant 32 : index
      %get3A_260 = tpu.vector_load %arg8[%get3A_258, %get3A_259] {strides = array<i32>} : memref<8x128xf32, #tpu.memory_space<vmem>>, vector<1x16xf32>,
      %get3A_261 = vector.shape_cast %get3A_260 : vector<1x16xf32> to vector<16xf32>
      %convert_element_type3A_262 = arith.fptosi %get3A_261 : vector<16xf32> to vector<16xi32>
      %swap3A_263 = arith.constant 1 : i32
      %swap3A_264 = arith.index_cast %swap3A_263 : i32 to index
      %swap3A_265 = arith.constant 32 : index
      %swap3A_266 = tpu.vector_load %arg10[%swap3A_264, %swap3A_265] {strides = array<i32>} : memref<8x128xi32, #tpu.memory_space<vmem>>, vector<1x16xi32>,
      %swap3A_267 = vector.shape_cast %swap3A_266 : vector<1x16xi32> to vector<16xi32>
      %swap3A_268 = vector.shape_cast %convert_element_type3A_262 : vector<16xi32> to vector<1x16xi32>
      tpu.vector_store %arg10[%swap3A_264, %swap3A_265], %swap3A_268 {strides = array<i32>} : memref<8x128xi32, #tpu.memory_space<vmem>>, vector<1x16xi32>,
      %get3A_269 = arith.constant 1 : i32
      %get3A_270 = arith.index_cast %get3A_269 : i32 to index
      %get3A_271 = arith.constant 32 : index
      %get3A_272 = tpu.vector_load %arg9[%get3A_270, %get3A_271] {strides = array<i32>} : memref<8x128xf32, #tpu.memory_space<vmem>>, vector<1x16xf32>,
      %get3A_273 = vector.shape_cast %get3A_272 : vector<1x16xf32> to vector<16xf32>
      %convert_element_type3A_274 = arith.fptosi %get3A_273 : vector<16xf32> to vector<16xi32>
      %swap3A_275 = arith.constant 1 : i32
      %swap3A_276 = arith.index_cast %swap3A_275 : i32 to index
      %swap3A_277 = arith.constant 32 : index
      %swap3A_278 = tpu.vector_load %arg11[%swap3A_276, %swap3A_277] {strides = array<i32>} : memref<8x128xi32, #tpu.memory_space<vmem>>, vector<1x16xi32>,
      %swap3A_279 = vector.shape_cast %swap3A_278 : vector<1x16xi32> to vector<16xi32>
      %swap3A_280 = vector.shape_cast %convert_element_type3A_274 : vector<16xi32> to vector<1x16xi32>
      tpu.vector_store %arg11[%swap3A_276, %swap3A_277], %swap3A_280 {strides = array<i32>} : memref<8x128xi32, #tpu.memory_space<vmem>>, vector<1x16xi32>,
      %get3A_281 = arith.constant 1 : i32
      %get3A_282 = arith.index_cast %get3A_281 : i32 to index
      %get3A_283 = arith.constant 48 : index
      %get3A_284 = tpu.vector_load %arg8[%get3A_282, %get3A_283] {strides = array<i32>} : memref<8x128xf32, #tpu.memory_space<vmem>>, vector<1x16xf32>,
      %get3A_285 = vector.shape_cast %get3A_284 : vector<1x16xf32> to vector<16xf32>
      %convert_element_type3A_286 = arith.fptosi %get3A_285 : vector<16xf32> to vector<16xi32>
      %swap3A_287 = arith.constant 1 : i32
      %swap3A_288 = arith.index_cast %swap3A_287 : i32 to index
      %swap3A_289 = arith.constant 48 : index
      %swap3A_290 = tpu.vector_load %arg10[%swap3A_288, %swap3A_289] {strides = array<i32>} : memref<8x128xi32, #tpu.memory_space<vmem>>, vector<1x16xi32>,
      %swap3A_291 = vector.shape_cast %swap3A_290 : vector<1x16xi32> to vector<16xi32>
      %swap3A_292 = vector.shape_cast %convert_element_type3A_286 : vector<16xi32> to vector<1x16xi32>
      tpu.vector_store %arg10[%swap3A_288, %swap3A_289], %swap3A_292 {strides = array<i32>} : memref<8x128xi32, #tpu.memory_space<vmem>>, vector<1x16xi32>,
      %get3A_293 = arith.constant 1 : i32
      %get3A_294 = arith.index_cast %get3A_293 : i32 to index
      %get3A_295 = arith.constant 48 : index
      %get3A_296 = tpu.vector_load %arg9[%get3A_294, %get3A_295] {strides = array<i32>} : memref<8x128xf32, #tpu.memory_space<vmem>>, vector<1x16xf32>,
      %get3A_297 = vector.shape_cast %get3A_296 : vector<1x16xf32> to vector<16xf32>
      %convert_element_type3A_298 = arith.fptosi %get3A_297 : vector<16xf32> to vector<16xi32>
      %swap3A_299 = arith.constant 1 : i32
      %swap3A_300 = arith.index_cast %swap3A_299 : i32 to index
      %swap3A_301 = arith.constant 48 : index
      %swap3A_302 = tpu.vector_load %arg11[%swap3A_300, %swap3A_301] {strides = array<i32>} : memref<8x128xi32, #tpu.memory_space<vmem>>, vector<1x16xi32>,
      %swap3A_303 = vector.shape_cast %swap3A_302 : vector<1x16xi32> to vector<16xi32>
      %swap3A_304 = vector.shape_cast %convert_element_type3A_298 : vector<16xi32> to vector<1x16xi32>
      tpu.vector_store %arg11[%swap3A_300, %swap3A_301], %swap3A_304 {strides = array<i32>} : memref<8x128xi32, #tpu.memory_space<vmem>>, vector<1x16xi32>,
      %get3A_305 = arith.constant 1 : i32
      %get3A_306 = arith.index_cast %get3A_305 : i32 to index
      %get3A_307 = arith.constant 64 : index
      %get3A_308 = tpu.vector_load %arg8[%get3A_306, %get3A_307] {strides = array<i32>} : memref<8x128xf32, #tpu.memory_space<vmem>>, vector<1x16xf32>,
      %get3A_309 = vector.shape_cast %get3A_308 : vector<1x16xf32> to vector<16xf32>
      %convert_element_type3A_310 = arith.fptosi %get3A_309 : vector<16xf32> to vector<16xi32>
      %swap3A_311 = arith.constant 1 : i32
      %swap3A_312 = arith.index_cast %swap3A_311 : i32 to index
      %swap3A_313 = arith.constant 64 : index
      %swap3A_314 = tpu.vector_load %arg10[%swap3A_312, %swap3A_313] {strides = array<i32>} : memref<8x128xi32, #tpu.memory_space<vmem>>, vector<1x16xi32>,
      %swap3A_315 = vector.shape_cast %swap3A_314 : vector<1x16xi32> to vector<16xi32>
      %swap3A_316 = vector.shape_cast %convert_element_type3A_310 : vector<16xi32> to vector<1x16xi32>
      tpu.vector_store %arg10[%swap3A_312, %swap3A_313], %swap3A_316 {strides = array<i32>} : memref<8x128xi32, #tpu.memory_space<vmem>>, vector<1x16xi32>,
      %get3A_317 = arith.constant 1 : i32
      %get3A_318 = arith.index_cast %get3A_317 : i32 to index
      %get3A_319 = arith.constant 64 : index
      %get3A_320 = tpu.vector_load %arg9[%get3A_318, %get3A_319] {strides = array<i32>} : memref<8x128xf32, #tpu.memory_space<vmem>>, vector<1x16xf32>,
      %get3A_321 = vector.shape_cast %get3A_320 : vector<1x16xf32> to vector<16xf32>
      %convert_element_type3A_322 = arith.fptosi %get3A_321 : vector<16xf32> to vector<16xi32>
      %swap3A_323 = arith.constant 1 : i32
      %swap3A_324 = arith.index_cast %swap3A_323 : i32 to index
      %swap3A_325 = arith.constant 64 : index
      %swap3A_326 = tpu.vector_load %arg11[%swap3A_324, %swap3A_325] {strides = array<i32>} : memref<8x128xi32, #tpu.memory_space<vmem>>, vector<1x16xi32>,
      %swap3A_327 = vector.shape_cast %swap3A_326 : vector<1x16xi32> to vector<16xi32>
      %swap3A_328 = vector.shape_cast %convert_element_type3A_322 : vector<16xi32> to vector<1x16xi32>
      tpu.vector_store %arg11[%swap3A_324, %swap3A_325], %swap3A_328 {strides = array<i32>} : memref<8x128xi32, #tpu.memory_space<vmem>>, vector<1x16xi32>,
      %get3A_329 = arith.constant 1 : i32
      %get3A_330 = arith.index_cast %get3A_329 : i32 to index
      %get3A_331 = arith.constant 80 : index
      %get3A_332 = tpu.vector_load %arg8[%get3A_330, %get3A_331] {strides = array<i32>} : memref<8x128xf32, #tpu.memory_space<vmem>>, vector<1x16xf32>,
      %get3A_333 = vector.shape_cast %get3A_332 : vector<1x16xf32> to vector<16xf32>
      %convert_element_type3A_334 = arith.fptosi %get3A_333 : vector<16xf32> to vector<16xi32>
      %swap3A_335 = arith.constant 1 : i32
      %swap3A_336 = arith.index_cast %swap3A_335 : i32 to index
      %swap3A_337 = arith.constant 80 : index
      %swap3A_338 = tpu.vector_load %arg10[%swap3A_336, %swap3A_337] {strides = array<i32>} : memref<8x128xi32, #tpu.memory_space<vmem>>, vector<1x16xi32>,
      %swap3A_339 = vector.shape_cast %swap3A_338 : vector<1x16xi32> to vector<16xi32>
      %swap3A_340 = vector.shape_cast %convert_element_type3A_334 : vector<16xi32> to vector<1x16xi32>
      tpu.vector_store %arg10[%swap3A_336, %swap3A_337], %swap3A_340 {strides = array<i32>} : memref<8x128xi32, #tpu.memory_space<vmem>>, vector<1x16xi32>,
      %get3A_341 = arith.constant 1 : i32
      %get3A_342 = arith.index_cast %get3A_341 : i32 to index
      %get3A_343 = arith.constant 80 : index
      %get3A_344 = tpu.vector_load %arg9[%get3A_342, %get3A_343] {strides = array<i32>} : memref<8x128xf32, #tpu.memory_space<vmem>>, vector<1x16xf32>,
      %get3A_345 = vector.shape_cast %get3A_344 : vector<1x16xf32> to vector<16xf32>
      %convert_element_type3A_346 = arith.fptosi %get3A_345 : vector<16xf32> to vector<16xi32>
      %swap3A_347 = arith.constant 1 : i32
      %swap3A_348 = arith.index_cast %swap3A_347 : i32 to index
      %swap3A_349 = arith.constant 80 : index
      %swap3A_350 = tpu.vector_load %arg11[%swap3A_348, %swap3A_349] {strides = array<i32>} : memref<8x128xi32, #tpu.memory_space<vmem>>, vector<1x16xi32>,
      %swap3A_351 = vector.shape_cast %swap3A_350 : vector<1x16xi32> to vector<16xi32>
      %swap3A_352 = vector.shape_cast %convert_element_type3A_346 : vector<16xi32> to vector<1x16xi32>
      tpu.vector_store %arg11[%swap3A_348, %swap3A_349], %swap3A_352 {strides = array<i32>} : memref<8x128xi32, #tpu.memory_space<vmem>>, vector<1x16xi32>,
      %get3A_353 = arith.constant 1 : i32
      %get3A_354 = arith.index_cast %get3A_353 : i32 to index
      %get3A_355 = arith.constant 96 : index
      %get3A_356 = tpu.vector_load %arg8[%get3A_354, %get3A_355] {strides = array<i32>} : memref<8x128xf32, #tpu.memory_space<vmem>>, vector<1x16xf32>,
      %get3A_357 = vector.shape_cast %get3A_356 : vector<1x16xf32> to vector<16xf32>
      %convert_element_type3A_358 = arith.fptosi %get3A_357 : vector<16xf32> to vector<16xi32>
      %swap3A_359 = arith.constant 1 : i32
      %swap3A_360 = arith.index_cast %swap3A_359 : i32 to index
      %swap3A_361 = arith.constant 96 : index
      %swap3A_362 = tpu.vector_load %arg10[%swap3A_360, %swap3A_361] {strides = array<i32>} : memref<8x128xi32, #tpu.memory_space<vmem>>, vector<1x16xi32>,
      %swap3A_363 = vector.shape_cast %swap3A_362 : vector<1x16xi32> to vector<16xi32>
      %swap3A_364 = vector.shape_cast %convert_element_type3A_358 : vector<16xi32> to vector<1x16xi32>
      tpu.vector_store %arg10[%swap3A_360, %swap3A_361], %swap3A_364 {strides = array<i32>} : memref<8x128xi32, #tpu.memory_space<vmem>>, vector<1x16xi32>,
      %get3A_365 = arith.constant 1 : i32
      %get3A_366 = arith.index_cast %get3A_365 : i32 to index
      %get3A_367 = arith.constant 96 : index
      %get3A_368 = tpu.vector_load %arg9[%get3A_366, %get3A_367] {strides = array<i32>} : memref<8x128xf32, #tpu.memory_space<vmem>>, vector<1x16xf32>,
      %get3A_369 = vector.shape_cast %get3A_368 : vector<1x16xf32> to vector<16xf32>
      %convert_element_type3A_370 = arith.fptosi %get3A_369 : vector<16xf32> to vector<16xi32>
      %swap3A_371 = arith.constant 1 : i32
      %swap3A_372 = arith.index_cast %swap3A_371 : i32 to index
      %swap3A_373 = arith.constant 96 : index
      %swap3A_374 = tpu.vector_load %arg11[%swap3A_372, %swap3A_373] {strides = array<i32>} : memref<8x128xi32, #tpu.memory_space<vmem>>, vector<1x16xi32>,
      %swap3A_375 = vector.shape_cast %swap3A_374 : vector<1x16xi32> to vector<16xi32>
      %swap3A_376 = vector.shape_cast %convert_element_type3A_370 : vector<16xi32> to vector<1x16xi32>
      tpu.vector_store %arg11[%swap3A_372, %swap3A_373], %swap3A_376 {strides = array<i32>} : memref<8x128xi32, #tpu.memory_space<vmem>>, vector<1x16xi32>,
      %get3A_377 = arith.constant 1 : i32
      %get3A_378 = arith.index_cast %get3A_377 : i32 to index
      %get3A_379 = arith.constant 112 : index
      %get3A_380 = tpu.vector_load %arg8[%get3A_378, %get3A_379] {strides = array<i32>} : memref<8x128xf32, #tpu.memory_space<vmem>>, vector<1x16xf32>,
      %get3A_381 = vector.shape_cast %get3A_380 : vector<1x16xf32> to vector<16xf32>
      %convert_element_type3A_382 = arith.fptosi %get3A_381 : vector<16xf32> to vector<16xi32>
      %swap3A_383 = arith.constant 1 : i32
      %swap3A_384 = arith.index_cast %swap3A_383 : i32 to index
      %swap3A_385 = arith.constant 112 : index
      %swap3A_386 = tpu.vector_load %arg10[%swap3A_384, %swap3A_385] {strides = array<i32>} : memref<8x128xi32, #tpu.memory_space<vmem>>, vector<1x16xi32>,
      %swap3A_387 = vector.shape_cast %swap3A_386 : vector<1x16xi32> to vector<16xi32>
      %swap3A_388 = vector.shape_cast %convert_element_type3A_382 : vector<16xi32> to vector<1x16xi32>
      tpu.vector_store %arg10[%swap3A_384, %swap3A_385], %swap3A_388 {strides = array<i32>} : memref<8x128xi32, #tpu.memory_space<vmem>>, vector<1x16xi32>,
      %get3A_389 = arith.constant 1 : i32
      %get3A_390 = arith.index_cast %get3A_389 : i32 to index
      %get3A_391 = arith.constant 112 : index
      %get3A_392 = tpu.vector_load %arg9[%get3A_390, %get3A_391] {strides = array<i32>} : memref<8x128xf32, #tpu.memory_space<vmem>>, vector<1x16xf32>,
      %get3A_393 = vector.shape_cast %get3A_392 : vector<1x16xf32> to vector<16xf32>
      %convert_element_type3A_394 = arith.fptosi %get3A_393 : vector<16xf32> to vector<16xi32>
      %swap3A_395 = arith.constant 1 : i32
      %swap3A_396 = arith.index_cast %swap3A_395 : i32 to index
      %swap3A_397 = arith.constant 112 : index
      %swap3A_398 = tpu.vector_load %arg11[%swap3A_396, %swap3A_397] {strides = array<i32>} : memref<8x128xi32, #tpu.memory_space<vmem>>, vector<1x16xi32>,
      %swap3A_399 = vector.shape_cast %swap3A_398 : vector<1x16xi32> to vector<16xi32>
      %swap3A_400 = vector.shape_cast %convert_element_type3A_394 : vector<16xi32> to vector<1x16xi32>
      tpu.vector_store %arg11[%swap3A_396, %swap3A_397], %swap3A_400 {strides = array<i32>} : memref<8x128xi32, #tpu.memory_space<vmem>>, vector<1x16xi32>,
      %get3A_401 = arith.constant 2 : i32
      %get3A_402 = arith.index_cast %get3A_401 : i32 to index
      %get3A_403 = arith.constant 0 : index
      %get3A_404 = tpu.vector_load %arg8[%get3A_402, %get3A_403] {strides = array<i32>} : memref<8x128xf32, #tpu.memory_space<vmem>>, vector<1x16xf32>,
      %get3A_405 = vector.shape_cast %get3A_404 : vector<1x16xf32> to vector<16xf32>
      %convert_element_type3A_406 = arith.fptosi %get3A_405 : vector<16xf32> to vector<16xi32>
      %swap3A_407 = arith.constant 2 : i32
      %swap3A_408 = arith.index_cast %swap3A_407 : i32 to index
      %swap3A_409 = arith.constant 0 : index
      %swap3A_410 = tpu.vector_load %arg10[%swap3A_408, %swap3A_409] {strides = array<i32>} : memref<8x128xi32, #tpu.memory_space<vmem>>, vector<1x16xi32>,
      %swap3A_411 = vector.shape_cast %swap3A_410 : vector<1x16xi32> to vector<16xi32>
      %swap3A_412 = vector.shape_cast %convert_element_type3A_406 : vector<16xi32> to vector<1x16xi32>
      tpu.vector_store %arg10[%swap3A_408, %swap3A_409], %swap3A_412 {strides = array<i32>} : memref<8x128xi32, #tpu.memory_space<vmem>>, vector<1x16xi32>,
      %get3A_413 = arith.constant 2 : i32
      %get3A_414 = arith.index_cast %get3A_413 : i32 to index
      %get3A_415 = arith.constant 0 : index
      %get3A_416 = tpu.vector_load %arg9[%get3A_414, %get3A_415] {strides = array<i32>} : memref<8x128xf32, #tpu.memory_space<vmem>>, vector<1x16xf32>,
      %get3A_417 = vector.shape_cast %get3A_416 : vector<1x16xf32> to vector<16xf32>
      %convert_element_type3A_418 = arith.fptosi %get3A_417 : vector<16xf32> to vector<16xi32>
      %swap3A_419 = arith.constant 2 : i32
      %swap3A_420 = arith.index_cast %swap3A_419 : i32 to index
      %swap3A_421 = arith.constant 0 : index
      %swap3A_422 = tpu.vector_load %arg11[%swap3A_420, %swap3A_421] {strides = array<i32>} : memref<8x128xi32, #tpu.memory_space<vmem>>, vector<1x16xi32>,
      %swap3A_423 = vector.shape_cast %swap3A_422 : vector<1x16xi32> to vector<16xi32>
      %swap3A_424 = vector.shape_cast %convert_element_type3A_418 : vector<16xi32> to vector<1x16xi32>
      tpu.vector_store %arg11[%swap3A_420, %swap3A_421], %swap3A_424 {strides = array<i32>} : memref<8x128xi32, #tpu.memory_space<vmem>>, vector<1x16xi32>,
      %get3A_425 = arith.constant 2 : i32
      %get3A_426 = arith.index_cast %get3A_425 : i32 to index
      %get3A_427 = arith.constant 16 : index
      %get3A_428 = tpu.vector_load %arg8[%get3A_426, %get3A_427] {strides = array<i32>} : memref<8x128xf32, #tpu.memory_space<vmem>>, vector<1x16xf32>,
      %get3A_429 = vector.shape_cast %get3A_428 : vector<1x16xf32> to vector<16xf32>
      %convert_element_type3A_430 = arith.fptosi %get3A_429 : vector<16xf32> to vector<16xi32>
      %swap3A_431 = arith.constant 2 : i32
      %swap3A_432 = arith.index_cast %swap3A_431 : i32 to index
      %swap3A_433 = arith.constant 16 : index
      %swap3A_434 = tpu.vector_load %arg10[%swap3A_432, %swap3A_433] {strides = array<i32>} : memref<8x128xi32, #tpu.memory_space<vmem>>, vector<1x16xi32>,
      %swap3A_435 = vector.shape_cast %swap3A_434 : vector<1x16xi32> to vector<16xi32>
      %swap3A_436 = vector.shape_cast %convert_element_type3A_430 : vector<16xi32> to vector<1x16xi32>
      tpu.vector_store %arg10[%swap3A_432, %swap3A_433], %swap3A_436 {strides = array<i32>} : memref<8x128xi32, #tpu.memory_space<vmem>>, vector<1x16xi32>,
      %get3A_437 = arith.constant 2 : i32
      %get3A_438 = arith.index_cast %get3A_437 : i32 to index
      %get3A_439 = arith.constant 16 : index
      %get3A_440 = tpu.vector_load %arg9[%get3A_438, %get3A_439] {strides = array<i32>} : memref<8x128xf32, #tpu.memory_space<vmem>>, vector<1x16xf32>,
      %get3A_441 = vector.shape_cast %get3A_440 : vector<1x16xf32> to vector<16xf32>
      %convert_element_type3A_442 = arith.fptosi %get3A_441 : vector<16xf32> to vector<16xi32>
      %swap3A_443 = arith.constant 2 : i32
      %swap3A_444 = arith.index_cast %swap3A_443 : i32 to index
      %swap3A_445 = arith.constant 16 : index
      %swap3A_446 = tpu.vector_load %arg11[%swap3A_444, %swap3A_445] {strides = array<i32>} : memref<8x128xi32, #tpu.memory_space<vmem>>, vector<1x16xi32>,
      %swap3A_447 = vector.shape_cast %swap3A_446 : vector<1x16xi32> to vector<16xi32>
      %swap3A_448 = vector.shape_cast %convert_element_type3A_442 : vector<16xi32> to vector<1x16xi32>
      tpu.vector_store %arg11[%swap3A_444, %swap3A_445], %swap3A_448 {strides = array<i32>} : memref<8x128xi32, #tpu.memory_space<vmem>>, vector<1x16xi32>,
      %get3A_449 = arith.constant 2 : i32
      %get3A_450 = arith.index_cast %get3A_449 : i32 to index
      %get3A_451 = arith.constant 32 : index
      %get3A_452 = tpu.vector_load %arg8[%get3A_450, %get3A_451] {strides = array<i32>} : memref<8x128xf32, #tpu.memory_space<vmem>>, vector<1x16xf32>,
      %get3A_453 = vector.shape_cast %get3A_452 : vector<1x16xf32> to vector<16xf32>
      %convert_element_type3A_454 = arith.fptosi %get3A_453 : vector<16xf32> to vector<16xi32>
      %swap3A_455 = arith.constant 2 : i32
      %swap3A_456 = arith.index_cast %swap3A_455 : i32 to index
      %swap3A_457 = arith.constant 32 : index
      %swap3A_458 = tpu.vector_load %arg10[%swap3A_456, %swap3A_457] {strides = array<i32>} : memref<8x128xi32, #tpu.memory_space<vmem>>, vector<1x16xi32>,
      %swap3A_459 = vector.shape_cast %swap3A_458 : vector<1x16xi32> to vector<16xi32>
      %swap3A_460 = vector.shape_cast %convert_element_type3A_454 : vector<16xi32> to vector<1x16xi32>
      tpu.vector_store %arg10[%swap3A_456, %swap3A_457], %swap3A_460 {strides = array<i32>} : memref<8x128xi32, #tpu.memory_space<vmem>>, vector<1x16xi32>,
      %get3A_461 = arith.constant 2 : i32
      %get3A_462 = arith.index_cast %get3A_461 : i32 to index
      %get3A_463 = arith.constant 32 : index
      %get3A_464 = tpu.vector_load %arg9[%get3A_462, %get3A_463] {strides = array<i32>} : memref<8x128xf32, #tpu.memory_space<vmem>>, vector<1x16xf32>,
      %get3A_465 = vector.shape_cast %get3A_464 : vector<1x16xf32> to vector<16xf32>
      %convert_element_type3A_466 = arith.fptosi %get3A_465 : vector<16xf32> to vector<16xi32>
      %swap3A_467 = arith.constant 2 : i32
      %swap3A_468 = arith.index_cast %swap3A_467 : i32 to index
      %swap3A_469 = arith.constant 32 : index
      %swap3A_470 = tpu.vector_load %arg11[%swap3A_468, %swap3A_469] {strides = array<i32>} : memref<8x128xi32, #tpu.memory_space<vmem>>, vector<1x16xi32>,
      %swap3A_471 = vector.shape_cast %swap3A_470 : vector<1x16xi32> to vector<16xi32>
      %swap3A_472 = vector.shape_cast %convert_element_type3A_466 : vector<16xi32> to vector<1x16xi32>
      tpu.vector_store %arg11[%swap3A_468, %swap3A_469], %swap3A_472 {strides = array<i32>} : memref<8x128xi32, #tpu.memory_space<vmem>>, vector<1x16xi32>,
      %get3A_473 = arith.constant 2 : i32
      %get3A_474 = arith.index_cast %get3A_473 : i32 to index
      %get3A_475 = arith.constant 48 : index
      %get3A_476 = tpu.vector_load %arg8[%get3A_474, %get3A_475] {strides = array<i32>} : memref<8x128xf32, #tpu.memory_space<vmem>>, vector<1x16xf32>,
      %get3A_477 = vector.shape_cast %get3A_476 : vector<1x16xf32> to vector<16xf32>
      %convert_element_type3A_478 = arith.fptosi %get3A_477 : vector<16xf32> to vector<16xi32>
      %swap3A_479 = arith.constant 2 : i32
      %swap3A_480 = arith.index_cast %swap3A_479 : i32 to index
      %swap3A_481 = arith.constant 48 : index
      %swap3A_482 = tpu.vector_load %arg10[%swap3A_480, %swap3A_481] {strides = array<i32>} : memref<8x128xi32, #tpu.memory_space<vmem>>, vector<1x16xi32>,
      %swap3A_483 = vector.shape_cast %swap3A_482 : vector<1x16xi32> to vector<16xi32>
      %swap3A_484 = vector.shape_cast %convert_element_type3A_478 : vector<16xi32> to vector<1x16xi32>
      tpu.vector_store %arg10[%swap3A_480, %swap3A_481], %swap3A_484 {strides = array<i32>} : memref<8x128xi32, #tpu.memory_space<vmem>>, vector<1x16xi32>,
      %get3A_485 = arith.constant 2 : i32
      %get3A_486 = arith.index_cast %get3A_485 : i32 to index
      %get3A_487 = arith.constant 48 : index
      %get3A_488 = tpu.vector_load %arg9[%get3A_486, %get3A_487] {strides = array<i32>} : memref<8x128xf32, #tpu.memory_space<vmem>>, vector<1x16xf32>,
      %get3A_489 = vector.shape_cast %get3A_488 : vector<1x16xf32> to vector<16xf32>
      %convert_element_type3A_490 = arith.fptosi %get3A_489 : vector<16xf32> to vector<16xi32>
      %swap3A_491 = arith.constant 2 : i32
      %swap3A_492 = arith.index_cast %swap3A_491 : i32 to index
      %swap3A_493 = arith.constant 48 : index
      %swap3A_494 = tpu.vector_load %arg11[%swap3A_492, %swap3A_493] {strides = array<i32>} : memref<8x128xi32, #tpu.memory_space<vmem>>, vector<1x16xi32>,
      %swap3A_495 = vector.shape_cast %swap3A_494 : vector<1x16xi32> to vector<16xi32>
      %swap3A_496 = vector.shape_cast %convert_element_type3A_490 : vector<16xi32> to vector<1x16xi32>
      tpu.vector_store %arg11[%swap3A_492, %swap3A_493], %swap3A_496 {strides = array<i32>} : memref<8x128xi32, #tpu.memory_space<vmem>>, vector<1x16xi32>,
      %get3A_497 = arith.constant 2 : i32
      %get3A_498 = arith.index_cast %get3A_497 : i32 to index
      %get3A_499 = arith.constant 64 : index
      %get3A_500 = tpu.vector_load %arg8[%get3A_498, %get3A_499] {strides = array<i32>} : memref<8x128xf32, #tpu.memory_space<vmem>>, vector<1x16xf32>,
      %get3A_501 = vector.shape_cast %get3A_500 : vector<1x16xf32> to vector<16xf32>
      %convert_element_type3A_502 = arith.fptosi %get3A_501 : vector<16xf32> to vector<16xi32>
      %swap3A_503 = arith.constant 2 : i32
      %swap3A_504 = arith.index_cast %swap3A_503 : i32 to index
      %swap3A_505 = arith.constant 64 : index
      %swap3A_506 = tpu.vector_load %arg10[%swap3A_504, %swap3A_505] {strides = array<i32>} : memref<8x128xi32, #tpu.memory_space<vmem>>, vector<1x16xi32>,
      %swap3A_507 = vector.shape_cast %swap3A_506 : vector<1x16xi32> to vector<16xi32>
      %swap3A_508 = vector.shape_cast %convert_element_type3A_502 : vector<16xi32> to vector<1x16xi32>
      tpu.vector_store %arg10[%swap3A_504, %swap3A_505], %swap3A_508 {strides = array<i32>} : memref<8x128xi32, #tpu.memory_space<vmem>>, vector<1x16xi32>,
      %get3A_509 = arith.constant 2 : i32
      %get3A_510 = arith.index_cast %get3A_509 : i32 to index
      %get3A_511 = arith.constant 64 : index
      %get3A_512 = tpu.vector_load %arg9[%get3A_510, %get3A_511] {strides = array<i32>} : memref<8x128xf32, #tpu.memory_space<vmem>>, vector<1x16xf32>,
      %get3A_513 = vector.shape_cast %get3A_512 : vector<1x16xf32> to vector<16xf32>
      %convert_element_type3A_514 = arith.fptosi %get3A_513 : vector<16xf32> to vector<16xi32>
      %swap3A_515 = arith.constant 2 : i32
      %swap3A_516 = arith.index_cast %swap3A_515 : i32 to index
      %swap3A_517 = arith.constant 64 : index
      %swap3A_518 = tpu.vector_load %arg11[%swap3A_516, %swap3A_517] {strides = array<i32>} : memref<8x128xi32, #tpu.memory_space<vmem>>, vector<1x16xi32>,
      %swap3A_519 = vector.shape_cast %swap3A_518 : vector<1x16xi32> to vector<16xi32>
      %swap3A_520 = vector.shape_cast %convert_element_type3A_514 : vector<16xi32> to vector<1x16xi32>
      tpu.vector_store %arg11[%swap3A_516, %swap3A_517], %swap3A_520 {strides = array<i32>} : memref<8x128xi32, #tpu.memory_space<vmem>>, vector<1x16xi32>,
      %get3A_521 = arith.constant 2 : i32
      %get3A_522 = arith.index_cast %get3A_521 : i32 to index
      %get3A_523 = arith.constant 80 : index
      %get3A_524 = tpu.vector_load %arg8[%get3A_522, %get3A_523] {strides = array<i32>} : memref<8x128xf32, #tpu.memory_space<vmem>>, vector<1x16xf32>,
      %get3A_525 = vector.shape_cast %get3A_524 : vector<1x16xf32> to vector<16xf32>
      %convert_element_type3A_526 = arith.fptosi %get3A_525 : vector<16xf32> to vector<16xi32>
      %swap3A_527 = arith.constant 2 : i32
      %swap3A_528 = arith.index_cast %swap3A_527 : i32 to index
      %swap3A_529 = arith.constant 80 : index
      %swap3A_530 = tpu.vector_load %arg10[%swap3A_528, %swap3A_529] {strides = array<i32>} : memref<8x128xi32, #tpu.memory_space<vmem>>, vector<1x16xi32>,
      %swap3A_531 = vector.shape_cast %swap3A_530 : vector<1x16xi32> to vector<16xi32>
      %swap3A_532 = vector.shape_cast %convert_element_type3A_526 : vector<16xi32> to vector<1x16xi32>
      tpu.vector_store %arg10[%swap3A_528, %swap3A_529], %swap3A_532 {strides = array<i32>} : memref<8x128xi32, #tpu.memory_space<vmem>>, vector<1x16xi32>,
      %get3A_533 = arith.constant 2 : i32
      %get3A_534 = arith.index_cast %get3A_533 : i32 to index
      %get3A_535 = arith.constant 80 : index
      %get3A_536 = tpu.vector_load %arg9[%get3A_534, %get3A_535] {strides = array<i32>} : memref<8x128xf32, #tpu.memory_space<vmem>>, vector<1x16xf32>,
      %get3A_537 = vector.shape_cast %get3A_536 : vector<1x16xf32> to vector<16xf32>
      %convert_element_type3A_538 = arith.fptosi %get3A_537 : vector<16xf32> to vector<16xi32>
      %swap3A_539 = arith.constant 2 : i32
      %swap3A_540 = arith.index_cast %swap3A_539 : i32 to index
      %swap3A_541 = arith.constant 80 : index
      %swap3A_542 = tpu.vector_load %arg11[%swap3A_540, %swap3A_541] {strides = array<i32>} : memref<8x128xi32, #tpu.memory_space<vmem>>, vector<1x16xi32>,
      %swap3A_543 = vector.shape_cast %swap3A_542 : vector<1x16xi32> to vector<16xi32>
      %swap3A_544 = vector.shape_cast %convert_element_type3A_538 : vector<16xi32> to vector<1x16xi32>
      tpu.vector_store %arg11[%swap3A_540, %swap3A_541], %swap3A_544 {strides = array<i32>} : memref<8x128xi32, #tpu.memory_space<vmem>>, vector<1x16xi32>,
      %get3A_545 = arith.constant 2 : i32
      %get3A_546 = arith.index_cast %get3A_545 : i32 to index
      %get3A_547 = arith.constant 96 : index
      %get3A_548 = tpu.vector_load %arg8[%get3A_546, %get3A_547] {strides = array<i32>} : memref<8x128xf32, #tpu.memory_space<vmem>>, vector<1x16xf32>,
      %get3A_549 = vector.shape_cast %get3A_548 : vector<1x16xf32> to vector<16xf32>
      %convert_element_type3A_550 = arith.fptosi %get3A_549 : vector<16xf32> to vector<16xi32>
      %swap3A_551 = arith.constant 2 : i32
      %swap3A_552 = arith.index_cast %swap3A_551 : i32 to index
      %swap3A_553 = arith.constant 96 : index
      %swap3A_554 = tpu.vector_load %arg10[%swap3A_552, %swap3A_553] {strides = array<i32>} : memref<8x128xi32, #tpu.memory_space<vmem>>, vector<1x16xi32>,
      %swap3A_555 = vector.shape_cast %swap3A_554 : vector<1x16xi32> to vector<16xi32>
      %swap3A_556 = vector.shape_cast %convert_element_type3A_550 : vector<16xi32> to vector<1x16xi32>
      tpu.vector_store %arg10[%swap3A_552, %swap3A_553], %swap3A_556 {strides = array<i32>} : memref<8x128xi32, #tpu.memory_space<vmem>>, vector<1x16xi32>,
      %get3A_557 = arith.constant 2 : i32
      %get3A_558 = arith.index_cast %get3A_557 : i32 to index
      %get3A_559 = arith.constant 96 : index
      %get3A_560 = tpu.vector_load %arg9[%get3A_558, %get3A_559] {strides = array<i32>} : memref<8x128xf32, #tpu.memory_space<vmem>>, vector<1x16xf32>,
      %get3A_561 = vector.shape_cast %get3A_560 : vector<1x16xf32> to vector<16xf32>
      %convert_element_type3A_562 = arith.fptosi %get3A_561 : vector<16xf32> to vector<16xi32>
      %swap3A_563 = arith.constant 2 : i32
      %swap3A_564 = arith.index_cast %swap3A_563 : i32 to index
      %swap3A_565 = arith.constant 96 : index
      %swap3A_566 = tpu.vector_load %arg11[%swap3A_564, %swap3A_565] {strides = array<i32>} : memref<8x128xi32, #tpu.memory_space<vmem>>, vector<1x16xi32>,
      %swap3A_567 = vector.shape_cast %swap3A_566 : vector<1x16xi32> to vector<16xi32>
      %swap3A_568 = vector.shape_cast %convert_element_type3A_562 : vector<16xi32> to vector<1x16xi32>
      tpu.vector_store %arg11[%swap3A_564, %swap3A_565], %swap3A_568 {strides = array<i32>} : memref<8x128xi32, #tpu.memory_space<vmem>>, vector<1x16xi32>,
      %get3A_569 = arith.constant 2 : i32
      %get3A_570 = arith.index_cast %get3A_569 : i32 to index
      %get3A_571 = arith.constant 112 : index
      %get3A_572 = tpu.vector_load %arg8[%get3A_570, %get3A_571] {strides = array<i32>} : memref<8x128xf32, #tpu.memory_space<vmem>>, vector<1x16xf32>,
      %get3A_573 = vector.shape_cast %get3A_572 : vector<1x16xf32> to vector<16xf32>
      %convert_element_type3A_574 = arith.fptosi %get3A_573 : vector<16xf32> to vector<16xi32>
      %swap3A_575 = arith.constant 2 : i32
      %swap3A_576 = arith.index_cast %swap3A_575 : i32 to index
      %swap3A_577 = arith.constant 112 : index
      %swap3A_578 = tpu.vector_load %arg10[%swap3A_576, %swap3A_577] {strides = array<i32>} : memref<8x128xi32, #tpu.memory_space<vmem>>, vector<1x16xi32>,
      %swap3A_579 = vector.shape_cast %swap3A_578 : vector<1x16xi32> to vector<16xi32>
      %swap3A_580 = vector.shape_cast %convert_element_type3A_574 : vector<16xi32> to vector<1x16xi32>
      tpu.vector_store %arg10[%swap3A_576, %swap3A_577], %swap3A_580 {strides = array<i32>} : memref<8x128xi32, #tpu.memory_space<vmem>>, vector<1x16xi32>,
      %get3A_581 = arith.constant 2 : i32
      %get3A_582 = arith.index_cast %get3A_581 : i32 to index
      %get3A_583 = arith.constant 112 : index
      %get3A_584 = tpu.vector_load %arg9[%get3A_582, %get3A_583] {strides = array<i32>} : memref<8x128xf32, #tpu.memory_space<vmem>>, vector<1x16xf32>,
      %get3A_585 = vector.shape_cast %get3A_584 : vector<1x16xf32> to vector<16xf32>
      %convert_element_type3A_586 = arith.fptosi %get3A_585 : vector<16xf32> to vector<16xi32>
      %swap3A_587 = arith.constant 2 : i32
      %swap3A_588 = arith.index_cast %swap3A_587 : i32 to index
      %swap3A_589 = arith.constant 112 : index
      %swap3A_590 = tpu.vector_load %arg11[%swap3A_588, %swap3A_589] {strides = array<i32>} : memref<8x128xi32, #tpu.memory_space<vmem>>, vector<1x16xi32>,
      %swap3A_591 = vector.shape_cast %swap3A_590 : vector<1x16xi32> to vector<16xi32>
      %swap3A_592 = vector.shape_cast %convert_element_type3A_586 : vector<16xi32> to vector<1x16xi32>
      tpu.vector_store %arg11[%swap3A_588, %swap3A_589], %swap3A_592 {strides = array<i32>} : memref<8x128xi32, #tpu.memory_space<vmem>>, vector<1x16xi32>,
      %get3A_593 = arith.constant 3 : i32
      %get3A_594 = arith.index_cast %get3A_593 : i32 to index
      %get3A_595 = arith.constant 0 : index
      %get3A_596 = tpu.vector_load %arg8[%get3A_594, %get3A_595] {strides = array<i32>} : memref<8x128xf32, #tpu.memory_space<vmem>>, vector<1x16xf32>,
      %get3A_597 = vector.shape_cast %get3A_596 : vector<1x16xf32> to vector<16xf32>
      %convert_element_type3A_598 = arith.fptosi %get3A_597 : vector<16xf32> to vector<16xi32>
      %swap3A_599 = arith.constant 3 : i32
      %swap3A_600 = arith.index_cast %swap3A_599 : i32 to index
      %swap3A_601 = arith.constant 0 : index
      %swap3A_602 = tpu.vector_load %arg10[%swap3A_600, %swap3A_601] {strides = array<i32>} : memref<8x128xi32, #tpu.memory_space<vmem>>, vector<1x16xi32>,
      %swap3A_603 = vector.shape_cast %swap3A_602 : vector<1x16xi32> to vector<16xi32>
      %swap3A_604 = vector.shape_cast %convert_element_type3A_598 : vector<16xi32> to vector<1x16xi32>
      tpu.vector_store %arg10[%swap3A_600, %swap3A_601], %swap3A_604 {strides = array<i32>} : memref<8x128xi32, #tpu.memory_space<vmem>>, vector<1x16xi32>,
      %get3A_605 = arith.constant 3 : i32
      %get3A_606 = arith.index_cast %get3A_605 : i32 to index
      %get3A_607 = arith.constant 0 : index
      %get3A_608 = tpu.vector_load %arg9[%get3A_606, %get3A_607] {strides = array<i32>} : memref<8x128xf32, #tpu.memory_space<vmem>>, vector<1x16xf32>,
      %get3A_609 = vector.shape_cast %get3A_608 : vector<1x16xf32> to vector<16xf32>
      %convert_element_type3A_610 = arith.fptosi %get3A_609 : vector<16xf32> to vector<16xi32>
      %swap3A_611 = arith.constant 3 : i32
      %swap3A_612 = arith.index_cast %swap3A_611 : i32 to index
      %swap3A_613 = arith.constant 0 : index
      %swap3A_614 = tpu.vector_load %arg11[%swap3A_612, %swap3A_613] {strides = array<i32>} : memref<8x128xi32, #tpu.memory_space<vmem>>, vector<1x16xi32>,
      %swap3A_615 = vector.shape_cast %swap3A_614 : vector<1x16xi32> to vector<16xi32>
      %swap3A_616 = vector.shape_cast %convert_element_type3A_610 : vector<16xi32> to vector<1x16xi32>
      tpu.vector_store %arg11[%swap3A_612, %swap3A_613], %swap3A_616 {strides = array<i32>} : memref<8x128xi32, #tpu.memory_space<vmem>>, vector<1x16xi32>,
      %get3A_617 = arith.constant 3 : i32
      %get3A_618 = arith.index_cast %get3A_617 : i32 to index
      %get3A_619 = arith.constant 16 : index
      %get3A_620 = tpu.vector_load %arg8[%get3A_618, %get3A_619] {strides = array<i32>} : memref<8x128xf32, #tpu.memory_space<vmem>>, vector<1x16xf32>,
      %get3A_621 = vector.shape_cast %get3A_620 : vector<1x16xf32> to vector<16xf32>
      %convert_element_type3A_622 = arith.fptosi %get3A_621 : vector<16xf32> to vector<16xi32>
      %swap3A_623 = arith.constant 3 : i32
      %swap3A_624 = arith.index_cast %swap3A_623 : i32 to index
      %swap3A_625 = arith.constant 16 : index
      %swap3A_626 = tpu.vector_load %arg10[%swap3A_624, %swap3A_625] {strides = array<i32>} : memref<8x128xi32, #tpu.memory_space<vmem>>, vector<1x16xi32>,
      %swap3A_627 = vector.shape_cast %swap3A_626 : vector<1x16xi32> to vector<16xi32>
      %swap3A_628 = vector.shape_cast %convert_element_type3A_622 : vector<16xi32> to vector<1x16xi32>
      tpu.vector_store %arg10[%swap3A_624, %swap3A_625], %swap3A_628 {strides = array<i32>} : memref<8x128xi32, #tpu.memory_space<vmem>>, vector<1x16xi32>,
      %get3A_629 = arith.constant 3 : i32
      %get3A_630 = arith.index_cast %get3A_629 : i32 to index
      %get3A_631 = arith.constant 16 : index
      %get3A_632 = tpu.vector_load %arg9[%get3A_630, %get3A_631] {strides = array<i32>} : memref<8x128xf32, #tpu.memory_space<vmem>>, vector<1x16xf32>,
      %get3A_633 = vector.shape_cast %get3A_632 : vector<1x16xf32> to vector<16xf32>
      %convert_element_type3A_634 = arith.fptosi %get3A_633 : vector<16xf32> to vector<16xi32>
      %swap3A_635 = arith.constant 3 : i32
      %swap3A_636 = arith.index_cast %swap3A_635 : i32 to index
      %swap3A_637 = arith.constant 16 : index
      %swap3A_638 = tpu.vector_load %arg11[%swap3A_636, %swap3A_637] {strides = array<i32>} : memref<8x128xi32, #tpu.memory_space<vmem>>, vector<1x16xi32>,
      %swap3A_639 = vector.shape_cast %swap3A_638 : vector<1x16xi32> to vector<16xi32>
      %swap3A_640 = vector.shape_cast %convert_element_type3A_634 : vector<16xi32> to vector<1x16xi32>
      tpu.vector_store %arg11[%swap3A_636, %swap3A_637], %swap3A_640 {strides = array<i32>} : memref<8x128xi32, #tpu.memory_space<vmem>>, vector<1x16xi32>,
      %get3A_641 = arith.constant 3 : i32
      %get3A_642 = arith.index_cast %get3A_641 : i32 to index
      %get3A_643 = arith.constant 32 : index
      %get3A_644 = tpu.vector_load %arg8[%get3A_642, %get3A_643] {strides = array<i32>} : memref<8x128xf32, #tpu.memory_space<vmem>>, vector<1x16xf32>,
      %get3A_645 = vector.shape_cast %get3A_644 : vector<1x16xf32> to vector<16xf32>
      %convert_element_type3A_646 = arith.fptosi %get3A_645 : vector<16xf32> to vector<16xi32>
      %swap3A_647 = arith.constant 3 : i32
      %swap3A_648 = arith.index_cast %swap3A_647 : i32 to index
      %swap3A_649 = arith.constant 32 : index
      %swap3A_650 = tpu.vector_load %arg10[%swap3A_648, %swap3A_649] {strides = array<i32>} : memref<8x128xi32, #tpu.memory_space<vmem>>, vector<1x16xi32>,
      %swap3A_651 = vector.shape_cast %swap3A_650 : vector<1x16xi32> to vector<16xi32>
      %swap3A_652 = vector.shape_cast %convert_element_type3A_646 : vector<16xi32> to vector<1x16xi32>
      tpu.vector_store %arg10[%swap3A_648, %swap3A_649], %swap3A_652 {strides = array<i32>} : memref<8x128xi32, #tpu.memory_space<vmem>>, vector<1x16xi32>,
      %get3A_653 = arith.constant 3 : i32
      %get3A_654 = arith.index_cast %get3A_653 : i32 to index
      %get3A_655 = arith.constant 32 : index
      %get3A_656 = tpu.vector_load %arg9[%get3A_654, %get3A_655] {strides = array<i32>} : memref<8x128xf32, #tpu.memory_space<vmem>>, vector<1x16xf32>,
      %get3A_657 = vector.shape_cast %get3A_656 : vector<1x16xf32> to vector<16xf32>
      %convert_element_type3A_658 = arith.fptosi %get3A_657 : vector<16xf32> to vector<16xi32>
      %swap3A_659 = arith.constant 3 : i32
      %swap3A_660 = arith.index_cast %swap3A_659 : i32 to index
      %swap3A_661 = arith.constant 32 : index
      %swap3A_662 = tpu.vector_load %arg11[%swap3A_660, %swap3A_661] {strides = array<i32>} : memref<8x128xi32, #tpu.memory_space<vmem>>, vector<1x16xi32>,
      %swap3A_663 = vector.shape_cast %swap3A_662 : vector<1x16xi32> to vector<16xi32>
      %swap3A_664 = vector.shape_cast %convert_element_type3A_658 : vector<16xi32> to vector<1x16xi32>
      tpu.vector_store %arg11[%swap3A_660, %swap3A_661], %swap3A_664 {strides = array<i32>} : memref<8x128xi32, #tpu.memory_space<vmem>>, vector<1x16xi32>,
      %get3A_665 = arith.constant 3 : i32
      %get3A_666 = arith.index_cast %get3A_665 : i32 to index
      %get3A_667 = arith.constant 48 : index
      %get3A_668 = tpu.vector_load %arg8[%get3A_666, %get3A_667] {strides = array<i32>} : memref<8x128xf32, #tpu.memory_space<vmem>>, vector<1x16xf32>,
      %get3A_669 = vector.shape_cast %get3A_668 : vector<1x16xf32> to vector<16xf32>
      %convert_element_type3A_670 = arith.fptosi %get3A_669 : vector<16xf32> to vector<16xi32>
      %swap3A_671 = arith.constant 3 : i32
      %swap3A_672 = arith.index_cast %swap3A_671 : i32 to index
      %swap3A_673 = arith.constant 48 : index
      %swap3A_674 = tpu.vector_load %arg10[%swap3A_672, %swap3A_673] {strides = array<i32>} : memref<8x128xi32, #tpu.memory_space<vmem>>, vector<1x16xi32>,
      %swap3A_675 = vector.shape_cast %swap3A_674 : vector<1x16xi32> to vector<16xi32>
      %swap3A_676 = vector.shape_cast %convert_element_type3A_670 : vector<16xi32> to vector<1x16xi32>
      tpu.vector_store %arg10[%swap3A_672, %swap3A_673], %swap3A_676 {strides = array<i32>} : memref<8x128xi32, #tpu.memory_space<vmem>>, vector<1x16xi32>,
      %get3A_677 = arith.constant 3 : i32
      %get3A_678 = arith.index_cast %get3A_677 : i32 to index
      %get3A_679 = arith.constant 48 : index
      %get3A_680 = tpu.vector_load %arg9[%get3A_678, %get3A_679] {strides = array<i32>} : memref<8x128xf32, #tpu.memory_space<vmem>>, vector<1x16xf32>,
      %get3A_681 = vector.shape_cast %get3A_680 : vector<1x16xf32> to vector<16xf32>
      %convert_element_type3A_682 = arith.fptosi %get3A_681 : vector<16xf32> to vector<16xi32>
      %swap3A_683 = arith.constant 3 : i32
      %swap3A_684 = arith.index_cast %swap3A_683 : i32 to index
      %swap3A_685 = arith.constant 48 : index
      %swap3A_686 = tpu.vector_load %arg11[%swap3A_684, %swap3A_685] {strides = array<i32>} : memref<8x128xi32, #tpu.memory_space<vmem>>, vector<1x16xi32>,
      %swap3A_687 = vector.shape_cast %swap3A_686 : vector<1x16xi32> to vector<16xi32>
      %swap3A_688 = vector.shape_cast %convert_element_type3A_682 : vector<16xi32> to vector<1x16xi32>
      tpu.vector_store %arg11[%swap3A_684, %swap3A_685], %swap3A_688 {strides = array<i32>} : memref<8x128xi32, #tpu.memory_space<vmem>>, vector<1x16xi32>,
      %get3A_689 = arith.constant 3 : i32
      %get3A_690 = arith.index_cast %get3A_689 : i32 to index
      %get3A_691 = arith.constant 64 : index
      %get3A_692 = tpu.vector_load %arg8[%get3A_690, %get3A_691] {strides = array<i32>} : memref<8x128xf32, #tpu.memory_space<vmem>>, vector<1x16xf32>,
      %get3A_693 = vector.shape_cast %get3A_692 : vector<1x16xf32> to vector<16xf32>
      %convert_element_type3A_694 = arith.fptosi %get3A_693 : vector<16xf32> to vector<16xi32>
      %swap3A_695 = arith.constant 3 : i32
      %swap3A_696 = arith.index_cast %swap3A_695 : i32 to index
      %swap3A_697 = arith.constant 64 : index
      %swap3A_698 = tpu.vector_load %arg10[%swap3A_696, %swap3A_697] {strides = array<i32>} : memref<8x128xi32, #tpu.memory_space<vmem>>, vector<1x16xi32>,
      %swap3A_699 = vector.shape_cast %swap3A_698 : vector<1x16xi32> to vector<16xi32>
      %swap3A_700 = vector.shape_cast %convert_element_type3A_694 : vector<16xi32> to vector<1x16xi32>
      tpu.vector_store %arg10[%swap3A_696, %swap3A_697], %swap3A_700 {strides = array<i32>} : memref<8x128xi32, #tpu.memory_space<vmem>>, vector<1x16xi32>,
      %get3A_701 = arith.constant 3 : i32
      %get3A_702 = arith.index_cast %get3A_701 : i32 to index
      %get3A_703 = arith.constant 64 : index
      %get3A_704 = tpu.vector_load %arg9[%get3A_702, %get3A_703] {strides = array<i32>} : memref<8x128xf32, #tpu.memory_space<vmem>>, vector<1x16xf32>,
      %get3A_705 = vector.shape_cast %get3A_704 : vector<1x16xf32> to vector<16xf32>
      %convert_element_type3A_706 = arith.fptosi %get3A_705 : vector<16xf32> to vector<16xi32>
      %swap3A_707 = arith.constant 3 : i32
      %swap3A_708 = arith.index_cast %swap3A_707 : i32 to index
      %swap3A_709 = arith.constant 64 : index
      %swap3A_710 = tpu.vector_load %arg11[%swap3A_708, %swap3A_709] {strides = array<i32>} : memref<8x128xi32, #tpu.memory_space<vmem>>, vector<1x16xi32>,
      %swap3A_711 = vector.shape_cast %swap3A_710 : vector<1x16xi32> to vector<16xi32>
      %swap3A_712 = vector.shape_cast %convert_element_type3A_706 : vector<16xi32> to vector<1x16xi32>
      tpu.vector_store %arg11[%swap3A_708, %swap3A_709], %swap3A_712 {strides = array<i32>} : memref<8x128xi32, #tpu.memory_space<vmem>>, vector<1x16xi32>,
      %get3A_713 = arith.constant 3 : i32
      %get3A_714 = arith.index_cast %get3A_713 : i32 to index
      %get3A_715 = arith.constant 80 : index
      %get3A_716 = tpu.vector_load %arg8[%get3A_714, %get3A_715] {strides = array<i32>} : memref<8x128xf32, #tpu.memory_space<vmem>>, vector<1x16xf32>,
      %get3A_717 = vector.shape_cast %get3A_716 : vector<1x16xf32> to vector<16xf32>
      %convert_element_type3A_718 = arith.fptosi %get3A_717 : vector<16xf32> to vector<16xi32>
      %swap3A_719 = arith.constant 3 : i32
      %swap3A_720 = arith.index_cast %swap3A_719 : i32 to index
      %swap3A_721 = arith.constant 80 : index
      %swap3A_722 = tpu.vector_load %arg10[%swap3A_720, %swap3A_721] {strides = array<i32>} : memref<8x128xi32, #tpu.memory_space<vmem>>, vector<1x16xi32>,
      %swap3A_723 = vector.shape_cast %swap3A_722 : vector<1x16xi32> to vector<16xi32>
      %swap3A_724 = vector.shape_cast %convert_element_type3A_718 : vector<16xi32> to vector<1x16xi32>
      tpu.vector_store %arg10[%swap3A_720, %swap3A_721], %swap3A_724 {strides = array<i32>} : memref<8x128xi32, #tpu.memory_space<vmem>>, vector<1x16xi32>,
      %get3A_725 = arith.constant 3 : i32
      %get3A_726 = arith.index_cast %get3A_725 : i32 to index
      %get3A_727 = arith.constant 80 : index
      %get3A_728 = tpu.vector_load %arg9[%get3A_726, %get3A_727] {strides = array<i32>} : memref<8x128xf32, #tpu.memory_space<vmem>>, vector<1x16xf32>,
      %get3A_729 = vector.shape_cast %get3A_728 : vector<1x16xf32> to vector<16xf32>
      %convert_element_type3A_730 = arith.fptosi %get3A_729 : vector<16xf32> to vector<16xi32>
      %swap3A_731 = arith.constant 3 : i32
      %swap3A_732 = arith.index_cast %swap3A_731 : i32 to index
      %swap3A_733 = arith.constant 80 : index
      %swap3A_734 = tpu.vector_load %arg11[%swap3A_732, %swap3A_733] {strides = array<i32>} : memref<8x128xi32, #tpu.memory_space<vmem>>, vector<1x16xi32>,
      %swap3A_735 = vector.shape_cast %swap3A_734 : vector<1x16xi32> to vector<16xi32>
      %swap3A_736 = vector.shape_cast %convert_element_type3A_730 : vector<16xi32> to vector<1x16xi32>
      tpu.vector_store %arg11[%swap3A_732, %swap3A_733], %swap3A_736 {strides = array<i32>} : memref<8x128xi32, #tpu.memory_space<vmem>>, vector<1x16xi32>,
      %get3A_737 = arith.constant 3 : i32
      %get3A_738 = arith.index_cast %get3A_737 : i32 to index
      %get3A_739 = arith.constant 96 : index
      %get3A_740 = tpu.vector_load %arg8[%get3A_738, %get3A_739] {strides = array<i32>} : memref<8x128xf32, #tpu.memory_space<vmem>>, vector<1x16xf32>,
      %get3A_741 = vector.shape_cast %get3A_740 : vector<1x16xf32> to vector<16xf32>
      %convert_element_type3A_742 = arith.fptosi %get3A_741 : vector<16xf32> to vector<16xi32>
      %swap3A_743 = arith.constant 3 : i32
      %swap3A_744 = arith.index_cast %swap3A_743 : i32 to index
      %swap3A_745 = arith.constant 96 : index
      %swap3A_746 = tpu.vector_load %arg10[%swap3A_744, %swap3A_745] {strides = array<i32>} : memref<8x128xi32, #tpu.memory_space<vmem>>, vector<1x16xi32>,
      %swap3A_747 = vector.shape_cast %swap3A_746 : vector<1x16xi32> to vector<16xi32>
      %swap3A_748 = vector.shape_cast %convert_element_type3A_742 : vector<16xi32> to vector<1x16xi32>
      tpu.vector_store %arg10[%swap3A_744, %swap3A_745], %swap3A_748 {strides = array<i32>} : memref<8x128xi32, #tpu.memory_space<vmem>>, vector<1x16xi32>,
      %get3A_749 = arith.constant 3 : i32
      %get3A_750 = arith.index_cast %get3A_749 : i32 to index
      %get3A_751 = arith.constant 96 : index
      %get3A_752 = tpu.vector_load %arg9[%get3A_750, %get3A_751] {strides = array<i32>} : memref<8x128xf32, #tpu.memory_space<vmem>>, vector<1x16xf32>,
      %get3A_753 = vector.shape_cast %get3A_752 : vector<1x16xf32> to vector<16xf32>
      %convert_element_type3A_754 = arith.fptosi %get3A_753 : vector<16xf32> to vector<16xi32>
      %swap3A_755 = arith.constant 3 : i32
      %swap3A_756 = arith.index_cast %swap3A_755 : i32 to index
      %swap3A_757 = arith.constant 96 : index
      %swap3A_758 = tpu.vector_load %arg11[%swap3A_756, %swap3A_757] {strides = array<i32>} : memref<8x128xi32, #tpu.memory_space<vmem>>, vector<1x16xi32>,
      %swap3A_759 = vector.shape_cast %swap3A_758 : vector<1x16xi32> to vector<16xi32>
      %swap3A_760 = vector.shape_cast %convert_element_type3A_754 : vector<16xi32> to vector<1x16xi32>
      tpu.vector_store %arg11[%swap3A_756, %swap3A_757], %swap3A_760 {strides = array<i32>} : memref<8x128xi32, #tpu.memory_space<vmem>>, vector<1x16xi32>,
      %get3A_761 = arith.constant 3 : i32
      %get3A_762 = arith.index_cast %get3A_761 : i32 to index
      %get3A_763 = arith.constant 112 : index
      %get3A_764 = tpu.vector_load %arg8[%get3A_762, %get3A_763] {strides = array<i32>} : memref<8x128xf32, #tpu.memory_space<vmem>>, vector<1x16xf32>,
      %get3A_765 = vector.shape_cast %get3A_764 : vector<1x16xf32> to vector<16xf32>
      %convert_element_type3A_766 = arith.fptosi %get3A_765 : vector<16xf32> to vector<16xi32>
      %swap3A_767 = arith.constant 3 : i32
      %swap3A_768 = arith.index_cast %swap3A_767 : i32 to index
      %swap3A_769 = arith.constant 112 : index
      %swap3A_770 = tpu.vector_load %arg10[%swap3A_768, %swap3A_769] {strides = array<i32>} : memref<8x128xi32, #tpu.memory_space<vmem>>, vector<1x16xi32>,
      %swap3A_771 = vector.shape_cast %swap3A_770 : vector<1x16xi32> to vector<16xi32>
      %swap3A_772 = vector.shape_cast %convert_element_type3A_766 : vector<16xi32> to vector<1x16xi32>
      tpu.vector_store %arg10[%swap3A_768, %swap3A_769], %swap3A_772 {strides = array<i32>} : memref<8x128xi32, #tpu.memory_space<vmem>>, vector<1x16xi32>,
      %get3A_773 = arith.constant 3 : i32
      %get3A_774 = arith.index_cast %get3A_773 : i32 to index
      %get3A_775 = arith.constant 112 : index
      %get3A_776 = tpu.vector_load %arg9[%get3A_774, %get3A_775] {strides = array<i32>} : memref<8x128xf32, #tpu.memory_space<vmem>>, vector<1x16xf32>,
      %get3A_777 = vector.shape_cast %get3A_776 : vector<1x16xf32> to vector<16xf32>
      %convert_element_type3A_778 = arith.fptosi %get3A_777 : vector<16xf32> to vector<16xi32>
      %swap3A_779 = arith.constant 3 : i32
      %swap3A_780 = arith.index_cast %swap3A_779 : i32 to index
      %swap3A_781 = arith.constant 112 : index
      %swap3A_782 = tpu.vector_load %arg11[%swap3A_780, %swap3A_781] {strides = array<i32>} : memref<8x128xi32, #tpu.memory_space<vmem>>, vector<1x16xi32>,
      %swap3A_783 = vector.shape_cast %swap3A_782 : vector<1x16xi32> to vector<16xi32>
      %swap3A_784 = vector.shape_cast %convert_element_type3A_778 : vector<16xi32> to vector<1x16xi32>
      tpu.vector_store %arg11[%swap3A_780, %swap3A_781], %swap3A_784 {strides = array<i32>} : memref<8x128xi32, #tpu.memory_space<vmem>>, vector<1x16xi32>,
      %get3A_785 = arith.constant 4 : i32
      %get3A_786 = arith.index_cast %get3A_785 : i32 to index
      %get3A_787 = arith.constant 0 : index
      %get3A_788 = tpu.vector_load %arg8[%get3A_786, %get3A_787] {strides = array<i32>} : memref<8x128xf32, #tpu.memory_space<vmem>>, vector<1x16xf32>,
      %get3A_789 = vector.shape_cast %get3A_788 : vector<1x16xf32> to vector<16xf32>
      %convert_element_type3A_790 = arith.fptosi %get3A_789 : vector<16xf32> to vector<16xi32>
      %swap3A_791 = arith.constant 4 : i32
      %swap3A_792 = arith.index_cast %swap3A_791 : i32 to index
      %swap3A_793 = arith.constant 0 : index
      %swap3A_794 = tpu.vector_load %arg10[%swap3A_792, %swap3A_793] {strides = array<i32>} : memref<8x128xi32, #tpu.memory_space<vmem>>, vector<1x16xi32>,
      %swap3A_795 = vector.shape_cast %swap3A_794 : vector<1x16xi32> to vector<16xi32>
      %swap3A_796 = vector.shape_cast %convert_element_type3A_790 : vector<16xi32> to vector<1x16xi32>
      tpu.vector_store %arg10[%swap3A_792, %swap3A_793], %swap3A_796 {strides = array<i32>} : memref<8x128xi32, #tpu.memory_space<vmem>>, vector<1x16xi32>,
      %get3A_797 = arith.constant 4 : i32
      %get3A_798 = arith.index_cast %get3A_797 : i32 to index
      %get3A_799 = arith.constant 0 : index
      %get3A_800 = tpu.vector_load %arg9[%get3A_798, %get3A_799] {strides = array<i32>} : memref<8x128xf32, #tpu.memory_space<vmem>>, vector<1x16xf32>,
      %get3A_801 = vector.shape_cast %get3A_800 : vector<1x16xf32> to vector<16xf32>
      %convert_element_type3A_802 = arith.fptosi %get3A_801 : vector<16xf32> to vector<16xi32>
      %swap3A_803 = arith.constant 4 : i32
      %swap3A_804 = arith.index_cast %swap3A_803 : i32 to index
      %swap3A_805 = arith.constant 0 : index
      %swap3A_806 = tpu.vector_load %arg11[%swap3A_804, %swap3A_805] {strides = array<i32>} : memref<8x128xi32, #tpu.memory_space<vmem>>, vector<1x16xi32>,
      %swap3A_807 = vector.shape_cast %swap3A_806 : vector<1x16xi32> to vector<16xi32>
      %swap3A_808 = vector.shape_cast %convert_element_type3A_802 : vector<16xi32> to vector<1x16xi32>
      tpu.vector_store %arg11[%swap3A_804, %swap3A_805], %swap3A_808 {strides = array<i32>} : memref<8x128xi32, #tpu.memory_space<vmem>>, vector<1x16xi32>,
      %get3A_809 = arith.constant 4 : i32
      %get3A_810 = arith.index_cast %get3A_809 : i32 to index
      %get3A_811 = arith.constant 16 : index
      %get3A_812 = tpu.vector_load %arg8[%get3A_810, %get3A_811] {strides = array<i32>} : memref<8x128xf32, #tpu.memory_space<vmem>>, vector<1x16xf32>,
      %get3A_813 = vector.shape_cast %get3A_812 : vector<1x16xf32> to vector<16xf32>
      %convert_element_type3A_814 = arith.fptosi %get3A_813 : vector<16xf32> to vector<16xi32>
      %swap3A_815 = arith.constant 4 : i32
      %swap3A_816 = arith.index_cast %swap3A_815 : i32 to index
      %swap3A_817 = arith.constant 16 : index
      %swap3A_818 = tpu.vector_load %arg10[%swap3A_816, %swap3A_817] {strides = array<i32>} : memref<8x128xi32, #tpu.memory_space<vmem>>, vector<1x16xi32>,
      %swap3A_819 = vector.shape_cast %swap3A_818 : vector<1x16xi32> to vector<16xi32>
      %swap3A_820 = vector.shape_cast %convert_element_type3A_814 : vector<16xi32> to vector<1x16xi32>
      tpu.vector_store %arg10[%swap3A_816, %swap3A_817], %swap3A_820 {strides = array<i32>} : memref<8x128xi32, #tpu.memory_space<vmem>>, vector<1x16xi32>,
      %get3A_821 = arith.constant 4 : i32
      %get3A_822 = arith.index_cast %get3A_821 : i32 to index
      %get3A_823 = arith.constant 16 : index
      %get3A_824 = tpu.vector_load %arg9[%get3A_822, %get3A_823] {strides = array<i32>} : memref<8x128xf32, #tpu.memory_space<vmem>>, vector<1x16xf32>,
      %get3A_825 = vector.shape_cast %get3A_824 : vector<1x16xf32> to vector<16xf32>
      %convert_element_type3A_826 = arith.fptosi %get3A_825 : vector<16xf32> to vector<16xi32>
      %swap3A_827 = arith.constant 4 : i32
      %swap3A_828 = arith.index_cast %swap3A_827 : i32 to index
      %swap3A_829 = arith.constant 16 : index
      %swap3A_830 = tpu.vector_load %arg11[%swap3A_828, %swap3A_829] {strides = array<i32>} : memref<8x128xi32, #tpu.memory_space<vmem>>, vector<1x16xi32>,
      %swap3A_831 = vector.shape_cast %swap3A_830 : vector<1x16xi32> to vector<16xi32>
      %swap3A_832 = vector.shape_cast %convert_element_type3A_826 : vector<16xi32> to vector<1x16xi32>
      tpu.vector_store %arg11[%swap3A_828, %swap3A_829], %swap3A_832 {strides = array<i32>} : memref<8x128xi32, #tpu.memory_space<vmem>>, vector<1x16xi32>,
      %get3A_833 = arith.constant 4 : i32
      %get3A_834 = arith.index_cast %get3A_833 : i32 to index
      %get3A_835 = arith.constant 32 : index
      %get3A_836 = tpu.vector_load %arg8[%get3A_834, %get3A_835] {strides = array<i32>} : memref<8x128xf32, #tpu.memory_space<vmem>>, vector<1x16xf32>,
      %get3A_837 = vector.shape_cast %get3A_836 : vector<1x16xf32> to vector<16xf32>
      %convert_element_type3A_838 = arith.fptosi %get3A_837 : vector<16xf32> to vector<16xi32>
      %swap3A_839 = arith.constant 4 : i32
      %swap3A_840 = arith.index_cast %swap3A_839 : i32 to index
      %swap3A_841 = arith.constant 32 : index
      %swap3A_842 = tpu.vector_load %arg10[%swap3A_840, %swap3A_841] {strides = array<i32>} : memref<8x128xi32, #tpu.memory_space<vmem>>, vector<1x16xi32>,
      %swap3A_843 = vector.shape_cast %swap3A_842 : vector<1x16xi32> to vector<16xi32>
      %swap3A_844 = vector.shape_cast %convert_element_type3A_838 : vector<16xi32> to vector<1x16xi32>
      tpu.vector_store %arg10[%swap3A_840, %swap3A_841], %swap3A_844 {strides = array<i32>} : memref<8x128xi32, #tpu.memory_space<vmem>>, vector<1x16xi32>,
      %get3A_845 = arith.constant 4 : i32
      %get3A_846 = arith.index_cast %get3A_845 : i32 to index
      %get3A_847 = arith.constant 32 : index
      %get3A_848 = tpu.vector_load %arg9[%get3A_846, %get3A_847] {strides = array<i32>} : memref<8x128xf32, #tpu.memory_space<vmem>>, vector<1x16xf32>,
      %get3A_849 = vector.shape_cast %get3A_848 : vector<1x16xf32> to vector<16xf32>
      %convert_element_type3A_850 = arith.fptosi %get3A_849 : vector<16xf32> to vector<16xi32>
      %swap3A_851 = arith.constant 4 : i32
      %swap3A_852 = arith.index_cast %swap3A_851 : i32 to index
      %swap3A_853 = arith.constant 32 : index
      %swap3A_854 = tpu.vector_load %arg11[%swap3A_852, %swap3A_853] {strides = array<i32>} : memref<8x128xi32, #tpu.memory_space<vmem>>, vector<1x16xi32>,
      %swap3A_855 = vector.shape_cast %swap3A_854 : vector<1x16xi32> to vector<16xi32>
      %swap3A_856 = vector.shape_cast %convert_element_type3A_850 : vector<16xi32> to vector<1x16xi32>
      tpu.vector_store %arg11[%swap3A_852, %swap3A_853], %swap3A_856 {strides = array<i32>} : memref<8x128xi32, #tpu.memory_space<vmem>>, vector<1x16xi32>,
      %get3A_857 = arith.constant 4 : i32
      %get3A_858 = arith.index_cast %get3A_857 : i32 to index
      %get3A_859 = arith.constant 48 : index
      %get3A_860 = tpu.vector_load %arg8[%get3A_858, %get3A_859] {strides = array<i32>} : memref<8x128xf32, #tpu.memory_space<vmem>>, vector<1x16xf32>,
      %get3A_861 = vector.shape_cast %get3A_860 : vector<1x16xf32> to vector<16xf32>
      %convert_element_type3A_862 = arith.fptosi %get3A_861 : vector<16xf32> to vector<16xi32>
      %swap3A_863 = arith.constant 4 : i32
      %swap3A_864 = arith.index_cast %swap3A_863 : i32 to index
      %swap3A_865 = arith.constant 48 : index
      %swap3A_866 = tpu.vector_load %arg10[%swap3A_864, %swap3A_865] {strides = array<i32>} : memref<8x128xi32, #tpu.memory_space<vmem>>, vector<1x16xi32>,
      %swap3A_867 = vector.shape_cast %swap3A_866 : vector<1x16xi32> to vector<16xi32>
      %swap3A_868 = vector.shape_cast %convert_element_type3A_862 : vector<16xi32> to vector<1x16xi32>
      tpu.vector_store %arg10[%swap3A_864, %swap3A_865], %swap3A_868 {strides = array<i32>} : memref<8x128xi32, #tpu.memory_space<vmem>>, vector<1x16xi32>,
      %get3A_869 = arith.constant 4 : i32
      %get3A_870 = arith.index_cast %get3A_869 : i32 to index
      %get3A_871 = arith.constant 48 : index
      %get3A_872 = tpu.vector_load %arg9[%get3A_870, %get3A_871] {strides = array<i32>} : memref<8x128xf32, #tpu.memory_space<vmem>>, vector<1x16xf32>,
      %get3A_873 = vector.shape_cast %get3A_872 : vector<1x16xf32> to vector<16xf32>
      %convert_element_type3A_874 = arith.fptosi %get3A_873 : vector<16xf32> to vector<16xi32>
      %swap3A_875 = arith.constant 4 : i32
      %swap3A_876 = arith.index_cast %swap3A_875 : i32 to index
      %swap3A_877 = arith.constant 48 : index
      %swap3A_878 = tpu.vector_load %arg11[%swap3A_876, %swap3A_877] {strides = array<i32>} : memref<8x128xi32, #tpu.memory_space<vmem>>, vector<1x16xi32>,
      %swap3A_879 = vector.shape_cast %swap3A_878 : vector<1x16xi32> to vector<16xi32>
      %swap3A_880 = vector.shape_cast %convert_element_type3A_874 : vector<16xi32> to vector<1x16xi32>
      tpu.vector_store %arg11[%swap3A_876, %swap3A_877], %swap3A_880 {strides = array<i32>} : memref<8x128xi32, #tpu.memory_space<vmem>>, vector<1x16xi32>,
      %get3A_881 = arith.constant 4 : i32
      %get3A_882 = arith.index_cast %get3A_881 : i32 to index
      %get3A_883 = arith.constant 64 : index
      %get3A_884 = tpu.vector_load %arg8[%get3A_882, %get3A_883] {strides = array<i32>} : memref<8x128xf32, #tpu.memory_space<vmem>>, vector<1x16xf32>,
      %get3A_885 = vector.shape_cast %get3A_884 : vector<1x16xf32> to vector<16xf32>
      %convert_element_type3A_886 = arith.fptosi %get3A_885 : vector<16xf32> to vector<16xi32>
      %swap3A_887 = arith.constant 4 : i32
      %swap3A_888 = arith.index_cast %swap3A_887 : i32 to index
      %swap3A_889 = arith.constant 64 : index
      %swap3A_890 = tpu.vector_load %arg10[%swap3A_888, %swap3A_889] {strides = array<i32>} : memref<8x128xi32, #tpu.memory_space<vmem>>, vector<1x16xi32>,
      %swap3A_891 = vector.shape_cast %swap3A_890 : vector<1x16xi32> to vector<16xi32>
      %swap3A_892 = vector.shape_cast %convert_element_type3A_886 : vector<16xi32> to vector<1x16xi32>
      tpu.vector_store %arg10[%swap3A_888, %swap3A_889], %swap3A_892 {strides = array<i32>} : memref<8x128xi32, #tpu.memory_space<vmem>>, vector<1x16xi32>,
      %get3A_893 = arith.constant 4 : i32
      %get3A_894 = arith.index_cast %get3A_893 : i32 to index
      %get3A_895 = arith.constant 64 : index
      %get3A_896 = tpu.vector_load %arg9[%get3A_894, %get3A_895] {strides = array<i32>} : memref<8x128xf32, #tpu.memory_space<vmem>>, vector<1x16xf32>,
      %get3A_897 = vector.shape_cast %get3A_896 : vector<1x16xf32> to vector<16xf32>
      %convert_element_type3A_898 = arith.fptosi %get3A_897 : vector<16xf32> to vector<16xi32>
      %swap3A_899 = arith.constant 4 : i32
      %swap3A_900 = arith.index_cast %swap3A_899 : i32 to index
      %swap3A_901 = arith.constant 64 : index
      %swap3A_902 = tpu.vector_load %arg11[%swap3A_900, %swap3A_901] {strides = array<i32>} : memref<8x128xi32, #tpu.memory_space<vmem>>, vector<1x16xi32>,
      %swap3A_903 = vector.shape_cast %swap3A_902 : vector<1x16xi32> to vector<16xi32>
      %swap3A_904 = vector.shape_cast %convert_element_type3A_898 : vector<16xi32> to vector<1x16xi32>
      tpu.vector_store %arg11[%swap3A_900, %swap3A_901], %swap3A_904 {strides = array<i32>} : memref<8x128xi32, #tpu.memory_space<vmem>>, vector<1x16xi32>,
      %get3A_905 = arith.constant 4 : i32
      %get3A_906 = arith.index_cast %get3A_905 : i32 to index
      %get3A_907 = arith.constant 80 : index
      %get3A_908 = tpu.vector_load %arg8[%get3A_906, %get3A_907] {strides = array<i32>} : memref<8x128xf32, #tpu.memory_space<vmem>>, vector<1x16xf32>,
      %get3A_909 = vector.shape_cast %get3A_908 : vector<1x16xf32> to vector<16xf32>
      %convert_element_type3A_910 = arith.fptosi %get3A_909 : vector<16xf32> to vector<16xi32>
      %swap3A_911 = arith.constant 4 : i32
      %swap3A_912 = arith.index_cast %swap3A_911 : i32 to index
      %swap3A_913 = arith.constant 80 : index
      %swap3A_914 = tpu.vector_load %arg10[%swap3A_912, %swap3A_913] {strides = array<i32>} : memref<8x128xi32, #tpu.memory_space<vmem>>, vector<1x16xi32>,
      %swap3A_915 = vector.shape_cast %swap3A_914 : vector<1x16xi32> to vector<16xi32>
      %swap3A_916 = vector.shape_cast %convert_element_type3A_910 : vector<16xi32> to vector<1x16xi32>
      tpu.vector_store %arg10[%swap3A_912, %swap3A_913], %swap3A_916 {strides = array<i32>} : memref<8x128xi32, #tpu.memory_space<vmem>>, vector<1x16xi32>,
      %get3A_917 = arith.constant 4 : i32
      %get3A_918 = arith.index_cast %get3A_917 : i32 to index
      %get3A_919 = arith.constant 80 : index
      %get3A_920 = tpu.vector_load %arg9[%get3A_918, %get3A_919] {strides = array<i32>} : memref<8x128xf32, #tpu.memory_space<vmem>>, vector<1x16xf32>,
      %get3A_921 = vector.shape_cast %get3A_920 : vector<1x16xf32> to vector<16xf32>
      %convert_element_type3A_922 = arith.fptosi %get3A_921 : vector<16xf32> to vector<16xi32>
      %swap3A_923 = arith.constant 4 : i32
      %swap3A_924 = arith.index_cast %swap3A_923 : i32 to index
      %swap3A_925 = arith.constant 80 : index
      %swap3A_926 = tpu.vector_load %arg11[%swap3A_924, %swap3A_925] {strides = array<i32>} : memref<8x128xi32, #tpu.memory_space<vmem>>, vector<1x16xi32>,
      %swap3A_927 = vector.shape_cast %swap3A_926 : vector<1x16xi32> to vector<16xi32>
      %swap3A_928 = vector.shape_cast %convert_element_type3A_922 : vector<16xi32> to vector<1x16xi32>
      tpu.vector_store %arg11[%swap3A_924, %swap3A_925], %swap3A_928 {strides = array<i32>} : memref<8x128xi32, #tpu.memory_space<vmem>>, vector<1x16xi32>,
      %get3A_929 = arith.constant 4 : i32
      %get3A_930 = arith.index_cast %get3A_929 : i32 to index
      %get3A_931 = arith.constant 96 : index
      %get3A_932 = tpu.vector_load %arg8[%get3A_930, %get3A_931] {strides = array<i32>} : memref<8x128xf32, #tpu.memory_space<vmem>>, vector<1x16xf32>,
      %get3A_933 = vector.shape_cast %get3A_932 : vector<1x16xf32> to vector<16xf32>
      %convert_element_type3A_934 = arith.fptosi %get3A_933 : vector<16xf32> to vector<16xi32>
      %swap3A_935 = arith.constant 4 : i32
      %swap3A_936 = arith.index_cast %swap3A_935 : i32 to index
      %swap3A_937 = arith.constant 96 : index
      %swap3A_938 = tpu.vector_load %arg10[%swap3A_936, %swap3A_937] {strides = array<i32>} : memref<8x128xi32, #tpu.memory_space<vmem>>, vector<1x16xi32>,
      %swap3A_939 = vector.shape_cast %swap3A_938 : vector<1x16xi32> to vector<16xi32>
      %swap3A_940 = vector.shape_cast %convert_element_type3A_934 : vector<16xi32> to vector<1x16xi32>
      tpu.vector_store %arg10[%swap3A_936, %swap3A_937], %swap3A_940 {strides = array<i32>} : memref<8x128xi32, #tpu.memory_space<vmem>>, vector<1x16xi32>,
      %get3A_941 = arith.constant 4 : i32
      %get3A_942 = arith.index_cast %get3A_941 : i32 to index
      %get3A_943 = arith.constant 96 : index
      %get3A_944 = tpu.vector_load %arg9[%get3A_942, %get3A_943] {strides = array<i32>} : memref<8x128xf32, #tpu.memory_space<vmem>>, vector<1x16xf32>,
      %get3A_945 = vector.shape_cast %get3A_944 : vector<1x16xf32> to vector<16xf32>
      %convert_element_type3A_946 = arith.fptosi %get3A_945 : vector<16xf32> to vector<16xi32>
      %swap3A_947 = arith.constant 4 : i32
      %swap3A_948 = arith.index_cast %swap3A_947 : i32 to index
      %swap3A_949 = arith.constant 96 : index
      %swap3A_950 = tpu.vector_load %arg11[%swap3A_948, %swap3A_949] {strides = array<i32>} : memref<8x128xi32, #tpu.memory_space<vmem>>, vector<1x16xi32>,
      %swap3A_951 = vector.shape_cast %swap3A_950 : vector<1x16xi32> to vector<16xi32>
      %swap3A_952 = vector.shape_cast %convert_element_type3A_946 : vector<16xi32> to vector<1x16xi32>
      tpu.vector_store %arg11[%swap3A_948, %swap3A_949], %swap3A_952 {strides = array<i32>} : memref<8x128xi32, #tpu.memory_space<vmem>>, vector<1x16xi32>,
      %get3A_953 = arith.constant 4 : i32
      %get3A_954 = arith.index_cast %get3A_953 : i32 to index
      %get3A_955 = arith.constant 112 : index
      %get3A_956 = tpu.vector_load %arg8[%get3A_954, %get3A_955] {strides = array<i32>} : memref<8x128xf32, #tpu.memory_space<vmem>>, vector<1x16xf32>,
      %get3A_957 = vector.shape_cast %get3A_956 : vector<1x16xf32> to vector<16xf32>
      %convert_element_type3A_958 = arith.fptosi %get3A_957 : vector<16xf32> to vector<16xi32>
      %swap3A_959 = arith.constant 4 : i32
      %swap3A_960 = arith.index_cast %swap3A_959 : i32 to index
      %swap3A_961 = arith.constant 112 : index
      %swap3A_962 = tpu.vector_load %arg10[%swap3A_960, %swap3A_961] {strides = array<i32>} : memref<8x128xi32, #tpu.memory_space<vmem>>, vector<1x16xi32>,
      %swap3A_963 = vector.shape_cast %swap3A_962 : vector<1x16xi32> to vector<16xi32>
      %swap3A_964 = vector.shape_cast %convert_element_type3A_958 : vector<16xi32> to vector<1x16xi32>
      tpu.vector_store %arg10[%swap3A_960, %swap3A_961], %swap3A_964 {strides = array<i32>} : memref<8x128xi32, #tpu.memory_space<vmem>>, vector<1x16xi32>,
      %get3A_965 = arith.constant 4 : i32
      %get3A_966 = arith.index_cast %get3A_965 : i32 to index
      %get3A_967 = arith.constant 112 : index
      %get3A_968 = tpu.vector_load %arg9[%get3A_966, %get3A_967] {strides = array<i32>} : memref<8x128xf32, #tpu.memory_space<vmem>>, vector<1x16xf32>,
      %get3A_969 = vector.shape_cast %get3A_968 : vector<1x16xf32> to vector<16xf32>
      %convert_element_type3A_970 = arith.fptosi %get3A_969 : vector<16xf32> to vector<16xi32>
      %swap3A_971 = arith.constant 4 : i32
      %swap3A_972 = arith.index_cast %swap3A_971 : i32 to index
      %swap3A_973 = arith.constant 112 : index
      %swap3A_974 = tpu.vector_load %arg11[%swap3A_972, %swap3A_973] {strides = array<i32>} : memref<8x128xi32, #tpu.memory_space<vmem>>, vector<1x16xi32>,
      %swap3A_975 = vector.shape_cast %swap3A_974 : vector<1x16xi32> to vector<16xi32>
      %swap3A_976 = vector.shape_cast %convert_element_type3A_970 : vector<16xi32> to vector<1x16xi32>
      tpu.vector_store %arg11[%swap3A_972, %swap3A_973], %swap3A_976 {strides = array<i32>} : memref<8x128xi32, #tpu.memory_space<vmem>>, vector<1x16xi32>,
      %get3A_977 = arith.constant 5 : i32
      %get3A_978 = arith.index_cast %get3A_977 : i32 to index
      %get3A_979 = arith.constant 0 : index
      %get3A_980 = tpu.vector_load %arg8[%get3A_978, %get3A_979] {strides = array<i32>} : memref<8x128xf32, #tpu.memory_space<vmem>>, vector<1x16xf32>,
      %get3A_981 = vector.shape_cast %get3A_980 : vector<1x16xf32> to vector<16xf32>
      %convert_element_type3A_982 = arith.fptosi %get3A_981 : vector<16xf32> to vector<16xi32>
      %swap3A_983 = arith.constant 5 : i32
      %swap3A_984 = arith.index_cast %swap3A_983 : i32 to index
      %swap3A_985 = arith.constant 0 : index
      %swap3A_986 = tpu.vector_load %arg10[%swap3A_984, %swap3A_985] {strides = array<i32>} : memref<8x128xi32, #tpu.memory_space<vmem>>, vector<1x16xi32>,
      %swap3A_987 = vector.shape_cast %swap3A_986 : vector<1x16xi32> to vector<16xi32>
      %swap3A_988 = vector.shape_cast %convert_element_type3A_982 : vector<16xi32> to vector<1x16xi32>
      tpu.vector_store %arg10[%swap3A_984, %swap3A_985], %swap3A_988 {strides = array<i32>} : memref<8x128xi32, #tpu.memory_space<vmem>>, vector<1x16xi32>,
      %get3A_989 = arith.constant 5 : i32
      %get3A_990 = arith.index_cast %get3A_989 : i32 to index
      %get3A_991 = arith.constant 0 : index
      %get3A_992 = tpu.vector_load %arg9[%get3A_990, %get3A_991] {strides = array<i32>} : memref<8x128xf32, #tpu.memory_space<vmem>>, vector<1x16xf32>,
      %get3A_993 = vector.shape_cast %get3A_992 : vector<1x16xf32> to vector<16xf32>
      %convert_element_type3A_994 = arith.fptosi %get3A_993 : vector<16xf32> to vector<16xi32>
      %swap3A_995 = arith.constant 5 : i32
      %swap3A_996 = arith.index_cast %swap3A_995 : i32 to index
      %swap3A_997 = arith.constant 0 : index
      %swap3A_998 = tpu.vector_load %arg11[%swap3A_996, %swap3A_997] {strides = array<i32>} : memref<8x128xi32, #tpu.memory_space<vmem>>, vector<1x16xi32>,
      %swap3A_999 = vector.shape_cast %swap3A_998 : vector<1x16xi32> to vector<16xi32>
      %swap3A_1000 = vector.shape_cast %convert_element_type3A_994 : vector<16xi32> to vector<1x16xi32>
      tpu.vector_store %arg11[%swap3A_996, %swap3A_997], %swap3A_1000 {strides = array<i32>} : memref<8x128xi32, #tpu.memory_space<vmem>>, vector<1x16xi32>,
      %get3A_1001 = arith.constant 5 : i32
      %get3A_1002 = arith.index_cast %get3A_1001 : i32 to index
      %get3A_1003 = arith.constant 16 : index
      %get3A_1004 = tpu.vector_load %arg8[%get3A_1002, %get3A_1003] {strides = array<i32>} : memref<8x128xf32, #tpu.memory_space<vmem>>, vector<1x16xf32>,
      %get3A_1005 = vector.shape_cast %get3A_1004 : vector<1x16xf32> to vector<16xf32>
      %convert_element_type3A_1006 = arith.fptosi %get3A_1005 : vector<16xf32> to vector<16xi32>
      %swap3A_1007 = arith.constant 5 : i32
      %swap3A_1008 = arith.index_cast %swap3A_1007 : i32 to index
      %swap3A_1009 = arith.constant 16 : index
      %swap3A_1010 = tpu.vector_load %arg10[%swap3A_1008, %swap3A_1009] {strides = array<i32>} : memref<8x128xi32, #tpu.memory_space<vmem>>, vector<1x16xi32>,
      %swap3A_1011 = vector.shape_cast %swap3A_1010 : vector<1x16xi32> to vector<16xi32>
      %swap3A_1012 = vector.shape_cast %convert_element_type3A_1006 : vector<16xi32> to vector<1x16xi32>
      tpu.vector_store %arg10[%swap3A_1008, %swap3A_1009], %swap3A_1012 {strides = array<i32>} : memref<8x128xi32, #tpu.memory_space<vmem>>, vector<1x16xi32>,
      %get3A_1013 = arith.constant 5 : i32
      %get3A_1014 = arith.index_cast %get3A_1013 : i32 to index
      %get3A_1015 = arith.constant 16 : index
      %get3A_1016 = tpu.vector_load %arg9[%get3A_1014, %get3A_1015] {strides = array<i32>} : memref<8x128xf32, #tpu.memory_space<vmem>>, vector<1x16xf32>,
      %get3A_1017 = vector.shape_cast %get3A_1016 : vector<1x16xf32> to vector<16xf32>
      %convert_element_type3A_1018 = arith.fptosi %get3A_1017 : vector<16xf32> to vector<16xi32>
      %swap3A_1019 = arith.constant 5 : i32
      %swap3A_1020 = arith.index_cast %swap3A_1019 : i32 to index
      %swap3A_1021 = arith.constant 16 : index
      %swap3A_1022 = tpu.vector_load %arg11[%swap3A_1020, %swap3A_1021] {strides = array<i32>} : memref<8x128xi32, #tpu.memory_space<vmem>>, vector<1x16xi32>,
      %swap3A_1023 = vector.shape_cast %swap3A_1022 : vector<1x16xi32> to vector<16xi32>
      %swap3A_1024 = vector.shape_cast %convert_element_type3A_1018 : vector<16xi32> to vector<1x16xi32>
      tpu.vector_store %arg11[%swap3A_1020, %swap3A_1021], %swap3A_1024 {strides = array<i32>} : memref<8x128xi32, #tpu.memory_space<vmem>>, vector<1x16xi32>,
      %get3A_1025 = arith.constant 5 : i32
      %get3A_1026 = arith.index_cast %get3A_1025 : i32 to index
      %get3A_1027 = arith.constant 32 : index
      %get3A_1028 = tpu.vector_load %arg8[%get3A_1026, %get3A_1027] {strides = array<i32>} : memref<8x128xf32, #tpu.memory_space<vmem>>, vector<1x16xf32>,
      %get3A_1029 = vector.shape_cast %get3A_1028 : vector<1x16xf32> to vector<16xf32>
      %convert_element_type3A_1030 = arith.fptosi %get3A_1029 : vector<16xf32> to vector<16xi32>
      %swap3A_1031 = arith.constant 5 : i32
      %swap3A_1032 = arith.index_cast %swap3A_1031 : i32 to index
      %swap3A_1033 = arith.constant 32 : index
      %swap3A_1034 = tpu.vector_load %arg10[%swap3A_1032, %swap3A_1033] {strides = array<i32>} : memref<8x128xi32, #tpu.memory_space<vmem>>, vector<1x16xi32>,
      %swap3A_1035 = vector.shape_cast %swap3A_1034 : vector<1x16xi32> to vector<16xi32>
      %swap3A_1036 = vector.shape_cast %convert_element_type3A_1030 : vector<16xi32> to vector<1x16xi32>
      tpu.vector_store %arg10[%swap3A_1032, %swap3A_1033], %swap3A_1036 {strides = array<i32>} : memref<8x128xi32, #tpu.memory_space<vmem>>, vector<1x16xi32>,
      %get3A_1037 = arith.constant 5 : i32
      %get3A_1038 = arith.index_cast %get3A_1037 : i32 to index
      %get3A_1039 = arith.constant 32 : index
      %get3A_1040 = tpu.vector_load %arg9[%get3A_1038, %get3A_1039] {strides = array<i32>} : memref<8x128xf32, #tpu.memory_space<vmem>>, vector<1x16xf32>,
      %get3A_1041 = vector.shape_cast %get3A_1040 : vector<1x16xf32> to vector<16xf32>
      %convert_element_type3A_1042 = arith.fptosi %get3A_1041 : vector<16xf32> to vector<16xi32>
      %swap3A_1043 = arith.constant 5 : i32
      %swap3A_1044 = arith.index_cast %swap3A_1043 : i32 to index
      %swap3A_1045 = arith.constant 32 : index
      %swap3A_1046 = tpu.vector_load %arg11[%swap3A_1044, %swap3A_1045] {strides = array<i32>} : memref<8x128xi32, #tpu.memory_space<vmem>>, vector<1x16xi32>,
      %swap3A_1047 = vector.shape_cast %swap3A_1046 : vector<1x16xi32> to vector<16xi32>
      %swap3A_1048 = vector.shape_cast %convert_element_type3A_1042 : vector<16xi32> to vector<1x16xi32>
      tpu.vector_store %arg11[%swap3A_1044, %swap3A_1045], %swap3A_1048 {strides = array<i32>} : memref<8x128xi32, #tpu.memory_space<vmem>>, vector<1x16xi32>,
      %get3A_1049 = arith.constant 5 : i32
      %get3A_1050 = arith.index_cast %get3A_1049 : i32 to index
      %get3A_1051 = arith.constant 48 : index
      %get3A_1052 = tpu.vector_load %arg8[%get3A_1050, %get3A_1051] {strides = array<i32>} : memref<8x128xf32, #tpu.memory_space<vmem>>, vector<1x16xf32>,
      %get3A_1053 = vector.shape_cast %get3A_1052 : vector<1x16xf32> to vector<16xf32>
      %convert_element_type3A_1054 = arith.fptosi %get3A_1053 : vector<16xf32> to vector<16xi32>
      %swap3A_1055 = arith.constant 5 : i32
      %swap3A_1056 = arith.index_cast %swap3A_1055 : i32 to index
      %swap3A_1057 = arith.constant 48 : index
      %swap3A_1058 = tpu.vector_load %arg10[%swap3A_1056, %swap3A_1057] {strides = array<i32>} : memref<8x128xi32, #tpu.memory_space<vmem>>, vector<1x16xi32>,
      %swap3A_1059 = vector.shape_cast %swap3A_1058 : vector<1x16xi32> to vector<16xi32>
      %swap3A_1060 = vector.shape_cast %convert_element_type3A_1054 : vector<16xi32> to vector<1x16xi32>
      tpu.vector_store %arg10[%swap3A_1056, %swap3A_1057], %swap3A_1060 {strides = array<i32>} : memref<8x128xi32, #tpu.memory_space<vmem>>, vector<1x16xi32>,
      %get3A_1061 = arith.constant 5 : i32
      %get3A_1062 = arith.index_cast %get3A_1061 : i32 to index
      %get3A_1063 = arith.constant 48 : index
      %get3A_1064 = tpu.vector_load %arg9[%get3A_1062, %get3A_1063] {strides = array<i32>} : memref<8x128xf32, #tpu.memory_space<vmem>>, vector<1x16xf32>,
      %get3A_1065 = vector.shape_cast %get3A_1064 : vector<1x16xf32> to vector<16xf32>
      %convert_element_type3A_1066 = arith.fptosi %get3A_1065 : vector<16xf32> to vector<16xi32>
      %swap3A_1067 = arith.constant 5 : i32
      %swap3A_1068 = arith.index_cast %swap3A_1067 : i32 to index
      %swap3A_1069 = arith.constant 48 : index
      %swap3A_1070 = tpu.vector_load %arg11[%swap3A_1068, %swap3A_1069] {strides = array<i32>} : memref<8x128xi32, #tpu.memory_space<vmem>>, vector<1x16xi32>,
      %swap3A_1071 = vector.shape_cast %swap3A_1070 : vector<1x16xi32> to vector<16xi32>
      %swap3A_1072 = vector.shape_cast %convert_element_type3A_1066 : vector<16xi32> to vector<1x16xi32>
      tpu.vector_store %arg11[%swap3A_1068, %swap3A_1069], %swap3A_1072 {strides = array<i32>} : memref<8x128xi32, #tpu.memory_space<vmem>>, vector<1x16xi32>,
      %get3A_1073 = arith.constant 5 : i32
      %get3A_1074 = arith.index_cast %get3A_1073 : i32 to index
      %get3A_1075 = arith.constant 64 : index
      %get3A_1076 = tpu.vector_load %arg8[%get3A_1074, %get3A_1075] {strides = array<i32>} : memref<8x128xf32, #tpu.memory_space<vmem>>, vector<1x16xf32>,
      %get3A_1077 = vector.shape_cast %get3A_1076 : vector<1x16xf32> to vector<16xf32>
      %convert_element_type3A_1078 = arith.fptosi %get3A_1077 : vector<16xf32> to vector<16xi32>
      %swap3A_1079 = arith.constant 5 : i32
      %swap3A_1080 = arith.index_cast %swap3A_1079 : i32 to index
      %swap3A_1081 = arith.constant 64 : index
      %swap3A_1082 = tpu.vector_load %arg10[%swap3A_1080, %swap3A_1081] {strides = array<i32>} : memref<8x128xi32, #tpu.memory_space<vmem>>, vector<1x16xi32>,
      %swap3A_1083 = vector.shape_cast %swap3A_1082 : vector<1x16xi32> to vector<16xi32>
      %swap3A_1084 = vector.shape_cast %convert_element_type3A_1078 : vector<16xi32> to vector<1x16xi32>
      tpu.vector_store %arg10[%swap3A_1080, %swap3A_1081], %swap3A_1084 {strides = array<i32>} : memref<8x128xi32, #tpu.memory_space<vmem>>, vector<1x16xi32>,
      %get3A_1085 = arith.constant 5 : i32
      %get3A_1086 = arith.index_cast %get3A_1085 : i32 to index
      %get3A_1087 = arith.constant 64 : index
      %get3A_1088 = tpu.vector_load %arg9[%get3A_1086, %get3A_1087] {strides = array<i32>} : memref<8x128xf32, #tpu.memory_space<vmem>>, vector<1x16xf32>,
      %get3A_1089 = vector.shape_cast %get3A_1088 : vector<1x16xf32> to vector<16xf32>
      %convert_element_type3A_1090 = arith.fptosi %get3A_1089 : vector<16xf32> to vector<16xi32>
      %swap3A_1091 = arith.constant 5 : i32
      %swap3A_1092 = arith.index_cast %swap3A_1091 : i32 to index
      %swap3A_1093 = arith.constant 64 : index
      %swap3A_1094 = tpu.vector_load %arg11[%swap3A_1092, %swap3A_1093] {strides = array<i32>} : memref<8x128xi32, #tpu.memory_space<vmem>>, vector<1x16xi32>,
      %swap3A_1095 = vector.shape_cast %swap3A_1094 : vector<1x16xi32> to vector<16xi32>
      %swap3A_1096 = vector.shape_cast %convert_element_type3A_1090 : vector<16xi32> to vector<1x16xi32>
      tpu.vector_store %arg11[%swap3A_1092, %swap3A_1093], %swap3A_1096 {strides = array<i32>} : memref<8x128xi32, #tpu.memory_space<vmem>>, vector<1x16xi32>,
      %get3A_1097 = arith.constant 5 : i32
      %get3A_1098 = arith.index_cast %get3A_1097 : i32 to index
      %get3A_1099 = arith.constant 80 : index
      %get3A_1100 = tpu.vector_load %arg8[%get3A_1098, %get3A_1099] {strides = array<i32>} : memref<8x128xf32, #tpu.memory_space<vmem>>, vector<1x16xf32>,
      %get3A_1101 = vector.shape_cast %get3A_1100 : vector<1x16xf32> to vector<16xf32>
      %convert_element_type3A_1102 = arith.fptosi %get3A_1101 : vector<16xf32> to vector<16xi32>
      %swap3A_1103 = arith.constant 5 : i32
      %swap3A_1104 = arith.index_cast %swap3A_1103 : i32 to index
      %swap3A_1105 = arith.constant 80 : index
      %swap3A_1106 = tpu.vector_load %arg10[%swap3A_1104, %swap3A_1105] {strides = array<i32>} : memref<8x128xi32, #tpu.memory_space<vmem>>, vector<1x16xi32>,
      %swap3A_1107 = vector.shape_cast %swap3A_1106 : vector<1x16xi32> to vector<16xi32>
      %swap3A_1108 = vector.shape_cast %convert_element_type3A_1102 : vector<16xi32> to vector<1x16xi32>
      tpu.vector_store %arg10[%swap3A_1104, %swap3A_1105], %swap3A_1108 {strides = array<i32>} : memref<8x128xi32, #tpu.memory_space<vmem>>, vector<1x16xi32>,
      %get3A_1109 = arith.constant 5 : i32
      %get3A_1110 = arith.index_cast %get3A_1109 : i32 to index
      %get3A_1111 = arith.constant 80 : index
      %get3A_1112 = tpu.vector_load %arg9[%get3A_1110, %get3A_1111] {strides = array<i32>} : memref<8x128xf32, #tpu.memory_space<vmem>>, vector<1x16xf32>,
      %get3A_1113 = vector.shape_cast %get3A_1112 : vector<1x16xf32> to vector<16xf32>
      %convert_element_type3A_1114 = arith.fptosi %get3A_1113 : vector<16xf32> to vector<16xi32>
      %swap3A_1115 = arith.constant 5 : i32
      %swap3A_1116 = arith.index_cast %swap3A_1115 : i32 to index
      %swap3A_1117 = arith.constant 80 : index
      %swap3A_1118 = tpu.vector_load %arg11[%swap3A_1116, %swap3A_1117] {strides = array<i32>} : memref<8x128xi32, #tpu.memory_space<vmem>>, vector<1x16xi32>,
      %swap3A_1119 = vector.shape_cast %swap3A_1118 : vector<1x16xi32> to vector<16xi32>
      %swap3A_1120 = vector.shape_cast %convert_element_type3A_1114 : vector<16xi32> to vector<1x16xi32>
      tpu.vector_store %arg11[%swap3A_1116, %swap3A_1117], %swap3A_1120 {strides = array<i32>} : memref<8x128xi32, #tpu.memory_space<vmem>>, vector<1x16xi32>,
      %get3A_1121 = arith.constant 5 : i32
      %get3A_1122 = arith.index_cast %get3A_1121 : i32 to index
      %get3A_1123 = arith.constant 96 : index
      %get3A_1124 = tpu.vector_load %arg8[%get3A_1122, %get3A_1123] {strides = array<i32>} : memref<8x128xf32, #tpu.memory_space<vmem>>, vector<1x16xf32>,
      %get3A_1125 = vector.shape_cast %get3A_1124 : vector<1x16xf32> to vector<16xf32>
      %convert_element_type3A_1126 = arith.fptosi %get3A_1125 : vector<16xf32> to vector<16xi32>
      %swap3A_1127 = arith.constant 5 : i32
      %swap3A_1128 = arith.index_cast %swap3A_1127 : i32 to index
      %swap3A_1129 = arith.constant 96 : index
      %swap3A_1130 = tpu.vector_load %arg10[%swap3A_1128, %swap3A_1129] {strides = array<i32>} : memref<8x128xi32, #tpu.memory_space<vmem>>, vector<1x16xi32>,
      %swap3A_1131 = vector.shape_cast %swap3A_1130 : vector<1x16xi32> to vector<16xi32>
      %swap3A_1132 = vector.shape_cast %convert_element_type3A_1126 : vector<16xi32> to vector<1x16xi32>
      tpu.vector_store %arg10[%swap3A_1128, %swap3A_1129], %swap3A_1132 {strides = array<i32>} : memref<8x128xi32, #tpu.memory_space<vmem>>, vector<1x16xi32>,
      %get3A_1133 = arith.constant 5 : i32
      %get3A_1134 = arith.index_cast %get3A_1133 : i32 to index
      %get3A_1135 = arith.constant 96 : index
      %get3A_1136 = tpu.vector_load %arg9[%get3A_1134, %get3A_1135] {strides = array<i32>} : memref<8x128xf32, #tpu.memory_space<vmem>>, vector<1x16xf32>,
      %get3A_1137 = vector.shape_cast %get3A_1136 : vector<1x16xf32> to vector<16xf32>
      %convert_element_type3A_1138 = arith.fptosi %get3A_1137 : vector<16xf32> to vector<16xi32>
      %swap3A_1139 = arith.constant 5 : i32
      %swap3A_1140 = arith.index_cast %swap3A_1139 : i32 to index
      %swap3A_1141 = arith.constant 96 : index
      %swap3A_1142 = tpu.vector_load %arg11[%swap3A_1140, %swap3A_1141] {strides = array<i32>} : memref<8x128xi32, #tpu.memory_space<vmem>>, vector<1x16xi32>,
      %swap3A_1143 = vector.shape_cast %swap3A_1142 : vector<1x16xi32> to vector<16xi32>
      %swap3A_1144 = vector.shape_cast %convert_element_type3A_1138 : vector<16xi32> to vector<1x16xi32>
      tpu.vector_store %arg11[%swap3A_1140, %swap3A_1141], %swap3A_1144 {strides = array<i32>} : memref<8x128xi32, #tpu.memory_space<vmem>>, vector<1x16xi32>,
      %get3A_1145 = arith.constant 5 : i32
      %get3A_1146 = arith.index_cast %get3A_1145 : i32 to index
      %get3A_1147 = arith.constant 112 : index
      %get3A_1148 = tpu.vector_load %arg8[%get3A_1146, %get3A_1147] {strides = array<i32>} : memref<8x128xf32, #tpu.memory_space<vmem>>, vector<1x16xf32>,
      %get3A_1149 = vector.shape_cast %get3A_1148 : vector<1x16xf32> to vector<16xf32>
      %convert_element_type3A_1150 = arith.fptosi %get3A_1149 : vector<16xf32> to vector<16xi32>
      %swap3A_1151 = arith.constant 5 : i32
      %swap3A_1152 = arith.index_cast %swap3A_1151 : i32 to index
      %swap3A_1153 = arith.constant 112 : index
      %swap3A_1154 = tpu.vector_load %arg10[%swap3A_1152, %swap3A_1153] {strides = array<i32>} : memref<8x128xi32, #tpu.memory_space<vmem>>, vector<1x16xi32>,
      %swap3A_1155 = vector.shape_cast %swap3A_1154 : vector<1x16xi32> to vector<16xi32>
      %swap3A_1156 = vector.shape_cast %convert_element_type3A_1150 : vector<16xi32> to vector<1x16xi32>
      tpu.vector_store %arg10[%swap3A_1152, %swap3A_1153], %swap3A_1156 {strides = array<i32>} : memref<8x128xi32, #tpu.memory_space<vmem>>, vector<1x16xi32>,
      %get3A_1157 = arith.constant 5 : i32
      %get3A_1158 = arith.index_cast %get3A_1157 : i32 to index
      %get3A_1159 = arith.constant 112 : index
      %get3A_1160 = tpu.vector_load %arg9[%get3A_1158, %get3A_1159] {strides = array<i32>} : memref<8x128xf32, #tpu.memory_space<vmem>>, vector<1x16xf32>,
      %get3A_1161 = vector.shape_cast %get3A_1160 : vector<1x16xf32> to vector<16xf32>
      %convert_element_type3A_1162 = arith.fptosi %get3A_1161 : vector<16xf32> to vector<16xi32>
      %swap3A_1163 = arith.constant 5 : i32
      %swap3A_1164 = arith.index_cast %swap3A_1163 : i32 to index
      %swap3A_1165 = arith.constant 112 : index
      %swap3A_1166 = tpu.vector_load %arg11[%swap3A_1164, %swap3A_1165] {strides = array<i32>} : memref<8x128xi32, #tpu.memory_space<vmem>>, vector<1x16xi32>,
      %swap3A_1167 = vector.shape_cast %swap3A_1166 : vector<1x16xi32> to vector<16xi32>
      %swap3A_1168 = vector.shape_cast %convert_element_type3A_1162 : vector<16xi32> to vector<1x16xi32>
      tpu.vector_store %arg11[%swap3A_1164, %swap3A_1165], %swap3A_1168 {strides = array<i32>} : memref<8x128xi32, #tpu.memory_space<vmem>>, vector<1x16xi32>,
      %get3A_1169 = arith.constant 6 : i32
      %get3A_1170 = arith.index_cast %get3A_1169 : i32 to index
      %get3A_1171 = arith.constant 0 : index
      %get3A_1172 = tpu.vector_load %arg8[%get3A_1170, %get3A_1171] {strides = array<i32>} : memref<8x128xf32, #tpu.memory_space<vmem>>, vector<1x16xf32>,
      %get3A_1173 = vector.shape_cast %get3A_1172 : vector<1x16xf32> to vector<16xf32>
      %convert_element_type3A_1174 = arith.fptosi %get3A_1173 : vector<16xf32> to vector<16xi32>
      %swap3A_1175 = arith.constant 6 : i32
      %swap3A_1176 = arith.index_cast %swap3A_1175 : i32 to index
      %swap3A_1177 = arith.constant 0 : index
      %swap3A_1178 = tpu.vector_load %arg10[%swap3A_1176, %swap3A_1177] {strides = array<i32>} : memref<8x128xi32, #tpu.memory_space<vmem>>, vector<1x16xi32>,
      %swap3A_1179 = vector.shape_cast %swap3A_1178 : vector<1x16xi32> to vector<16xi32>
      %swap3A_1180 = vector.shape_cast %convert_element_type3A_1174 : vector<16xi32> to vector<1x16xi32>
      tpu.vector_store %arg10[%swap3A_1176, %swap3A_1177], %swap3A_1180 {strides = array<i32>} : memref<8x128xi32, #tpu.memory_space<vmem>>, vector<1x16xi32>,
      %get3A_1181 = arith.constant 6 : i32
      %get3A_1182 = arith.index_cast %get3A_1181 : i32 to index
      %get3A_1183 = arith.constant 0 : index
      %get3A_1184 = tpu.vector_load %arg9[%get3A_1182, %get3A_1183] {strides = array<i32>} : memref<8x128xf32, #tpu.memory_space<vmem>>, vector<1x16xf32>,
      %get3A_1185 = vector.shape_cast %get3A_1184 : vector<1x16xf32> to vector<16xf32>
      %convert_element_type3A_1186 = arith.fptosi %get3A_1185 : vector<16xf32> to vector<16xi32>
      %swap3A_1187 = arith.constant 6 : i32
      %swap3A_1188 = arith.index_cast %swap3A_1187 : i32 to index
      %swap3A_1189 = arith.constant 0 : index
      %swap3A_1190 = tpu.vector_load %arg11[%swap3A_1188, %swap3A_1189] {strides = array<i32>} : memref<8x128xi32, #tpu.memory_space<vmem>>, vector<1x16xi32>,
      %swap3A_1191 = vector.shape_cast %swap3A_1190 : vector<1x16xi32> to vector<16xi32>
      %swap3A_1192 = vector.shape_cast %convert_element_type3A_1186 : vector<16xi32> to vector<1x16xi32>
      tpu.vector_store %arg11[%swap3A_1188, %swap3A_1189], %swap3A_1192 {strides = array<i32>} : memref<8x128xi32, #tpu.memory_space<vmem>>, vector<1x16xi32>,
      %get3A_1193 = arith.constant 6 : i32
      %get3A_1194 = arith.index_cast %get3A_1193 : i32 to index
      %get3A_1195 = arith.constant 16 : index
      %get3A_1196 = tpu.vector_load %arg8[%get3A_1194, %get3A_1195] {strides = array<i32>} : memref<8x128xf32, #tpu.memory_space<vmem>>, vector<1x16xf32>,
      %get3A_1197 = vector.shape_cast %get3A_1196 : vector<1x16xf32> to vector<16xf32>
      %convert_element_type3A_1198 = arith.fptosi %get3A_1197 : vector<16xf32> to vector<16xi32>
      %swap3A_1199 = arith.constant 6 : i32
      %swap3A_1200 = arith.index_cast %swap3A_1199 : i32 to index
      %swap3A_1201 = arith.constant 16 : index
      %swap3A_1202 = tpu.vector_load %arg10[%swap3A_1200, %swap3A_1201] {strides = array<i32>} : memref<8x128xi32, #tpu.memory_space<vmem>>, vector<1x16xi32>,
      %swap3A_1203 = vector.shape_cast %swap3A_1202 : vector<1x16xi32> to vector<16xi32>
      %swap3A_1204 = vector.shape_cast %convert_element_type3A_1198 : vector<16xi32> to vector<1x16xi32>
      tpu.vector_store %arg10[%swap3A_1200, %swap3A_1201], %swap3A_1204 {strides = array<i32>} : memref<8x128xi32, #tpu.memory_space<vmem>>, vector<1x16xi32>,
      %get3A_1205 = arith.constant 6 : i32
      %get3A_1206 = arith.index_cast %get3A_1205 : i32 to index
      %get3A_1207 = arith.constant 16 : index
      %get3A_1208 = tpu.vector_load %arg9[%get3A_1206, %get3A_1207] {strides = array<i32>} : memref<8x128xf32, #tpu.memory_space<vmem>>, vector<1x16xf32>,
      %get3A_1209 = vector.shape_cast %get3A_1208 : vector<1x16xf32> to vector<16xf32>
      %convert_element_type3A_1210 = arith.fptosi %get3A_1209 : vector<16xf32> to vector<16xi32>
      %swap3A_1211 = arith.constant 6 : i32
      %swap3A_1212 = arith.index_cast %swap3A_1211 : i32 to index
      %swap3A_1213 = arith.constant 16 : index
      %swap3A_1214 = tpu.vector_load %arg11[%swap3A_1212, %swap3A_1213] {strides = array<i32>} : memref<8x128xi32, #tpu.memory_space<vmem>>, vector<1x16xi32>,
      %swap3A_1215 = vector.shape_cast %swap3A_1214 : vector<1x16xi32> to vector<16xi32>
      %swap3A_1216 = vector.shape_cast %convert_element_type3A_1210 : vector<16xi32> to vector<1x16xi32>
      tpu.vector_store %arg11[%swap3A_1212, %swap3A_1213], %swap3A_1216 {strides = array<i32>} : memref<8x128xi32, #tpu.memory_space<vmem>>, vector<1x16xi32>,
      %get3A_1217 = arith.constant 6 : i32
      %get3A_1218 = arith.index_cast %get3A_1217 : i32 to index
      %get3A_1219 = arith.constant 32 : index
      %get3A_1220 = tpu.vector_load %arg8[%get3A_1218, %get3A_1219] {strides = array<i32>} : memref<8x128xf32, #tpu.memory_space<vmem>>, vector<1x16xf32>,
      %get3A_1221 = vector.shape_cast %get3A_1220 : vector<1x16xf32> to vector<16xf32>
      %convert_element_type3A_1222 = arith.fptosi %get3A_1221 : vector<16xf32> to vector<16xi32>
      %swap3A_1223 = arith.constant 6 : i32
      %swap3A_1224 = arith.index_cast %swap3A_1223 : i32 to index
      %swap3A_1225 = arith.constant 32 : index
      %swap3A_1226 = tpu.vector_load %arg10[%swap3A_1224, %swap3A_1225] {strides = array<i32>} : memref<8x128xi32, #tpu.memory_space<vmem>>, vector<1x16xi32>,
      %swap3A_1227 = vector.shape_cast %swap3A_1226 : vector<1x16xi32> to vector<16xi32>
      %swap3A_1228 = vector.shape_cast %convert_element_type3A_1222 : vector<16xi32> to vector<1x16xi32>
      tpu.vector_store %arg10[%swap3A_1224, %swap3A_1225], %swap3A_1228 {strides = array<i32>} : memref<8x128xi32, #tpu.memory_space<vmem>>, vector<1x16xi32>,
      %get3A_1229 = arith.constant 6 : i32
      %get3A_1230 = arith.index_cast %get3A_1229 : i32 to index
      %get3A_1231 = arith.constant 32 : index
      %get3A_1232 = tpu.vector_load %arg9[%get3A_1230, %get3A_1231] {strides = array<i32>} : memref<8x128xf32, #tpu.memory_space<vmem>>, vector<1x16xf32>,
      %get3A_1233 = vector.shape_cast %get3A_1232 : vector<1x16xf32> to vector<16xf32>
      %convert_element_type3A_1234 = arith.fptosi %get3A_1233 : vector<16xf32> to vector<16xi32>
      %swap3A_1235 = arith.constant 6 : i32
      %swap3A_1236 = arith.index_cast %swap3A_1235 : i32 to index
      %swap3A_1237 = arith.constant 32 : index
      %swap3A_1238 = tpu.vector_load %arg11[%swap3A_1236, %swap3A_1237] {strides = array<i32>} : memref<8x128xi32, #tpu.memory_space<vmem>>, vector<1x16xi32>,
      %swap3A_1239 = vector.shape_cast %swap3A_1238 : vector<1x16xi32> to vector<16xi32>
      %swap3A_1240 = vector.shape_cast %convert_element_type3A_1234 : vector<16xi32> to vector<1x16xi32>
      tpu.vector_store %arg11[%swap3A_1236, %swap3A_1237], %swap3A_1240 {strides = array<i32>} : memref<8x128xi32, #tpu.memory_space<vmem>>, vector<1x16xi32>,
      %get3A_1241 = arith.constant 6 : i32
      %get3A_1242 = arith.index_cast %get3A_1241 : i32 to index
      %get3A_1243 = arith.constant 48 : index
      %get3A_1244 = tpu.vector_load %arg8[%get3A_1242, %get3A_1243] {strides = array<i32>} : memref<8x128xf32, #tpu.memory_space<vmem>>, vector<1x16xf32>,
      %get3A_1245 = vector.shape_cast %get3A_1244 : vector<1x16xf32> to vector<16xf32>
      %convert_element_type3A_1246 = arith.fptosi %get3A_1245 : vector<16xf32> to vector<16xi32>
      %swap3A_1247 = arith.constant 6 : i32
      %swap3A_1248 = arith.index_cast %swap3A_1247 : i32 to index
      %swap3A_1249 = arith.constant 48 : index
      %swap3A_1250 = tpu.vector_load %arg10[%swap3A_1248, %swap3A_1249] {strides = array<i32>} : memref<8x128xi32, #tpu.memory_space<vmem>>, vector<1x16xi32>,
      %swap3A_1251 = vector.shape_cast %swap3A_1250 : vector<1x16xi32> to vector<16xi32>
      %swap3A_1252 = vector.shape_cast %convert_element_type3A_1246 : vector<16xi32> to vector<1x16xi32>
      tpu.vector_store %arg10[%swap3A_1248, %swap3A_1249], %swap3A_1252 {strides = array<i32>} : memref<8x128xi32, #tpu.memory_space<vmem>>, vector<1x16xi32>,
      %get3A_1253 = arith.constant 6 : i32
      %get3A_1254 = arith.index_cast %get3A_1253 : i32 to index
      %get3A_1255 = arith.constant 48 : index
      %get3A_1256 = tpu.vector_load %arg9[%get3A_1254, %get3A_1255] {strides = array<i32>} : memref<8x128xf32, #tpu.memory_space<vmem>>, vector<1x16xf32>,
      %get3A_1257 = vector.shape_cast %get3A_1256 : vector<1x16xf32> to vector<16xf32>
      %convert_element_type3A_1258 = arith.fptosi %get3A_1257 : vector<16xf32> to vector<16xi32>
      %swap3A_1259 = arith.constant 6 : i32
      %swap3A_1260 = arith.index_cast %swap3A_1259 : i32 to index
      %swap3A_1261 = arith.constant 48 : index
      %swap3A_1262 = tpu.vector_load %arg11[%swap3A_1260, %swap3A_1261] {strides = array<i32>} : memref<8x128xi32, #tpu.memory_space<vmem>>, vector<1x16xi32>,
      %swap3A_1263 = vector.shape_cast %swap3A_1262 : vector<1x16xi32> to vector<16xi32>
      %swap3A_1264 = vector.shape_cast %convert_element_type3A_1258 : vector<16xi32> to vector<1x16xi32>
      tpu.vector_store %arg11[%swap3A_1260, %swap3A_1261], %swap3A_1264 {strides = array<i32>} : memref<8x128xi32, #tpu.memory_space<vmem>>, vector<1x16xi32>,
      %get3A_1265 = arith.constant 6 : i32
      %get3A_1266 = arith.index_cast %get3A_1265 : i32 to index
      %get3A_1267 = arith.constant 64 : index
      %get3A_1268 = tpu.vector_load %arg8[%get3A_1266, %get3A_1267] {strides = array<i32>} : memref<8x128xf32, #tpu.memory_space<vmem>>, vector<1x16xf32>,
      %get3A_1269 = vector.shape_cast %get3A_1268 : vector<1x16xf32> to vector<16xf32>
      %convert_element_type3A_1270 = arith.fptosi %get3A_1269 : vector<16xf32> to vector<16xi32>
      %swap3A_1271 = arith.constant 6 : i32
      %swap3A_1272 = arith.index_cast %swap3A_1271 : i32 to index
      %swap3A_1273 = arith.constant 64 : index
      %swap3A_1274 = tpu.vector_load %arg10[%swap3A_1272, %swap3A_1273] {strides = array<i32>} : memref<8x128xi32, #tpu.memory_space<vmem>>, vector<1x16xi32>,
      %swap3A_1275 = vector.shape_cast %swap3A_1274 : vector<1x16xi32> to vector<16xi32>
      %swap3A_1276 = vector.shape_cast %convert_element_type3A_1270 : vector<16xi32> to vector<1x16xi32>
      tpu.vector_store %arg10[%swap3A_1272, %swap3A_1273], %swap3A_1276 {strides = array<i32>} : memref<8x128xi32, #tpu.memory_space<vmem>>, vector<1x16xi32>,
      %get3A_1277 = arith.constant 6 : i32
      %get3A_1278 = arith.index_cast %get3A_1277 : i32 to index
      %get3A_1279 = arith.constant 64 : index
      %get3A_1280 = tpu.vector_load %arg9[%get3A_1278, %get3A_1279] {strides = array<i32>} : memref<8x128xf32, #tpu.memory_space<vmem>>, vector<1x16xf32>,
      %get3A_1281 = vector.shape_cast %get3A_1280 : vector<1x16xf32> to vector<16xf32>
      %convert_element_type3A_1282 = arith.fptosi %get3A_1281 : vector<16xf32> to vector<16xi32>
      %swap3A_1283 = arith.constant 6 : i32
      %swap3A_1284 = arith.index_cast %swap3A_1283 : i32 to index
      %swap3A_1285 = arith.constant 64 : index
      %swap3A_1286 = tpu.vector_load %arg11[%swap3A_1284, %swap3A_1285] {strides = array<i32>} : memref<8x128xi32, #tpu.memory_space<vmem>>, vector<1x16xi32>,
      %swap3A_1287 = vector.shape_cast %swap3A_1286 : vector<1x16xi32> to vector<16xi32>
      %swap3A_1288 = vector.shape_cast %convert_element_type3A_1282 : vector<16xi32> to vector<1x16xi32>
      tpu.vector_store %arg11[%swap3A_1284, %swap3A_1285], %swap3A_1288 {strides = array<i32>} : memref<8x128xi32, #tpu.memory_space<vmem>>, vector<1x16xi32>,
      %get3A_1289 = arith.constant 6 : i32
      %get3A_1290 = arith.index_cast %get3A_1289 : i32 to index
      %get3A_1291 = arith.constant 80 : index
      %get3A_1292 = tpu.vector_load %arg8[%get3A_1290, %get3A_1291] {strides = array<i32>} : memref<8x128xf32, #tpu.memory_space<vmem>>, vector<1x16xf32>,
      %get3A_1293 = vector.shape_cast %get3A_1292 : vector<1x16xf32> to vector<16xf32>
      %convert_element_type3A_1294 = arith.fptosi %get3A_1293 : vector<16xf32> to vector<16xi32>
      %swap3A_1295 = arith.constant 6 : i32
      %swap3A_1296 = arith.index_cast %swap3A_1295 : i32 to index
      %swap3A_1297 = arith.constant 80 : index
      %swap3A_1298 = tpu.vector_load %arg10[%swap3A_1296, %swap3A_1297] {strides = array<i32>} : memref<8x128xi32, #tpu.memory_space<vmem>>, vector<1x16xi32>,
      %swap3A_1299 = vector.shape_cast %swap3A_1298 : vector<1x16xi32> to vector<16xi32>
      %swap3A_1300 = vector.shape_cast %convert_element_type3A_1294 : vector<16xi32> to vector<1x16xi32>
      tpu.vector_store %arg10[%swap3A_1296, %swap3A_1297], %swap3A_1300 {strides = array<i32>} : memref<8x128xi32, #tpu.memory_space<vmem>>, vector<1x16xi32>,
      %get3A_1301 = arith.constant 6 : i32
      %get3A_1302 = arith.index_cast %get3A_1301 : i32 to index
      %get3A_1303 = arith.constant 80 : index
      %get3A_1304 = tpu.vector_load %arg9[%get3A_1302, %get3A_1303] {strides = array<i32>} : memref<8x128xf32, #tpu.memory_space<vmem>>, vector<1x16xf32>,
      %get3A_1305 = vector.shape_cast %get3A_1304 : vector<1x16xf32> to vector<16xf32>
      %convert_element_type3A_1306 = arith.fptosi %get3A_1305 : vector<16xf32> to vector<16xi32>
      %swap3A_1307 = arith.constant 6 : i32
      %swap3A_1308 = arith.index_cast %swap3A_1307 : i32 to index
      %swap3A_1309 = arith.constant 80 : index
      %swap3A_1310 = tpu.vector_load %arg11[%swap3A_1308, %swap3A_1309] {strides = array<i32>} : memref<8x128xi32, #tpu.memory_space<vmem>>, vector<1x16xi32>,
      %swap3A_1311 = vector.shape_cast %swap3A_1310 : vector<1x16xi32> to vector<16xi32>
      %swap3A_1312 = vector.shape_cast %convert_element_type3A_1306 : vector<16xi32> to vector<1x16xi32>
      tpu.vector_store %arg11[%swap3A_1308, %swap3A_1309], %swap3A_1312 {strides = array<i32>} : memref<8x128xi32, #tpu.memory_space<vmem>>, vector<1x16xi32>,
      %get3A_1313 = arith.constant 6 : i32
      %get3A_1314 = arith.index_cast %get3A_1313 : i32 to index
      %get3A_1315 = arith.constant 96 : index
      %get3A_1316 = tpu.vector_load %arg8[%get3A_1314, %get3A_1315] {strides = array<i32>} : memref<8x128xf32, #tpu.memory_space<vmem>>, vector<1x16xf32>,
      %get3A_1317 = vector.shape_cast %get3A_1316 : vector<1x16xf32> to vector<16xf32>
      %convert_element_type3A_1318 = arith.fptosi %get3A_1317 : vector<16xf32> to vector<16xi32>
      %swap3A_1319 = arith.constant 6 : i32
      %swap3A_1320 = arith.index_cast %swap3A_1319 : i32 to index
      %swap3A_1321 = arith.constant 96 : index
      %swap3A_1322 = tpu.vector_load %arg10[%swap3A_1320, %swap3A_1321] {strides = array<i32>} : memref<8x128xi32, #tpu.memory_space<vmem>>, vector<1x16xi32>,
      %swap3A_1323 = vector.shape_cast %swap3A_1322 : vector<1x16xi32> to vector<16xi32>
      %swap3A_1324 = vector.shape_cast %convert_element_type3A_1318 : vector<16xi32> to vector<1x16xi32>
      tpu.vector_store %arg10[%swap3A_1320, %swap3A_1321], %swap3A_1324 {strides = array<i32>} : memref<8x128xi32, #tpu.memory_space<vmem>>, vector<1x16xi32>,
      %get3A_1325 = arith.constant 6 : i32
      %get3A_1326 = arith.index_cast %get3A_1325 : i32 to index
      %get3A_1327 = arith.constant 96 : index
      %get3A_1328 = tpu.vector_load %arg9[%get3A_1326, %get3A_1327] {strides = array<i32>} : memref<8x128xf32, #tpu.memory_space<vmem>>, vector<1x16xf32>,
      %get3A_1329 = vector.shape_cast %get3A_1328 : vector<1x16xf32> to vector<16xf32>
      %convert_element_type3A_1330 = arith.fptosi %get3A_1329 : vector<16xf32> to vector<16xi32>
      %swap3A_1331 = arith.constant 6 : i32
      %swap3A_1332 = arith.index_cast %swap3A_1331 : i32 to index
      %swap3A_1333 = arith.constant 96 : index
      %swap3A_1334 = tpu.vector_load %arg11[%swap3A_1332, %swap3A_1333] {strides = array<i32>} : memref<8x128xi32, #tpu.memory_space<vmem>>, vector<1x16xi32>,
      %swap3A_1335 = vector.shape_cast %swap3A_1334 : vector<1x16xi32> to vector<16xi32>
      %swap3A_1336 = vector.shape_cast %convert_element_type3A_1330 : vector<16xi32> to vector<1x16xi32>
      tpu.vector_store %arg11[%swap3A_1332, %swap3A_1333], %swap3A_1336 {strides = array<i32>} : memref<8x128xi32, #tpu.memory_space<vmem>>, vector<1x16xi32>,
      %get3A_1337 = arith.constant 6 : i32
      %get3A_1338 = arith.index_cast %get3A_1337 : i32 to index
      %get3A_1339 = arith.constant 112 : index
      %get3A_1340 = tpu.vector_load %arg8[%get3A_1338, %get3A_1339] {strides = array<i32>} : memref<8x128xf32, #tpu.memory_space<vmem>>, vector<1x16xf32>,
      %get3A_1341 = vector.shape_cast %get3A_1340 : vector<1x16xf32> to vector<16xf32>
      %convert_element_type3A_1342 = arith.fptosi %get3A_1341 : vector<16xf32> to vector<16xi32>
      %swap3A_1343 = arith.constant 6 : i32
      %swap3A_1344 = arith.index_cast %swap3A_1343 : i32 to index
      %swap3A_1345 = arith.constant 112 : index
      %swap3A_1346 = tpu.vector_load %arg10[%swap3A_1344, %swap3A_1345] {strides = array<i32>} : memref<8x128xi32, #tpu.memory_space<vmem>>, vector<1x16xi32>,
      %swap3A_1347 = vector.shape_cast %swap3A_1346 : vector<1x16xi32> to vector<16xi32>
      %swap3A_1348 = vector.shape_cast %convert_element_type3A_1342 : vector<16xi32> to vector<1x16xi32>
      tpu.vector_store %arg10[%swap3A_1344, %swap3A_1345], %swap3A_1348 {strides = array<i32>} : memref<8x128xi32, #tpu.memory_space<vmem>>, vector<1x16xi32>,
      %get3A_1349 = arith.constant 6 : i32
      %get3A_1350 = arith.index_cast %get3A_1349 : i32 to index
      %get3A_1351 = arith.constant 112 : index
      %get3A_1352 = tpu.vector_load %arg9[%get3A_1350, %get3A_1351] {strides = array<i32>} : memref<8x128xf32, #tpu.memory_space<vmem>>, vector<1x16xf32>,
      %get3A_1353 = vector.shape_cast %get3A_1352 : vector<1x16xf32> to vector<16xf32>
      %convert_element_type3A_1354 = arith.fptosi %get3A_1353 : vector<16xf32> to vector<16xi32>
      %swap3A_1355 = arith.constant 6 : i32
      %swap3A_1356 = arith.index_cast %swap3A_1355 : i32 to index
      %swap3A_1357 = arith.constant 112 : index
      %swap3A_1358 = tpu.vector_load %arg11[%swap3A_1356, %swap3A_1357] {strides = array<i32>} : memref<8x128xi32, #tpu.memory_space<vmem>>, vector<1x16xi32>,
      %swap3A_1359 = vector.shape_cast %swap3A_1358 : vector<1x16xi32> to vector<16xi32>
      %swap3A_1360 = vector.shape_cast %convert_element_type3A_1354 : vector<16xi32> to vector<1x16xi32>
      tpu.vector_store %arg11[%swap3A_1356, %swap3A_1357], %swap3A_1360 {strides = array<i32>} : memref<8x128xi32, #tpu.memory_space<vmem>>, vector<1x16xi32>,
      %get3A_1361 = arith.constant 7 : i32
      %get3A_1362 = arith.index_cast %get3A_1361 : i32 to index
      %get3A_1363 = arith.constant 0 : index
      %get3A_1364 = tpu.vector_load %arg8[%get3A_1362, %get3A_1363] {strides = array<i32>} : memref<8x128xf32, #tpu.memory_space<vmem>>, vector<1x16xf32>,
      %get3A_1365 = vector.shape_cast %get3A_1364 : vector<1x16xf32> to vector<16xf32>
      %convert_element_type3A_1366 = arith.fptosi %get3A_1365 : vector<16xf32> to vector<16xi32>
      %swap3A_1367 = arith.constant 7 : i32
      %swap3A_1368 = arith.index_cast %swap3A_1367 : i32 to index
      %swap3A_1369 = arith.constant 0 : index
      %swap3A_1370 = tpu.vector_load %arg10[%swap3A_1368, %swap3A_1369] {strides = array<i32>} : memref<8x128xi32, #tpu.memory_space<vmem>>, vector<1x16xi32>,
      %swap3A_1371 = vector.shape_cast %swap3A_1370 : vector<1x16xi32> to vector<16xi32>
      %swap3A_1372 = vector.shape_cast %convert_element_type3A_1366 : vector<16xi32> to vector<1x16xi32>
      tpu.vector_store %arg10[%swap3A_1368, %swap3A_1369], %swap3A_1372 {strides = array<i32>} : memref<8x128xi32, #tpu.memory_space<vmem>>, vector<1x16xi32>,
      %get3A_1373 = arith.constant 7 : i32
      %get3A_1374 = arith.index_cast %get3A_1373 : i32 to index
      %get3A_1375 = arith.constant 0 : index
      %get3A_1376 = tpu.vector_load %arg9[%get3A_1374, %get3A_1375] {strides = array<i32>} : memref<8x128xf32, #tpu.memory_space<vmem>>, vector<1x16xf32>,
      %get3A_1377 = vector.shape_cast %get3A_1376 : vector<1x16xf32> to vector<16xf32>
      %convert_element_type3A_1378 = arith.fptosi %get3A_1377 : vector<16xf32> to vector<16xi32>
      %swap3A_1379 = arith.constant 7 : i32
      %swap3A_1380 = arith.index_cast %swap3A_1379 : i32 to index
      %swap3A_1381 = arith.constant 0 : index
      %swap3A_1382 = tpu.vector_load %arg11[%swap3A_1380, %swap3A_1381] {strides = array<i32>} : memref<8x128xi32, #tpu.memory_space<vmem>>, vector<1x16xi32>,
      %swap3A_1383 = vector.shape_cast %swap3A_1382 : vector<1x16xi32> to vector<16xi32>
      %swap3A_1384 = vector.shape_cast %convert_element_type3A_1378 : vector<16xi32> to vector<1x16xi32>
      tpu.vector_store %arg11[%swap3A_1380, %swap3A_1381], %swap3A_1384 {strides = array<i32>} : memref<8x128xi32, #tpu.memory_space<vmem>>, vector<1x16xi32>,
      %get3A_1385 = arith.constant 7 : i32
      %get3A_1386 = arith.index_cast %get3A_1385 : i32 to index
      %get3A_1387 = arith.constant 16 : index
      %get3A_1388 = tpu.vector_load %arg8[%get3A_1386, %get3A_1387] {strides = array<i32>} : memref<8x128xf32, #tpu.memory_space<vmem>>, vector<1x16xf32>,
      %get3A_1389 = vector.shape_cast %get3A_1388 : vector<1x16xf32> to vector<16xf32>
      %convert_element_type3A_1390 = arith.fptosi %get3A_1389 : vector<16xf32> to vector<16xi32>
      %swap3A_1391 = arith.constant 7 : i32
      %swap3A_1392 = arith.index_cast %swap3A_1391 : i32 to index
      %swap3A_1393 = arith.constant 16 : index
      %swap3A_1394 = tpu.vector_load %arg10[%swap3A_1392, %swap3A_1393] {strides = array<i32>} : memref<8x128xi32, #tpu.memory_space<vmem>>, vector<1x16xi32>,
      %swap3A_1395 = vector.shape_cast %swap3A_1394 : vector<1x16xi32> to vector<16xi32>
      %swap3A_1396 = vector.shape_cast %convert_element_type3A_1390 : vector<16xi32> to vector<1x16xi32>
      tpu.vector_store %arg10[%swap3A_1392, %swap3A_1393], %swap3A_1396 {strides = array<i32>} : memref<8x128xi32, #tpu.memory_space<vmem>>, vector<1x16xi32>,
      %get3A_1397 = arith.constant 7 : i32
      %get3A_1398 = arith.index_cast %get3A_1397 : i32 to index
      %get3A_1399 = arith.constant 16 : index
      %get3A_1400 = tpu.vector_load %arg9[%get3A_1398, %get3A_1399] {strides = array<i32>} : memref<8x128xf32, #tpu.memory_space<vmem>>, vector<1x16xf32>,
      %get3A_1401 = vector.shape_cast %get3A_1400 : vector<1x16xf32> to vector<16xf32>
      %convert_element_type3A_1402 = arith.fptosi %get3A_1401 : vector<16xf32> to vector<16xi32>
      %swap3A_1403 = arith.constant 7 : i32
      %swap3A_1404 = arith.index_cast %swap3A_1403 : i32 to index
      %swap3A_1405 = arith.constant 16 : index
      %swap3A_1406 = tpu.vector_load %arg11[%swap3A_1404, %swap3A_1405] {strides = array<i32>} : memref<8x128xi32, #tpu.memory_space<vmem>>, vector<1x16xi32>,
      %swap3A_1407 = vector.shape_cast %swap3A_1406 : vector<1x16xi32> to vector<16xi32>
      %swap3A_1408 = vector.shape_cast %convert_element_type3A_1402 : vector<16xi32> to vector<1x16xi32>
      tpu.vector_store %arg11[%swap3A_1404, %swap3A_1405], %swap3A_1408 {strides = array<i32>} : memref<8x128xi32, #tpu.memory_space<vmem>>, vector<1x16xi32>,
      %get3A_1409 = arith.constant 7 : i32
      %get3A_1410 = arith.index_cast %get3A_1409 : i32 to index
      %get3A_1411 = arith.constant 32 : index
      %get3A_1412 = tpu.vector_load %arg8[%get3A_1410, %get3A_1411] {strides = array<i32>} : memref<8x128xf32, #tpu.memory_space<vmem>>, vector<1x16xf32>,
      %get3A_1413 = vector.shape_cast %get3A_1412 : vector<1x16xf32> to vector<16xf32>
      %convert_element_type3A_1414 = arith.fptosi %get3A_1413 : vector<16xf32> to vector<16xi32>
      %swap3A_1415 = arith.constant 7 : i32
      %swap3A_1416 = arith.index_cast %swap3A_1415 : i32 to index
      %swap3A_1417 = arith.constant 32 : index
      %swap3A_1418 = tpu.vector_load %arg10[%swap3A_1416, %swap3A_1417] {strides = array<i32>} : memref<8x128xi32, #tpu.memory_space<vmem>>, vector<1x16xi32>,
      %swap3A_1419 = vector.shape_cast %swap3A_1418 : vector<1x16xi32> to vector<16xi32>
      %swap3A_1420 = vector.shape_cast %convert_element_type3A_1414 : vector<16xi32> to vector<1x16xi32>
      tpu.vector_store %arg10[%swap3A_1416, %swap3A_1417], %swap3A_1420 {strides = array<i32>} : memref<8x128xi32, #tpu.memory_space<vmem>>, vector<1x16xi32>,
      %get3A_1421 = arith.constant 7 : i32
      %get3A_1422 = arith.index_cast %get3A_1421 : i32 to index
      %get3A_1423 = arith.constant 32 : index
      %get3A_1424 = tpu.vector_load %arg9[%get3A_1422, %get3A_1423] {strides = array<i32>} : memref<8x128xf32, #tpu.memory_space<vmem>>, vector<1x16xf32>,
      %get3A_1425 = vector.shape_cast %get3A_1424 : vector<1x16xf32> to vector<16xf32>
      %convert_element_type3A_1426 = arith.fptosi %get3A_1425 : vector<16xf32> to vector<16xi32>
      %swap3A_1427 = arith.constant 7 : i32
      %swap3A_1428 = arith.index_cast %swap3A_1427 : i32 to index
      %swap3A_1429 = arith.constant 32 : index
      %swap3A_1430 = tpu.vector_load %arg11[%swap3A_1428, %swap3A_1429] {strides = array<i32>} : memref<8x128xi32, #tpu.memory_space<vmem>>, vector<1x16xi32>,
      %swap3A_1431 = vector.shape_cast %swap3A_1430 : vector<1x16xi32> to vector<16xi32>
      %swap3A_1432 = vector.shape_cast %convert_element_type3A_1426 : vector<16xi32> to vector<1x16xi32>
      tpu.vector_store %arg11[%swap3A_1428, %swap3A_1429], %swap3A_1432 {strides = array<i32>} : memref<8x128xi32, #tpu.memory_space<vmem>>, vector<1x16xi32>,
      %get3A_1433 = arith.constant 7 : i32
      %get3A_1434 = arith.index_cast %get3A_1433 : i32 to index
      %get3A_1435 = arith.constant 48 : index
      %get3A_1436 = tpu.vector_load %arg8[%get3A_1434, %get3A_1435] {strides = array<i32>} : memref<8x128xf32, #tpu.memory_space<vmem>>, vector<1x16xf32>,
      %get3A_1437 = vector.shape_cast %get3A_1436 : vector<1x16xf32> to vector<16xf32>
      %convert_element_type3A_1438 = arith.fptosi %get3A_1437 : vector<16xf32> to vector<16xi32>
      %swap3A_1439 = arith.constant 7 : i32
      %swap3A_1440 = arith.index_cast %swap3A_1439 : i32 to index
      %swap3A_1441 = arith.constant 48 : index
      %swap3A_1442 = tpu.vector_load %arg10[%swap3A_1440, %swap3A_1441] {strides = array<i32>} : memref<8x128xi32, #tpu.memory_space<vmem>>, vector<1x16xi32>,
      %swap3A_1443 = vector.shape_cast %swap3A_1442 : vector<1x16xi32> to vector<16xi32>
      %swap3A_1444 = vector.shape_cast %convert_element_type3A_1438 : vector<16xi32> to vector<1x16xi32>
      tpu.vector_store %arg10[%swap3A_1440, %swap3A_1441], %swap3A_1444 {strides = array<i32>} : memref<8x128xi32, #tpu.memory_space<vmem>>, vector<1x16xi32>,
      %get3A_1445 = arith.constant 7 : i32
      %get3A_1446 = arith.index_cast %get3A_1445 : i32 to index
      %get3A_1447 = arith.constant 48 : index
      %get3A_1448 = tpu.vector_load %arg9[%get3A_1446, %get3A_1447] {strides = array<i32>} : memref<8x128xf32, #tpu.memory_space<vmem>>, vector<1x16xf32>,
      %get3A_1449 = vector.shape_cast %get3A_1448 : vector<1x16xf32> to vector<16xf32>
      %convert_element_type3A_1450 = arith.fptosi %get3A_1449 : vector<16xf32> to vector<16xi32>
      %swap3A_1451 = arith.constant 7 : i32
      %swap3A_1452 = arith.index_cast %swap3A_1451 : i32 to index
      %swap3A_1453 = arith.constant 48 : index
      %swap3A_1454 = tpu.vector_load %arg11[%swap3A_1452, %swap3A_1453] {strides = array<i32>} : memref<8x128xi32, #tpu.memory_space<vmem>>, vector<1x16xi32>,
      %swap3A_1455 = vector.shape_cast %swap3A_1454 : vector<1x16xi32> to vector<16xi32>
      %swap3A_1456 = vector.shape_cast %convert_element_type3A_1450 : vector<16xi32> to vector<1x16xi32>
      tpu.vector_store %arg11[%swap3A_1452, %swap3A_1453], %swap3A_1456 {strides = array<i32>} : memref<8x128xi32, #tpu.memory_space<vmem>>, vector<1x16xi32>,
      %get3A_1457 = arith.constant 7 : i32
      %get3A_1458 = arith.index_cast %get3A_1457 : i32 to index
      %get3A_1459 = arith.constant 64 : index
      %get3A_1460 = tpu.vector_load %arg8[%get3A_1458, %get3A_1459] {strides = array<i32>} : memref<8x128xf32, #tpu.memory_space<vmem>>, vector<1x16xf32>,
      %get3A_1461 = vector.shape_cast %get3A_1460 : vector<1x16xf32> to vector<16xf32>
      %convert_element_type3A_1462 = arith.fptosi %get3A_1461 : vector<16xf32> to vector<16xi32>
      %swap3A_1463 = arith.constant 7 : i32
      %swap3A_1464 = arith.index_cast %swap3A_1463 : i32 to index
      %swap3A_1465 = arith.constant 64 : index
      %swap3A_1466 = tpu.vector_load %arg10[%swap3A_1464, %swap3A_1465] {strides = array<i32>} : memref<8x128xi32, #tpu.memory_space<vmem>>, vector<1x16xi32>,
      %swap3A_1467 = vector.shape_cast %swap3A_1466 : vector<1x16xi32> to vector<16xi32>
      %swap3A_1468 = vector.shape_cast %convert_element_type3A_1462 : vector<16xi32> to vector<1x16xi32>
      tpu.vector_store %arg10[%swap3A_1464, %swap3A_1465], %swap3A_1468 {strides = array<i32>} : memref<8x128xi32, #tpu.memory_space<vmem>>, vector<1x16xi32>,
      %get3A_1469 = arith.constant 7 : i32
      %get3A_1470 = arith.index_cast %get3A_1469 : i32 to index
      %get3A_1471 = arith.constant 64 : index
      %get3A_1472 = tpu.vector_load %arg9[%get3A_1470, %get3A_1471] {strides = array<i32>} : memref<8x128xf32, #tpu.memory_space<vmem>>, vector<1x16xf32>,
      %get3A_1473 = vector.shape_cast %get3A_1472 : vector<1x16xf32> to vector<16xf32>
      %convert_element_type3A_1474 = arith.fptosi %get3A_1473 : vector<16xf32> to vector<16xi32>
      %swap3A_1475 = arith.constant 7 : i32
      %swap3A_1476 = arith.index_cast %swap3A_1475 : i32 to index
      %swap3A_1477 = arith.constant 64 : index
      %swap3A_1478 = tpu.vector_load %arg11[%swap3A_1476, %swap3A_1477] {strides = array<i32>} : memref<8x128xi32, #tpu.memory_space<vmem>>, vector<1x16xi32>,
      %swap3A_1479 = vector.shape_cast %swap3A_1478 : vector<1x16xi32> to vector<16xi32>
      %swap3A_1480 = vector.shape_cast %convert_element_type3A_1474 : vector<16xi32> to vector<1x16xi32>
      tpu.vector_store %arg11[%swap3A_1476, %swap3A_1477], %swap3A_1480 {strides = array<i32>} : memref<8x128xi32, #tpu.memory_space<vmem>>, vector<1x16xi32>,
      %get3A_1481 = arith.constant 7 : i32
      %get3A_1482 = arith.index_cast %get3A_1481 : i32 to index
      %get3A_1483 = arith.constant 80 : index
      %get3A_1484 = tpu.vector_load %arg8[%get3A_1482, %get3A_1483] {strides = array<i32>} : memref<8x128xf32, #tpu.memory_space<vmem>>, vector<1x16xf32>,
      %get3A_1485 = vector.shape_cast %get3A_1484 : vector<1x16xf32> to vector<16xf32>
      %convert_element_type3A_1486 = arith.fptosi %get3A_1485 : vector<16xf32> to vector<16xi32>
      %swap3A_1487 = arith.constant 7 : i32
      %swap3A_1488 = arith.index_cast %swap3A_1487 : i32 to index
      %swap3A_1489 = arith.constant 80 : index
      %swap3A_1490 = tpu.vector_load %arg10[%swap3A_1488, %swap3A_1489] {strides = array<i32>} : memref<8x128xi32, #tpu.memory_space<vmem>>, vector<1x16xi32>,
      %swap3A_1491 = vector.shape_cast %swap3A_1490 : vector<1x16xi32> to vector<16xi32>
      %swap3A_1492 = vector.shape_cast %convert_element_type3A_1486 : vector<16xi32> to vector<1x16xi32>
      tpu.vector_store %arg10[%swap3A_1488, %swap3A_1489], %swap3A_1492 {strides = array<i32>} : memref<8x128xi32, #tpu.memory_space<vmem>>, vector<1x16xi32>,
      %get3A_1493 = arith.constant 7 : i32
      %get3A_1494 = arith.index_cast %get3A_1493 : i32 to index
      %get3A_1495 = arith.constant 80 : index
      %get3A_1496 = tpu.vector_load %arg9[%get3A_1494, %get3A_1495] {strides = array<i32>} : memref<8x128xf32, #tpu.memory_space<vmem>>, vector<1x16xf32>,
      %get3A_1497 = vector.shape_cast %get3A_1496 : vector<1x16xf32> to vector<16xf32>
      %convert_element_type3A_1498 = arith.fptosi %get3A_1497 : vector<16xf32> to vector<16xi32>
      %swap3A_1499 = arith.constant 7 : i32
      %swap3A_1500 = arith.index_cast %swap3A_1499 : i32 to index
      %swap3A_1501 = arith.constant 80 : index
      %swap3A_1502 = tpu.vector_load %arg11[%swap3A_1500, %swap3A_1501] {strides = array<i32>} : memref<8x128xi32, #tpu.memory_space<vmem>>, vector<1x16xi32>,
      %swap3A_1503 = vector.shape_cast %swap3A_1502 : vector<1x16xi32> to vector<16xi32>
      %swap3A_1504 = vector.shape_cast %convert_element_type3A_1498 : vector<16xi32> to vector<1x16xi32>
      tpu.vector_store %arg11[%swap3A_1500, %swap3A_1501], %swap3A_1504 {strides = array<i32>} : memref<8x128xi32, #tpu.memory_space<vmem>>, vector<1x16xi32>,
      %get3A_1505 = arith.constant 7 : i32
      %get3A_1506 = arith.index_cast %get3A_1505 : i32 to index
      %get3A_1507 = arith.constant 96 : index
      %get3A_1508 = tpu.vector_load %arg8[%get3A_1506, %get3A_1507] {strides = array<i32>} : memref<8x128xf32, #tpu.memory_space<vmem>>, vector<1x16xf32>,
      %get3A_1509 = vector.shape_cast %get3A_1508 : vector<1x16xf32> to vector<16xf32>
      %convert_element_type3A_1510 = arith.fptosi %get3A_1509 : vector<16xf32> to vector<16xi32>
      %swap3A_1511 = arith.constant 7 : i32
      %swap3A_1512 = arith.index_cast %swap3A_1511 : i32 to index
      %swap3A_1513 = arith.constant 96 : index
      %swap3A_1514 = tpu.vector_load %arg10[%swap3A_1512, %swap3A_1513] {strides = array<i32>} : memref<8x128xi32, #tpu.memory_space<vmem>>, vector<1x16xi32>,
      %swap3A_1515 = vector.shape_cast %swap3A_1514 : vector<1x16xi32> to vector<16xi32>
      %swap3A_1516 = vector.shape_cast %convert_element_type3A_1510 : vector<16xi32> to vector<1x16xi32>
      tpu.vector_store %arg10[%swap3A_1512, %swap3A_1513], %swap3A_1516 {strides = array<i32>} : memref<8x128xi32, #tpu.memory_space<vmem>>, vector<1x16xi32>,
      %get3A_1517 = arith.constant 7 : i32
      %get3A_1518 = arith.index_cast %get3A_1517 : i32 to index
      %get3A_1519 = arith.constant 96 : index
      %get3A_1520 = tpu.vector_load %arg9[%get3A_1518, %get3A_1519] {strides = array<i32>} : memref<8x128xf32, #tpu.memory_space<vmem>>, vector<1x16xf32>,
      %get3A_1521 = vector.shape_cast %get3A_1520 : vector<1x16xf32> to vector<16xf32>
      %convert_element_type3A_1522 = arith.fptosi %get3A_1521 : vector<16xf32> to vector<16xi32>
      %swap3A_1523 = arith.constant 7 : i32
      %swap3A_1524 = arith.index_cast %swap3A_1523 : i32 to index
      %swap3A_1525 = arith.constant 96 : index
      %swap3A_1526 = tpu.vector_load %arg11[%swap3A_1524, %swap3A_1525] {strides = array<i32>} : memref<8x128xi32, #tpu.memory_space<vmem>>, vector<1x16xi32>,
      %swap3A_1527 = vector.shape_cast %swap3A_1526 : vector<1x16xi32> to vector<16xi32>
      %swap3A_1528 = vector.shape_cast %convert_element_type3A_1522 : vector<16xi32> to vector<1x16xi32>
      tpu.vector_store %arg11[%swap3A_1524, %swap3A_1525], %swap3A_1528 {strides = array<i32>} : memref<8x128xi32, #tpu.memory_space<vmem>>, vector<1x16xi32>,
      %get3A_1529 = arith.constant 7 : i32
      %get3A_1530 = arith.index_cast %get3A_1529 : i32 to index
      %get3A_1531 = arith.constant 112 : index
      %get3A_1532 = tpu.vector_load %arg8[%get3A_1530, %get3A_1531] {strides = array<i32>} : memref<8x128xf32, #tpu.memory_space<vmem>>, vector<1x16xf32>,
      %get3A_1533 = vector.shape_cast %get3A_1532 : vector<1x16xf32> to vector<16xf32>
      %convert_element_type3A_1534 = arith.fptosi %get3A_1533 : vector<16xf32> to vector<16xi32>
      %swap3A_1535 = arith.constant 7 : i32
      %swap3A_1536 = arith.index_cast %swap3A_1535 : i32 to index
      %swap3A_1537 = arith.constant 112 : index
      %swap3A_1538 = tpu.vector_load %arg10[%swap3A_1536, %swap3A_1537] {strides = array<i32>} : memref<8x128xi32, #tpu.memory_space<vmem>>, vector<1x16xi32>,
      %swap3A_1539 = vector.shape_cast %swap3A_1538 : vector<1x16xi32> to vector<16xi32>
      %swap3A_1540 = vector.shape_cast %convert_element_type3A_1534 : vector<16xi32> to vector<1x16xi32>
      tpu.vector_store %arg10[%swap3A_1536, %swap3A_1537], %swap3A_1540 {strides = array<i32>} : memref<8x128xi32, #tpu.memory_space<vmem>>, vector<1x16xi32>,
      %get3A_1541 = arith.constant 7 : i32
      %get3A_1542 = arith.index_cast %get3A_1541 : i32 to index
      %get3A_1543 = arith.constant 112 : index
      %get3A_1544 = tpu.vector_load %arg9[%get3A_1542, %get3A_1543] {strides = array<i32>} : memref<8x128xf32, #tpu.memory_space<vmem>>, vector<1x16xf32>,
      %get3A_1545 = vector.shape_cast %get3A_1544 : vector<1x16xf32> to vector<16xf32>
      %convert_element_type3A_1546 = arith.fptosi %get3A_1545 : vector<16xf32> to vector<16xi32>
      %swap3A_1547 = arith.constant 7 : i32
      %swap3A_1548 = arith.index_cast %swap3A_1547 : i32 to index
      %swap3A_1549 = arith.constant 112 : index
      %swap3A_1550 = tpu.vector_load %arg11[%swap3A_1548, %swap3A_1549] {strides = array<i32>} : memref<8x128xi32, #tpu.memory_space<vmem>>, vector<1x16xi32>,
      %swap3A_1551 = vector.shape_cast %swap3A_1550 : vector<1x16xi32> to vector<16xi32>
      %swap3A_1552 = vector.shape_cast %convert_element_type3A_1546 : vector<16xi32> to vector<1x16xi32>
      tpu.vector_store %arg11[%swap3A_1548, %swap3A_1549], %swap3A_1552 {strides = array<i32>} : memref<8x128xi32, #tpu.memory_space<vmem>>, vector<1x16xi32>,
      %dma_start3A = arith.constant 0 : i32
      %dma_start3A_1553 = arith.constant 0 : i32
      %dma_start3A_1554 = arith.constant 0 : i32
      %dma_start3A_1555 = arith.constant 0 : i32
      %dma_start3A_1556 = tpu.memref_slice %arg12[%dma_start3A_1553, %dma_start3A_1554, %dma_start3A_1555] : memref<2x128x128xf32, #tpu.memory_space<vmem>> -> memref<1x128x128xf32, #tpu.memory_space<vmem>>
      %dma_start3A_1557 = tpu.memref_squeeze %dma_start3A_1556 : memref<1x128x128xf32, #tpu.memory_space<vmem>> -> memref<128x128xf32, #tpu.memory_space<vmem>>
      %dma_start3A_1558 = arith.constant 0 : i32
      %dma_start3A_1559 = tpu.memref_slice %arg10[%dma_start3A, %dma_start3A_1558] : memref<8x128xi32, #tpu.memory_space<vmem>> -> memref<1x128xi32, #tpu.memory_space<vmem>>
      %dma_start3A_1560 = tpu.memref_squeeze %dma_start3A_1559 : memref<1x128xi32, #tpu.memory_space<vmem>> -> memref<128xi32, #tpu.memory_space<vmem>>
      %dma_start3A_1561 = arith.constant 0 : i32
      %dma_start3A_1562 = arith.constant 0 : i32
      %dma_start3A_1563 = tpu.memref_slice %arg2[%dma_start3A_1561, %dma_start3A_1562] : memref<20480x128xf32, #tpu.memory_space<hbm>> -> memref<20480x128xf32, #tpu.memory_space<hbm>>
      tpu.enqueue_indirect_dma source(%dma_start3A_1563 : memref<20480x128xf32, #tpu.memory_space<hbm>>) target(%dma_start3A_1557 : memref<128x128xf32, #tpu.memory_space<vmem>>) offsets(%dma_start3A_1560 : memref<128xi32, #tpu.memory_space<vmem>>) semaphore(%arg13 : memref<!tpu.dma_semaphore, #tpu.memory_space<semaphore_mem>>)
      %dma_start3A_1564 = arith.constant 1 : i32
      %dma_start3A_1565 = arith.constant 1 : i32
      %dma_start3A_1566 = arith.constant 0 : i32
      %dma_start3A_1567 = arith.constant 0 : i32
      %dma_start3A_1568 = tpu.memref_slice %arg12[%dma_start3A_1565, %dma_start3A_1566, %dma_start3A_1567] : memref<2x128x128xf32, #tpu.memory_space<vmem>> -> memref<1x128x128xf32, #tpu.memory_space<vmem>>
      %dma_start3A_1569 = tpu.memref_squeeze %dma_start3A_1568 : memref<1x128x128xf32, #tpu.memory_space<vmem>> -> memref<128x128xf32, #tpu.memory_space<vmem>>
      %dma_start3A_1570 = arith.constant 0 : i32
      %dma_start3A_1571 = tpu.memref_slice %arg10[%dma_start3A_1564, %dma_start3A_1570] : memref<8x128xi32, #tpu.memory_space<vmem>> -> memref<1x128xi32, #tpu.memory_space<vmem>>
      %dma_start3A_1572 = tpu.memref_squeeze %dma_start3A_1571 : memref<1x128xi32, #tpu.memory_space<vmem>> -> memref<128xi32, #tpu.memory_space<vmem>>
      %dma_start3A_1573 = arith.constant 0 : i32
      %dma_start3A_1574 = arith.constant 0 : i32
      %dma_start3A_1575 = tpu.memref_slice %arg2[%dma_start3A_1573, %dma_start3A_1574] : memref<20480x128xf32, #tpu.memory_space<hbm>> -> memref<20480x128xf32, #tpu.memory_space<hbm>>
      tpu.enqueue_indirect_dma source(%dma_start3A_1575 : memref<20480x128xf32, #tpu.memory_space<hbm>>) target(%dma_start3A_1569 : memref<128x128xf32, #tpu.memory_space<vmem>>) offsets(%dma_start3A_1572 : memref<128xi32, #tpu.memory_space<vmem>>) semaphore(%arg14 : memref<!tpu.dma_semaphore, #tpu.memory_space<semaphore_mem>>)
      %dma_wait3A = arith.constant 0 : i32
      %dma_wait3A_1576 = arith.constant 0 : i32
      %dma_wait3A_1577 = arith.constant 0 : i32
      %dma_wait3A_1578 = arith.constant 0 : i32
      %dma_wait3A_1579 = tpu.memref_slice %arg12[%dma_wait3A_1576, %dma_wait3A_1577, %dma_wait3A_1578] : memref<2x128x128xf32, #tpu.memory_space<vmem>> -> memref<1x128x128xf32, #tpu.memory_space<vmem>>
      %dma_wait3A_1580 = tpu.memref_squeeze %dma_wait3A_1579 : memref<1x128x128xf32, #tpu.memory_space<vmem>> -> memref<128x128xf32, #tpu.memory_space<vmem>>
      %dma_wait3A_1581 = arith.constant 0 : i32
      %dma_wait3A_1582 = tpu.memref_slice %arg10[%dma_wait3A, %dma_wait3A_1581] : memref<8x128xi32, #tpu.memory_space<vmem>> -> memref<1x128xi32, #tpu.memory_space<vmem>>
      %dma_wait3A_1583 = tpu.memref_squeeze %dma_wait3A_1582 : memref<1x128xi32, #tpu.memory_space<vmem>> -> memref<128xi32, #tpu.memory_space<vmem>>
      %dma_wait3A_1584 = arith.constant 0 : i32
      %dma_wait3A_1585 = arith.constant 0 : i32
      %dma_wait3A_1586 = tpu.memref_slice %arg2[%dma_wait3A_1584, %dma_wait3A_1585] : memref<20480x128xf32, #tpu.memory_space<hbm>> -> memref<20480x128xf32, #tpu.memory_space<hbm>>
      tpu.wait_indirect_dma semaphore(%arg13 : memref<!tpu.dma_semaphore, #tpu.memory_space<semaphore_mem>>) src(%dma_wait3A_1586 : memref<20480x128xf32, #tpu.memory_space<hbm>>) dst(%dma_wait3A_1580 : memref<128x128xf32, #tpu.memory_space<vmem>>)
      %run_scoped3A = arith.constant 0 : i32
      %run_scoped3A_1587 = arith.constant 0 : i32
      "tpu.region"() ({
        %run_scoped3A_1758 = tpu.sem_alloc : memref<!tpu.dma_semaphore, #tpu.memory_space<semaphore_mem>>
        %dma_start3A_1759 = arith.constant 0 : i32
        %dma_start3A_1760 = arith.constant 0 : i32
        %dma_start3A_1761 = tpu.memref_slice %arg12[%run_scoped3A, %dma_start3A_1759, %dma_start3A_1760] : memref<2x128x128xf32, #tpu.memory_space<vmem>> -> memref<1x128x128xf32, #tpu.memory_space<vmem>>
        %dma_start3A_1762 = tpu.memref_squeeze %dma_start3A_1761 : memref<1x128x128xf32, #tpu.memory_space<vmem>> -> memref<128x128xf32, #tpu.memory_space<vmem>>
        %dma_start3A_1763 = arith.constant 0 : i32
        %dma_start3A_1764 = tpu.memref_slice %arg11[%run_scoped3A_1587, %dma_start3A_1763] : memref<8x128xi32, #tpu.memory_space<vmem>> -> memref<1x128xi32, #tpu.memory_space<vmem>>
        %dma_start3A_1765 = tpu.memref_squeeze %dma_start3A_1764 : memref<1x128xi32, #tpu.memory_space<vmem>> -> memref<128xi32, #tpu.memory_space<vmem>>
        %dma_start3A_1766 = arith.constant 0 : i32
        %dma_start3A_1767 = arith.constant 0 : i32
        %dma_start3A_1768 = tpu.memref_slice %arg7[%dma_start3A_1766, %dma_start3A_1767] : memref<10240x128xf32, #tpu.memory_space<vmem_shared>> -> memref<10240x128xf32, #tpu.memory_space<vmem_shared>>
        tpu.enqueue_indirect_dma source(%dma_start3A_1762 : memref<128x128xf32, #tpu.memory_space<vmem>>) target(%dma_start3A_1768 : memref<10240x128xf32, #tpu.memory_space<vmem_shared>>) offsets(%dma_start3A_1765 : memref<128xi32, #tpu.memory_space<vmem>>) semaphore(%run_scoped3A_1758 : memref<!tpu.dma_semaphore, #tpu.memory_space<semaphore_mem>>) {add = true}
        %dma_wait3A_1769 = arith.constant 0 : i32
        %dma_wait3A_1770 = arith.constant 0 : i32
        %dma_wait3A_1771 = tpu.memref_slice %arg12[%run_scoped3A, %dma_wait3A_1769, %dma_wait3A_1770] : memref<2x128x128xf32, #tpu.memory_space<vmem>> -> memref<1x128x128xf32, #tpu.memory_space<vmem>>
        %dma_wait3A_1772 = tpu.memref_squeeze %dma_wait3A_1771 : memref<1x128x128xf32, #tpu.memory_space<vmem>> -> memref<128x128xf32, #tpu.memory_space<vmem>>
        %dma_wait3A_1773 = arith.constant 0 : i32
        %dma_wait3A_1774 = tpu.memref_slice %arg11[%run_scoped3A_1587, %dma_wait3A_1773] : memref<8x128xi32, #tpu.memory_space<vmem>> -> memref<1x128xi32, #tpu.memory_space<vmem>>
        %dma_wait3A_1775 = tpu.memref_squeeze %dma_wait3A_1774 : memref<1x128xi32, #tpu.memory_space<vmem>> -> memref<128xi32, #tpu.memory_space<vmem>>
        %dma_wait3A_1776 = arith.constant 0 : i32
        %dma_wait3A_1777 = arith.constant 0 : i32
        %dma_wait3A_1778 = tpu.memref_slice %arg7[%dma_wait3A_1776, %dma_wait3A_1777] : memref<10240x128xf32, #tpu.memory_space<vmem_shared>> -> memref<10240x128xf32, #tpu.memory_space<vmem_shared>>
        tpu.wait_indirect_dma semaphore(%run_scoped3A_1758 : memref<!tpu.dma_semaphore, #tpu.memory_space<semaphore_mem>>) src(%dma_wait3A_1772 : memref<128x128xf32, #tpu.memory_space<vmem>>) dst(%dma_wait3A_1778 : memref<10240x128xf32, #tpu.memory_space<vmem_shared>>)
        tpu.yield
      }) : () -> ()
      %dma_start3A_1588 = arith.constant 2 : i32
      %dma_start3A_1589 = arith.constant 0 : i32
      %dma_start3A_1590 = arith.constant 0 : i32
      %dma_start3A_1591 = arith.constant 0 : i32
      %dma_start3A_1592 = tpu.memref_slice %arg12[%dma_start3A_1589, %dma_start3A_1590, %dma_start3A_1591] : memref<2x128x128xf32, #tpu.memory_space<vmem>> -> memref<1x128x128xf32, #tpu.memory_space<vmem>>
      %dma_start3A_1593 = tpu.memref_squeeze %dma_start3A_1592 : memref<1x128x128xf32, #tpu.memory_space<vmem>> -> memref<128x128xf32, #tpu.memory_space<vmem>>
      %dma_start3A_1594 = arith.constant 0 : i32
      %dma_start3A_1595 = tpu.memref_slice %arg10[%dma_start3A_1588, %dma_start3A_1594] : memref<8x128xi32, #tpu.memory_space<vmem>> -> memref<1x128xi32, #tpu.memory_space<vmem>>
      %dma_start3A_1596 = tpu.memref_squeeze %dma_start3A_1595 : memref<1x128xi32, #tpu.memory_space<vmem>> -> memref<128xi32, #tpu.memory_space<vmem>>
      %dma_start3A_1597 = arith.constant 0 : i32
      %dma_start3A_1598 = arith.constant 0 : i32
      %dma_start3A_1599 = tpu.memref_slice %arg2[%dma_start3A_1597, %dma_start3A_1598] : memref<20480x128xf32, #tpu.memory_space<hbm>> -> memref<20480x128xf32, #tpu.memory_space<hbm>>
      tpu.enqueue_indirect_dma source(%dma_start3A_1599 : memref<20480x128xf32, #tpu.memory_space<hbm>>) target(%dma_start3A_1593 : memref<128x128xf32, #tpu.memory_space<vmem>>) offsets(%dma_start3A_1596 : memref<128xi32, #tpu.memory_space<vmem>>) semaphore(%arg13 : memref<!tpu.dma_semaphore, #tpu.memory_space<semaphore_mem>>)
      %dma_wait3A_1600 = arith.constant 1 : i32
      %dma_wait3A_1601 = arith.constant 1 : i32
      %dma_wait3A_1602 = arith.constant 0 : i32
      %dma_wait3A_1603 = arith.constant 0 : i32
      %dma_wait3A_1604 = tpu.memref_slice %arg12[%dma_wait3A_1601, %dma_wait3A_1602, %dma_wait3A_1603] : memref<2x128x128xf32, #tpu.memory_space<vmem>> -> memref<1x128x128xf32, #tpu.memory_space<vmem>>
      %dma_wait3A_1605 = tpu.memref_squeeze %dma_wait3A_1604 : memref<1x128x128xf32, #tpu.memory_space<vmem>> -> memref<128x128xf32, #tpu.memory_space<vmem>>
      %dma_wait3A_1606 = arith.constant 0 : i32
      %dma_wait3A_1607 = tpu.memref_slice %arg10[%dma_wait3A_1600, %dma_wait3A_1606] : memref<8x128xi32, #tpu.memory_space<vmem>> -> memref<1x128xi32, #tpu.memory_space<vmem>>
      %dma_wait3A_1608 = tpu.memref_squeeze %dma_wait3A_1607 : memref<1x128xi32, #tpu.memory_space<vmem>> -> memref<128xi32, #tpu.memory_space<vmem>>
      %dma_wait3A_1609 = arith.constant 0 : i32
      %dma_wait3A_1610 = arith.constant 0 : i32
      %dma_wait3A_1611 = tpu.memref_slice %arg2[%dma_wait3A_1609, %dma_wait3A_1610] : memref<20480x128xf32, #tpu.memory_space<hbm>> -> memref<20480x128xf32, #tpu.memory_space<hbm>>
      tpu.wait_indirect_dma semaphore(%arg14 : memref<!tpu.dma_semaphore, #tpu.memory_space<semaphore_mem>>) src(%dma_wait3A_1611 : memref<20480x128xf32, #tpu.memory_space<hbm>>) dst(%dma_wait3A_1605 : memref<128x128xf32, #tpu.memory_space<vmem>>)
      %run_scoped3A_1612 = arith.constant 1 : i32
      %run_scoped3A_1613 = arith.constant 1 : i32
      "tpu.region"() ({
        %run_scoped3A_1758 = tpu.sem_alloc : memref<!tpu.dma_semaphore, #tpu.memory_space<semaphore_mem>>
        %dma_start3A_1759 = arith.constant 0 : i32
        %dma_start3A_1760 = arith.constant 0 : i32
        %dma_start3A_1761 = tpu.memref_slice %arg12[%run_scoped3A_1612, %dma_start3A_1759, %dma_start3A_1760] : memref<2x128x128xf32, #tpu.memory_space<vmem>> -> memref<1x128x128xf32, #tpu.memory_space<vmem>>
        %dma_start3A_1762 = tpu.memref_squeeze %dma_start3A_1761 : memref<1x128x128xf32, #tpu.memory_space<vmem>> -> memref<128x128xf32, #tpu.memory_space<vmem>>
        %dma_start3A_1763 = arith.constant 0 : i32
        %dma_start3A_1764 = tpu.memref_slice %arg11[%run_scoped3A_1613, %dma_start3A_1763] : memref<8x128xi32, #tpu.memory_space<vmem>> -> memref<1x128xi32, #tpu.memory_space<vmem>>
        %dma_start3A_1765 = tpu.memref_squeeze %dma_start3A_1764 : memref<1x128xi32, #tpu.memory_space<vmem>> -> memref<128xi32, #tpu.memory_space<vmem>>
        %dma_start3A_1766 = arith.constant 0 : i32
        %dma_start3A_1767 = arith.constant 0 : i32
        %dma_start3A_1768 = tpu.memref_slice %arg7[%dma_start3A_1766, %dma_start3A_1767] : memref<10240x128xf32, #tpu.memory_space<vmem_shared>> -> memref<10240x128xf32, #tpu.memory_space<vmem_shared>>
        tpu.enqueue_indirect_dma source(%dma_start3A_1762 : memref<128x128xf32, #tpu.memory_space<vmem>>) target(%dma_start3A_1768 : memref<10240x128xf32, #tpu.memory_space<vmem_shared>>) offsets(%dma_start3A_1765 : memref<128xi32, #tpu.memory_space<vmem>>) semaphore(%run_scoped3A_1758 : memref<!tpu.dma_semaphore, #tpu.memory_space<semaphore_mem>>) {add = true}
        %dma_wait3A_1769 = arith.constant 0 : i32
        %dma_wait3A_1770 = arith.constant 0 : i32
        %dma_wait3A_1771 = tpu.memref_slice %arg12[%run_scoped3A_1612, %dma_wait3A_1769, %dma_wait3A_1770] : memref<2x128x128xf32, #tpu.memory_space<vmem>> -> memref<1x128x128xf32, #tpu.memory_space<vmem>>
        %dma_wait3A_1772 = tpu.memref_squeeze %dma_wait3A_1771 : memref<1x128x128xf32, #tpu.memory_space<vmem>> -> memref<128x128xf32, #tpu.memory_space<vmem>>
        %dma_wait3A_1773 = arith.constant 0 : i32
        %dma_wait3A_1774 = tpu.memref_slice %arg11[%run_scoped3A_1613, %dma_wait3A_1773] : memref<8x128xi32, #tpu.memory_space<vmem>> -> memref<1x128xi32, #tpu.memory_space<vmem>>
        %dma_wait3A_1775 = tpu.memref_squeeze %dma_wait3A_1774 : memref<1x128xi32, #tpu.memory_space<vmem>> -> memref<128xi32, #tpu.memory_space<vmem>>
        %dma_wait3A_1776 = arith.constant 0 : i32
        %dma_wait3A_1777 = arith.constant 0 : i32
        %dma_wait3A_1778 = tpu.memref_slice %arg7[%dma_wait3A_1776, %dma_wait3A_1777] : memref<10240x128xf32, #tpu.memory_space<vmem_shared>> -> memref<10240x128xf32, #tpu.memory_space<vmem_shared>>
        tpu.wait_indirect_dma semaphore(%run_scoped3A_1758 : memref<!tpu.dma_semaphore, #tpu.memory_space<semaphore_mem>>) src(%dma_wait3A_1772 : memref<128x128xf32, #tpu.memory_space<vmem>>) dst(%dma_wait3A_1778 : memref<10240x128xf32, #tpu.memory_space<vmem_shared>>)
        tpu.yield
      }) : () -> ()
      %dma_start3A_1614 = arith.constant 3 : i32
      %dma_start3A_1615 = arith.constant 1 : i32
      %dma_start3A_1616 = arith.constant 0 : i32
      %dma_start3A_1617 = arith.constant 0 : i32
      %dma_start3A_1618 = tpu.memref_slice %arg12[%dma_start3A_1615, %dma_start3A_1616, %dma_start3A_1617] : memref<2x128x128xf32, #tpu.memory_space<vmem>> -> memref<1x128x128xf32, #tpu.memory_space<vmem>>
      %dma_start3A_1619 = tpu.memref_squeeze %dma_start3A_1618 : memref<1x128x128xf32, #tpu.memory_space<vmem>> -> memref<128x128xf32, #tpu.memory_space<vmem>>
      %dma_start3A_1620 = arith.constant 0 : i32
      %dma_start3A_1621 = tpu.memref_slice %arg10[%dma_start3A_1614, %dma_start3A_1620] : memref<8x128xi32, #tpu.memory_space<vmem>> -> memref<1x128xi32, #tpu.memory_space<vmem>>
      %dma_start3A_1622 = tpu.memref_squeeze %dma_start3A_1621 : memref<1x128xi32, #tpu.memory_space<vmem>> -> memref<128xi32, #tpu.memory_space<vmem>>
      %dma_start3A_1623 = arith.constant 0 : i32
      %dma_start3A_1624 = arith.constant 0 : i32
      %dma_start3A_1625 = tpu.memref_slice %arg2[%dma_start3A_1623, %dma_start3A_1624] : memref<20480x128xf32, #tpu.memory_space<hbm>> -> memref<20480x128xf32, #tpu.memory_space<hbm>>
      tpu.enqueue_indirect_dma source(%dma_start3A_1625 : memref<20480x128xf32, #tpu.memory_space<hbm>>) target(%dma_start3A_1619 : memref<128x128xf32, #tpu.memory_space<vmem>>) offsets(%dma_start3A_1622 : memref<128xi32, #tpu.memory_space<vmem>>) semaphore(%arg14 : memref<!tpu.dma_semaphore, #tpu.memory_space<semaphore_mem>>)
      %dma_wait3A_1626 = arith.constant 2 : i32
      %dma_wait3A_1627 = arith.constant 0 : i32
      %dma_wait3A_1628 = arith.constant 0 : i32
      %dma_wait3A_1629 = arith.constant 0 : i32
      %dma_wait3A_1630 = tpu.memref_slice %arg12[%dma_wait3A_1627, %dma_wait3A_1628, %dma_wait3A_1629] : memref<2x128x128xf32, #tpu.memory_space<vmem>> -> memref<1x128x128xf32, #tpu.memory_space<vmem>>
      %dma_wait3A_1631 = tpu.memref_squeeze %dma_wait3A_1630 : memref<1x128x128xf32, #tpu.memory_space<vmem>> -> memref<128x128xf32, #tpu.memory_space<vmem>>
      %dma_wait3A_1632 = arith.constant 0 : i32
      %dma_wait3A_1633 = tpu.memref_slice %arg10[%dma_wait3A_1626, %dma_wait3A_1632] : memref<8x128xi32, #tpu.memory_space<vmem>> -> memref<1x128xi32, #tpu.memory_space<vmem>>
      %dma_wait3A_1634 = tpu.memref_squeeze %dma_wait3A_1633 : memref<1x128xi32, #tpu.memory_space<vmem>> -> memref<128xi32, #tpu.memory_space<vmem>>
      %dma_wait3A_1635 = arith.constant 0 : i32
      %dma_wait3A_1636 = arith.constant 0 : i32
      %dma_wait3A_1637 = tpu.memref_slice %arg2[%dma_wait3A_1635, %dma_wait3A_1636] : memref<20480x128xf32, #tpu.memory_space<hbm>> -> memref<20480x128xf32, #tpu.memory_space<hbm>>
      tpu.wait_indirect_dma semaphore(%arg13 : memref<!tpu.dma_semaphore, #tpu.memory_space<semaphore_mem>>) src(%dma_wait3A_1637 : memref<20480x128xf32, #tpu.memory_space<hbm>>) dst(%dma_wait3A_1631 : memref<128x128xf32, #tpu.memory_space<vmem>>)
      %run_scoped3A_1638 = arith.constant 0 : i32
      %run_scoped3A_1639 = arith.constant 2 : i32
      "tpu.region"() ({
        %run_scoped3A_1758 = tpu.sem_alloc : memref<!tpu.dma_semaphore, #tpu.memory_space<semaphore_mem>>
        %dma_start3A_1759 = arith.constant 0 : i32
        %dma_start3A_1760 = arith.constant 0 : i32
        %dma_start3A_1761 = tpu.memref_slice %arg12[%run_scoped3A_1638, %dma_start3A_1759, %dma_start3A_1760] : memref<2x128x128xf32, #tpu.memory_space<vmem>> -> memref<1x128x128xf32, #tpu.memory_space<vmem>>
        %dma_start3A_1762 = tpu.memref_squeeze %dma_start3A_1761 : memref<1x128x128xf32, #tpu.memory_space<vmem>> -> memref<128x128xf32, #tpu.memory_space<vmem>>
        %dma_start3A_1763 = arith.constant 0 : i32
        %dma_start3A_1764 = tpu.memref_slice %arg11[%run_scoped3A_1639, %dma_start3A_1763] : memref<8x128xi32, #tpu.memory_space<vmem>> -> memref<1x128xi32, #tpu.memory_space<vmem>>
        %dma_start3A_1765 = tpu.memref_squeeze %dma_start3A_1764 : memref<1x128xi32, #tpu.memory_space<vmem>> -> memref<128xi32, #tpu.memory_space<vmem>>
        %dma_start3A_1766 = arith.constant 0 : i32
        %dma_start3A_1767 = arith.constant 0 : i32
        %dma_start3A_1768 = tpu.memref_slice %arg7[%dma_start3A_1766, %dma_start3A_1767] : memref<10240x128xf32, #tpu.memory_space<vmem_shared>> -> memref<10240x128xf32, #tpu.memory_space<vmem_shared>>
        tpu.enqueue_indirect_dma source(%dma_start3A_1762 : memref<128x128xf32, #tpu.memory_space<vmem>>) target(%dma_start3A_1768 : memref<10240x128xf32, #tpu.memory_space<vmem_shared>>) offsets(%dma_start3A_1765 : memref<128xi32, #tpu.memory_space<vmem>>) semaphore(%run_scoped3A_1758 : memref<!tpu.dma_semaphore, #tpu.memory_space<semaphore_mem>>) {add = true}
        %dma_wait3A_1769 = arith.constant 0 : i32
        %dma_wait3A_1770 = arith.constant 0 : i32
        %dma_wait3A_1771 = tpu.memref_slice %arg12[%run_scoped3A_1638, %dma_wait3A_1769, %dma_wait3A_1770] : memref<2x128x128xf32, #tpu.memory_space<vmem>> -> memref<1x128x128xf32, #tpu.memory_space<vmem>>
        %dma_wait3A_1772 = tpu.memref_squeeze %dma_wait3A_1771 : memref<1x128x128xf32, #tpu.memory_space<vmem>> -> memref<128x128xf32, #tpu.memory_space<vmem>>
        %dma_wait3A_1773 = arith.constant 0 : i32
        %dma_wait3A_1774 = tpu.memref_slice %arg11[%run_scoped3A_1639, %dma_wait3A_1773] : memref<8x128xi32, #tpu.memory_space<vmem>> -> memref<1x128xi32, #tpu.memory_space<vmem>>
        %dma_wait3A_1775 = tpu.memref_squeeze %dma_wait3A_1774 : memref<1x128xi32, #tpu.memory_space<vmem>> -> memref<128xi32, #tpu.memory_space<vmem>>
        %dma_wait3A_1776 = arith.constant 0 : i32
        %dma_wait3A_1777 = arith.constant 0 : i32
        %dma_wait3A_1778 = tpu.memref_slice %arg7[%dma_wait3A_1776, %dma_wait3A_1777] : memref<10240x128xf32, #tpu.memory_space<vmem_shared>> -> memref<10240x128xf32, #tpu.memory_space<vmem_shared>>
        tpu.wait_indirect_dma semaphore(%run_scoped3A_1758 : memref<!tpu.dma_semaphore, #tpu.memory_space<semaphore_mem>>) src(%dma_wait3A_1772 : memref<128x128xf32, #tpu.memory_space<vmem>>) dst(%dma_wait3A_1778 : memref<10240x128xf32, #tpu.memory_space<vmem_shared>>)
        tpu.yield
      }) : () -> ()
      %dma_start3A_1640 = arith.constant 4 : i32
      %dma_start3A_1641 = arith.constant 0 : i32
      %dma_start3A_1642 = arith.constant 0 : i32
      %dma_start3A_1643 = arith.constant 0 : i32
      %dma_start3A_1644 = tpu.memref_slice %arg12[%dma_start3A_1641, %dma_start3A_1642, %dma_start3A_1643] : memref<2x128x128xf32, #tpu.memory_space<vmem>> -> memref<1x128x128xf32, #tpu.memory_space<vmem>>
      %dma_start3A_1645 = tpu.memref_squeeze %dma_start3A_1644 : memref<1x128x128xf32, #tpu.memory_space<vmem>> -> memref<128x128xf32, #tpu.memory_space<vmem>>
      %dma_start3A_1646 = arith.constant 0 : i32
      %dma_start3A_1647 = tpu.memref_slice %arg10[%dma_start3A_1640, %dma_start3A_1646] : memref<8x128xi32, #tpu.memory_space<vmem>> -> memref<1x128xi32, #tpu.memory_space<vmem>>
      %dma_start3A_1648 = tpu.memref_squeeze %dma_start3A_1647 : memref<1x128xi32, #tpu.memory_space<vmem>> -> memref<128xi32, #tpu.memory_space<vmem>>
      %dma_start3A_1649 = arith.constant 0 : i32
      %dma_start3A_1650 = arith.constant 0 : i32
      %dma_start3A_1651 = tpu.memref_slice %arg2[%dma_start3A_1649, %dma_start3A_1650] : memref<20480x128xf32, #tpu.memory_space<hbm>> -> memref<20480x128xf32, #tpu.memory_space<hbm>>
      tpu.enqueue_indirect_dma source(%dma_start3A_1651 : memref<20480x128xf32, #tpu.memory_space<hbm>>) target(%dma_start3A_1645 : memref<128x128xf32, #tpu.memory_space<vmem>>) offsets(%dma_start3A_1648 : memref<128xi32, #tpu.memory_space<vmem>>) semaphore(%arg13 : memref<!tpu.dma_semaphore, #tpu.memory_space<semaphore_mem>>)
      %dma_wait3A_1652 = arith.constant 3 : i32
      %dma_wait3A_1653 = arith.constant 1 : i32
      %dma_wait3A_1654 = arith.constant 0 : i32
      %dma_wait3A_1655 = arith.constant 0 : i32
      %dma_wait3A_1656 = tpu.memref_slice %arg12[%dma_wait3A_1653, %dma_wait3A_1654, %dma_wait3A_1655] : memref<2x128x128xf32, #tpu.memory_space<vmem>> -> memref<1x128x128xf32, #tpu.memory_space<vmem>>
      %dma_wait3A_1657 = tpu.memref_squeeze %dma_wait3A_1656 : memref<1x128x128xf32, #tpu.memory_space<vmem>> -> memref<128x128xf32, #tpu.memory_space<vmem>>
      %dma_wait3A_1658 = arith.constant 0 : i32
      %dma_wait3A_1659 = tpu.memref_slice %arg10[%dma_wait3A_1652, %dma_wait3A_1658] : memref<8x128xi32, #tpu.memory_space<vmem>> -> memref<1x128xi32, #tpu.memory_space<vmem>>
      %dma_wait3A_1660 = tpu.memref_squeeze %dma_wait3A_1659 : memref<1x128xi32, #tpu.memory_space<vmem>> -> memref<128xi32, #tpu.memory_space<vmem>>
      %dma_wait3A_1661 = arith.constant 0 : i32
      %dma_wait3A_1662 = arith.constant 0 : i32
      %dma_wait3A_1663 = tpu.memref_slice %arg2[%dma_wait3A_1661, %dma_wait3A_1662] : memref<20480x128xf32, #tpu.memory_space<hbm>> -> memref<20480x128xf32, #tpu.memory_space<hbm>>
      tpu.wait_indirect_dma semaphore(%arg14 : memref<!tpu.dma_semaphore, #tpu.memory_space<semaphore_mem>>) src(%dma_wait3A_1663 : memref<20480x128xf32, #tpu.memory_space<hbm>>) dst(%dma_wait3A_1657 : memref<128x128xf32, #tpu.memory_space<vmem>>)
      %run_scoped3A_1664 = arith.constant 1 : i32
      %run_scoped3A_1665 = arith.constant 3 : i32
      "tpu.region"() ({
        %run_scoped3A_1758 = tpu.sem_alloc : memref<!tpu.dma_semaphore, #tpu.memory_space<semaphore_mem>>
        %dma_start3A_1759 = arith.constant 0 : i32
        %dma_start3A_1760 = arith.constant 0 : i32
        %dma_start3A_1761 = tpu.memref_slice %arg12[%run_scoped3A_1664, %dma_start3A_1759, %dma_start3A_1760] : memref<2x128x128xf32, #tpu.memory_space<vmem>> -> memref<1x128x128xf32, #tpu.memory_space<vmem>>
        %dma_start3A_1762 = tpu.memref_squeeze %dma_start3A_1761 : memref<1x128x128xf32, #tpu.memory_space<vmem>> -> memref<128x128xf32, #tpu.memory_space<vmem>>
        %dma_start3A_1763 = arith.constant 0 : i32
        %dma_start3A_1764 = tpu.memref_slice %arg11[%run_scoped3A_1665, %dma_start3A_1763] : memref<8x128xi32, #tpu.memory_space<vmem>> -> memref<1x128xi32, #tpu.memory_space<vmem>>
        %dma_start3A_1765 = tpu.memref_squeeze %dma_start3A_1764 : memref<1x128xi32, #tpu.memory_space<vmem>> -> memref<128xi32, #tpu.memory_space<vmem>>
        %dma_start3A_1766 = arith.constant 0 : i32
        %dma_start3A_1767 = arith.constant 0 : i32
        %dma_start3A_1768 = tpu.memref_slice %arg7[%dma_start3A_1766, %dma_start3A_1767] : memref<10240x128xf32, #tpu.memory_space<vmem_shared>> -> memref<10240x128xf32, #tpu.memory_space<vmem_shared>>
        tpu.enqueue_indirect_dma source(%dma_start3A_1762 : memref<128x128xf32, #tpu.memory_space<vmem>>) target(%dma_start3A_1768 : memref<10240x128xf32, #tpu.memory_space<vmem_shared>>) offsets(%dma_start3A_1765 : memref<128xi32, #tpu.memory_space<vmem>>) semaphore(%run_scoped3A_1758 : memref<!tpu.dma_semaphore, #tpu.memory_space<semaphore_mem>>) {add = true}
        %dma_wait3A_1769 = arith.constant 0 : i32
        %dma_wait3A_1770 = arith.constant 0 : i32
        %dma_wait3A_1771 = tpu.memref_slice %arg12[%run_scoped3A_1664, %dma_wait3A_1769, %dma_wait3A_1770] : memref<2x128x128xf32, #tpu.memory_space<vmem>> -> memref<1x128x128xf32, #tpu.memory_space<vmem>>
        %dma_wait3A_1772 = tpu.memref_squeeze %dma_wait3A_1771 : memref<1x128x128xf32, #tpu.memory_space<vmem>> -> memref<128x128xf32, #tpu.memory_space<vmem>>
        %dma_wait3A_1773 = arith.constant 0 : i32
        %dma_wait3A_1774 = tpu.memref_slice %arg11[%run_scoped3A_1665, %dma_wait3A_1773] : memref<8x128xi32, #tpu.memory_space<vmem>> -> memref<1x128xi32, #tpu.memory_space<vmem>>
        %dma_wait3A_1775 = tpu.memref_squeeze %dma_wait3A_1774 : memref<1x128xi32, #tpu.memory_space<vmem>> -> memref<128xi32, #tpu.memory_space<vmem>>
        %dma_wait3A_1776 = arith.constant 0 : i32
        %dma_wait3A_1777 = arith.constant 0 : i32
        %dma_wait3A_1778 = tpu.memref_slice %arg7[%dma_wait3A_1776, %dma_wait3A_1777] : memref<10240x128xf32, #tpu.memory_space<vmem_shared>> -> memref<10240x128xf32, #tpu.memory_space<vmem_shared>>
        tpu.wait_indirect_dma semaphore(%run_scoped3A_1758 : memref<!tpu.dma_semaphore, #tpu.memory_space<semaphore_mem>>) src(%dma_wait3A_1772 : memref<128x128xf32, #tpu.memory_space<vmem>>) dst(%dma_wait3A_1778 : memref<10240x128xf32, #tpu.memory_space<vmem_shared>>)
        tpu.yield
      }) : () -> ()
      %dma_start3A_1666 = arith.constant 5 : i32
      %dma_start3A_1667 = arith.constant 1 : i32
      %dma_start3A_1668 = arith.constant 0 : i32
      %dma_start3A_1669 = arith.constant 0 : i32
      %dma_start3A_1670 = tpu.memref_slice %arg12[%dma_start3A_1667, %dma_start3A_1668, %dma_start3A_1669] : memref<2x128x128xf32, #tpu.memory_space<vmem>> -> memref<1x128x128xf32, #tpu.memory_space<vmem>>
      %dma_start3A_1671 = tpu.memref_squeeze %dma_start3A_1670 : memref<1x128x128xf32, #tpu.memory_space<vmem>> -> memref<128x128xf32, #tpu.memory_space<vmem>>
      %dma_start3A_1672 = arith.constant 0 : i32
      %dma_start3A_1673 = tpu.memref_slice %arg10[%dma_start3A_1666, %dma_start3A_1672] : memref<8x128xi32, #tpu.memory_space<vmem>> -> memref<1x128xi32, #tpu.memory_space<vmem>>
      %dma_start3A_1674 = tpu.memref_squeeze %dma_start3A_1673 : memref<1x128xi32, #tpu.memory_space<vmem>> -> memref<128xi32, #tpu.memory_space<vmem>>
      %dma_start3A_1675 = arith.constant 0 : i32
      %dma_start3A_1676 = arith.constant 0 : i32
      %dma_start3A_1677 = tpu.memref_slice %arg2[%dma_start3A_1675, %dma_start3A_1676] : memref<20480x128xf32, #tpu.memory_space<hbm>> -> memref<20480x128xf32, #tpu.memory_space<hbm>>
      tpu.enqueue_indirect_dma source(%dma_start3A_1677 : memref<20480x128xf32, #tpu.memory_space<hbm>>) target(%dma_start3A_1671 : memref<128x128xf32, #tpu.memory_space<vmem>>) offsets(%dma_start3A_1674 : memref<128xi32, #tpu.memory_space<vmem>>) semaphore(%arg14 : memref<!tpu.dma_semaphore, #tpu.memory_space<semaphore_mem>>)
      %dma_wait3A_1678 = arith.constant 4 : i32
      %dma_wait3A_1679 = arith.constant 0 : i32
      %dma_wait3A_1680 = arith.constant 0 : i32
      %dma_wait3A_1681 = arith.constant 0 : i32
      %dma_wait3A_1682 = tpu.memref_slice %arg12[%dma_wait3A_1679, %dma_wait3A_1680, %dma_wait3A_1681] : memref<2x128x128xf32, #tpu.memory_space<vmem>> -> memref<1x128x128xf32, #tpu.memory_space<vmem>>
      %dma_wait3A_1683 = tpu.memref_squeeze %dma_wait3A_1682 : memref<1x128x128xf32, #tpu.memory_space<vmem>> -> memref<128x128xf32, #tpu.memory_space<vmem>>
      %dma_wait3A_1684 = arith.constant 0 : i32
      %dma_wait3A_1685 = tpu.memref_slice %arg10[%dma_wait3A_1678, %dma_wait3A_1684] : memref<8x128xi32, #tpu.memory_space<vmem>> -> memref<1x128xi32, #tpu.memory_space<vmem>>
      %dma_wait3A_1686 = tpu.memref_squeeze %dma_wait3A_1685 : memref<1x128xi32, #tpu.memory_space<vmem>> -> memref<128xi32, #tpu.memory_space<vmem>>
      %dma_wait3A_1687 = arith.constant 0 : i32
      %dma_wait3A_1688 = arith.constant 0 : i32
      %dma_wait3A_1689 = tpu.memref_slice %arg2[%dma_wait3A_1687, %dma_wait3A_1688] : memref<20480x128xf32, #tpu.memory_space<hbm>> -> memref<20480x128xf32, #tpu.memory_space<hbm>>
      tpu.wait_indirect_dma semaphore(%arg13 : memref<!tpu.dma_semaphore, #tpu.memory_space<semaphore_mem>>) src(%dma_wait3A_1689 : memref<20480x128xf32, #tpu.memory_space<hbm>>) dst(%dma_wait3A_1683 : memref<128x128xf32, #tpu.memory_space<vmem>>)
      %run_scoped3A_1690 = arith.constant 0 : i32
      %run_scoped3A_1691 = arith.constant 4 : i32
      "tpu.region"() ({
        %run_scoped3A_1758 = tpu.sem_alloc : memref<!tpu.dma_semaphore, #tpu.memory_space<semaphore_mem>>
        %dma_start3A_1759 = arith.constant 0 : i32
        %dma_start3A_1760 = arith.constant 0 : i32
        %dma_start3A_1761 = tpu.memref_slice %arg12[%run_scoped3A_1690, %dma_start3A_1759, %dma_start3A_1760] : memref<2x128x128xf32, #tpu.memory_space<vmem>> -> memref<1x128x128xf32, #tpu.memory_space<vmem>>
        %dma_start3A_1762 = tpu.memref_squeeze %dma_start3A_1761 : memref<1x128x128xf32, #tpu.memory_space<vmem>> -> memref<128x128xf32, #tpu.memory_space<vmem>>
        %dma_start3A_1763 = arith.constant 0 : i32
        %dma_start3A_1764 = tpu.memref_slice %arg11[%run_scoped3A_1691, %dma_start3A_1763] : memref<8x128xi32, #tpu.memory_space<vmem>> -> memref<1x128xi32, #tpu.memory_space<vmem>>
        %dma_start3A_1765 = tpu.memref_squeeze %dma_start3A_1764 : memref<1x128xi32, #tpu.memory_space<vmem>> -> memref<128xi32, #tpu.memory_space<vmem>>
        %dma_start3A_1766 = arith.constant 0 : i32
        %dma_start3A_1767 = arith.constant 0 : i32
        %dma_start3A_1768 = tpu.memref_slice %arg7[%dma_start3A_1766, %dma_start3A_1767] : memref<10240x128xf32, #tpu.memory_space<vmem_shared>> -> memref<10240x128xf32, #tpu.memory_space<vmem_shared>>
        tpu.enqueue_indirect_dma source(%dma_start3A_1762 : memref<128x128xf32, #tpu.memory_space<vmem>>) target(%dma_start3A_1768 : memref<10240x128xf32, #tpu.memory_space<vmem_shared>>) offsets(%dma_start3A_1765 : memref<128xi32, #tpu.memory_space<vmem>>) semaphore(%run_scoped3A_1758 : memref<!tpu.dma_semaphore, #tpu.memory_space<semaphore_mem>>) {add = true}
        %dma_wait3A_1769 = arith.constant 0 : i32
        %dma_wait3A_1770 = arith.constant 0 : i32
        %dma_wait3A_1771 = tpu.memref_slice %arg12[%run_scoped3A_1690, %dma_wait3A_1769, %dma_wait3A_1770] : memref<2x128x128xf32, #tpu.memory_space<vmem>> -> memref<1x128x128xf32, #tpu.memory_space<vmem>>
        %dma_wait3A_1772 = tpu.memref_squeeze %dma_wait3A_1771 : memref<1x128x128xf32, #tpu.memory_space<vmem>> -> memref<128x128xf32, #tpu.memory_space<vmem>>
        %dma_wait3A_1773 = arith.constant 0 : i32
        %dma_wait3A_1774 = tpu.memref_slice %arg11[%run_scoped3A_1691, %dma_wait3A_1773] : memref<8x128xi32, #tpu.memory_space<vmem>> -> memref<1x128xi32, #tpu.memory_space<vmem>>
        %dma_wait3A_1775 = tpu.memref_squeeze %dma_wait3A_1774 : memref<1x128xi32, #tpu.memory_space<vmem>> -> memref<128xi32, #tpu.memory_space<vmem>>
        %dma_wait3A_1776 = arith.constant 0 : i32
        %dma_wait3A_1777 = arith.constant 0 : i32
        %dma_wait3A_1778 = tpu.memref_slice %arg7[%dma_wait3A_1776, %dma_wait3A_1777] : memref<10240x128xf32, #tpu.memory_space<vmem_shared>> -> memref<10240x128xf32, #tpu.memory_space<vmem_shared>>
        tpu.wait_indirect_dma semaphore(%run_scoped3A_1758 : memref<!tpu.dma_semaphore, #tpu.memory_space<semaphore_mem>>) src(%dma_wait3A_1772 : memref<128x128xf32, #tpu.memory_space<vmem>>) dst(%dma_wait3A_1778 : memref<10240x128xf32, #tpu.memory_space<vmem_shared>>)
        tpu.yield
      }) : () -> ()
      %dma_start3A_1692 = arith.constant 6 : i32
      %dma_start3A_1693 = arith.constant 0 : i32
      %dma_start3A_1694 = arith.constant 0 : i32
      %dma_start3A_1695 = arith.constant 0 : i32
      %dma_start3A_1696 = tpu.memref_slice %arg12[%dma_start3A_1693, %dma_start3A_1694, %dma_start3A_1695] : memref<2x128x128xf32, #tpu.memory_space<vmem>> -> memref<1x128x128xf32, #tpu.memory_space<vmem>>
      %dma_start3A_1697 = tpu.memref_squeeze %dma_start3A_1696 : memref<1x128x128xf32, #tpu.memory_space<vmem>> -> memref<128x128xf32, #tpu.memory_space<vmem>>
      %dma_start3A_1698 = arith.constant 0 : i32
      %dma_start3A_1699 = tpu.memref_slice %arg10[%dma_start3A_1692, %dma_start3A_1698] : memref<8x128xi32, #tpu.memory_space<vmem>> -> memref<1x128xi32, #tpu.memory_space<vmem>>
      %dma_start3A_1700 = tpu.memref_squeeze %dma_start3A_1699 : memref<1x128xi32, #tpu.memory_space<vmem>> -> memref<128xi32, #tpu.memory_space<vmem>>
      %dma_start3A_1701 = arith.constant 0 : i32
      %dma_start3A_1702 = arith.constant 0 : i32
      %dma_start3A_1703 = tpu.memref_slice %arg2[%dma_start3A_1701, %dma_start3A_1702] : memref<20480x128xf32, #tpu.memory_space<hbm>> -> memref<20480x128xf32, #tpu.memory_space<hbm>>
      tpu.enqueue_indirect_dma source(%dma_start3A_1703 : memref<20480x128xf32, #tpu.memory_space<hbm>>) target(%dma_start3A_1697 : memref<128x128xf32, #tpu.memory_space<vmem>>) offsets(%dma_start3A_1700 : memref<128xi32, #tpu.memory_space<vmem>>) semaphore(%arg13 : memref<!tpu.dma_semaphore, #tpu.memory_space<semaphore_mem>>)
      %dma_wait3A_1704 = arith.constant 5 : i32
      %dma_wait3A_1705 = arith.constant 1 : i32
      %dma_wait3A_1706 = arith.constant 0 : i32
      %dma_wait3A_1707 = arith.constant 0 : i32
      %dma_wait3A_1708 = tpu.memref_slice %arg12[%dma_wait3A_1705, %dma_wait3A_1706, %dma_wait3A_1707] : memref<2x128x128xf32, #tpu.memory_space<vmem>> -> memref<1x128x128xf32, #tpu.memory_space<vmem>>
      %dma_wait3A_1709 = tpu.memref_squeeze %dma_wait3A_1708 : memref<1x128x128xf32, #tpu.memory_space<vmem>> -> memref<128x128xf32, #tpu.memory_space<vmem>>
      %dma_wait3A_1710 = arith.constant 0 : i32
      %dma_wait3A_1711 = tpu.memref_slice %arg10[%dma_wait3A_1704, %dma_wait3A_1710] : memref<8x128xi32, #tpu.memory_space<vmem>> -> memref<1x128xi32, #tpu.memory_space<vmem>>
      %dma_wait3A_1712 = tpu.memref_squeeze %dma_wait3A_1711 : memref<1x128xi32, #tpu.memory_space<vmem>> -> memref<128xi32, #tpu.memory_space<vmem>>
      %dma_wait3A_1713 = arith.constant 0 : i32
      %dma_wait3A_1714 = arith.constant 0 : i32
      %dma_wait3A_1715 = tpu.memref_slice %arg2[%dma_wait3A_1713, %dma_wait3A_1714] : memref<20480x128xf32, #tpu.memory_space<hbm>> -> memref<20480x128xf32, #tpu.memory_space<hbm>>
      tpu.wait_indirect_dma semaphore(%arg14 : memref<!tpu.dma_semaphore, #tpu.memory_space<semaphore_mem>>) src(%dma_wait3A_1715 : memref<20480x128xf32, #tpu.memory_space<hbm>>) dst(%dma_wait3A_1709 : memref<128x128xf32, #tpu.memory_space<vmem>>)
      %run_scoped3A_1716 = arith.constant 1 : i32
      %run_scoped3A_1717 = arith.constant 5 : i32
      "tpu.region"() ({
        %run_scoped3A_1758 = tpu.sem_alloc : memref<!tpu.dma_semaphore, #tpu.memory_space<semaphore_mem>>
        %dma_start3A_1759 = arith.constant 0 : i32
        %dma_start3A_1760 = arith.constant 0 : i32
        %dma_start3A_1761 = tpu.memref_slice %arg12[%run_scoped3A_1716, %dma_start3A_1759, %dma_start3A_1760] : memref<2x128x128xf32, #tpu.memory_space<vmem>> -> memref<1x128x128xf32, #tpu.memory_space<vmem>>
        %dma_start3A_1762 = tpu.memref_squeeze %dma_start3A_1761 : memref<1x128x128xf32, #tpu.memory_space<vmem>> -> memref<128x128xf32, #tpu.memory_space<vmem>>
        %dma_start3A_1763 = arith.constant 0 : i32
        %dma_start3A_1764 = tpu.memref_slice %arg11[%run_scoped3A_1717, %dma_start3A_1763] : memref<8x128xi32, #tpu.memory_space<vmem>> -> memref<1x128xi32, #tpu.memory_space<vmem>>
        %dma_start3A_1765 = tpu.memref_squeeze %dma_start3A_1764 : memref<1x128xi32, #tpu.memory_space<vmem>> -> memref<128xi32, #tpu.memory_space<vmem>>
        %dma_start3A_1766 = arith.constant 0 : i32
        %dma_start3A_1767 = arith.constant 0 : i32
        %dma_start3A_1768 = tpu.memref_slice %arg7[%dma_start3A_1766, %dma_start3A_1767] : memref<10240x128xf32, #tpu.memory_space<vmem_shared>> -> memref<10240x128xf32, #tpu.memory_space<vmem_shared>>
        tpu.enqueue_indirect_dma source(%dma_start3A_1762 : memref<128x128xf32, #tpu.memory_space<vmem>>) target(%dma_start3A_1768 : memref<10240x128xf32, #tpu.memory_space<vmem_shared>>) offsets(%dma_start3A_1765 : memref<128xi32, #tpu.memory_space<vmem>>) semaphore(%run_scoped3A_1758 : memref<!tpu.dma_semaphore, #tpu.memory_space<semaphore_mem>>) {add = true}
        %dma_wait3A_1769 = arith.constant 0 : i32
        %dma_wait3A_1770 = arith.constant 0 : i32
        %dma_wait3A_1771 = tpu.memref_slice %arg12[%run_scoped3A_1716, %dma_wait3A_1769, %dma_wait3A_1770] : memref<2x128x128xf32, #tpu.memory_space<vmem>> -> memref<1x128x128xf32, #tpu.memory_space<vmem>>
        %dma_wait3A_1772 = tpu.memref_squeeze %dma_wait3A_1771 : memref<1x128x128xf32, #tpu.memory_space<vmem>> -> memref<128x128xf32, #tpu.memory_space<vmem>>
        %dma_wait3A_1773 = arith.constant 0 : i32
        %dma_wait3A_1774 = tpu.memref_slice %arg11[%run_scoped3A_1717, %dma_wait3A_1773] : memref<8x128xi32, #tpu.memory_space<vmem>> -> memref<1x128xi32, #tpu.memory_space<vmem>>
        %dma_wait3A_1775 = tpu.memref_squeeze %dma_wait3A_1774 : memref<1x128xi32, #tpu.memory_space<vmem>> -> memref<128xi32, #tpu.memory_space<vmem>>
        %dma_wait3A_1776 = arith.constant 0 : i32
        %dma_wait3A_1777 = arith.constant 0 : i32
        %dma_wait3A_1778 = tpu.memref_slice %arg7[%dma_wait3A_1776, %dma_wait3A_1777] : memref<10240x128xf32, #tpu.memory_space<vmem_shared>> -> memref<10240x128xf32, #tpu.memory_space<vmem_shared>>
        tpu.wait_indirect_dma semaphore(%run_scoped3A_1758 : memref<!tpu.dma_semaphore, #tpu.memory_space<semaphore_mem>>) src(%dma_wait3A_1772 : memref<128x128xf32, #tpu.memory_space<vmem>>) dst(%dma_wait3A_1778 : memref<10240x128xf32, #tpu.memory_space<vmem_shared>>)
        tpu.yield
      }) : () -> ()
      %dma_start3A_1718 = arith.constant 7 : i32
      %dma_start3A_1719 = arith.constant 1 : i32
      %dma_start3A_1720 = arith.constant 0 : i32
      %dma_start3A_1721 = arith.constant 0 : i32
      %dma_start3A_1722 = tpu.memref_slice %arg12[%dma_start3A_1719, %dma_start3A_1720, %dma_start3A_1721] : memref<2x128x128xf32, #tpu.memory_space<vmem>> -> memref<1x128x128xf32, #tpu.memory_space<vmem>>
      %dma_start3A_1723 = tpu.memref_squeeze %dma_start3A_1722 : memref<1x128x128xf32, #tpu.memory_space<vmem>> -> memref<128x128xf32, #tpu.memory_space<vmem>>
      %dma_start3A_1724 = arith.constant 0 : i32
      %dma_start3A_1725 = tpu.memref_slice %arg10[%dma_start3A_1718, %dma_start3A_1724] : memref<8x128xi32, #tpu.memory_space<vmem>> -> memref<1x128xi32, #tpu.memory_space<vmem>>
      %dma_start3A_1726 = tpu.memref_squeeze %dma_start3A_1725 : memref<1x128xi32, #tpu.memory_space<vmem>> -> memref<128xi32, #tpu.memory_space<vmem>>
      %dma_start3A_1727 = arith.constant 0 : i32
      %dma_start3A_1728 = arith.constant 0 : i32
      %dma_start3A_1729 = tpu.memref_slice %arg2[%dma_start3A_1727, %dma_start3A_1728] : memref<20480x128xf32, #tpu.memory_space<hbm>> -> memref<20480x128xf32, #tpu.memory_space<hbm>>
      tpu.enqueue_indirect_dma source(%dma_start3A_1729 : memref<20480x128xf32, #tpu.memory_space<hbm>>) target(%dma_start3A_1723 : memref<128x128xf32, #tpu.memory_space<vmem>>) offsets(%dma_start3A_1726 : memref<128xi32, #tpu.memory_space<vmem>>) semaphore(%arg14 : memref<!tpu.dma_semaphore, #tpu.memory_space<semaphore_mem>>)
      %dma_wait3A_1730 = arith.constant 6 : i32
      %dma_wait3A_1731 = arith.constant 0 : i32
      %dma_wait3A_1732 = arith.constant 0 : i32
      %dma_wait3A_1733 = arith.constant 0 : i32
      %dma_wait3A_1734 = tpu.memref_slice %arg12[%dma_wait3A_1731, %dma_wait3A_1732, %dma_wait3A_1733] : memref<2x128x128xf32, #tpu.memory_space<vmem>> -> memref<1x128x128xf32, #tpu.memory_space<vmem>>
      %dma_wait3A_1735 = tpu.memref_squeeze %dma_wait3A_1734 : memref<1x128x128xf32, #tpu.memory_space<vmem>> -> memref<128x128xf32, #tpu.memory_space<vmem>>
      %dma_wait3A_1736 = arith.constant 0 : i32
      %dma_wait3A_1737 = tpu.memref_slice %arg10[%dma_wait3A_1730, %dma_wait3A_1736] : memref<8x128xi32, #tpu.memory_space<vmem>> -> memref<1x128xi32, #tpu.memory_space<vmem>>
      %dma_wait3A_1738 = tpu.memref_squeeze %dma_wait3A_1737 : memref<1x128xi32, #tpu.memory_space<vmem>> -> memref<128xi32, #tpu.memory_space<vmem>>
      %dma_wait3A_1739 = arith.constant 0 : i32
      %dma_wait3A_1740 = arith.constant 0 : i32
      %dma_wait3A_1741 = tpu.memref_slice %arg2[%dma_wait3A_1739, %dma_wait3A_1740] : memref<20480x128xf32, #tpu.memory_space<hbm>> -> memref<20480x128xf32, #tpu.memory_space<hbm>>
      tpu.wait_indirect_dma semaphore(%arg13 : memref<!tpu.dma_semaphore, #tpu.memory_space<semaphore_mem>>) src(%dma_wait3A_1741 : memref<20480x128xf32, #tpu.memory_space<hbm>>) dst(%dma_wait3A_1735 : memref<128x128xf32, #tpu.memory_space<vmem>>)
      %run_scoped3A_1742 = arith.constant 0 : i32
      %run_scoped3A_1743 = arith.constant 6 : i32
      "tpu.region"() ({
        %run_scoped3A_1758 = tpu.sem_alloc : memref<!tpu.dma_semaphore, #tpu.memory_space<semaphore_mem>>
        %dma_start3A_1759 = arith.constant 0 : i32
        %dma_start3A_1760 = arith.constant 0 : i32
        %dma_start3A_1761 = tpu.memref_slice %arg12[%run_scoped3A_1742, %dma_start3A_1759, %dma_start3A_1760] : memref<2x128x128xf32, #tpu.memory_space<vmem>> -> memref<1x128x128xf32, #tpu.memory_space<vmem>>
        %dma_start3A_1762 = tpu.memref_squeeze %dma_start3A_1761 : memref<1x128x128xf32, #tpu.memory_space<vmem>> -> memref<128x128xf32, #tpu.memory_space<vmem>>
        %dma_start3A_1763 = arith.constant 0 : i32
        %dma_start3A_1764 = tpu.memref_slice %arg11[%run_scoped3A_1743, %dma_start3A_1763] : memref<8x128xi32, #tpu.memory_space<vmem>> -> memref<1x128xi32, #tpu.memory_space<vmem>>
        %dma_start3A_1765 = tpu.memref_squeeze %dma_start3A_1764 : memref<1x128xi32, #tpu.memory_space<vmem>> -> memref<128xi32, #tpu.memory_space<vmem>>
        %dma_start3A_1766 = arith.constant 0 : i32
        %dma_start3A_1767 = arith.constant 0 : i32
        %dma_start3A_1768 = tpu.memref_slice %arg7[%dma_start3A_1766, %dma_start3A_1767] : memref<10240x128xf32, #tpu.memory_space<vmem_shared>> -> memref<10240x128xf32, #tpu.memory_space<vmem_shared>>
        tpu.enqueue_indirect_dma source(%dma_start3A_1762 : memref<128x128xf32, #tpu.memory_space<vmem>>) target(%dma_start3A_1768 : memref<10240x128xf32, #tpu.memory_space<vmem_shared>>) offsets(%dma_start3A_1765 : memref<128xi32, #tpu.memory_space<vmem>>) semaphore(%run_scoped3A_1758 : memref<!tpu.dma_semaphore, #tpu.memory_space<semaphore_mem>>) {add = true}
        %dma_wait3A_1769 = arith.constant 0 : i32
        %dma_wait3A_1770 = arith.constant 0 : i32
        %dma_wait3A_1771 = tpu.memref_slice %arg12[%run_scoped3A_1742, %dma_wait3A_1769, %dma_wait3A_1770] : memref<2x128x128xf32, #tpu.memory_space<vmem>> -> memref<1x128x128xf32, #tpu.memory_space<vmem>>
        %dma_wait3A_1772 = tpu.memref_squeeze %dma_wait3A_1771 : memref<1x128x128xf32, #tpu.memory_space<vmem>> -> memref<128x128xf32, #tpu.memory_space<vmem>>
        %dma_wait3A_1773 = arith.constant 0 : i32
        %dma_wait3A_1774 = tpu.memref_slice %arg11[%run_scoped3A_1743, %dma_wait3A_1773] : memref<8x128xi32, #tpu.memory_space<vmem>> -> memref<1x128xi32, #tpu.memory_space<vmem>>
        %dma_wait3A_1775 = tpu.memref_squeeze %dma_wait3A_1774 : memref<1x128xi32, #tpu.memory_space<vmem>> -> memref<128xi32, #tpu.memory_space<vmem>>
        %dma_wait3A_1776 = arith.constant 0 : i32
        %dma_wait3A_1777 = arith.constant 0 : i32
        %dma_wait3A_1778 = tpu.memref_slice %arg7[%dma_wait3A_1776, %dma_wait3A_1777] : memref<10240x128xf32, #tpu.memory_space<vmem_shared>> -> memref<10240x128xf32, #tpu.memory_space<vmem_shared>>
        tpu.wait_indirect_dma semaphore(%run_scoped3A_1758 : memref<!tpu.dma_semaphore, #tpu.memory_space<semaphore_mem>>) src(%dma_wait3A_1772 : memref<128x128xf32, #tpu.memory_space<vmem>>) dst(%dma_wait3A_1778 : memref<10240x128xf32, #tpu.memory_space<vmem_shared>>)
        tpu.yield
      }) : () -> ()
      %dma_wait3A_1744 = arith.constant 7 : i32
      %dma_wait3A_1745 = arith.constant 1 : i32
      %dma_wait3A_1746 = arith.constant 0 : i32
      %dma_wait3A_1747 = arith.constant 0 : i32
      %dma_wait3A_1748 = tpu.memref_slice %arg12[%dma_wait3A_1745, %dma_wait3A_1746, %dma_wait3A_1747] : memref<2x128x128xf32, #tpu.memory_space<vmem>> -> memref<1x128x128xf32, #tpu.memory_space<vmem>>
      %dma_wait3A_1749 = tpu.memref_squeeze %dma_wait3A_1748 : memref<1x128x128xf32, #tpu.memory_space<vmem>> -> memref<128x128xf32, #tpu.memory_space<vmem>>
      %dma_wait3A_1750 = arith.constant 0 : i32
      %dma_wait3A_1751 = tpu.memref_slice %arg10[%dma_wait3A_1744, %dma_wait3A_1750] : memref<8x128xi32, #tpu.memory_space<vmem>> -> memref<1x128xi32, #tpu.memory_space<vmem>>
      %dma_wait3A_1752 = tpu.memref_squeeze %dma_wait3A_1751 : memref<1x128xi32, #tpu.memory_space<vmem>> -> memref<128xi32, #tpu.memory_space<vmem>>
      %dma_wait3A_1753 = arith.constant 0 : i32
      %dma_wait3A_1754 = arith.constant 0 : i32
      %dma_wait3A_1755 = tpu.memref_slice %arg2[%dma_wait3A_1753, %dma_wait3A_1754] : memref<20480x128xf32, #tpu.memory_space<hbm>> -> memref<20480x128xf32, #tpu.memory_space<hbm>>
      tpu.wait_indirect_dma semaphore(%arg14 : memref<!tpu.dma_semaphore, #tpu.memory_space<semaphore_mem>>) src(%dma_wait3A_1755 : memref<20480x128xf32, #tpu.memory_space<hbm>>) dst(%dma_wait3A_1749 : memref<128x128xf32, #tpu.memory_space<vmem>>)
      %run_scoped3A_1756 = arith.constant 1 : i32
      %run_scoped3A_1757 = arith.constant 7 : i32
      "tpu.region"() ({
        %run_scoped3A_1758 = tpu.sem_alloc : memref<!tpu.dma_semaphore, #tpu.memory_space<semaphore_mem>>
        %dma_start3A_1759 = arith.constant 0 : i32
        %dma_start3A_1760 = arith.constant 0 : i32
        %dma_start3A_1761 = tpu.memref_slice %arg12[%run_scoped3A_1756, %dma_start3A_1759, %dma_start3A_1760] : memref<2x128x128xf32, #tpu.memory_space<vmem>> -> memref<1x128x128xf32, #tpu.memory_space<vmem>>
        %dma_start3A_1762 = tpu.memref_squeeze %dma_start3A_1761 : memref<1x128x128xf32, #tpu.memory_space<vmem>> -> memref<128x128xf32, #tpu.memory_space<vmem>>
        %dma_start3A_1763 = arith.constant 0 : i32
        %dma_start3A_1764 = tpu.memref_slice %arg11[%run_scoped3A_1757, %dma_start3A_1763] : memref<8x128xi32, #tpu.memory_space<vmem>> -> memref<1x128xi32, #tpu.memory_space<vmem>>
        %dma_start3A_1765 = tpu.memref_squeeze %dma_start3A_1764 : memref<1x128xi32, #tpu.memory_space<vmem>> -> memref<128xi32, #tpu.memory_space<vmem>>
        %dma_start3A_1766 = arith.constant 0 : i32
        %dma_start3A_1767 = arith.constant 0 : i32
        %dma_start3A_1768 = tpu.memref_slice %arg7[%dma_start3A_1766, %dma_start3A_1767] : memref<10240x128xf32, #tpu.memory_space<vmem_shared>> -> memref<10240x128xf32, #tpu.memory_space<vmem_shared>>
        tpu.enqueue_indirect_dma source(%dma_start3A_1762 : memref<128x128xf32, #tpu.memory_space<vmem>>) target(%dma_start3A_1768 : memref<10240x128xf32, #tpu.memory_space<vmem_shared>>) offsets(%dma_start3A_1765 : memref<128xi32, #tpu.memory_space<vmem>>) semaphore(%run_scoped3A_1758 : memref<!tpu.dma_semaphore, #tpu.memory_space<semaphore_mem>>) {add = true}
        %dma_wait3A_1769 = arith.constant 0 : i32
        %dma_wait3A_1770 = arith.constant 0 : i32
        %dma_wait3A_1771 = tpu.memref_slice %arg12[%run_scoped3A_1756, %dma_wait3A_1769, %dma_wait3A_1770] : memref<2x128x128xf32, #tpu.memory_space<vmem>> -> memref<1x128x128xf32, #tpu.memory_space<vmem>>
        %dma_wait3A_1772 = tpu.memref_squeeze %dma_wait3A_1771 : memref<1x128x128xf32, #tpu.memory_space<vmem>> -> memref<128x128xf32, #tpu.memory_space<vmem>>
        %dma_wait3A_1773 = arith.constant 0 : i32
        %dma_wait3A_1774 = tpu.memref_slice %arg11[%run_scoped3A_1757, %dma_wait3A_1773] : memref<8x128xi32, #tpu.memory_space<vmem>> -> memref<1x128xi32, #tpu.memory_space<vmem>>
        %dma_wait3A_1775 = tpu.memref_squeeze %dma_wait3A_1774 : memref<1x128xi32, #tpu.memory_space<vmem>> -> memref<128xi32, #tpu.memory_space<vmem>>
        %dma_wait3A_1776 = arith.constant 0 : i32
        %dma_wait3A_1777 = arith.constant 0 : i32
        %dma_wait3A_1778 = tpu.memref_slice %arg7[%dma_wait3A_1776, %dma_wait3A_1777] : memref<10240x128xf32, #tpu.memory_space<vmem_shared>> -> memref<10240x128xf32, #tpu.memory_space<vmem_shared>>
        tpu.wait_indirect_dma semaphore(%run_scoped3A_1758 : memref<!tpu.dma_semaphore, #tpu.memory_space<semaphore_mem>>) src(%dma_wait3A_1772 : memref<128x128xf32, #tpu.memory_space<vmem>>) dst(%dma_wait3A_1778 : memref<10240x128xf32, #tpu.memory_space<vmem_shared>>)
        tpu.yield
      }) : () -> ()
    }
    %scan3A_11 = arith.constant 10 : i32
    %barrier3A_12 = arith.constant 0 : index
    tpu.barrier barrier_id(%barrier3A_12)
    "tpu.region"() ({
      %run_scoped3A = tpu.sem_alloc : memref<!tpu.dma_semaphore, #tpu.memory_space<semaphore_mem>>
      %dma_start3A = arith.constant 0 : i32
      %dma_start3A_13 = tpu.memref_slice %arg6[%arg0, %mul3A_0, %dma_start3A] : memref<2x10240x128xf32, #tpu.memory_space<hbm>> -> memref<1x640x128xf32, #tpu.memory_space<hbm>>
      %dma_start3A_14 = tpu.memref_squeeze %dma_start3A_13 : memref<1x640x128xf32, #tpu.memory_space<hbm>> -> memref<640x128xf32, #tpu.memory_space<hbm>>
      %dma_start3A_15 = arith.constant 0 : i32
      %dma_start3A_16 = tpu.memref_slice %arg7[%mul3A_0, %dma_start3A_15] : memref<10240x128xf32, #tpu.memory_space<vmem_shared>> -> memref<640x128xf32, #tpu.memory_space<vmem_shared>>
      tpu.enqueue_dma source(%dma_start3A_16 : memref<640x128xf32, #tpu.memory_space<vmem_shared>>) target(%dma_start3A_14 : memref<640x128xf32, #tpu.memory_space<hbm>>) target_semaphore(%run_scoped3A : memref<!tpu.dma_semaphore, #tpu.memory_space<semaphore_mem>>)
      %dma_wait3A = arith.constant 0 : i32
      %dma_wait3A_17 = tpu.memref_slice %arg6[%arg0, %mul3A_0, %dma_wait3A] : memref<2x10240x128xf32, #tpu.memory_space<hbm>> -> memref<1x640x128xf32, #tpu.memory_space<hbm>>
      %dma_wait3A_18 = tpu.memref_squeeze %dma_wait3A_17 : memref<1x640x128xf32, #tpu.memory_space<hbm>> -> memref<640x128xf32, #tpu.memory_space<hbm>>
      %dma_wait3A_19 = arith.constant 0 : i32
      %dma_wait3A_20 = tpu.memref_slice %arg7[%mul3A_0, %dma_wait3A_19] : memref<10240x128xf32, #tpu.memory_space<vmem_shared>> -> memref<640x128xf32, #tpu.memory_space<vmem_shared>>
      tpu.wait_dma2 semaphore(%run_scoped3A : memref<!tpu.dma_semaphore, #tpu.memory_space<semaphore_mem>>) src(%dma_wait3A_20 : memref<640x128xf32, #tpu.memory_space<vmem_shared>>) dst(%dma_wait3A_18 : memref<640x128xf32, #tpu.memory_space<hbm>>)
      tpu.yield
    }) : () -> ()
    return
  }
}

#map = affine_map<(d0, d1) -> (0, 0)>
#map1 = affine_map<(d0, d1) -> (0, 0, 0)>
module attributes {stable_mosaic.version = 14 : i64} {
  func.func @_agg_body(%arg0: i32, %arg1: i32, %arg2: memref<20480x128xf32, #tpu.memory_space<hbm>>, %arg3: memref<2560x128xf32, #tpu.memory_space<hbm>>, %arg4: memref<1280x128xf32, #tpu.memory_space<hbm>>, %arg5: memref<640x128xf32, #tpu.memory_space<hbm>>, %arg6: memref<2x10240x128xf32, #tpu.memory_space<hbm>>, %arg7: memref<10240x128xf32, #tpu.memory_space<vmem_shared>>, %arg8: memref<8x128xf32, #tpu.memory_space<vmem>>, %arg9: memref<8x128xf32, #tpu.memory_space<vmem>>, %arg10: memref<8x128xi32, #tpu.memory_space<vmem>>, %arg11: memref<8x128xi32, #tpu.memory_space<vmem>>, %arg12: memref<2x128x128xf32, #tpu.memory_space<vmem>>, %arg13: memref<!tpu.dma_semaphore, #tpu.memory_space<semaphore_mem>>, %arg14: memref<!tpu.dma_semaphore, #tpu.memory_space<semaphore_mem>>) attributes {dimension_semantics = [#tpu.dimension_semantics<core_parallel>, #tpu.dimension_semantics<subcore_parallel>], iteration_bounds = array<i64: 2, 16>, scalar_prefetch = 0 : i64, scratch_operands = 8 : i64, tpu.core_type = #tpu.core_type<sc_vector_subcore>, window_params = [{transform_indices = #map}, {transform_indices = #map}, {transform_indices = #map}, {transform_indices = #map}, {transform_indices = #map1}]} {
    %mul3A = arith.constant 640 : i32
    %mul3A_0 = arith.muli %arg1, %mul3A : i32
    "tpu.region"() ({
      %run_scoped3A = tpu.sem_alloc : memref<!tpu.dma_semaphore, #tpu.memory_space<semaphore_mem>>
      %dma_start3A = arith.constant 0 : i32
      %dma_start3A_13 = tpu.memref_slice %arg7[%mul3A_0, %dma_start3A] : memref<10240x128xf32, #tpu.memory_space<vmem_shared>> -> memref<640x128xf32, #tpu.memory_space<vmem_shared>>
      tpu.enqueue_dma source(%arg5 : memref<640x128xf32, #tpu.memory_space<hbm>>) target(%dma_start3A_13 : memref<640x128xf32, #tpu.memory_space<vmem_shared>>) target_semaphore(%run_scoped3A : memref<!tpu.dma_semaphore, #tpu.memory_space<semaphore_mem>>)
      %dma_wait3A = arith.constant 0 : i32
      %dma_wait3A_14 = tpu.memref_slice %arg7[%mul3A_0, %dma_wait3A] : memref<10240x128xf32, #tpu.memory_space<vmem_shared>> -> memref<640x128xf32, #tpu.memory_space<vmem_shared>>
      tpu.wait_dma2 semaphore(%run_scoped3A : memref<!tpu.dma_semaphore, #tpu.memory_space<semaphore_mem>>) src(%arg5 : memref<640x128xf32, #tpu.memory_space<hbm>>) dst(%dma_wait3A_14 : memref<640x128xf32, #tpu.memory_space<vmem_shared>>)
      tpu.yield
    }) : () -> ()
    %barrier3A = arith.constant 0 : index
    tpu.barrier barrier_id(%barrier3A)
    %mul3A_1 = arith.constant 16 : i32
    %mul3A_2 = arith.muli %arg0, %mul3A_1 : i32
    %add3A = arith.addi %mul3A_2, %arg1 : i32
    %mul3A_3 = arith.constant 80 : i32
    %mul3A_4 = arith.muli %add3A, %mul3A_3 : i32
    %mul3A_5 = arith.constant 80 : i32
    %mul3A_6 = arith.muli %arg1, %mul3A_5 : i32
    %scan3A = arith.constant 0 : i32
    %scan3A_7 = arith.constant 0 : i32
    %scan3A_8 = arith.constant 10 : i32
    %scan3A_9 = arith.addi %scan3A_7, %scan3A_8 : i32
    %scan3A_10 = arith.constant 1 : i32
    scf.for %scan3A_13 = %scan3A_7 to %scan3A_9 step %scan3A_10  : i32 {
      %mul3A_14 = arith.constant 8 : i32
      %mul3A_15 = arith.muli %scan3A_13, %mul3A_14 : i32
      %add3A_16 = arith.addi %mul3A_4, %mul3A_15 : i32
      "tpu.region"() ({
        %run_scoped3A_1758 = tpu.sem_alloc : memref<!tpu.dma_semaphore, #tpu.memory_space<semaphore_mem>>
        %dma_start3A_1759 = arith.constant 0 : i32
        %dma_start3A_1760 = tpu.memref_slice %arg3[%add3A_16, %dma_start3A_1759] : memref<2560x128xf32, #tpu.memory_space<hbm>> -> memref<8x128xf32, #tpu.memory_space<hbm>>
        %dma_start3A_1761 = arith.constant 0 : i32
        %dma_start3A_1762 = tpu.memref_slice %arg3[%add3A_16, %dma_start3A_1761] : memref<2560x128xf32, #tpu.memory_space<hbm>> -> memref<8x128xf32, #tpu.memory_space<hbm>>
        tpu.enqueue_dma source(%dma_start3A_1762 : memref<8x128xf32, #tpu.memory_space<hbm>>) target(%arg8 : memref<8x128xf32, #tpu.memory_space<vmem>>) target_semaphore(%run_scoped3A_1758 : memref<!tpu.dma_semaphore, #tpu.memory_space<semaphore_mem>>)
        %dma_wait3A_1763 = arith.constant 0 : i32
        %dma_wait3A_1764 = tpu.memref_slice %arg3[%add3A_16, %dma_wait3A_1763] : memref<2560x128xf32, #tpu.memory_space<hbm>> -> memref<8x128xf32, #tpu.memory_space<hbm>>
        %dma_wait3A_1765 = arith.constant 0 : i32
        %dma_wait3A_1766 = tpu.memref_slice %arg3[%add3A_16, %dma_wait3A_1765] : memref<2560x128xf32, #tpu.memory_space<hbm>> -> memref<8x128xf32, #tpu.memory_space<hbm>>
        tpu.wait_dma2 semaphore(%run_scoped3A_1758 : memref<!tpu.dma_semaphore, #tpu.memory_space<semaphore_mem>>) src(%dma_wait3A_1766 : memref<8x128xf32, #tpu.memory_space<hbm>>) dst(%arg8 : memref<8x128xf32, #tpu.memory_space<vmem>>)
        tpu.yield
      }) : () -> ()
      %mul3A_17 = arith.constant 8 : i32
      %mul3A_18 = arith.muli %scan3A_13, %mul3A_17 : i32
      %add3A_19 = arith.addi %mul3A_6, %mul3A_18 : i32
      "tpu.region"() ({
        %run_scoped3A_1758 = tpu.sem_alloc : memref<!tpu.dma_semaphore, #tpu.memory_space<semaphore_mem>>
        %dma_start3A_1759 = arith.constant 0 : i32
        %dma_start3A_1760 = tpu.memref_slice %arg4[%add3A_19, %dma_start3A_1759] : memref<1280x128xf32, #tpu.memory_space<hbm>> -> memref<8x128xf32, #tpu.memory_space<hbm>>
        %dma_start3A_1761 = arith.constant 0 : i32
        %dma_start3A_1762 = tpu.memref_slice %arg4[%add3A_19, %dma_start3A_1761] : memref<1280x128xf32, #tpu.memory_space<hbm>> -> memref<8x128xf32, #tpu.memory_space<hbm>>
        tpu.enqueue_dma source(%dma_start3A_1762 : memref<8x128xf32, #tpu.memory_space<hbm>>) target(%arg9 : memref<8x128xf32, #tpu.memory_space<vmem>>) target_semaphore(%run_scoped3A_1758 : memref<!tpu.dma_semaphore, #tpu.memory_space<semaphore_mem>>)
        %dma_wait3A_1763 = arith.constant 0 : i32
        %dma_wait3A_1764 = tpu.memref_slice %arg4[%add3A_19, %dma_wait3A_1763] : memref<1280x128xf32, #tpu.memory_space<hbm>> -> memref<8x128xf32, #tpu.memory_space<hbm>>
        %dma_wait3A_1765 = arith.constant 0 : i32
        %dma_wait3A_1766 = tpu.memref_slice %arg4[%add3A_19, %dma_wait3A_1765] : memref<1280x128xf32, #tpu.memory_space<hbm>> -> memref<8x128xf32, #tpu.memory_space<hbm>>
        tpu.wait_dma2 semaphore(%run_scoped3A_1758 : memref<!tpu.dma_semaphore, #tpu.memory_space<semaphore_mem>>) src(%dma_wait3A_1766 : memref<8x128xf32, #tpu.memory_space<hbm>>) dst(%arg9 : memref<8x128xf32, #tpu.memory_space<vmem>>)
        tpu.yield
      }) : () -> ()
      %get3A = arith.constant 0 : i32
      %get3A_20 = arith.index_cast %get3A : i32 to index
      %get3A_21 = arith.constant 0 : index
      %get3A_22 = tpu.vector_load %arg8[%get3A_20, %get3A_21] {strides = array<i32>} : memref<8x128xf32, #tpu.memory_space<vmem>>, vector<1x16xf32>,
      %get3A_23 = vector.shape_cast %get3A_22 : vector<1x16xf32> to vector<16xf32>
      %convert_element_type3A = arith.fptosi %get3A_23 : vector<16xf32> to vector<16xi32>
      %swap3A = arith.constant 0 : i32
      %swap3A_24 = arith.index_cast %swap3A : i32 to index
      %swap3A_25 = arith.constant 0 : index
      %swap3A_26 = tpu.vector_load %arg10[%swap3A_24, %swap3A_25] {strides = array<i32>} : memref<8x128xi32, #tpu.memory_space<vmem>>, vector<1x16xi32>,
      %swap3A_27 = vector.shape_cast %swap3A_26 : vector<1x16xi32> to vector<16xi32>
      %swap3A_28 = vector.shape_cast %convert_element_type3A : vector<16xi32> to vector<1x16xi32>
      tpu.vector_store %arg10[%swap3A_24, %swap3A_25], %swap3A_28 {strides = array<i32>} : memref<8x128xi32, #tpu.memory_space<vmem>>, vector<1x16xi32>,
      %get3A_29 = arith.constant 0 : i32
      %get3A_30 = arith.index_cast %get3A_29 : i32 to index
      %get3A_31 = arith.constant 0 : index
      %get3A_32 = tpu.vector_load %arg9[%get3A_30, %get3A_31] {strides = array<i32>} : memref<8x128xf32, #tpu.memory_space<vmem>>, vector<1x16xf32>,
      %get3A_33 = vector.shape_cast %get3A_32 : vector<1x16xf32> to vector<16xf32>
      %convert_element_type3A_34 = arith.fptosi %get3A_33 : vector<16xf32> to vector<16xi32>
      %swap3A_35 = arith.constant 0 : i32
      %swap3A_36 = arith.index_cast %swap3A_35 : i32 to index
      %swap3A_37 = arith.constant 0 : index
      %swap3A_38 = tpu.vector_load %arg11[%swap3A_36, %swap3A_37] {strides = array<i32>} : memref<8x128xi32, #tpu.memory_space<vmem>>, vector<1x16xi32>,
      %swap3A_39 = vector.shape_cast %swap3A_38 : vector<1x16xi32> to vector<16xi32>
      %swap3A_40 = vector.shape_cast %convert_element_type3A_34 : vector<16xi32> to vector<1x16xi32>
      tpu.vector_store %arg11[%swap3A_36, %swap3A_37], %swap3A_40 {strides = array<i32>} : memref<8x128xi32, #tpu.memory_space<vmem>>, vector<1x16xi32>,
      %get3A_41 = arith.constant 0 : i32
      %get3A_42 = arith.index_cast %get3A_41 : i32 to index
      %get3A_43 = arith.constant 16 : index
      %get3A_44 = tpu.vector_load %arg8[%get3A_42, %get3A_43] {strides = array<i32>} : memref<8x128xf32, #tpu.memory_space<vmem>>, vector<1x16xf32>,
      %get3A_45 = vector.shape_cast %get3A_44 : vector<1x16xf32> to vector<16xf32>
      %convert_element_type3A_46 = arith.fptosi %get3A_45 : vector<16xf32> to vector<16xi32>
      %swap3A_47 = arith.constant 0 : i32
      %swap3A_48 = arith.index_cast %swap3A_47 : i32 to index
      %swap3A_49 = arith.constant 16 : index
      %swap3A_50 = tpu.vector_load %arg10[%swap3A_48, %swap3A_49] {strides = array<i32>} : memref<8x128xi32, #tpu.memory_space<vmem>>, vector<1x16xi32>,
      %swap3A_51 = vector.shape_cast %swap3A_50 : vector<1x16xi32> to vector<16xi32>
      %swap3A_52 = vector.shape_cast %convert_element_type3A_46 : vector<16xi32> to vector<1x16xi32>
      tpu.vector_store %arg10[%swap3A_48, %swap3A_49], %swap3A_52 {strides = array<i32>} : memref<8x128xi32, #tpu.memory_space<vmem>>, vector<1x16xi32>,
      %get3A_53 = arith.constant 0 : i32
      %get3A_54 = arith.index_cast %get3A_53 : i32 to index
      %get3A_55 = arith.constant 16 : index
      %get3A_56 = tpu.vector_load %arg9[%get3A_54, %get3A_55] {strides = array<i32>} : memref<8x128xf32, #tpu.memory_space<vmem>>, vector<1x16xf32>,
      %get3A_57 = vector.shape_cast %get3A_56 : vector<1x16xf32> to vector<16xf32>
      %convert_element_type3A_58 = arith.fptosi %get3A_57 : vector<16xf32> to vector<16xi32>
      %swap3A_59 = arith.constant 0 : i32
      %swap3A_60 = arith.index_cast %swap3A_59 : i32 to index
      %swap3A_61 = arith.constant 16 : index
      %swap3A_62 = tpu.vector_load %arg11[%swap3A_60, %swap3A_61] {strides = array<i32>} : memref<8x128xi32, #tpu.memory_space<vmem>>, vector<1x16xi32>,
      %swap3A_63 = vector.shape_cast %swap3A_62 : vector<1x16xi32> to vector<16xi32>
      %swap3A_64 = vector.shape_cast %convert_element_type3A_58 : vector<16xi32> to vector<1x16xi32>
      tpu.vector_store %arg11[%swap3A_60, %swap3A_61], %swap3A_64 {strides = array<i32>} : memref<8x128xi32, #tpu.memory_space<vmem>>, vector<1x16xi32>,
      %get3A_65 = arith.constant 0 : i32
      %get3A_66 = arith.index_cast %get3A_65 : i32 to index
      %get3A_67 = arith.constant 32 : index
      %get3A_68 = tpu.vector_load %arg8[%get3A_66, %get3A_67] {strides = array<i32>} : memref<8x128xf32, #tpu.memory_space<vmem>>, vector<1x16xf32>,
      %get3A_69 = vector.shape_cast %get3A_68 : vector<1x16xf32> to vector<16xf32>
      %convert_element_type3A_70 = arith.fptosi %get3A_69 : vector<16xf32> to vector<16xi32>
      %swap3A_71 = arith.constant 0 : i32
      %swap3A_72 = arith.index_cast %swap3A_71 : i32 to index
      %swap3A_73 = arith.constant 32 : index
      %swap3A_74 = tpu.vector_load %arg10[%swap3A_72, %swap3A_73] {strides = array<i32>} : memref<8x128xi32, #tpu.memory_space<vmem>>, vector<1x16xi32>,
      %swap3A_75 = vector.shape_cast %swap3A_74 : vector<1x16xi32> to vector<16xi32>
      %swap3A_76 = vector.shape_cast %convert_element_type3A_70 : vector<16xi32> to vector<1x16xi32>
      tpu.vector_store %arg10[%swap3A_72, %swap3A_73], %swap3A_76 {strides = array<i32>} : memref<8x128xi32, #tpu.memory_space<vmem>>, vector<1x16xi32>,
      %get3A_77 = arith.constant 0 : i32
      %get3A_78 = arith.index_cast %get3A_77 : i32 to index
      %get3A_79 = arith.constant 32 : index
      %get3A_80 = tpu.vector_load %arg9[%get3A_78, %get3A_79] {strides = array<i32>} : memref<8x128xf32, #tpu.memory_space<vmem>>, vector<1x16xf32>,
      %get3A_81 = vector.shape_cast %get3A_80 : vector<1x16xf32> to vector<16xf32>
      %convert_element_type3A_82 = arith.fptosi %get3A_81 : vector<16xf32> to vector<16xi32>
      %swap3A_83 = arith.constant 0 : i32
      %swap3A_84 = arith.index_cast %swap3A_83 : i32 to index
      %swap3A_85 = arith.constant 32 : index
      %swap3A_86 = tpu.vector_load %arg11[%swap3A_84, %swap3A_85] {strides = array<i32>} : memref<8x128xi32, #tpu.memory_space<vmem>>, vector<1x16xi32>,
      %swap3A_87 = vector.shape_cast %swap3A_86 : vector<1x16xi32> to vector<16xi32>
      %swap3A_88 = vector.shape_cast %convert_element_type3A_82 : vector<16xi32> to vector<1x16xi32>
      tpu.vector_store %arg11[%swap3A_84, %swap3A_85], %swap3A_88 {strides = array<i32>} : memref<8x128xi32, #tpu.memory_space<vmem>>, vector<1x16xi32>,
      %get3A_89 = arith.constant 0 : i32
      %get3A_90 = arith.index_cast %get3A_89 : i32 to index
      %get3A_91 = arith.constant 48 : index
      %get3A_92 = tpu.vector_load %arg8[%get3A_90, %get3A_91] {strides = array<i32>} : memref<8x128xf32, #tpu.memory_space<vmem>>, vector<1x16xf32>,
      %get3A_93 = vector.shape_cast %get3A_92 : vector<1x16xf32> to vector<16xf32>
      %convert_element_type3A_94 = arith.fptosi %get3A_93 : vector<16xf32> to vector<16xi32>
      %swap3A_95 = arith.constant 0 : i32
      %swap3A_96 = arith.index_cast %swap3A_95 : i32 to index
      %swap3A_97 = arith.constant 48 : index
      %swap3A_98 = tpu.vector_load %arg10[%swap3A_96, %swap3A_97] {strides = array<i32>} : memref<8x128xi32, #tpu.memory_space<vmem>>, vector<1x16xi32>,
      %swap3A_99 = vector.shape_cast %swap3A_98 : vector<1x16xi32> to vector<16xi32>
      %swap3A_100 = vector.shape_cast %convert_element_type3A_94 : vector<16xi32> to vector<1x16xi32>
      tpu.vector_store %arg10[%swap3A_96, %swap3A_97], %swap3A_100 {strides = array<i32>} : memref<8x128xi32, #tpu.memory_space<vmem>>, vector<1x16xi32>,
      %get3A_101 = arith.constant 0 : i32
      %get3A_102 = arith.index_cast %get3A_101 : i32 to index
      %get3A_103 = arith.constant 48 : index
      %get3A_104 = tpu.vector_load %arg9[%get3A_102, %get3A_103] {strides = array<i32>} : memref<8x128xf32, #tpu.memory_space<vmem>>, vector<1x16xf32>,
      %get3A_105 = vector.shape_cast %get3A_104 : vector<1x16xf32> to vector<16xf32>
      %convert_element_type3A_106 = arith.fptosi %get3A_105 : vector<16xf32> to vector<16xi32>
      %swap3A_107 = arith.constant 0 : i32
      %swap3A_108 = arith.index_cast %swap3A_107 : i32 to index
      %swap3A_109 = arith.constant 48 : index
      %swap3A_110 = tpu.vector_load %arg11[%swap3A_108, %swap3A_109] {strides = array<i32>} : memref<8x128xi32, #tpu.memory_space<vmem>>, vector<1x16xi32>,
      %swap3A_111 = vector.shape_cast %swap3A_110 : vector<1x16xi32> to vector<16xi32>
      %swap3A_112 = vector.shape_cast %convert_element_type3A_106 : vector<16xi32> to vector<1x16xi32>
      tpu.vector_store %arg11[%swap3A_108, %swap3A_109], %swap3A_112 {strides = array<i32>} : memref<8x128xi32, #tpu.memory_space<vmem>>, vector<1x16xi32>,
      %get3A_113 = arith.constant 0 : i32
      %get3A_114 = arith.index_cast %get3A_113 : i32 to index
      %get3A_115 = arith.constant 64 : index
      %get3A_116 = tpu.vector_load %arg8[%get3A_114, %get3A_115] {strides = array<i32>} : memref<8x128xf32, #tpu.memory_space<vmem>>, vector<1x16xf32>,
      %get3A_117 = vector.shape_cast %get3A_116 : vector<1x16xf32> to vector<16xf32>
      %convert_element_type3A_118 = arith.fptosi %get3A_117 : vector<16xf32> to vector<16xi32>
      %swap3A_119 = arith.constant 0 : i32
      %swap3A_120 = arith.index_cast %swap3A_119 : i32 to index
      %swap3A_121 = arith.constant 64 : index
      %swap3A_122 = tpu.vector_load %arg10[%swap3A_120, %swap3A_121] {strides = array<i32>} : memref<8x128xi32, #tpu.memory_space<vmem>>, vector<1x16xi32>,
      %swap3A_123 = vector.shape_cast %swap3A_122 : vector<1x16xi32> to vector<16xi32>
      %swap3A_124 = vector.shape_cast %convert_element_type3A_118 : vector<16xi32> to vector<1x16xi32>
      tpu.vector_store %arg10[%swap3A_120, %swap3A_121], %swap3A_124 {strides = array<i32>} : memref<8x128xi32, #tpu.memory_space<vmem>>, vector<1x16xi32>,
      %get3A_125 = arith.constant 0 : i32
      %get3A_126 = arith.index_cast %get3A_125 : i32 to index
      %get3A_127 = arith.constant 64 : index
      %get3A_128 = tpu.vector_load %arg9[%get3A_126, %get3A_127] {strides = array<i32>} : memref<8x128xf32, #tpu.memory_space<vmem>>, vector<1x16xf32>,
      %get3A_129 = vector.shape_cast %get3A_128 : vector<1x16xf32> to vector<16xf32>
      %convert_element_type3A_130 = arith.fptosi %get3A_129 : vector<16xf32> to vector<16xi32>
      %swap3A_131 = arith.constant 0 : i32
      %swap3A_132 = arith.index_cast %swap3A_131 : i32 to index
      %swap3A_133 = arith.constant 64 : index
      %swap3A_134 = tpu.vector_load %arg11[%swap3A_132, %swap3A_133] {strides = array<i32>} : memref<8x128xi32, #tpu.memory_space<vmem>>, vector<1x16xi32>,
      %swap3A_135 = vector.shape_cast %swap3A_134 : vector<1x16xi32> to vector<16xi32>
      %swap3A_136 = vector.shape_cast %convert_element_type3A_130 : vector<16xi32> to vector<1x16xi32>
      tpu.vector_store %arg11[%swap3A_132, %swap3A_133], %swap3A_136 {strides = array<i32>} : memref<8x128xi32, #tpu.memory_space<vmem>>, vector<1x16xi32>,
      %get3A_137 = arith.constant 0 : i32
      %get3A_138 = arith.index_cast %get3A_137 : i32 to index
      %get3A_139 = arith.constant 80 : index
      %get3A_140 = tpu.vector_load %arg8[%get3A_138, %get3A_139] {strides = array<i32>} : memref<8x128xf32, #tpu.memory_space<vmem>>, vector<1x16xf32>,
      %get3A_141 = vector.shape_cast %get3A_140 : vector<1x16xf32> to vector<16xf32>
      %convert_element_type3A_142 = arith.fptosi %get3A_141 : vector<16xf32> to vector<16xi32>
      %swap3A_143 = arith.constant 0 : i32
      %swap3A_144 = arith.index_cast %swap3A_143 : i32 to index
      %swap3A_145 = arith.constant 80 : index
      %swap3A_146 = tpu.vector_load %arg10[%swap3A_144, %swap3A_145] {strides = array<i32>} : memref<8x128xi32, #tpu.memory_space<vmem>>, vector<1x16xi32>,
      %swap3A_147 = vector.shape_cast %swap3A_146 : vector<1x16xi32> to vector<16xi32>
      %swap3A_148 = vector.shape_cast %convert_element_type3A_142 : vector<16xi32> to vector<1x16xi32>
      tpu.vector_store %arg10[%swap3A_144, %swap3A_145], %swap3A_148 {strides = array<i32>} : memref<8x128xi32, #tpu.memory_space<vmem>>, vector<1x16xi32>,
      %get3A_149 = arith.constant 0 : i32
      %get3A_150 = arith.index_cast %get3A_149 : i32 to index
      %get3A_151 = arith.constant 80 : index
      %get3A_152 = tpu.vector_load %arg9[%get3A_150, %get3A_151] {strides = array<i32>} : memref<8x128xf32, #tpu.memory_space<vmem>>, vector<1x16xf32>,
      %get3A_153 = vector.shape_cast %get3A_152 : vector<1x16xf32> to vector<16xf32>
      %convert_element_type3A_154 = arith.fptosi %get3A_153 : vector<16xf32> to vector<16xi32>
      %swap3A_155 = arith.constant 0 : i32
      %swap3A_156 = arith.index_cast %swap3A_155 : i32 to index
      %swap3A_157 = arith.constant 80 : index
      %swap3A_158 = tpu.vector_load %arg11[%swap3A_156, %swap3A_157] {strides = array<i32>} : memref<8x128xi32, #tpu.memory_space<vmem>>, vector<1x16xi32>,
      %swap3A_159 = vector.shape_cast %swap3A_158 : vector<1x16xi32> to vector<16xi32>
      %swap3A_160 = vector.shape_cast %convert_element_type3A_154 : vector<16xi32> to vector<1x16xi32>
      tpu.vector_store %arg11[%swap3A_156, %swap3A_157], %swap3A_160 {strides = array<i32>} : memref<8x128xi32, #tpu.memory_space<vmem>>, vector<1x16xi32>,
      %get3A_161 = arith.constant 0 : i32
      %get3A_162 = arith.index_cast %get3A_161 : i32 to index
      %get3A_163 = arith.constant 96 : index
      %get3A_164 = tpu.vector_load %arg8[%get3A_162, %get3A_163] {strides = array<i32>} : memref<8x128xf32, #tpu.memory_space<vmem>>, vector<1x16xf32>,
      %get3A_165 = vector.shape_cast %get3A_164 : vector<1x16xf32> to vector<16xf32>
      %convert_element_type3A_166 = arith.fptosi %get3A_165 : vector<16xf32> to vector<16xi32>
      %swap3A_167 = arith.constant 0 : i32
      %swap3A_168 = arith.index_cast %swap3A_167 : i32 to index
      %swap3A_169 = arith.constant 96 : index
      %swap3A_170 = tpu.vector_load %arg10[%swap3A_168, %swap3A_169] {strides = array<i32>} : memref<8x128xi32, #tpu.memory_space<vmem>>, vector<1x16xi32>,
      %swap3A_171 = vector.shape_cast %swap3A_170 : vector<1x16xi32> to vector<16xi32>
      %swap3A_172 = vector.shape_cast %convert_element_type3A_166 : vector<16xi32> to vector<1x16xi32>
      tpu.vector_store %arg10[%swap3A_168, %swap3A_169], %swap3A_172 {strides = array<i32>} : memref<8x128xi32, #tpu.memory_space<vmem>>, vector<1x16xi32>,
      %get3A_173 = arith.constant 0 : i32
      %get3A_174 = arith.index_cast %get3A_173 : i32 to index
      %get3A_175 = arith.constant 96 : index
      %get3A_176 = tpu.vector_load %arg9[%get3A_174, %get3A_175] {strides = array<i32>} : memref<8x128xf32, #tpu.memory_space<vmem>>, vector<1x16xf32>,
      %get3A_177 = vector.shape_cast %get3A_176 : vector<1x16xf32> to vector<16xf32>
      %convert_element_type3A_178 = arith.fptosi %get3A_177 : vector<16xf32> to vector<16xi32>
      %swap3A_179 = arith.constant 0 : i32
      %swap3A_180 = arith.index_cast %swap3A_179 : i32 to index
      %swap3A_181 = arith.constant 96 : index
      %swap3A_182 = tpu.vector_load %arg11[%swap3A_180, %swap3A_181] {strides = array<i32>} : memref<8x128xi32, #tpu.memory_space<vmem>>, vector<1x16xi32>,
      %swap3A_183 = vector.shape_cast %swap3A_182 : vector<1x16xi32> to vector<16xi32>
      %swap3A_184 = vector.shape_cast %convert_element_type3A_178 : vector<16xi32> to vector<1x16xi32>
      tpu.vector_store %arg11[%swap3A_180, %swap3A_181], %swap3A_184 {strides = array<i32>} : memref<8x128xi32, #tpu.memory_space<vmem>>, vector<1x16xi32>,
      %get3A_185 = arith.constant 0 : i32
      %get3A_186 = arith.index_cast %get3A_185 : i32 to index
      %get3A_187 = arith.constant 112 : index
      %get3A_188 = tpu.vector_load %arg8[%get3A_186, %get3A_187] {strides = array<i32>} : memref<8x128xf32, #tpu.memory_space<vmem>>, vector<1x16xf32>,
      %get3A_189 = vector.shape_cast %get3A_188 : vector<1x16xf32> to vector<16xf32>
      %convert_element_type3A_190 = arith.fptosi %get3A_189 : vector<16xf32> to vector<16xi32>
      %swap3A_191 = arith.constant 0 : i32
      %swap3A_192 = arith.index_cast %swap3A_191 : i32 to index
      %swap3A_193 = arith.constant 112 : index
      %swap3A_194 = tpu.vector_load %arg10[%swap3A_192, %swap3A_193] {strides = array<i32>} : memref<8x128xi32, #tpu.memory_space<vmem>>, vector<1x16xi32>,
      %swap3A_195 = vector.shape_cast %swap3A_194 : vector<1x16xi32> to vector<16xi32>
      %swap3A_196 = vector.shape_cast %convert_element_type3A_190 : vector<16xi32> to vector<1x16xi32>
      tpu.vector_store %arg10[%swap3A_192, %swap3A_193], %swap3A_196 {strides = array<i32>} : memref<8x128xi32, #tpu.memory_space<vmem>>, vector<1x16xi32>,
      %get3A_197 = arith.constant 0 : i32
      %get3A_198 = arith.index_cast %get3A_197 : i32 to index
      %get3A_199 = arith.constant 112 : index
      %get3A_200 = tpu.vector_load %arg9[%get3A_198, %get3A_199] {strides = array<i32>} : memref<8x128xf32, #tpu.memory_space<vmem>>, vector<1x16xf32>,
      %get3A_201 = vector.shape_cast %get3A_200 : vector<1x16xf32> to vector<16xf32>
      %convert_element_type3A_202 = arith.fptosi %get3A_201 : vector<16xf32> to vector<16xi32>
      %swap3A_203 = arith.constant 0 : i32
      %swap3A_204 = arith.index_cast %swap3A_203 : i32 to index
      %swap3A_205 = arith.constant 112 : index
      %swap3A_206 = tpu.vector_load %arg11[%swap3A_204, %swap3A_205] {strides = array<i32>} : memref<8x128xi32, #tpu.memory_space<vmem>>, vector<1x16xi32>,
      %swap3A_207 = vector.shape_cast %swap3A_206 : vector<1x16xi32> to vector<16xi32>
      %swap3A_208 = vector.shape_cast %convert_element_type3A_202 : vector<16xi32> to vector<1x16xi32>
      tpu.vector_store %arg11[%swap3A_204, %swap3A_205], %swap3A_208 {strides = array<i32>} : memref<8x128xi32, #tpu.memory_space<vmem>>, vector<1x16xi32>,
      %get3A_209 = arith.constant 1 : i32
      %get3A_210 = arith.index_cast %get3A_209 : i32 to index
      %get3A_211 = arith.constant 0 : index
      %get3A_212 = tpu.vector_load %arg8[%get3A_210, %get3A_211] {strides = array<i32>} : memref<8x128xf32, #tpu.memory_space<vmem>>, vector<1x16xf32>,
      %get3A_213 = vector.shape_cast %get3A_212 : vector<1x16xf32> to vector<16xf32>
      %convert_element_type3A_214 = arith.fptosi %get3A_213 : vector<16xf32> to vector<16xi32>
      %swap3A_215 = arith.constant 1 : i32
      %swap3A_216 = arith.index_cast %swap3A_215 : i32 to index
      %swap3A_217 = arith.constant 0 : index
      %swap3A_218 = tpu.vector_load %arg10[%swap3A_216, %swap3A_217] {strides = array<i32>} : memref<8x128xi32, #tpu.memory_space<vmem>>, vector<1x16xi32>,
      %swap3A_219 = vector.shape_cast %swap3A_218 : vector<1x16xi32> to vector<16xi32>
      %swap3A_220 = vector.shape_cast %convert_element_type3A_214 : vector<16xi32> to vector<1x16xi32>
      tpu.vector_store %arg10[%swap3A_216, %swap3A_217], %swap3A_220 {strides = array<i32>} : memref<8x128xi32, #tpu.memory_space<vmem>>, vector<1x16xi32>,
      %get3A_221 = arith.constant 1 : i32
      %get3A_222 = arith.index_cast %get3A_221 : i32 to index
      %get3A_223 = arith.constant 0 : index
      %get3A_224 = tpu.vector_load %arg9[%get3A_222, %get3A_223] {strides = array<i32>} : memref<8x128xf32, #tpu.memory_space<vmem>>, vector<1x16xf32>,
      %get3A_225 = vector.shape_cast %get3A_224 : vector<1x16xf32> to vector<16xf32>
      %convert_element_type3A_226 = arith.fptosi %get3A_225 : vector<16xf32> to vector<16xi32>
      %swap3A_227 = arith.constant 1 : i32
      %swap3A_228 = arith.index_cast %swap3A_227 : i32 to index
      %swap3A_229 = arith.constant 0 : index
      %swap3A_230 = tpu.vector_load %arg11[%swap3A_228, %swap3A_229] {strides = array<i32>} : memref<8x128xi32, #tpu.memory_space<vmem>>, vector<1x16xi32>,
      %swap3A_231 = vector.shape_cast %swap3A_230 : vector<1x16xi32> to vector<16xi32>
      %swap3A_232 = vector.shape_cast %convert_element_type3A_226 : vector<16xi32> to vector<1x16xi32>
      tpu.vector_store %arg11[%swap3A_228, %swap3A_229], %swap3A_232 {strides = array<i32>} : memref<8x128xi32, #tpu.memory_space<vmem>>, vector<1x16xi32>,
      %get3A_233 = arith.constant 1 : i32
      %get3A_234 = arith.index_cast %get3A_233 : i32 to index
      %get3A_235 = arith.constant 16 : index
      %get3A_236 = tpu.vector_load %arg8[%get3A_234, %get3A_235] {strides = array<i32>} : memref<8x128xf32, #tpu.memory_space<vmem>>, vector<1x16xf32>,
      %get3A_237 = vector.shape_cast %get3A_236 : vector<1x16xf32> to vector<16xf32>
      %convert_element_type3A_238 = arith.fptosi %get3A_237 : vector<16xf32> to vector<16xi32>
      %swap3A_239 = arith.constant 1 : i32
      %swap3A_240 = arith.index_cast %swap3A_239 : i32 to index
      %swap3A_241 = arith.constant 16 : index
      %swap3A_242 = tpu.vector_load %arg10[%swap3A_240, %swap3A_241] {strides = array<i32>} : memref<8x128xi32, #tpu.memory_space<vmem>>, vector<1x16xi32>,
      %swap3A_243 = vector.shape_cast %swap3A_242 : vector<1x16xi32> to vector<16xi32>
      %swap3A_244 = vector.shape_cast %convert_element_type3A_238 : vector<16xi32> to vector<1x16xi32>
      tpu.vector_store %arg10[%swap3A_240, %swap3A_241], %swap3A_244 {strides = array<i32>} : memref<8x128xi32, #tpu.memory_space<vmem>>, vector<1x16xi32>,
      %get3A_245 = arith.constant 1 : i32
      %get3A_246 = arith.index_cast %get3A_245 : i32 to index
      %get3A_247 = arith.constant 16 : index
      %get3A_248 = tpu.vector_load %arg9[%get3A_246, %get3A_247] {strides = array<i32>} : memref<8x128xf32, #tpu.memory_space<vmem>>, vector<1x16xf32>,
      %get3A_249 = vector.shape_cast %get3A_248 : vector<1x16xf32> to vector<16xf32>
      %convert_element_type3A_250 = arith.fptosi %get3A_249 : vector<16xf32> to vector<16xi32>
      %swap3A_251 = arith.constant 1 : i32
      %swap3A_252 = arith.index_cast %swap3A_251 : i32 to index
      %swap3A_253 = arith.constant 16 : index
      %swap3A_254 = tpu.vector_load %arg11[%swap3A_252, %swap3A_253] {strides = array<i32>} : memref<8x128xi32, #tpu.memory_space<vmem>>, vector<1x16xi32>,
      %swap3A_255 = vector.shape_cast %swap3A_254 : vector<1x16xi32> to vector<16xi32>
      %swap3A_256 = vector.shape_cast %convert_element_type3A_250 : vector<16xi32> to vector<1x16xi32>
      tpu.vector_store %arg11[%swap3A_252, %swap3A_253], %swap3A_256 {strides = array<i32>} : memref<8x128xi32, #tpu.memory_space<vmem>>, vector<1x16xi32>,
      %get3A_257 = arith.constant 1 : i32
      %get3A_258 = arith.index_cast %get3A_257 : i32 to index
      %get3A_259 = arith.constant 32 : index
      %get3A_260 = tpu.vector_load %arg8[%get3A_258, %get3A_259] {strides = array<i32>} : memref<8x128xf32, #tpu.memory_space<vmem>>, vector<1x16xf32>,
      %get3A_261 = vector.shape_cast %get3A_260 : vector<1x16xf32> to vector<16xf32>
      %convert_element_type3A_262 = arith.fptosi %get3A_261 : vector<16xf32> to vector<16xi32>
      %swap3A_263 = arith.constant 1 : i32
      %swap3A_264 = arith.index_cast %swap3A_263 : i32 to index
      %swap3A_265 = arith.constant 32 : index
      %swap3A_266 = tpu.vector_load %arg10[%swap3A_264, %swap3A_265] {strides = array<i32>} : memref<8x128xi32, #tpu.memory_space<vmem>>, vector<1x16xi32>,
      %swap3A_267 = vector.shape_cast %swap3A_266 : vector<1x16xi32> to vector<16xi32>
      %swap3A_268 = vector.shape_cast %convert_element_type3A_262 : vector<16xi32> to vector<1x16xi32>
      tpu.vector_store %arg10[%swap3A_264, %swap3A_265], %swap3A_268 {strides = array<i32>} : memref<8x128xi32, #tpu.memory_space<vmem>>, vector<1x16xi32>,
      %get3A_269 = arith.constant 1 : i32
      %get3A_270 = arith.index_cast %get3A_269 : i32 to index
      %get3A_271 = arith.constant 32 : index
      %get3A_272 = tpu.vector_load %arg9[%get3A_270, %get3A_271] {strides = array<i32>} : memref<8x128xf32, #tpu.memory_space<vmem>>, vector<1x16xf32>,
      %get3A_273 = vector.shape_cast %get3A_272 : vector<1x16xf32> to vector<16xf32>
      %convert_element_type3A_274 = arith.fptosi %get3A_273 : vector<16xf32> to vector<16xi32>
      %swap3A_275 = arith.constant 1 : i32
      %swap3A_276 = arith.index_cast %swap3A_275 : i32 to index
      %swap3A_277 = arith.constant 32 : index
      %swap3A_278 = tpu.vector_load %arg11[%swap3A_276, %swap3A_277] {strides = array<i32>} : memref<8x128xi32, #tpu.memory_space<vmem>>, vector<1x16xi32>,
      %swap3A_279 = vector.shape_cast %swap3A_278 : vector<1x16xi32> to vector<16xi32>
      %swap3A_280 = vector.shape_cast %convert_element_type3A_274 : vector<16xi32> to vector<1x16xi32>
      tpu.vector_store %arg11[%swap3A_276, %swap3A_277], %swap3A_280 {strides = array<i32>} : memref<8x128xi32, #tpu.memory_space<vmem>>, vector<1x16xi32>,
      %get3A_281 = arith.constant 1 : i32
      %get3A_282 = arith.index_cast %get3A_281 : i32 to index
      %get3A_283 = arith.constant 48 : index
      %get3A_284 = tpu.vector_load %arg8[%get3A_282, %get3A_283] {strides = array<i32>} : memref<8x128xf32, #tpu.memory_space<vmem>>, vector<1x16xf32>,
      %get3A_285 = vector.shape_cast %get3A_284 : vector<1x16xf32> to vector<16xf32>
      %convert_element_type3A_286 = arith.fptosi %get3A_285 : vector<16xf32> to vector<16xi32>
      %swap3A_287 = arith.constant 1 : i32
      %swap3A_288 = arith.index_cast %swap3A_287 : i32 to index
      %swap3A_289 = arith.constant 48 : index
      %swap3A_290 = tpu.vector_load %arg10[%swap3A_288, %swap3A_289] {strides = array<i32>} : memref<8x128xi32, #tpu.memory_space<vmem>>, vector<1x16xi32>,
      %swap3A_291 = vector.shape_cast %swap3A_290 : vector<1x16xi32> to vector<16xi32>
      %swap3A_292 = vector.shape_cast %convert_element_type3A_286 : vector<16xi32> to vector<1x16xi32>
      tpu.vector_store %arg10[%swap3A_288, %swap3A_289], %swap3A_292 {strides = array<i32>} : memref<8x128xi32, #tpu.memory_space<vmem>>, vector<1x16xi32>,
      %get3A_293 = arith.constant 1 : i32
      %get3A_294 = arith.index_cast %get3A_293 : i32 to index
      %get3A_295 = arith.constant 48 : index
      %get3A_296 = tpu.vector_load %arg9[%get3A_294, %get3A_295] {strides = array<i32>} : memref<8x128xf32, #tpu.memory_space<vmem>>, vector<1x16xf32>,
      %get3A_297 = vector.shape_cast %get3A_296 : vector<1x16xf32> to vector<16xf32>
      %convert_element_type3A_298 = arith.fptosi %get3A_297 : vector<16xf32> to vector<16xi32>
      %swap3A_299 = arith.constant 1 : i32
      %swap3A_300 = arith.index_cast %swap3A_299 : i32 to index
      %swap3A_301 = arith.constant 48 : index
      %swap3A_302 = tpu.vector_load %arg11[%swap3A_300, %swap3A_301] {strides = array<i32>} : memref<8x128xi32, #tpu.memory_space<vmem>>, vector<1x16xi32>,
      %swap3A_303 = vector.shape_cast %swap3A_302 : vector<1x16xi32> to vector<16xi32>
      %swap3A_304 = vector.shape_cast %convert_element_type3A_298 : vector<16xi32> to vector<1x16xi32>
      tpu.vector_store %arg11[%swap3A_300, %swap3A_301], %swap3A_304 {strides = array<i32>} : memref<8x128xi32, #tpu.memory_space<vmem>>, vector<1x16xi32>,
      %get3A_305 = arith.constant 1 : i32
      %get3A_306 = arith.index_cast %get3A_305 : i32 to index
      %get3A_307 = arith.constant 64 : index
      %get3A_308 = tpu.vector_load %arg8[%get3A_306, %get3A_307] {strides = array<i32>} : memref<8x128xf32, #tpu.memory_space<vmem>>, vector<1x16xf32>,
      %get3A_309 = vector.shape_cast %get3A_308 : vector<1x16xf32> to vector<16xf32>
      %convert_element_type3A_310 = arith.fptosi %get3A_309 : vector<16xf32> to vector<16xi32>
      %swap3A_311 = arith.constant 1 : i32
      %swap3A_312 = arith.index_cast %swap3A_311 : i32 to index
      %swap3A_313 = arith.constant 64 : index
      %swap3A_314 = tpu.vector_load %arg10[%swap3A_312, %swap3A_313] {strides = array<i32>} : memref<8x128xi32, #tpu.memory_space<vmem>>, vector<1x16xi32>,
      %swap3A_315 = vector.shape_cast %swap3A_314 : vector<1x16xi32> to vector<16xi32>
      %swap3A_316 = vector.shape_cast %convert_element_type3A_310 : vector<16xi32> to vector<1x16xi32>
      tpu.vector_store %arg10[%swap3A_312, %swap3A_313], %swap3A_316 {strides = array<i32>} : memref<8x128xi32, #tpu.memory_space<vmem>>, vector<1x16xi32>,
      %get3A_317 = arith.constant 1 : i32
      %get3A_318 = arith.index_cast %get3A_317 : i32 to index
      %get3A_319 = arith.constant 64 : index
      %get3A_320 = tpu.vector_load %arg9[%get3A_318, %get3A_319] {strides = array<i32>} : memref<8x128xf32, #tpu.memory_space<vmem>>, vector<1x16xf32>,
      %get3A_321 = vector.shape_cast %get3A_320 : vector<1x16xf32> to vector<16xf32>
      %convert_element_type3A_322 = arith.fptosi %get3A_321 : vector<16xf32> to vector<16xi32>
      %swap3A_323 = arith.constant 1 : i32
      %swap3A_324 = arith.index_cast %swap3A_323 : i32 to index
      %swap3A_325 = arith.constant 64 : index
      %swap3A_326 = tpu.vector_load %arg11[%swap3A_324, %swap3A_325] {strides = array<i32>} : memref<8x128xi32, #tpu.memory_space<vmem>>, vector<1x16xi32>,
      %swap3A_327 = vector.shape_cast %swap3A_326 : vector<1x16xi32> to vector<16xi32>
      %swap3A_328 = vector.shape_cast %convert_element_type3A_322 : vector<16xi32> to vector<1x16xi32>
      tpu.vector_store %arg11[%swap3A_324, %swap3A_325], %swap3A_328 {strides = array<i32>} : memref<8x128xi32, #tpu.memory_space<vmem>>, vector<1x16xi32>,
      %get3A_329 = arith.constant 1 : i32
      %get3A_330 = arith.index_cast %get3A_329 : i32 to index
      %get3A_331 = arith.constant 80 : index
      %get3A_332 = tpu.vector_load %arg8[%get3A_330, %get3A_331] {strides = array<i32>} : memref<8x128xf32, #tpu.memory_space<vmem>>, vector<1x16xf32>,
      %get3A_333 = vector.shape_cast %get3A_332 : vector<1x16xf32> to vector<16xf32>
      %convert_element_type3A_334 = arith.fptosi %get3A_333 : vector<16xf32> to vector<16xi32>
      %swap3A_335 = arith.constant 1 : i32
      %swap3A_336 = arith.index_cast %swap3A_335 : i32 to index
      %swap3A_337 = arith.constant 80 : index
      %swap3A_338 = tpu.vector_load %arg10[%swap3A_336, %swap3A_337] {strides = array<i32>} : memref<8x128xi32, #tpu.memory_space<vmem>>, vector<1x16xi32>,
      %swap3A_339 = vector.shape_cast %swap3A_338 : vector<1x16xi32> to vector<16xi32>
      %swap3A_340 = vector.shape_cast %convert_element_type3A_334 : vector<16xi32> to vector<1x16xi32>
      tpu.vector_store %arg10[%swap3A_336, %swap3A_337], %swap3A_340 {strides = array<i32>} : memref<8x128xi32, #tpu.memory_space<vmem>>, vector<1x16xi32>,
      %get3A_341 = arith.constant 1 : i32
      %get3A_342 = arith.index_cast %get3A_341 : i32 to index
      %get3A_343 = arith.constant 80 : index
      %get3A_344 = tpu.vector_load %arg9[%get3A_342, %get3A_343] {strides = array<i32>} : memref<8x128xf32, #tpu.memory_space<vmem>>, vector<1x16xf32>,
      %get3A_345 = vector.shape_cast %get3A_344 : vector<1x16xf32> to vector<16xf32>
      %convert_element_type3A_346 = arith.fptosi %get3A_345 : vector<16xf32> to vector<16xi32>
      %swap3A_347 = arith.constant 1 : i32
      %swap3A_348 = arith.index_cast %swap3A_347 : i32 to index
      %swap3A_349 = arith.constant 80 : index
      %swap3A_350 = tpu.vector_load %arg11[%swap3A_348, %swap3A_349] {strides = array<i32>} : memref<8x128xi32, #tpu.memory_space<vmem>>, vector<1x16xi32>,
      %swap3A_351 = vector.shape_cast %swap3A_350 : vector<1x16xi32> to vector<16xi32>
      %swap3A_352 = vector.shape_cast %convert_element_type3A_346 : vector<16xi32> to vector<1x16xi32>
      tpu.vector_store %arg11[%swap3A_348, %swap3A_349], %swap3A_352 {strides = array<i32>} : memref<8x128xi32, #tpu.memory_space<vmem>>, vector<1x16xi32>,
      %get3A_353 = arith.constant 1 : i32
      %get3A_354 = arith.index_cast %get3A_353 : i32 to index
      %get3A_355 = arith.constant 96 : index
      %get3A_356 = tpu.vector_load %arg8[%get3A_354, %get3A_355] {strides = array<i32>} : memref<8x128xf32, #tpu.memory_space<vmem>>, vector<1x16xf32>,
      %get3A_357 = vector.shape_cast %get3A_356 : vector<1x16xf32> to vector<16xf32>
      %convert_element_type3A_358 = arith.fptosi %get3A_357 : vector<16xf32> to vector<16xi32>
      %swap3A_359 = arith.constant 1 : i32
      %swap3A_360 = arith.index_cast %swap3A_359 : i32 to index
      %swap3A_361 = arith.constant 96 : index
      %swap3A_362 = tpu.vector_load %arg10[%swap3A_360, %swap3A_361] {strides = array<i32>} : memref<8x128xi32, #tpu.memory_space<vmem>>, vector<1x16xi32>,
      %swap3A_363 = vector.shape_cast %swap3A_362 : vector<1x16xi32> to vector<16xi32>
      %swap3A_364 = vector.shape_cast %convert_element_type3A_358 : vector<16xi32> to vector<1x16xi32>
      tpu.vector_store %arg10[%swap3A_360, %swap3A_361], %swap3A_364 {strides = array<i32>} : memref<8x128xi32, #tpu.memory_space<vmem>>, vector<1x16xi32>,
      %get3A_365 = arith.constant 1 : i32
      %get3A_366 = arith.index_cast %get3A_365 : i32 to index
      %get3A_367 = arith.constant 96 : index
      %get3A_368 = tpu.vector_load %arg9[%get3A_366, %get3A_367] {strides = array<i32>} : memref<8x128xf32, #tpu.memory_space<vmem>>, vector<1x16xf32>,
      %get3A_369 = vector.shape_cast %get3A_368 : vector<1x16xf32> to vector<16xf32>
      %convert_element_type3A_370 = arith.fptosi %get3A_369 : vector<16xf32> to vector<16xi32>
      %swap3A_371 = arith.constant 1 : i32
      %swap3A_372 = arith.index_cast %swap3A_371 : i32 to index
      %swap3A_373 = arith.constant 96 : index
      %swap3A_374 = tpu.vector_load %arg11[%swap3A_372, %swap3A_373] {strides = array<i32>} : memref<8x128xi32, #tpu.memory_space<vmem>>, vector<1x16xi32>,
      %swap3A_375 = vector.shape_cast %swap3A_374 : vector<1x16xi32> to vector<16xi32>
      %swap3A_376 = vector.shape_cast %convert_element_type3A_370 : vector<16xi32> to vector<1x16xi32>
      tpu.vector_store %arg11[%swap3A_372, %swap3A_373], %swap3A_376 {strides = array<i32>} : memref<8x128xi32, #tpu.memory_space<vmem>>, vector<1x16xi32>,
      %get3A_377 = arith.constant 1 : i32
      %get3A_378 = arith.index_cast %get3A_377 : i32 to index
      %get3A_379 = arith.constant 112 : index
      %get3A_380 = tpu.vector_load %arg8[%get3A_378, %get3A_379] {strides = array<i32>} : memref<8x128xf32, #tpu.memory_space<vmem>>, vector<1x16xf32>,
      %get3A_381 = vector.shape_cast %get3A_380 : vector<1x16xf32> to vector<16xf32>
      %convert_element_type3A_382 = arith.fptosi %get3A_381 : vector<16xf32> to vector<16xi32>
      %swap3A_383 = arith.constant 1 : i32
      %swap3A_384 = arith.index_cast %swap3A_383 : i32 to index
      %swap3A_385 = arith.constant 112 : index
      %swap3A_386 = tpu.vector_load %arg10[%swap3A_384, %swap3A_385] {strides = array<i32>} : memref<8x128xi32, #tpu.memory_space<vmem>>, vector<1x16xi32>,
      %swap3A_387 = vector.shape_cast %swap3A_386 : vector<1x16xi32> to vector<16xi32>
      %swap3A_388 = vector.shape_cast %convert_element_type3A_382 : vector<16xi32> to vector<1x16xi32>
      tpu.vector_store %arg10[%swap3A_384, %swap3A_385], %swap3A_388 {strides = array<i32>} : memref<8x128xi32, #tpu.memory_space<vmem>>, vector<1x16xi32>,
      %get3A_389 = arith.constant 1 : i32
      %get3A_390 = arith.index_cast %get3A_389 : i32 to index
      %get3A_391 = arith.constant 112 : index
      %get3A_392 = tpu.vector_load %arg9[%get3A_390, %get3A_391] {strides = array<i32>} : memref<8x128xf32, #tpu.memory_space<vmem>>, vector<1x16xf32>,
      %get3A_393 = vector.shape_cast %get3A_392 : vector<1x16xf32> to vector<16xf32>
      %convert_element_type3A_394 = arith.fptosi %get3A_393 : vector<16xf32> to vector<16xi32>
      %swap3A_395 = arith.constant 1 : i32
      %swap3A_396 = arith.index_cast %swap3A_395 : i32 to index
      %swap3A_397 = arith.constant 112 : index
      %swap3A_398 = tpu.vector_load %arg11[%swap3A_396, %swap3A_397] {strides = array<i32>} : memref<8x128xi32, #tpu.memory_space<vmem>>, vector<1x16xi32>,
      %swap3A_399 = vector.shape_cast %swap3A_398 : vector<1x16xi32> to vector<16xi32>
      %swap3A_400 = vector.shape_cast %convert_element_type3A_394 : vector<16xi32> to vector<1x16xi32>
      tpu.vector_store %arg11[%swap3A_396, %swap3A_397], %swap3A_400 {strides = array<i32>} : memref<8x128xi32, #tpu.memory_space<vmem>>, vector<1x16xi32>,
      %get3A_401 = arith.constant 2 : i32
      %get3A_402 = arith.index_cast %get3A_401 : i32 to index
      %get3A_403 = arith.constant 0 : index
      %get3A_404 = tpu.vector_load %arg8[%get3A_402, %get3A_403] {strides = array<i32>} : memref<8x128xf32, #tpu.memory_space<vmem>>, vector<1x16xf32>,
      %get3A_405 = vector.shape_cast %get3A_404 : vector<1x16xf32> to vector<16xf32>
      %convert_element_type3A_406 = arith.fptosi %get3A_405 : vector<16xf32> to vector<16xi32>
      %swap3A_407 = arith.constant 2 : i32
      %swap3A_408 = arith.index_cast %swap3A_407 : i32 to index
      %swap3A_409 = arith.constant 0 : index
      %swap3A_410 = tpu.vector_load %arg10[%swap3A_408, %swap3A_409] {strides = array<i32>} : memref<8x128xi32, #tpu.memory_space<vmem>>, vector<1x16xi32>,
      %swap3A_411 = vector.shape_cast %swap3A_410 : vector<1x16xi32> to vector<16xi32>
      %swap3A_412 = vector.shape_cast %convert_element_type3A_406 : vector<16xi32> to vector<1x16xi32>
      tpu.vector_store %arg10[%swap3A_408, %swap3A_409], %swap3A_412 {strides = array<i32>} : memref<8x128xi32, #tpu.memory_space<vmem>>, vector<1x16xi32>,
      %get3A_413 = arith.constant 2 : i32
      %get3A_414 = arith.index_cast %get3A_413 : i32 to index
      %get3A_415 = arith.constant 0 : index
      %get3A_416 = tpu.vector_load %arg9[%get3A_414, %get3A_415] {strides = array<i32>} : memref<8x128xf32, #tpu.memory_space<vmem>>, vector<1x16xf32>,
      %get3A_417 = vector.shape_cast %get3A_416 : vector<1x16xf32> to vector<16xf32>
      %convert_element_type3A_418 = arith.fptosi %get3A_417 : vector<16xf32> to vector<16xi32>
      %swap3A_419 = arith.constant 2 : i32
      %swap3A_420 = arith.index_cast %swap3A_419 : i32 to index
      %swap3A_421 = arith.constant 0 : index
      %swap3A_422 = tpu.vector_load %arg11[%swap3A_420, %swap3A_421] {strides = array<i32>} : memref<8x128xi32, #tpu.memory_space<vmem>>, vector<1x16xi32>,
      %swap3A_423 = vector.shape_cast %swap3A_422 : vector<1x16xi32> to vector<16xi32>
      %swap3A_424 = vector.shape_cast %convert_element_type3A_418 : vector<16xi32> to vector<1x16xi32>
      tpu.vector_store %arg11[%swap3A_420, %swap3A_421], %swap3A_424 {strides = array<i32>} : memref<8x128xi32, #tpu.memory_space<vmem>>, vector<1x16xi32>,
      %get3A_425 = arith.constant 2 : i32
      %get3A_426 = arith.index_cast %get3A_425 : i32 to index
      %get3A_427 = arith.constant 16 : index
      %get3A_428 = tpu.vector_load %arg8[%get3A_426, %get3A_427] {strides = array<i32>} : memref<8x128xf32, #tpu.memory_space<vmem>>, vector<1x16xf32>,
      %get3A_429 = vector.shape_cast %get3A_428 : vector<1x16xf32> to vector<16xf32>
      %convert_element_type3A_430 = arith.fptosi %get3A_429 : vector<16xf32> to vector<16xi32>
      %swap3A_431 = arith.constant 2 : i32
      %swap3A_432 = arith.index_cast %swap3A_431 : i32 to index
      %swap3A_433 = arith.constant 16 : index
      %swap3A_434 = tpu.vector_load %arg10[%swap3A_432, %swap3A_433] {strides = array<i32>} : memref<8x128xi32, #tpu.memory_space<vmem>>, vector<1x16xi32>,
      %swap3A_435 = vector.shape_cast %swap3A_434 : vector<1x16xi32> to vector<16xi32>
      %swap3A_436 = vector.shape_cast %convert_element_type3A_430 : vector<16xi32> to vector<1x16xi32>
      tpu.vector_store %arg10[%swap3A_432, %swap3A_433], %swap3A_436 {strides = array<i32>} : memref<8x128xi32, #tpu.memory_space<vmem>>, vector<1x16xi32>,
      %get3A_437 = arith.constant 2 : i32
      %get3A_438 = arith.index_cast %get3A_437 : i32 to index
      %get3A_439 = arith.constant 16 : index
      %get3A_440 = tpu.vector_load %arg9[%get3A_438, %get3A_439] {strides = array<i32>} : memref<8x128xf32, #tpu.memory_space<vmem>>, vector<1x16xf32>,
      %get3A_441 = vector.shape_cast %get3A_440 : vector<1x16xf32> to vector<16xf32>
      %convert_element_type3A_442 = arith.fptosi %get3A_441 : vector<16xf32> to vector<16xi32>
      %swap3A_443 = arith.constant 2 : i32
      %swap3A_444 = arith.index_cast %swap3A_443 : i32 to index
      %swap3A_445 = arith.constant 16 : index
      %swap3A_446 = tpu.vector_load %arg11[%swap3A_444, %swap3A_445] {strides = array<i32>} : memref<8x128xi32, #tpu.memory_space<vmem>>, vector<1x16xi32>,
      %swap3A_447 = vector.shape_cast %swap3A_446 : vector<1x16xi32> to vector<16xi32>
      %swap3A_448 = vector.shape_cast %convert_element_type3A_442 : vector<16xi32> to vector<1x16xi32>
      tpu.vector_store %arg11[%swap3A_444, %swap3A_445], %swap3A_448 {strides = array<i32>} : memref<8x128xi32, #tpu.memory_space<vmem>>, vector<1x16xi32>,
      %get3A_449 = arith.constant 2 : i32
      %get3A_450 = arith.index_cast %get3A_449 : i32 to index
      %get3A_451 = arith.constant 32 : index
      %get3A_452 = tpu.vector_load %arg8[%get3A_450, %get3A_451] {strides = array<i32>} : memref<8x128xf32, #tpu.memory_space<vmem>>, vector<1x16xf32>,
      %get3A_453 = vector.shape_cast %get3A_452 : vector<1x16xf32> to vector<16xf32>
      %convert_element_type3A_454 = arith.fptosi %get3A_453 : vector<16xf32> to vector<16xi32>
      %swap3A_455 = arith.constant 2 : i32
      %swap3A_456 = arith.index_cast %swap3A_455 : i32 to index
      %swap3A_457 = arith.constant 32 : index
      %swap3A_458 = tpu.vector_load %arg10[%swap3A_456, %swap3A_457] {strides = array<i32>} : memref<8x128xi32, #tpu.memory_space<vmem>>, vector<1x16xi32>,
      %swap3A_459 = vector.shape_cast %swap3A_458 : vector<1x16xi32> to vector<16xi32>
      %swap3A_460 = vector.shape_cast %convert_element_type3A_454 : vector<16xi32> to vector<1x16xi32>
      tpu.vector_store %arg10[%swap3A_456, %swap3A_457], %swap3A_460 {strides = array<i32>} : memref<8x128xi32, #tpu.memory_space<vmem>>, vector<1x16xi32>,
      %get3A_461 = arith.constant 2 : i32
      %get3A_462 = arith.index_cast %get3A_461 : i32 to index
      %get3A_463 = arith.constant 32 : index
      %get3A_464 = tpu.vector_load %arg9[%get3A_462, %get3A_463] {strides = array<i32>} : memref<8x128xf32, #tpu.memory_space<vmem>>, vector<1x16xf32>,
      %get3A_465 = vector.shape_cast %get3A_464 : vector<1x16xf32> to vector<16xf32>
      %convert_element_type3A_466 = arith.fptosi %get3A_465 : vector<16xf32> to vector<16xi32>
      %swap3A_467 = arith.constant 2 : i32
      %swap3A_468 = arith.index_cast %swap3A_467 : i32 to index
      %swap3A_469 = arith.constant 32 : index
      %swap3A_470 = tpu.vector_load %arg11[%swap3A_468, %swap3A_469] {strides = array<i32>} : memref<8x128xi32, #tpu.memory_space<vmem>>, vector<1x16xi32>,
      %swap3A_471 = vector.shape_cast %swap3A_470 : vector<1x16xi32> to vector<16xi32>
      %swap3A_472 = vector.shape_cast %convert_element_type3A_466 : vector<16xi32> to vector<1x16xi32>
      tpu.vector_store %arg11[%swap3A_468, %swap3A_469], %swap3A_472 {strides = array<i32>} : memref<8x128xi32, #tpu.memory_space<vmem>>, vector<1x16xi32>,
      %get3A_473 = arith.constant 2 : i32
      %get3A_474 = arith.index_cast %get3A_473 : i32 to index
      %get3A_475 = arith.constant 48 : index
      %get3A_476 = tpu.vector_load %arg8[%get3A_474, %get3A_475] {strides = array<i32>} : memref<8x128xf32, #tpu.memory_space<vmem>>, vector<1x16xf32>,
      %get3A_477 = vector.shape_cast %get3A_476 : vector<1x16xf32> to vector<16xf32>
      %convert_element_type3A_478 = arith.fptosi %get3A_477 : vector<16xf32> to vector<16xi32>
      %swap3A_479 = arith.constant 2 : i32
      %swap3A_480 = arith.index_cast %swap3A_479 : i32 to index
      %swap3A_481 = arith.constant 48 : index
      %swap3A_482 = tpu.vector_load %arg10[%swap3A_480, %swap3A_481] {strides = array<i32>} : memref<8x128xi32, #tpu.memory_space<vmem>>, vector<1x16xi32>,
      %swap3A_483 = vector.shape_cast %swap3A_482 : vector<1x16xi32> to vector<16xi32>
      %swap3A_484 = vector.shape_cast %convert_element_type3A_478 : vector<16xi32> to vector<1x16xi32>
      tpu.vector_store %arg10[%swap3A_480, %swap3A_481], %swap3A_484 {strides = array<i32>} : memref<8x128xi32, #tpu.memory_space<vmem>>, vector<1x16xi32>,
      %get3A_485 = arith.constant 2 : i32
      %get3A_486 = arith.index_cast %get3A_485 : i32 to index
      %get3A_487 = arith.constant 48 : index
      %get3A_488 = tpu.vector_load %arg9[%get3A_486, %get3A_487] {strides = array<i32>} : memref<8x128xf32, #tpu.memory_space<vmem>>, vector<1x16xf32>,
      %get3A_489 = vector.shape_cast %get3A_488 : vector<1x16xf32> to vector<16xf32>
      %convert_element_type3A_490 = arith.fptosi %get3A_489 : vector<16xf32> to vector<16xi32>
      %swap3A_491 = arith.constant 2 : i32
      %swap3A_492 = arith.index_cast %swap3A_491 : i32 to index
      %swap3A_493 = arith.constant 48 : index
      %swap3A_494 = tpu.vector_load %arg11[%swap3A_492, %swap3A_493] {strides = array<i32>} : memref<8x128xi32, #tpu.memory_space<vmem>>, vector<1x16xi32>,
      %swap3A_495 = vector.shape_cast %swap3A_494 : vector<1x16xi32> to vector<16xi32>
      %swap3A_496 = vector.shape_cast %convert_element_type3A_490 : vector<16xi32> to vector<1x16xi32>
      tpu.vector_store %arg11[%swap3A_492, %swap3A_493], %swap3A_496 {strides = array<i32>} : memref<8x128xi32, #tpu.memory_space<vmem>>, vector<1x16xi32>,
      %get3A_497 = arith.constant 2 : i32
      %get3A_498 = arith.index_cast %get3A_497 : i32 to index
      %get3A_499 = arith.constant 64 : index
      %get3A_500 = tpu.vector_load %arg8[%get3A_498, %get3A_499] {strides = array<i32>} : memref<8x128xf32, #tpu.memory_space<vmem>>, vector<1x16xf32>,
      %get3A_501 = vector.shape_cast %get3A_500 : vector<1x16xf32> to vector<16xf32>
      %convert_element_type3A_502 = arith.fptosi %get3A_501 : vector<16xf32> to vector<16xi32>
      %swap3A_503 = arith.constant 2 : i32
      %swap3A_504 = arith.index_cast %swap3A_503 : i32 to index
      %swap3A_505 = arith.constant 64 : index
      %swap3A_506 = tpu.vector_load %arg10[%swap3A_504, %swap3A_505] {strides = array<i32>} : memref<8x128xi32, #tpu.memory_space<vmem>>, vector<1x16xi32>,
      %swap3A_507 = vector.shape_cast %swap3A_506 : vector<1x16xi32> to vector<16xi32>
      %swap3A_508 = vector.shape_cast %convert_element_type3A_502 : vector<16xi32> to vector<1x16xi32>
      tpu.vector_store %arg10[%swap3A_504, %swap3A_505], %swap3A_508 {strides = array<i32>} : memref<8x128xi32, #tpu.memory_space<vmem>>, vector<1x16xi32>,
      %get3A_509 = arith.constant 2 : i32
      %get3A_510 = arith.index_cast %get3A_509 : i32 to index
      %get3A_511 = arith.constant 64 : index
      %get3A_512 = tpu.vector_load %arg9[%get3A_510, %get3A_511] {strides = array<i32>} : memref<8x128xf32, #tpu.memory_space<vmem>>, vector<1x16xf32>,
      %get3A_513 = vector.shape_cast %get3A_512 : vector<1x16xf32> to vector<16xf32>
      %convert_element_type3A_514 = arith.fptosi %get3A_513 : vector<16xf32> to vector<16xi32>
      %swap3A_515 = arith.constant 2 : i32
      %swap3A_516 = arith.index_cast %swap3A_515 : i32 to index
      %swap3A_517 = arith.constant 64 : index
      %swap3A_518 = tpu.vector_load %arg11[%swap3A_516, %swap3A_517] {strides = array<i32>} : memref<8x128xi32, #tpu.memory_space<vmem>>, vector<1x16xi32>,
      %swap3A_519 = vector.shape_cast %swap3A_518 : vector<1x16xi32> to vector<16xi32>
      %swap3A_520 = vector.shape_cast %convert_element_type3A_514 : vector<16xi32> to vector<1x16xi32>
      tpu.vector_store %arg11[%swap3A_516, %swap3A_517], %swap3A_520 {strides = array<i32>} : memref<8x128xi32, #tpu.memory_space<vmem>>, vector<1x16xi32>,
      %get3A_521 = arith.constant 2 : i32
      %get3A_522 = arith.index_cast %get3A_521 : i32 to index
      %get3A_523 = arith.constant 80 : index
      %get3A_524 = tpu.vector_load %arg8[%get3A_522, %get3A_523] {strides = array<i32>} : memref<8x128xf32, #tpu.memory_space<vmem>>, vector<1x16xf32>,
      %get3A_525 = vector.shape_cast %get3A_524 : vector<1x16xf32> to vector<16xf32>
      %convert_element_type3A_526 = arith.fptosi %get3A_525 : vector<16xf32> to vector<16xi32>
      %swap3A_527 = arith.constant 2 : i32
      %swap3A_528 = arith.index_cast %swap3A_527 : i32 to index
      %swap3A_529 = arith.constant 80 : index
      %swap3A_530 = tpu.vector_load %arg10[%swap3A_528, %swap3A_529] {strides = array<i32>} : memref<8x128xi32, #tpu.memory_space<vmem>>, vector<1x16xi32>,
      %swap3A_531 = vector.shape_cast %swap3A_530 : vector<1x16xi32> to vector<16xi32>
      %swap3A_532 = vector.shape_cast %convert_element_type3A_526 : vector<16xi32> to vector<1x16xi32>
      tpu.vector_store %arg10[%swap3A_528, %swap3A_529], %swap3A_532 {strides = array<i32>} : memref<8x128xi32, #tpu.memory_space<vmem>>, vector<1x16xi32>,
      %get3A_533 = arith.constant 2 : i32
      %get3A_534 = arith.index_cast %get3A_533 : i32 to index
      %get3A_535 = arith.constant 80 : index
      %get3A_536 = tpu.vector_load %arg9[%get3A_534, %get3A_535] {strides = array<i32>} : memref<8x128xf32, #tpu.memory_space<vmem>>, vector<1x16xf32>,
      %get3A_537 = vector.shape_cast %get3A_536 : vector<1x16xf32> to vector<16xf32>
      %convert_element_type3A_538 = arith.fptosi %get3A_537 : vector<16xf32> to vector<16xi32>
      %swap3A_539 = arith.constant 2 : i32
      %swap3A_540 = arith.index_cast %swap3A_539 : i32 to index
      %swap3A_541 = arith.constant 80 : index
      %swap3A_542 = tpu.vector_load %arg11[%swap3A_540, %swap3A_541] {strides = array<i32>} : memref<8x128xi32, #tpu.memory_space<vmem>>, vector<1x16xi32>,
      %swap3A_543 = vector.shape_cast %swap3A_542 : vector<1x16xi32> to vector<16xi32>
      %swap3A_544 = vector.shape_cast %convert_element_type3A_538 : vector<16xi32> to vector<1x16xi32>
      tpu.vector_store %arg11[%swap3A_540, %swap3A_541], %swap3A_544 {strides = array<i32>} : memref<8x128xi32, #tpu.memory_space<vmem>>, vector<1x16xi32>,
      %get3A_545 = arith.constant 2 : i32
      %get3A_546 = arith.index_cast %get3A_545 : i32 to index
      %get3A_547 = arith.constant 96 : index
      %get3A_548 = tpu.vector_load %arg8[%get3A_546, %get3A_547] {strides = array<i32>} : memref<8x128xf32, #tpu.memory_space<vmem>>, vector<1x16xf32>,
      %get3A_549 = vector.shape_cast %get3A_548 : vector<1x16xf32> to vector<16xf32>
      %convert_element_type3A_550 = arith.fptosi %get3A_549 : vector<16xf32> to vector<16xi32>
      %swap3A_551 = arith.constant 2 : i32
      %swap3A_552 = arith.index_cast %swap3A_551 : i32 to index
      %swap3A_553 = arith.constant 96 : index
      %swap3A_554 = tpu.vector_load %arg10[%swap3A_552, %swap3A_553] {strides = array<i32>} : memref<8x128xi32, #tpu.memory_space<vmem>>, vector<1x16xi32>,
      %swap3A_555 = vector.shape_cast %swap3A_554 : vector<1x16xi32> to vector<16xi32>
      %swap3A_556 = vector.shape_cast %convert_element_type3A_550 : vector<16xi32> to vector<1x16xi32>
      tpu.vector_store %arg10[%swap3A_552, %swap3A_553], %swap3A_556 {strides = array<i32>} : memref<8x128xi32, #tpu.memory_space<vmem>>, vector<1x16xi32>,
      %get3A_557 = arith.constant 2 : i32
      %get3A_558 = arith.index_cast %get3A_557 : i32 to index
      %get3A_559 = arith.constant 96 : index
      %get3A_560 = tpu.vector_load %arg9[%get3A_558, %get3A_559] {strides = array<i32>} : memref<8x128xf32, #tpu.memory_space<vmem>>, vector<1x16xf32>,
      %get3A_561 = vector.shape_cast %get3A_560 : vector<1x16xf32> to vector<16xf32>
      %convert_element_type3A_562 = arith.fptosi %get3A_561 : vector<16xf32> to vector<16xi32>
      %swap3A_563 = arith.constant 2 : i32
      %swap3A_564 = arith.index_cast %swap3A_563 : i32 to index
      %swap3A_565 = arith.constant 96 : index
      %swap3A_566 = tpu.vector_load %arg11[%swap3A_564, %swap3A_565] {strides = array<i32>} : memref<8x128xi32, #tpu.memory_space<vmem>>, vector<1x16xi32>,
      %swap3A_567 = vector.shape_cast %swap3A_566 : vector<1x16xi32> to vector<16xi32>
      %swap3A_568 = vector.shape_cast %convert_element_type3A_562 : vector<16xi32> to vector<1x16xi32>
      tpu.vector_store %arg11[%swap3A_564, %swap3A_565], %swap3A_568 {strides = array<i32>} : memref<8x128xi32, #tpu.memory_space<vmem>>, vector<1x16xi32>,
      %get3A_569 = arith.constant 2 : i32
      %get3A_570 = arith.index_cast %get3A_569 : i32 to index
      %get3A_571 = arith.constant 112 : index
      %get3A_572 = tpu.vector_load %arg8[%get3A_570, %get3A_571] {strides = array<i32>} : memref<8x128xf32, #tpu.memory_space<vmem>>, vector<1x16xf32>,
      %get3A_573 = vector.shape_cast %get3A_572 : vector<1x16xf32> to vector<16xf32>
      %convert_element_type3A_574 = arith.fptosi %get3A_573 : vector<16xf32> to vector<16xi32>
      %swap3A_575 = arith.constant 2 : i32
      %swap3A_576 = arith.index_cast %swap3A_575 : i32 to index
      %swap3A_577 = arith.constant 112 : index
      %swap3A_578 = tpu.vector_load %arg10[%swap3A_576, %swap3A_577] {strides = array<i32>} : memref<8x128xi32, #tpu.memory_space<vmem>>, vector<1x16xi32>,
      %swap3A_579 = vector.shape_cast %swap3A_578 : vector<1x16xi32> to vector<16xi32>
      %swap3A_580 = vector.shape_cast %convert_element_type3A_574 : vector<16xi32> to vector<1x16xi32>
      tpu.vector_store %arg10[%swap3A_576, %swap3A_577], %swap3A_580 {strides = array<i32>} : memref<8x128xi32, #tpu.memory_space<vmem>>, vector<1x16xi32>,
      %get3A_581 = arith.constant 2 : i32
      %get3A_582 = arith.index_cast %get3A_581 : i32 to index
      %get3A_583 = arith.constant 112 : index
      %get3A_584 = tpu.vector_load %arg9[%get3A_582, %get3A_583] {strides = array<i32>} : memref<8x128xf32, #tpu.memory_space<vmem>>, vector<1x16xf32>,
      %get3A_585 = vector.shape_cast %get3A_584 : vector<1x16xf32> to vector<16xf32>
      %convert_element_type3A_586 = arith.fptosi %get3A_585 : vector<16xf32> to vector<16xi32>
      %swap3A_587 = arith.constant 2 : i32
      %swap3A_588 = arith.index_cast %swap3A_587 : i32 to index
      %swap3A_589 = arith.constant 112 : index
      %swap3A_590 = tpu.vector_load %arg11[%swap3A_588, %swap3A_589] {strides = array<i32>} : memref<8x128xi32, #tpu.memory_space<vmem>>, vector<1x16xi32>,
      %swap3A_591 = vector.shape_cast %swap3A_590 : vector<1x16xi32> to vector<16xi32>
      %swap3A_592 = vector.shape_cast %convert_element_type3A_586 : vector<16xi32> to vector<1x16xi32>
      tpu.vector_store %arg11[%swap3A_588, %swap3A_589], %swap3A_592 {strides = array<i32>} : memref<8x128xi32, #tpu.memory_space<vmem>>, vector<1x16xi32>,
      %get3A_593 = arith.constant 3 : i32
      %get3A_594 = arith.index_cast %get3A_593 : i32 to index
      %get3A_595 = arith.constant 0 : index
      %get3A_596 = tpu.vector_load %arg8[%get3A_594, %get3A_595] {strides = array<i32>} : memref<8x128xf32, #tpu.memory_space<vmem>>, vector<1x16xf32>,
      %get3A_597 = vector.shape_cast %get3A_596 : vector<1x16xf32> to vector<16xf32>
      %convert_element_type3A_598 = arith.fptosi %get3A_597 : vector<16xf32> to vector<16xi32>
      %swap3A_599 = arith.constant 3 : i32
      %swap3A_600 = arith.index_cast %swap3A_599 : i32 to index
      %swap3A_601 = arith.constant 0 : index
      %swap3A_602 = tpu.vector_load %arg10[%swap3A_600, %swap3A_601] {strides = array<i32>} : memref<8x128xi32, #tpu.memory_space<vmem>>, vector<1x16xi32>,
      %swap3A_603 = vector.shape_cast %swap3A_602 : vector<1x16xi32> to vector<16xi32>
      %swap3A_604 = vector.shape_cast %convert_element_type3A_598 : vector<16xi32> to vector<1x16xi32>
      tpu.vector_store %arg10[%swap3A_600, %swap3A_601], %swap3A_604 {strides = array<i32>} : memref<8x128xi32, #tpu.memory_space<vmem>>, vector<1x16xi32>,
      %get3A_605 = arith.constant 3 : i32
      %get3A_606 = arith.index_cast %get3A_605 : i32 to index
      %get3A_607 = arith.constant 0 : index
      %get3A_608 = tpu.vector_load %arg9[%get3A_606, %get3A_607] {strides = array<i32>} : memref<8x128xf32, #tpu.memory_space<vmem>>, vector<1x16xf32>,
      %get3A_609 = vector.shape_cast %get3A_608 : vector<1x16xf32> to vector<16xf32>
      %convert_element_type3A_610 = arith.fptosi %get3A_609 : vector<16xf32> to vector<16xi32>
      %swap3A_611 = arith.constant 3 : i32
      %swap3A_612 = arith.index_cast %swap3A_611 : i32 to index
      %swap3A_613 = arith.constant 0 : index
      %swap3A_614 = tpu.vector_load %arg11[%swap3A_612, %swap3A_613] {strides = array<i32>} : memref<8x128xi32, #tpu.memory_space<vmem>>, vector<1x16xi32>,
      %swap3A_615 = vector.shape_cast %swap3A_614 : vector<1x16xi32> to vector<16xi32>
      %swap3A_616 = vector.shape_cast %convert_element_type3A_610 : vector<16xi32> to vector<1x16xi32>
      tpu.vector_store %arg11[%swap3A_612, %swap3A_613], %swap3A_616 {strides = array<i32>} : memref<8x128xi32, #tpu.memory_space<vmem>>, vector<1x16xi32>,
      %get3A_617 = arith.constant 3 : i32
      %get3A_618 = arith.index_cast %get3A_617 : i32 to index
      %get3A_619 = arith.constant 16 : index
      %get3A_620 = tpu.vector_load %arg8[%get3A_618, %get3A_619] {strides = array<i32>} : memref<8x128xf32, #tpu.memory_space<vmem>>, vector<1x16xf32>,
      %get3A_621 = vector.shape_cast %get3A_620 : vector<1x16xf32> to vector<16xf32>
      %convert_element_type3A_622 = arith.fptosi %get3A_621 : vector<16xf32> to vector<16xi32>
      %swap3A_623 = arith.constant 3 : i32
      %swap3A_624 = arith.index_cast %swap3A_623 : i32 to index
      %swap3A_625 = arith.constant 16 : index
      %swap3A_626 = tpu.vector_load %arg10[%swap3A_624, %swap3A_625] {strides = array<i32>} : memref<8x128xi32, #tpu.memory_space<vmem>>, vector<1x16xi32>,
      %swap3A_627 = vector.shape_cast %swap3A_626 : vector<1x16xi32> to vector<16xi32>
      %swap3A_628 = vector.shape_cast %convert_element_type3A_622 : vector<16xi32> to vector<1x16xi32>
      tpu.vector_store %arg10[%swap3A_624, %swap3A_625], %swap3A_628 {strides = array<i32>} : memref<8x128xi32, #tpu.memory_space<vmem>>, vector<1x16xi32>,
      %get3A_629 = arith.constant 3 : i32
      %get3A_630 = arith.index_cast %get3A_629 : i32 to index
      %get3A_631 = arith.constant 16 : index
      %get3A_632 = tpu.vector_load %arg9[%get3A_630, %get3A_631] {strides = array<i32>} : memref<8x128xf32, #tpu.memory_space<vmem>>, vector<1x16xf32>,
      %get3A_633 = vector.shape_cast %get3A_632 : vector<1x16xf32> to vector<16xf32>
      %convert_element_type3A_634 = arith.fptosi %get3A_633 : vector<16xf32> to vector<16xi32>
      %swap3A_635 = arith.constant 3 : i32
      %swap3A_636 = arith.index_cast %swap3A_635 : i32 to index
      %swap3A_637 = arith.constant 16 : index
      %swap3A_638 = tpu.vector_load %arg11[%swap3A_636, %swap3A_637] {strides = array<i32>} : memref<8x128xi32, #tpu.memory_space<vmem>>, vector<1x16xi32>,
      %swap3A_639 = vector.shape_cast %swap3A_638 : vector<1x16xi32> to vector<16xi32>
      %swap3A_640 = vector.shape_cast %convert_element_type3A_634 : vector<16xi32> to vector<1x16xi32>
      tpu.vector_store %arg11[%swap3A_636, %swap3A_637], %swap3A_640 {strides = array<i32>} : memref<8x128xi32, #tpu.memory_space<vmem>>, vector<1x16xi32>,
      %get3A_641 = arith.constant 3 : i32
      %get3A_642 = arith.index_cast %get3A_641 : i32 to index
      %get3A_643 = arith.constant 32 : index
      %get3A_644 = tpu.vector_load %arg8[%get3A_642, %get3A_643] {strides = array<i32>} : memref<8x128xf32, #tpu.memory_space<vmem>>, vector<1x16xf32>,
      %get3A_645 = vector.shape_cast %get3A_644 : vector<1x16xf32> to vector<16xf32>
      %convert_element_type3A_646 = arith.fptosi %get3A_645 : vector<16xf32> to vector<16xi32>
      %swap3A_647 = arith.constant 3 : i32
      %swap3A_648 = arith.index_cast %swap3A_647 : i32 to index
      %swap3A_649 = arith.constant 32 : index
      %swap3A_650 = tpu.vector_load %arg10[%swap3A_648, %swap3A_649] {strides = array<i32>} : memref<8x128xi32, #tpu.memory_space<vmem>>, vector<1x16xi32>,
      %swap3A_651 = vector.shape_cast %swap3A_650 : vector<1x16xi32> to vector<16xi32>
      %swap3A_652 = vector.shape_cast %convert_element_type3A_646 : vector<16xi32> to vector<1x16xi32>
      tpu.vector_store %arg10[%swap3A_648, %swap3A_649], %swap3A_652 {strides = array<i32>} : memref<8x128xi32, #tpu.memory_space<vmem>>, vector<1x16xi32>,
      %get3A_653 = arith.constant 3 : i32
      %get3A_654 = arith.index_cast %get3A_653 : i32 to index
      %get3A_655 = arith.constant 32 : index
      %get3A_656 = tpu.vector_load %arg9[%get3A_654, %get3A_655] {strides = array<i32>} : memref<8x128xf32, #tpu.memory_space<vmem>>, vector<1x16xf32>,
      %get3A_657 = vector.shape_cast %get3A_656 : vector<1x16xf32> to vector<16xf32>
      %convert_element_type3A_658 = arith.fptosi %get3A_657 : vector<16xf32> to vector<16xi32>
      %swap3A_659 = arith.constant 3 : i32
      %swap3A_660 = arith.index_cast %swap3A_659 : i32 to index
      %swap3A_661 = arith.constant 32 : index
      %swap3A_662 = tpu.vector_load %arg11[%swap3A_660, %swap3A_661] {strides = array<i32>} : memref<8x128xi32, #tpu.memory_space<vmem>>, vector<1x16xi32>,
      %swap3A_663 = vector.shape_cast %swap3A_662 : vector<1x16xi32> to vector<16xi32>
      %swap3A_664 = vector.shape_cast %convert_element_type3A_658 : vector<16xi32> to vector<1x16xi32>
      tpu.vector_store %arg11[%swap3A_660, %swap3A_661], %swap3A_664 {strides = array<i32>} : memref<8x128xi32, #tpu.memory_space<vmem>>, vector<1x16xi32>,
      %get3A_665 = arith.constant 3 : i32
      %get3A_666 = arith.index_cast %get3A_665 : i32 to index
      %get3A_667 = arith.constant 48 : index
      %get3A_668 = tpu.vector_load %arg8[%get3A_666, %get3A_667] {strides = array<i32>} : memref<8x128xf32, #tpu.memory_space<vmem>>, vector<1x16xf32>,
      %get3A_669 = vector.shape_cast %get3A_668 : vector<1x16xf32> to vector<16xf32>
      %convert_element_type3A_670 = arith.fptosi %get3A_669 : vector<16xf32> to vector<16xi32>
      %swap3A_671 = arith.constant 3 : i32
      %swap3A_672 = arith.index_cast %swap3A_671 : i32 to index
      %swap3A_673 = arith.constant 48 : index
      %swap3A_674 = tpu.vector_load %arg10[%swap3A_672, %swap3A_673] {strides = array<i32>} : memref<8x128xi32, #tpu.memory_space<vmem>>, vector<1x16xi32>,
      %swap3A_675 = vector.shape_cast %swap3A_674 : vector<1x16xi32> to vector<16xi32>
      %swap3A_676 = vector.shape_cast %convert_element_type3A_670 : vector<16xi32> to vector<1x16xi32>
      tpu.vector_store %arg10[%swap3A_672, %swap3A_673], %swap3A_676 {strides = array<i32>} : memref<8x128xi32, #tpu.memory_space<vmem>>, vector<1x16xi32>,
      %get3A_677 = arith.constant 3 : i32
      %get3A_678 = arith.index_cast %get3A_677 : i32 to index
      %get3A_679 = arith.constant 48 : index
      %get3A_680 = tpu.vector_load %arg9[%get3A_678, %get3A_679] {strides = array<i32>} : memref<8x128xf32, #tpu.memory_space<vmem>>, vector<1x16xf32>,
      %get3A_681 = vector.shape_cast %get3A_680 : vector<1x16xf32> to vector<16xf32>
      %convert_element_type3A_682 = arith.fptosi %get3A_681 : vector<16xf32> to vector<16xi32>
      %swap3A_683 = arith.constant 3 : i32
      %swap3A_684 = arith.index_cast %swap3A_683 : i32 to index
      %swap3A_685 = arith.constant 48 : index
      %swap3A_686 = tpu.vector_load %arg11[%swap3A_684, %swap3A_685] {strides = array<i32>} : memref<8x128xi32, #tpu.memory_space<vmem>>, vector<1x16xi32>,
      %swap3A_687 = vector.shape_cast %swap3A_686 : vector<1x16xi32> to vector<16xi32>
      %swap3A_688 = vector.shape_cast %convert_element_type3A_682 : vector<16xi32> to vector<1x16xi32>
      tpu.vector_store %arg11[%swap3A_684, %swap3A_685], %swap3A_688 {strides = array<i32>} : memref<8x128xi32, #tpu.memory_space<vmem>>, vector<1x16xi32>,
      %get3A_689 = arith.constant 3 : i32
      %get3A_690 = arith.index_cast %get3A_689 : i32 to index
      %get3A_691 = arith.constant 64 : index
      %get3A_692 = tpu.vector_load %arg8[%get3A_690, %get3A_691] {strides = array<i32>} : memref<8x128xf32, #tpu.memory_space<vmem>>, vector<1x16xf32>,
      %get3A_693 = vector.shape_cast %get3A_692 : vector<1x16xf32> to vector<16xf32>
      %convert_element_type3A_694 = arith.fptosi %get3A_693 : vector<16xf32> to vector<16xi32>
      %swap3A_695 = arith.constant 3 : i32
      %swap3A_696 = arith.index_cast %swap3A_695 : i32 to index
      %swap3A_697 = arith.constant 64 : index
      %swap3A_698 = tpu.vector_load %arg10[%swap3A_696, %swap3A_697] {strides = array<i32>} : memref<8x128xi32, #tpu.memory_space<vmem>>, vector<1x16xi32>,
      %swap3A_699 = vector.shape_cast %swap3A_698 : vector<1x16xi32> to vector<16xi32>
      %swap3A_700 = vector.shape_cast %convert_element_type3A_694 : vector<16xi32> to vector<1x16xi32>
      tpu.vector_store %arg10[%swap3A_696, %swap3A_697], %swap3A_700 {strides = array<i32>} : memref<8x128xi32, #tpu.memory_space<vmem>>, vector<1x16xi32>,
      %get3A_701 = arith.constant 3 : i32
      %get3A_702 = arith.index_cast %get3A_701 : i32 to index
      %get3A_703 = arith.constant 64 : index
      %get3A_704 = tpu.vector_load %arg9[%get3A_702, %get3A_703] {strides = array<i32>} : memref<8x128xf32, #tpu.memory_space<vmem>>, vector<1x16xf32>,
      %get3A_705 = vector.shape_cast %get3A_704 : vector<1x16xf32> to vector<16xf32>
      %convert_element_type3A_706 = arith.fptosi %get3A_705 : vector<16xf32> to vector<16xi32>
      %swap3A_707 = arith.constant 3 : i32
      %swap3A_708 = arith.index_cast %swap3A_707 : i32 to index
      %swap3A_709 = arith.constant 64 : index
      %swap3A_710 = tpu.vector_load %arg11[%swap3A_708, %swap3A_709] {strides = array<i32>} : memref<8x128xi32, #tpu.memory_space<vmem>>, vector<1x16xi32>,
      %swap3A_711 = vector.shape_cast %swap3A_710 : vector<1x16xi32> to vector<16xi32>
      %swap3A_712 = vector.shape_cast %convert_element_type3A_706 : vector<16xi32> to vector<1x16xi32>
      tpu.vector_store %arg11[%swap3A_708, %swap3A_709], %swap3A_712 {strides = array<i32>} : memref<8x128xi32, #tpu.memory_space<vmem>>, vector<1x16xi32>,
      %get3A_713 = arith.constant 3 : i32
      %get3A_714 = arith.index_cast %get3A_713 : i32 to index
      %get3A_715 = arith.constant 80 : index
      %get3A_716 = tpu.vector_load %arg8[%get3A_714, %get3A_715] {strides = array<i32>} : memref<8x128xf32, #tpu.memory_space<vmem>>, vector<1x16xf32>,
      %get3A_717 = vector.shape_cast %get3A_716 : vector<1x16xf32> to vector<16xf32>
      %convert_element_type3A_718 = arith.fptosi %get3A_717 : vector<16xf32> to vector<16xi32>
      %swap3A_719 = arith.constant 3 : i32
      %swap3A_720 = arith.index_cast %swap3A_719 : i32 to index
      %swap3A_721 = arith.constant 80 : index
      %swap3A_722 = tpu.vector_load %arg10[%swap3A_720, %swap3A_721] {strides = array<i32>} : memref<8x128xi32, #tpu.memory_space<vmem>>, vector<1x16xi32>,
      %swap3A_723 = vector.shape_cast %swap3A_722 : vector<1x16xi32> to vector<16xi32>
      %swap3A_724 = vector.shape_cast %convert_element_type3A_718 : vector<16xi32> to vector<1x16xi32>
      tpu.vector_store %arg10[%swap3A_720, %swap3A_721], %swap3A_724 {strides = array<i32>} : memref<8x128xi32, #tpu.memory_space<vmem>>, vector<1x16xi32>,
      %get3A_725 = arith.constant 3 : i32
      %get3A_726 = arith.index_cast %get3A_725 : i32 to index
      %get3A_727 = arith.constant 80 : index
      %get3A_728 = tpu.vector_load %arg9[%get3A_726, %get3A_727] {strides = array<i32>} : memref<8x128xf32, #tpu.memory_space<vmem>>, vector<1x16xf32>,
      %get3A_729 = vector.shape_cast %get3A_728 : vector<1x16xf32> to vector<16xf32>
      %convert_element_type3A_730 = arith.fptosi %get3A_729 : vector<16xf32> to vector<16xi32>
      %swap3A_731 = arith.constant 3 : i32
      %swap3A_732 = arith.index_cast %swap3A_731 : i32 to index
      %swap3A_733 = arith.constant 80 : index
      %swap3A_734 = tpu.vector_load %arg11[%swap3A_732, %swap3A_733] {strides = array<i32>} : memref<8x128xi32, #tpu.memory_space<vmem>>, vector<1x16xi32>,
      %swap3A_735 = vector.shape_cast %swap3A_734 : vector<1x16xi32> to vector<16xi32>
      %swap3A_736 = vector.shape_cast %convert_element_type3A_730 : vector<16xi32> to vector<1x16xi32>
      tpu.vector_store %arg11[%swap3A_732, %swap3A_733], %swap3A_736 {strides = array<i32>} : memref<8x128xi32, #tpu.memory_space<vmem>>, vector<1x16xi32>,
      %get3A_737 = arith.constant 3 : i32
      %get3A_738 = arith.index_cast %get3A_737 : i32 to index
      %get3A_739 = arith.constant 96 : index
      %get3A_740 = tpu.vector_load %arg8[%get3A_738, %get3A_739] {strides = array<i32>} : memref<8x128xf32, #tpu.memory_space<vmem>>, vector<1x16xf32>,
      %get3A_741 = vector.shape_cast %get3A_740 : vector<1x16xf32> to vector<16xf32>
      %convert_element_type3A_742 = arith.fptosi %get3A_741 : vector<16xf32> to vector<16xi32>
      %swap3A_743 = arith.constant 3 : i32
      %swap3A_744 = arith.index_cast %swap3A_743 : i32 to index
      %swap3A_745 = arith.constant 96 : index
      %swap3A_746 = tpu.vector_load %arg10[%swap3A_744, %swap3A_745] {strides = array<i32>} : memref<8x128xi32, #tpu.memory_space<vmem>>, vector<1x16xi32>,
      %swap3A_747 = vector.shape_cast %swap3A_746 : vector<1x16xi32> to vector<16xi32>
      %swap3A_748 = vector.shape_cast %convert_element_type3A_742 : vector<16xi32> to vector<1x16xi32>
      tpu.vector_store %arg10[%swap3A_744, %swap3A_745], %swap3A_748 {strides = array<i32>} : memref<8x128xi32, #tpu.memory_space<vmem>>, vector<1x16xi32>,
      %get3A_749 = arith.constant 3 : i32
      %get3A_750 = arith.index_cast %get3A_749 : i32 to index
      %get3A_751 = arith.constant 96 : index
      %get3A_752 = tpu.vector_load %arg9[%get3A_750, %get3A_751] {strides = array<i32>} : memref<8x128xf32, #tpu.memory_space<vmem>>, vector<1x16xf32>,
      %get3A_753 = vector.shape_cast %get3A_752 : vector<1x16xf32> to vector<16xf32>
      %convert_element_type3A_754 = arith.fptosi %get3A_753 : vector<16xf32> to vector<16xi32>
      %swap3A_755 = arith.constant 3 : i32
      %swap3A_756 = arith.index_cast %swap3A_755 : i32 to index
      %swap3A_757 = arith.constant 96 : index
      %swap3A_758 = tpu.vector_load %arg11[%swap3A_756, %swap3A_757] {strides = array<i32>} : memref<8x128xi32, #tpu.memory_space<vmem>>, vector<1x16xi32>,
      %swap3A_759 = vector.shape_cast %swap3A_758 : vector<1x16xi32> to vector<16xi32>
      %swap3A_760 = vector.shape_cast %convert_element_type3A_754 : vector<16xi32> to vector<1x16xi32>
      tpu.vector_store %arg11[%swap3A_756, %swap3A_757], %swap3A_760 {strides = array<i32>} : memref<8x128xi32, #tpu.memory_space<vmem>>, vector<1x16xi32>,
      %get3A_761 = arith.constant 3 : i32
      %get3A_762 = arith.index_cast %get3A_761 : i32 to index
      %get3A_763 = arith.constant 112 : index
      %get3A_764 = tpu.vector_load %arg8[%get3A_762, %get3A_763] {strides = array<i32>} : memref<8x128xf32, #tpu.memory_space<vmem>>, vector<1x16xf32>,
      %get3A_765 = vector.shape_cast %get3A_764 : vector<1x16xf32> to vector<16xf32>
      %convert_element_type3A_766 = arith.fptosi %get3A_765 : vector<16xf32> to vector<16xi32>
      %swap3A_767 = arith.constant 3 : i32
      %swap3A_768 = arith.index_cast %swap3A_767 : i32 to index
      %swap3A_769 = arith.constant 112 : index
      %swap3A_770 = tpu.vector_load %arg10[%swap3A_768, %swap3A_769] {strides = array<i32>} : memref<8x128xi32, #tpu.memory_space<vmem>>, vector<1x16xi32>,
      %swap3A_771 = vector.shape_cast %swap3A_770 : vector<1x16xi32> to vector<16xi32>
      %swap3A_772 = vector.shape_cast %convert_element_type3A_766 : vector<16xi32> to vector<1x16xi32>
      tpu.vector_store %arg10[%swap3A_768, %swap3A_769], %swap3A_772 {strides = array<i32>} : memref<8x128xi32, #tpu.memory_space<vmem>>, vector<1x16xi32>,
      %get3A_773 = arith.constant 3 : i32
      %get3A_774 = arith.index_cast %get3A_773 : i32 to index
      %get3A_775 = arith.constant 112 : index
      %get3A_776 = tpu.vector_load %arg9[%get3A_774, %get3A_775] {strides = array<i32>} : memref<8x128xf32, #tpu.memory_space<vmem>>, vector<1x16xf32>,
      %get3A_777 = vector.shape_cast %get3A_776 : vector<1x16xf32> to vector<16xf32>
      %convert_element_type3A_778 = arith.fptosi %get3A_777 : vector<16xf32> to vector<16xi32>
      %swap3A_779 = arith.constant 3 : i32
      %swap3A_780 = arith.index_cast %swap3A_779 : i32 to index
      %swap3A_781 = arith.constant 112 : index
      %swap3A_782 = tpu.vector_load %arg11[%swap3A_780, %swap3A_781] {strides = array<i32>} : memref<8x128xi32, #tpu.memory_space<vmem>>, vector<1x16xi32>,
      %swap3A_783 = vector.shape_cast %swap3A_782 : vector<1x16xi32> to vector<16xi32>
      %swap3A_784 = vector.shape_cast %convert_element_type3A_778 : vector<16xi32> to vector<1x16xi32>
      tpu.vector_store %arg11[%swap3A_780, %swap3A_781], %swap3A_784 {strides = array<i32>} : memref<8x128xi32, #tpu.memory_space<vmem>>, vector<1x16xi32>,
      %get3A_785 = arith.constant 4 : i32
      %get3A_786 = arith.index_cast %get3A_785 : i32 to index
      %get3A_787 = arith.constant 0 : index
      %get3A_788 = tpu.vector_load %arg8[%get3A_786, %get3A_787] {strides = array<i32>} : memref<8x128xf32, #tpu.memory_space<vmem>>, vector<1x16xf32>,
      %get3A_789 = vector.shape_cast %get3A_788 : vector<1x16xf32> to vector<16xf32>
      %convert_element_type3A_790 = arith.fptosi %get3A_789 : vector<16xf32> to vector<16xi32>
      %swap3A_791 = arith.constant 4 : i32
      %swap3A_792 = arith.index_cast %swap3A_791 : i32 to index
      %swap3A_793 = arith.constant 0 : index
      %swap3A_794 = tpu.vector_load %arg10[%swap3A_792, %swap3A_793] {strides = array<i32>} : memref<8x128xi32, #tpu.memory_space<vmem>>, vector<1x16xi32>,
      %swap3A_795 = vector.shape_cast %swap3A_794 : vector<1x16xi32> to vector<16xi32>
      %swap3A_796 = vector.shape_cast %convert_element_type3A_790 : vector<16xi32> to vector<1x16xi32>
      tpu.vector_store %arg10[%swap3A_792, %swap3A_793], %swap3A_796 {strides = array<i32>} : memref<8x128xi32, #tpu.memory_space<vmem>>, vector<1x16xi32>,
      %get3A_797 = arith.constant 4 : i32
      %get3A_798 = arith.index_cast %get3A_797 : i32 to index
      %get3A_799 = arith.constant 0 : index
      %get3A_800 = tpu.vector_load %arg9[%get3A_798, %get3A_799] {strides = array<i32>} : memref<8x128xf32, #tpu.memory_space<vmem>>, vector<1x16xf32>,
      %get3A_801 = vector.shape_cast %get3A_800 : vector<1x16xf32> to vector<16xf32>
      %convert_element_type3A_802 = arith.fptosi %get3A_801 : vector<16xf32> to vector<16xi32>
      %swap3A_803 = arith.constant 4 : i32
      %swap3A_804 = arith.index_cast %swap3A_803 : i32 to index
      %swap3A_805 = arith.constant 0 : index
      %swap3A_806 = tpu.vector_load %arg11[%swap3A_804, %swap3A_805] {strides = array<i32>} : memref<8x128xi32, #tpu.memory_space<vmem>>, vector<1x16xi32>,
      %swap3A_807 = vector.shape_cast %swap3A_806 : vector<1x16xi32> to vector<16xi32>
      %swap3A_808 = vector.shape_cast %convert_element_type3A_802 : vector<16xi32> to vector<1x16xi32>
      tpu.vector_store %arg11[%swap3A_804, %swap3A_805], %swap3A_808 {strides = array<i32>} : memref<8x128xi32, #tpu.memory_space<vmem>>, vector<1x16xi32>,
      %get3A_809 = arith.constant 4 : i32
      %get3A_810 = arith.index_cast %get3A_809 : i32 to index
      %get3A_811 = arith.constant 16 : index
      %get3A_812 = tpu.vector_load %arg8[%get3A_810, %get3A_811] {strides = array<i32>} : memref<8x128xf32, #tpu.memory_space<vmem>>, vector<1x16xf32>,
      %get3A_813 = vector.shape_cast %get3A_812 : vector<1x16xf32> to vector<16xf32>
      %convert_element_type3A_814 = arith.fptosi %get3A_813 : vector<16xf32> to vector<16xi32>
      %swap3A_815 = arith.constant 4 : i32
      %swap3A_816 = arith.index_cast %swap3A_815 : i32 to index
      %swap3A_817 = arith.constant 16 : index
      %swap3A_818 = tpu.vector_load %arg10[%swap3A_816, %swap3A_817] {strides = array<i32>} : memref<8x128xi32, #tpu.memory_space<vmem>>, vector<1x16xi32>,
      %swap3A_819 = vector.shape_cast %swap3A_818 : vector<1x16xi32> to vector<16xi32>
      %swap3A_820 = vector.shape_cast %convert_element_type3A_814 : vector<16xi32> to vector<1x16xi32>
      tpu.vector_store %arg10[%swap3A_816, %swap3A_817], %swap3A_820 {strides = array<i32>} : memref<8x128xi32, #tpu.memory_space<vmem>>, vector<1x16xi32>,
      %get3A_821 = arith.constant 4 : i32
      %get3A_822 = arith.index_cast %get3A_821 : i32 to index
      %get3A_823 = arith.constant 16 : index
      %get3A_824 = tpu.vector_load %arg9[%get3A_822, %get3A_823] {strides = array<i32>} : memref<8x128xf32, #tpu.memory_space<vmem>>, vector<1x16xf32>,
      %get3A_825 = vector.shape_cast %get3A_824 : vector<1x16xf32> to vector<16xf32>
      %convert_element_type3A_826 = arith.fptosi %get3A_825 : vector<16xf32> to vector<16xi32>
      %swap3A_827 = arith.constant 4 : i32
      %swap3A_828 = arith.index_cast %swap3A_827 : i32 to index
      %swap3A_829 = arith.constant 16 : index
      %swap3A_830 = tpu.vector_load %arg11[%swap3A_828, %swap3A_829] {strides = array<i32>} : memref<8x128xi32, #tpu.memory_space<vmem>>, vector<1x16xi32>,
      %swap3A_831 = vector.shape_cast %swap3A_830 : vector<1x16xi32> to vector<16xi32>
      %swap3A_832 = vector.shape_cast %convert_element_type3A_826 : vector<16xi32> to vector<1x16xi32>
      tpu.vector_store %arg11[%swap3A_828, %swap3A_829], %swap3A_832 {strides = array<i32>} : memref<8x128xi32, #tpu.memory_space<vmem>>, vector<1x16xi32>,
      %get3A_833 = arith.constant 4 : i32
      %get3A_834 = arith.index_cast %get3A_833 : i32 to index
      %get3A_835 = arith.constant 32 : index
      %get3A_836 = tpu.vector_load %arg8[%get3A_834, %get3A_835] {strides = array<i32>} : memref<8x128xf32, #tpu.memory_space<vmem>>, vector<1x16xf32>,
      %get3A_837 = vector.shape_cast %get3A_836 : vector<1x16xf32> to vector<16xf32>
      %convert_element_type3A_838 = arith.fptosi %get3A_837 : vector<16xf32> to vector<16xi32>
      %swap3A_839 = arith.constant 4 : i32
      %swap3A_840 = arith.index_cast %swap3A_839 : i32 to index
      %swap3A_841 = arith.constant 32 : index
      %swap3A_842 = tpu.vector_load %arg10[%swap3A_840, %swap3A_841] {strides = array<i32>} : memref<8x128xi32, #tpu.memory_space<vmem>>, vector<1x16xi32>,
      %swap3A_843 = vector.shape_cast %swap3A_842 : vector<1x16xi32> to vector<16xi32>
      %swap3A_844 = vector.shape_cast %convert_element_type3A_838 : vector<16xi32> to vector<1x16xi32>
      tpu.vector_store %arg10[%swap3A_840, %swap3A_841], %swap3A_844 {strides = array<i32>} : memref<8x128xi32, #tpu.memory_space<vmem>>, vector<1x16xi32>,
      %get3A_845 = arith.constant 4 : i32
      %get3A_846 = arith.index_cast %get3A_845 : i32 to index
      %get3A_847 = arith.constant 32 : index
      %get3A_848 = tpu.vector_load %arg9[%get3A_846, %get3A_847] {strides = array<i32>} : memref<8x128xf32, #tpu.memory_space<vmem>>, vector<1x16xf32>,
      %get3A_849 = vector.shape_cast %get3A_848 : vector<1x16xf32> to vector<16xf32>
      %convert_element_type3A_850 = arith.fptosi %get3A_849 : vector<16xf32> to vector<16xi32>
      %swap3A_851 = arith.constant 4 : i32
      %swap3A_852 = arith.index_cast %swap3A_851 : i32 to index
      %swap3A_853 = arith.constant 32 : index
      %swap3A_854 = tpu.vector_load %arg11[%swap3A_852, %swap3A_853] {strides = array<i32>} : memref<8x128xi32, #tpu.memory_space<vmem>>, vector<1x16xi32>,
      %swap3A_855 = vector.shape_cast %swap3A_854 : vector<1x16xi32> to vector<16xi32>
      %swap3A_856 = vector.shape_cast %convert_element_type3A_850 : vector<16xi32> to vector<1x16xi32>
      tpu.vector_store %arg11[%swap3A_852, %swap3A_853], %swap3A_856 {strides = array<i32>} : memref<8x128xi32, #tpu.memory_space<vmem>>, vector<1x16xi32>,
      %get3A_857 = arith.constant 4 : i32
      %get3A_858 = arith.index_cast %get3A_857 : i32 to index
      %get3A_859 = arith.constant 48 : index
      %get3A_860 = tpu.vector_load %arg8[%get3A_858, %get3A_859] {strides = array<i32>} : memref<8x128xf32, #tpu.memory_space<vmem>>, vector<1x16xf32>,
      %get3A_861 = vector.shape_cast %get3A_860 : vector<1x16xf32> to vector<16xf32>
      %convert_element_type3A_862 = arith.fptosi %get3A_861 : vector<16xf32> to vector<16xi32>
      %swap3A_863 = arith.constant 4 : i32
      %swap3A_864 = arith.index_cast %swap3A_863 : i32 to index
      %swap3A_865 = arith.constant 48 : index
      %swap3A_866 = tpu.vector_load %arg10[%swap3A_864, %swap3A_865] {strides = array<i32>} : memref<8x128xi32, #tpu.memory_space<vmem>>, vector<1x16xi32>,
      %swap3A_867 = vector.shape_cast %swap3A_866 : vector<1x16xi32> to vector<16xi32>
      %swap3A_868 = vector.shape_cast %convert_element_type3A_862 : vector<16xi32> to vector<1x16xi32>
      tpu.vector_store %arg10[%swap3A_864, %swap3A_865], %swap3A_868 {strides = array<i32>} : memref<8x128xi32, #tpu.memory_space<vmem>>, vector<1x16xi32>,
      %get3A_869 = arith.constant 4 : i32
      %get3A_870 = arith.index_cast %get3A_869 : i32 to index
      %get3A_871 = arith.constant 48 : index
      %get3A_872 = tpu.vector_load %arg9[%get3A_870, %get3A_871] {strides = array<i32>} : memref<8x128xf32, #tpu.memory_space<vmem>>, vector<1x16xf32>,
      %get3A_873 = vector.shape_cast %get3A_872 : vector<1x16xf32> to vector<16xf32>
      %convert_element_type3A_874 = arith.fptosi %get3A_873 : vector<16xf32> to vector<16xi32>
      %swap3A_875 = arith.constant 4 : i32
      %swap3A_876 = arith.index_cast %swap3A_875 : i32 to index
      %swap3A_877 = arith.constant 48 : index
      %swap3A_878 = tpu.vector_load %arg11[%swap3A_876, %swap3A_877] {strides = array<i32>} : memref<8x128xi32, #tpu.memory_space<vmem>>, vector<1x16xi32>,
      %swap3A_879 = vector.shape_cast %swap3A_878 : vector<1x16xi32> to vector<16xi32>
      %swap3A_880 = vector.shape_cast %convert_element_type3A_874 : vector<16xi32> to vector<1x16xi32>
      tpu.vector_store %arg11[%swap3A_876, %swap3A_877], %swap3A_880 {strides = array<i32>} : memref<8x128xi32, #tpu.memory_space<vmem>>, vector<1x16xi32>,
      %get3A_881 = arith.constant 4 : i32
      %get3A_882 = arith.index_cast %get3A_881 : i32 to index
      %get3A_883 = arith.constant 64 : index
      %get3A_884 = tpu.vector_load %arg8[%get3A_882, %get3A_883] {strides = array<i32>} : memref<8x128xf32, #tpu.memory_space<vmem>>, vector<1x16xf32>,
      %get3A_885 = vector.shape_cast %get3A_884 : vector<1x16xf32> to vector<16xf32>
      %convert_element_type3A_886 = arith.fptosi %get3A_885 : vector<16xf32> to vector<16xi32>
      %swap3A_887 = arith.constant 4 : i32
      %swap3A_888 = arith.index_cast %swap3A_887 : i32 to index
      %swap3A_889 = arith.constant 64 : index
      %swap3A_890 = tpu.vector_load %arg10[%swap3A_888, %swap3A_889] {strides = array<i32>} : memref<8x128xi32, #tpu.memory_space<vmem>>, vector<1x16xi32>,
      %swap3A_891 = vector.shape_cast %swap3A_890 : vector<1x16xi32> to vector<16xi32>
      %swap3A_892 = vector.shape_cast %convert_element_type3A_886 : vector<16xi32> to vector<1x16xi32>
      tpu.vector_store %arg10[%swap3A_888, %swap3A_889], %swap3A_892 {strides = array<i32>} : memref<8x128xi32, #tpu.memory_space<vmem>>, vector<1x16xi32>,
      %get3A_893 = arith.constant 4 : i32
      %get3A_894 = arith.index_cast %get3A_893 : i32 to index
      %get3A_895 = arith.constant 64 : index
      %get3A_896 = tpu.vector_load %arg9[%get3A_894, %get3A_895] {strides = array<i32>} : memref<8x128xf32, #tpu.memory_space<vmem>>, vector<1x16xf32>,
      %get3A_897 = vector.shape_cast %get3A_896 : vector<1x16xf32> to vector<16xf32>
      %convert_element_type3A_898 = arith.fptosi %get3A_897 : vector<16xf32> to vector<16xi32>
      %swap3A_899 = arith.constant 4 : i32
      %swap3A_900 = arith.index_cast %swap3A_899 : i32 to index
      %swap3A_901 = arith.constant 64 : index
      %swap3A_902 = tpu.vector_load %arg11[%swap3A_900, %swap3A_901] {strides = array<i32>} : memref<8x128xi32, #tpu.memory_space<vmem>>, vector<1x16xi32>,
      %swap3A_903 = vector.shape_cast %swap3A_902 : vector<1x16xi32> to vector<16xi32>
      %swap3A_904 = vector.shape_cast %convert_element_type3A_898 : vector<16xi32> to vector<1x16xi32>
      tpu.vector_store %arg11[%swap3A_900, %swap3A_901], %swap3A_904 {strides = array<i32>} : memref<8x128xi32, #tpu.memory_space<vmem>>, vector<1x16xi32>,
      %get3A_905 = arith.constant 4 : i32
      %get3A_906 = arith.index_cast %get3A_905 : i32 to index
      %get3A_907 = arith.constant 80 : index
      %get3A_908 = tpu.vector_load %arg8[%get3A_906, %get3A_907] {strides = array<i32>} : memref<8x128xf32, #tpu.memory_space<vmem>>, vector<1x16xf32>,
      %get3A_909 = vector.shape_cast %get3A_908 : vector<1x16xf32> to vector<16xf32>
      %convert_element_type3A_910 = arith.fptosi %get3A_909 : vector<16xf32> to vector<16xi32>
      %swap3A_911 = arith.constant 4 : i32
      %swap3A_912 = arith.index_cast %swap3A_911 : i32 to index
      %swap3A_913 = arith.constant 80 : index
      %swap3A_914 = tpu.vector_load %arg10[%swap3A_912, %swap3A_913] {strides = array<i32>} : memref<8x128xi32, #tpu.memory_space<vmem>>, vector<1x16xi32>,
      %swap3A_915 = vector.shape_cast %swap3A_914 : vector<1x16xi32> to vector<16xi32>
      %swap3A_916 = vector.shape_cast %convert_element_type3A_910 : vector<16xi32> to vector<1x16xi32>
      tpu.vector_store %arg10[%swap3A_912, %swap3A_913], %swap3A_916 {strides = array<i32>} : memref<8x128xi32, #tpu.memory_space<vmem>>, vector<1x16xi32>,
      %get3A_917 = arith.constant 4 : i32
      %get3A_918 = arith.index_cast %get3A_917 : i32 to index
      %get3A_919 = arith.constant 80 : index
      %get3A_920 = tpu.vector_load %arg9[%get3A_918, %get3A_919] {strides = array<i32>} : memref<8x128xf32, #tpu.memory_space<vmem>>, vector<1x16xf32>,
      %get3A_921 = vector.shape_cast %get3A_920 : vector<1x16xf32> to vector<16xf32>
      %convert_element_type3A_922 = arith.fptosi %get3A_921 : vector<16xf32> to vector<16xi32>
      %swap3A_923 = arith.constant 4 : i32
      %swap3A_924 = arith.index_cast %swap3A_923 : i32 to index
      %swap3A_925 = arith.constant 80 : index
      %swap3A_926 = tpu.vector_load %arg11[%swap3A_924, %swap3A_925] {strides = array<i32>} : memref<8x128xi32, #tpu.memory_space<vmem>>, vector<1x16xi32>,
      %swap3A_927 = vector.shape_cast %swap3A_926 : vector<1x16xi32> to vector<16xi32>
      %swap3A_928 = vector.shape_cast %convert_element_type3A_922 : vector<16xi32> to vector<1x16xi32>
      tpu.vector_store %arg11[%swap3A_924, %swap3A_925], %swap3A_928 {strides = array<i32>} : memref<8x128xi32, #tpu.memory_space<vmem>>, vector<1x16xi32>,
      %get3A_929 = arith.constant 4 : i32
      %get3A_930 = arith.index_cast %get3A_929 : i32 to index
      %get3A_931 = arith.constant 96 : index
      %get3A_932 = tpu.vector_load %arg8[%get3A_930, %get3A_931] {strides = array<i32>} : memref<8x128xf32, #tpu.memory_space<vmem>>, vector<1x16xf32>,
      %get3A_933 = vector.shape_cast %get3A_932 : vector<1x16xf32> to vector<16xf32>
      %convert_element_type3A_934 = arith.fptosi %get3A_933 : vector<16xf32> to vector<16xi32>
      %swap3A_935 = arith.constant 4 : i32
      %swap3A_936 = arith.index_cast %swap3A_935 : i32 to index
      %swap3A_937 = arith.constant 96 : index
      %swap3A_938 = tpu.vector_load %arg10[%swap3A_936, %swap3A_937] {strides = array<i32>} : memref<8x128xi32, #tpu.memory_space<vmem>>, vector<1x16xi32>,
      %swap3A_939 = vector.shape_cast %swap3A_938 : vector<1x16xi32> to vector<16xi32>
      %swap3A_940 = vector.shape_cast %convert_element_type3A_934 : vector<16xi32> to vector<1x16xi32>
      tpu.vector_store %arg10[%swap3A_936, %swap3A_937], %swap3A_940 {strides = array<i32>} : memref<8x128xi32, #tpu.memory_space<vmem>>, vector<1x16xi32>,
      %get3A_941 = arith.constant 4 : i32
      %get3A_942 = arith.index_cast %get3A_941 : i32 to index
      %get3A_943 = arith.constant 96 : index
      %get3A_944 = tpu.vector_load %arg9[%get3A_942, %get3A_943] {strides = array<i32>} : memref<8x128xf32, #tpu.memory_space<vmem>>, vector<1x16xf32>,
      %get3A_945 = vector.shape_cast %get3A_944 : vector<1x16xf32> to vector<16xf32>
      %convert_element_type3A_946 = arith.fptosi %get3A_945 : vector<16xf32> to vector<16xi32>
      %swap3A_947 = arith.constant 4 : i32
      %swap3A_948 = arith.index_cast %swap3A_947 : i32 to index
      %swap3A_949 = arith.constant 96 : index
      %swap3A_950 = tpu.vector_load %arg11[%swap3A_948, %swap3A_949] {strides = array<i32>} : memref<8x128xi32, #tpu.memory_space<vmem>>, vector<1x16xi32>,
      %swap3A_951 = vector.shape_cast %swap3A_950 : vector<1x16xi32> to vector<16xi32>
      %swap3A_952 = vector.shape_cast %convert_element_type3A_946 : vector<16xi32> to vector<1x16xi32>
      tpu.vector_store %arg11[%swap3A_948, %swap3A_949], %swap3A_952 {strides = array<i32>} : memref<8x128xi32, #tpu.memory_space<vmem>>, vector<1x16xi32>,
      %get3A_953 = arith.constant 4 : i32
      %get3A_954 = arith.index_cast %get3A_953 : i32 to index
      %get3A_955 = arith.constant 112 : index
      %get3A_956 = tpu.vector_load %arg8[%get3A_954, %get3A_955] {strides = array<i32>} : memref<8x128xf32, #tpu.memory_space<vmem>>, vector<1x16xf32>,
      %get3A_957 = vector.shape_cast %get3A_956 : vector<1x16xf32> to vector<16xf32>
      %convert_element_type3A_958 = arith.fptosi %get3A_957 : vector<16xf32> to vector<16xi32>
      %swap3A_959 = arith.constant 4 : i32
      %swap3A_960 = arith.index_cast %swap3A_959 : i32 to index
      %swap3A_961 = arith.constant 112 : index
      %swap3A_962 = tpu.vector_load %arg10[%swap3A_960, %swap3A_961] {strides = array<i32>} : memref<8x128xi32, #tpu.memory_space<vmem>>, vector<1x16xi32>,
      %swap3A_963 = vector.shape_cast %swap3A_962 : vector<1x16xi32> to vector<16xi32>
      %swap3A_964 = vector.shape_cast %convert_element_type3A_958 : vector<16xi32> to vector<1x16xi32>
      tpu.vector_store %arg10[%swap3A_960, %swap3A_961], %swap3A_964 {strides = array<i32>} : memref<8x128xi32, #tpu.memory_space<vmem>>, vector<1x16xi32>,
      %get3A_965 = arith.constant 4 : i32
      %get3A_966 = arith.index_cast %get3A_965 : i32 to index
      %get3A_967 = arith.constant 112 : index
      %get3A_968 = tpu.vector_load %arg9[%get3A_966, %get3A_967] {strides = array<i32>} : memref<8x128xf32, #tpu.memory_space<vmem>>, vector<1x16xf32>,
      %get3A_969 = vector.shape_cast %get3A_968 : vector<1x16xf32> to vector<16xf32>
      %convert_element_type3A_970 = arith.fptosi %get3A_969 : vector<16xf32> to vector<16xi32>
      %swap3A_971 = arith.constant 4 : i32
      %swap3A_972 = arith.index_cast %swap3A_971 : i32 to index
      %swap3A_973 = arith.constant 112 : index
      %swap3A_974 = tpu.vector_load %arg11[%swap3A_972, %swap3A_973] {strides = array<i32>} : memref<8x128xi32, #tpu.memory_space<vmem>>, vector<1x16xi32>,
      %swap3A_975 = vector.shape_cast %swap3A_974 : vector<1x16xi32> to vector<16xi32>
      %swap3A_976 = vector.shape_cast %convert_element_type3A_970 : vector<16xi32> to vector<1x16xi32>
      tpu.vector_store %arg11[%swap3A_972, %swap3A_973], %swap3A_976 {strides = array<i32>} : memref<8x128xi32, #tpu.memory_space<vmem>>, vector<1x16xi32>,
      %get3A_977 = arith.constant 5 : i32
      %get3A_978 = arith.index_cast %get3A_977 : i32 to index
      %get3A_979 = arith.constant 0 : index
      %get3A_980 = tpu.vector_load %arg8[%get3A_978, %get3A_979] {strides = array<i32>} : memref<8x128xf32, #tpu.memory_space<vmem>>, vector<1x16xf32>,
      %get3A_981 = vector.shape_cast %get3A_980 : vector<1x16xf32> to vector<16xf32>
      %convert_element_type3A_982 = arith.fptosi %get3A_981 : vector<16xf32> to vector<16xi32>
      %swap3A_983 = arith.constant 5 : i32
      %swap3A_984 = arith.index_cast %swap3A_983 : i32 to index
      %swap3A_985 = arith.constant 0 : index
      %swap3A_986 = tpu.vector_load %arg10[%swap3A_984, %swap3A_985] {strides = array<i32>} : memref<8x128xi32, #tpu.memory_space<vmem>>, vector<1x16xi32>,
      %swap3A_987 = vector.shape_cast %swap3A_986 : vector<1x16xi32> to vector<16xi32>
      %swap3A_988 = vector.shape_cast %convert_element_type3A_982 : vector<16xi32> to vector<1x16xi32>
      tpu.vector_store %arg10[%swap3A_984, %swap3A_985], %swap3A_988 {strides = array<i32>} : memref<8x128xi32, #tpu.memory_space<vmem>>, vector<1x16xi32>,
      %get3A_989 = arith.constant 5 : i32
      %get3A_990 = arith.index_cast %get3A_989 : i32 to index
      %get3A_991 = arith.constant 0 : index
      %get3A_992 = tpu.vector_load %arg9[%get3A_990, %get3A_991] {strides = array<i32>} : memref<8x128xf32, #tpu.memory_space<vmem>>, vector<1x16xf32>,
      %get3A_993 = vector.shape_cast %get3A_992 : vector<1x16xf32> to vector<16xf32>
      %convert_element_type3A_994 = arith.fptosi %get3A_993 : vector<16xf32> to vector<16xi32>
      %swap3A_995 = arith.constant 5 : i32
      %swap3A_996 = arith.index_cast %swap3A_995 : i32 to index
      %swap3A_997 = arith.constant 0 : index
      %swap3A_998 = tpu.vector_load %arg11[%swap3A_996, %swap3A_997] {strides = array<i32>} : memref<8x128xi32, #tpu.memory_space<vmem>>, vector<1x16xi32>,
      %swap3A_999 = vector.shape_cast %swap3A_998 : vector<1x16xi32> to vector<16xi32>
      %swap3A_1000 = vector.shape_cast %convert_element_type3A_994 : vector<16xi32> to vector<1x16xi32>
      tpu.vector_store %arg11[%swap3A_996, %swap3A_997], %swap3A_1000 {strides = array<i32>} : memref<8x128xi32, #tpu.memory_space<vmem>>, vector<1x16xi32>,
      %get3A_1001 = arith.constant 5 : i32
      %get3A_1002 = arith.index_cast %get3A_1001 : i32 to index
      %get3A_1003 = arith.constant 16 : index
      %get3A_1004 = tpu.vector_load %arg8[%get3A_1002, %get3A_1003] {strides = array<i32>} : memref<8x128xf32, #tpu.memory_space<vmem>>, vector<1x16xf32>,
      %get3A_1005 = vector.shape_cast %get3A_1004 : vector<1x16xf32> to vector<16xf32>
      %convert_element_type3A_1006 = arith.fptosi %get3A_1005 : vector<16xf32> to vector<16xi32>
      %swap3A_1007 = arith.constant 5 : i32
      %swap3A_1008 = arith.index_cast %swap3A_1007 : i32 to index
      %swap3A_1009 = arith.constant 16 : index
      %swap3A_1010 = tpu.vector_load %arg10[%swap3A_1008, %swap3A_1009] {strides = array<i32>} : memref<8x128xi32, #tpu.memory_space<vmem>>, vector<1x16xi32>,
      %swap3A_1011 = vector.shape_cast %swap3A_1010 : vector<1x16xi32> to vector<16xi32>
      %swap3A_1012 = vector.shape_cast %convert_element_type3A_1006 : vector<16xi32> to vector<1x16xi32>
      tpu.vector_store %arg10[%swap3A_1008, %swap3A_1009], %swap3A_1012 {strides = array<i32>} : memref<8x128xi32, #tpu.memory_space<vmem>>, vector<1x16xi32>,
      %get3A_1013 = arith.constant 5 : i32
      %get3A_1014 = arith.index_cast %get3A_1013 : i32 to index
      %get3A_1015 = arith.constant 16 : index
      %get3A_1016 = tpu.vector_load %arg9[%get3A_1014, %get3A_1015] {strides = array<i32>} : memref<8x128xf32, #tpu.memory_space<vmem>>, vector<1x16xf32>,
      %get3A_1017 = vector.shape_cast %get3A_1016 : vector<1x16xf32> to vector<16xf32>
      %convert_element_type3A_1018 = arith.fptosi %get3A_1017 : vector<16xf32> to vector<16xi32>
      %swap3A_1019 = arith.constant 5 : i32
      %swap3A_1020 = arith.index_cast %swap3A_1019 : i32 to index
      %swap3A_1021 = arith.constant 16 : index
      %swap3A_1022 = tpu.vector_load %arg11[%swap3A_1020, %swap3A_1021] {strides = array<i32>} : memref<8x128xi32, #tpu.memory_space<vmem>>, vector<1x16xi32>,
      %swap3A_1023 = vector.shape_cast %swap3A_1022 : vector<1x16xi32> to vector<16xi32>
      %swap3A_1024 = vector.shape_cast %convert_element_type3A_1018 : vector<16xi32> to vector<1x16xi32>
      tpu.vector_store %arg11[%swap3A_1020, %swap3A_1021], %swap3A_1024 {strides = array<i32>} : memref<8x128xi32, #tpu.memory_space<vmem>>, vector<1x16xi32>,
      %get3A_1025 = arith.constant 5 : i32
      %get3A_1026 = arith.index_cast %get3A_1025 : i32 to index
      %get3A_1027 = arith.constant 32 : index
      %get3A_1028 = tpu.vector_load %arg8[%get3A_1026, %get3A_1027] {strides = array<i32>} : memref<8x128xf32, #tpu.memory_space<vmem>>, vector<1x16xf32>,
      %get3A_1029 = vector.shape_cast %get3A_1028 : vector<1x16xf32> to vector<16xf32>
      %convert_element_type3A_1030 = arith.fptosi %get3A_1029 : vector<16xf32> to vector<16xi32>
      %swap3A_1031 = arith.constant 5 : i32
      %swap3A_1032 = arith.index_cast %swap3A_1031 : i32 to index
      %swap3A_1033 = arith.constant 32 : index
      %swap3A_1034 = tpu.vector_load %arg10[%swap3A_1032, %swap3A_1033] {strides = array<i32>} : memref<8x128xi32, #tpu.memory_space<vmem>>, vector<1x16xi32>,
      %swap3A_1035 = vector.shape_cast %swap3A_1034 : vector<1x16xi32> to vector<16xi32>
      %swap3A_1036 = vector.shape_cast %convert_element_type3A_1030 : vector<16xi32> to vector<1x16xi32>
      tpu.vector_store %arg10[%swap3A_1032, %swap3A_1033], %swap3A_1036 {strides = array<i32>} : memref<8x128xi32, #tpu.memory_space<vmem>>, vector<1x16xi32>,
      %get3A_1037 = arith.constant 5 : i32
      %get3A_1038 = arith.index_cast %get3A_1037 : i32 to index
      %get3A_1039 = arith.constant 32 : index
      %get3A_1040 = tpu.vector_load %arg9[%get3A_1038, %get3A_1039] {strides = array<i32>} : memref<8x128xf32, #tpu.memory_space<vmem>>, vector<1x16xf32>,
      %get3A_1041 = vector.shape_cast %get3A_1040 : vector<1x16xf32> to vector<16xf32>
      %convert_element_type3A_1042 = arith.fptosi %get3A_1041 : vector<16xf32> to vector<16xi32>
      %swap3A_1043 = arith.constant 5 : i32
      %swap3A_1044 = arith.index_cast %swap3A_1043 : i32 to index
      %swap3A_1045 = arith.constant 32 : index
      %swap3A_1046 = tpu.vector_load %arg11[%swap3A_1044, %swap3A_1045] {strides = array<i32>} : memref<8x128xi32, #tpu.memory_space<vmem>>, vector<1x16xi32>,
      %swap3A_1047 = vector.shape_cast %swap3A_1046 : vector<1x16xi32> to vector<16xi32>
      %swap3A_1048 = vector.shape_cast %convert_element_type3A_1042 : vector<16xi32> to vector<1x16xi32>
      tpu.vector_store %arg11[%swap3A_1044, %swap3A_1045], %swap3A_1048 {strides = array<i32>} : memref<8x128xi32, #tpu.memory_space<vmem>>, vector<1x16xi32>,
      %get3A_1049 = arith.constant 5 : i32
      %get3A_1050 = arith.index_cast %get3A_1049 : i32 to index
      %get3A_1051 = arith.constant 48 : index
      %get3A_1052 = tpu.vector_load %arg8[%get3A_1050, %get3A_1051] {strides = array<i32>} : memref<8x128xf32, #tpu.memory_space<vmem>>, vector<1x16xf32>,
      %get3A_1053 = vector.shape_cast %get3A_1052 : vector<1x16xf32> to vector<16xf32>
      %convert_element_type3A_1054 = arith.fptosi %get3A_1053 : vector<16xf32> to vector<16xi32>
      %swap3A_1055 = arith.constant 5 : i32
      %swap3A_1056 = arith.index_cast %swap3A_1055 : i32 to index
      %swap3A_1057 = arith.constant 48 : index
      %swap3A_1058 = tpu.vector_load %arg10[%swap3A_1056, %swap3A_1057] {strides = array<i32>} : memref<8x128xi32, #tpu.memory_space<vmem>>, vector<1x16xi32>,
      %swap3A_1059 = vector.shape_cast %swap3A_1058 : vector<1x16xi32> to vector<16xi32>
      %swap3A_1060 = vector.shape_cast %convert_element_type3A_1054 : vector<16xi32> to vector<1x16xi32>
      tpu.vector_store %arg10[%swap3A_1056, %swap3A_1057], %swap3A_1060 {strides = array<i32>} : memref<8x128xi32, #tpu.memory_space<vmem>>, vector<1x16xi32>,
      %get3A_1061 = arith.constant 5 : i32
      %get3A_1062 = arith.index_cast %get3A_1061 : i32 to index
      %get3A_1063 = arith.constant 48 : index
      %get3A_1064 = tpu.vector_load %arg9[%get3A_1062, %get3A_1063] {strides = array<i32>} : memref<8x128xf32, #tpu.memory_space<vmem>>, vector<1x16xf32>,
      %get3A_1065 = vector.shape_cast %get3A_1064 : vector<1x16xf32> to vector<16xf32>
      %convert_element_type3A_1066 = arith.fptosi %get3A_1065 : vector<16xf32> to vector<16xi32>
      %swap3A_1067 = arith.constant 5 : i32
      %swap3A_1068 = arith.index_cast %swap3A_1067 : i32 to index
      %swap3A_1069 = arith.constant 48 : index
      %swap3A_1070 = tpu.vector_load %arg11[%swap3A_1068, %swap3A_1069] {strides = array<i32>} : memref<8x128xi32, #tpu.memory_space<vmem>>, vector<1x16xi32>,
      %swap3A_1071 = vector.shape_cast %swap3A_1070 : vector<1x16xi32> to vector<16xi32>
      %swap3A_1072 = vector.shape_cast %convert_element_type3A_1066 : vector<16xi32> to vector<1x16xi32>
      tpu.vector_store %arg11[%swap3A_1068, %swap3A_1069], %swap3A_1072 {strides = array<i32>} : memref<8x128xi32, #tpu.memory_space<vmem>>, vector<1x16xi32>,
      %get3A_1073 = arith.constant 5 : i32
      %get3A_1074 = arith.index_cast %get3A_1073 : i32 to index
      %get3A_1075 = arith.constant 64 : index
      %get3A_1076 = tpu.vector_load %arg8[%get3A_1074, %get3A_1075] {strides = array<i32>} : memref<8x128xf32, #tpu.memory_space<vmem>>, vector<1x16xf32>,
      %get3A_1077 = vector.shape_cast %get3A_1076 : vector<1x16xf32> to vector<16xf32>
      %convert_element_type3A_1078 = arith.fptosi %get3A_1077 : vector<16xf32> to vector<16xi32>
      %swap3A_1079 = arith.constant 5 : i32
      %swap3A_1080 = arith.index_cast %swap3A_1079 : i32 to index
      %swap3A_1081 = arith.constant 64 : index
      %swap3A_1082 = tpu.vector_load %arg10[%swap3A_1080, %swap3A_1081] {strides = array<i32>} : memref<8x128xi32, #tpu.memory_space<vmem>>, vector<1x16xi32>,
      %swap3A_1083 = vector.shape_cast %swap3A_1082 : vector<1x16xi32> to vector<16xi32>
      %swap3A_1084 = vector.shape_cast %convert_element_type3A_1078 : vector<16xi32> to vector<1x16xi32>
      tpu.vector_store %arg10[%swap3A_1080, %swap3A_1081], %swap3A_1084 {strides = array<i32>} : memref<8x128xi32, #tpu.memory_space<vmem>>, vector<1x16xi32>,
      %get3A_1085 = arith.constant 5 : i32
      %get3A_1086 = arith.index_cast %get3A_1085 : i32 to index
      %get3A_1087 = arith.constant 64 : index
      %get3A_1088 = tpu.vector_load %arg9[%get3A_1086, %get3A_1087] {strides = array<i32>} : memref<8x128xf32, #tpu.memory_space<vmem>>, vector<1x16xf32>,
      %get3A_1089 = vector.shape_cast %get3A_1088 : vector<1x16xf32> to vector<16xf32>
      %convert_element_type3A_1090 = arith.fptosi %get3A_1089 : vector<16xf32> to vector<16xi32>
      %swap3A_1091 = arith.constant 5 : i32
      %swap3A_1092 = arith.index_cast %swap3A_1091 : i32 to index
      %swap3A_1093 = arith.constant 64 : index
      %swap3A_1094 = tpu.vector_load %arg11[%swap3A_1092, %swap3A_1093] {strides = array<i32>} : memref<8x128xi32, #tpu.memory_space<vmem>>, vector<1x16xi32>,
      %swap3A_1095 = vector.shape_cast %swap3A_1094 : vector<1x16xi32> to vector<16xi32>
      %swap3A_1096 = vector.shape_cast %convert_element_type3A_1090 : vector<16xi32> to vector<1x16xi32>
      tpu.vector_store %arg11[%swap3A_1092, %swap3A_1093], %swap3A_1096 {strides = array<i32>} : memref<8x128xi32, #tpu.memory_space<vmem>>, vector<1x16xi32>,
      %get3A_1097 = arith.constant 5 : i32
      %get3A_1098 = arith.index_cast %get3A_1097 : i32 to index
      %get3A_1099 = arith.constant 80 : index
      %get3A_1100 = tpu.vector_load %arg8[%get3A_1098, %get3A_1099] {strides = array<i32>} : memref<8x128xf32, #tpu.memory_space<vmem>>, vector<1x16xf32>,
      %get3A_1101 = vector.shape_cast %get3A_1100 : vector<1x16xf32> to vector<16xf32>
      %convert_element_type3A_1102 = arith.fptosi %get3A_1101 : vector<16xf32> to vector<16xi32>
      %swap3A_1103 = arith.constant 5 : i32
      %swap3A_1104 = arith.index_cast %swap3A_1103 : i32 to index
      %swap3A_1105 = arith.constant 80 : index
      %swap3A_1106 = tpu.vector_load %arg10[%swap3A_1104, %swap3A_1105] {strides = array<i32>} : memref<8x128xi32, #tpu.memory_space<vmem>>, vector<1x16xi32>,
      %swap3A_1107 = vector.shape_cast %swap3A_1106 : vector<1x16xi32> to vector<16xi32>
      %swap3A_1108 = vector.shape_cast %convert_element_type3A_1102 : vector<16xi32> to vector<1x16xi32>
      tpu.vector_store %arg10[%swap3A_1104, %swap3A_1105], %swap3A_1108 {strides = array<i32>} : memref<8x128xi32, #tpu.memory_space<vmem>>, vector<1x16xi32>,
      %get3A_1109 = arith.constant 5 : i32
      %get3A_1110 = arith.index_cast %get3A_1109 : i32 to index
      %get3A_1111 = arith.constant 80 : index
      %get3A_1112 = tpu.vector_load %arg9[%get3A_1110, %get3A_1111] {strides = array<i32>} : memref<8x128xf32, #tpu.memory_space<vmem>>, vector<1x16xf32>,
      %get3A_1113 = vector.shape_cast %get3A_1112 : vector<1x16xf32> to vector<16xf32>
      %convert_element_type3A_1114 = arith.fptosi %get3A_1113 : vector<16xf32> to vector<16xi32>
      %swap3A_1115 = arith.constant 5 : i32
      %swap3A_1116 = arith.index_cast %swap3A_1115 : i32 to index
      %swap3A_1117 = arith.constant 80 : index
      %swap3A_1118 = tpu.vector_load %arg11[%swap3A_1116, %swap3A_1117] {strides = array<i32>} : memref<8x128xi32, #tpu.memory_space<vmem>>, vector<1x16xi32>,
      %swap3A_1119 = vector.shape_cast %swap3A_1118 : vector<1x16xi32> to vector<16xi32>
      %swap3A_1120 = vector.shape_cast %convert_element_type3A_1114 : vector<16xi32> to vector<1x16xi32>
      tpu.vector_store %arg11[%swap3A_1116, %swap3A_1117], %swap3A_1120 {strides = array<i32>} : memref<8x128xi32, #tpu.memory_space<vmem>>, vector<1x16xi32>,
      %get3A_1121 = arith.constant 5 : i32
      %get3A_1122 = arith.index_cast %get3A_1121 : i32 to index
      %get3A_1123 = arith.constant 96 : index
      %get3A_1124 = tpu.vector_load %arg8[%get3A_1122, %get3A_1123] {strides = array<i32>} : memref<8x128xf32, #tpu.memory_space<vmem>>, vector<1x16xf32>,
      %get3A_1125 = vector.shape_cast %get3A_1124 : vector<1x16xf32> to vector<16xf32>
      %convert_element_type3A_1126 = arith.fptosi %get3A_1125 : vector<16xf32> to vector<16xi32>
      %swap3A_1127 = arith.constant 5 : i32
      %swap3A_1128 = arith.index_cast %swap3A_1127 : i32 to index
      %swap3A_1129 = arith.constant 96 : index
      %swap3A_1130 = tpu.vector_load %arg10[%swap3A_1128, %swap3A_1129] {strides = array<i32>} : memref<8x128xi32, #tpu.memory_space<vmem>>, vector<1x16xi32>,
      %swap3A_1131 = vector.shape_cast %swap3A_1130 : vector<1x16xi32> to vector<16xi32>
      %swap3A_1132 = vector.shape_cast %convert_element_type3A_1126 : vector<16xi32> to vector<1x16xi32>
      tpu.vector_store %arg10[%swap3A_1128, %swap3A_1129], %swap3A_1132 {strides = array<i32>} : memref<8x128xi32, #tpu.memory_space<vmem>>, vector<1x16xi32>,
      %get3A_1133 = arith.constant 5 : i32
      %get3A_1134 = arith.index_cast %get3A_1133 : i32 to index
      %get3A_1135 = arith.constant 96 : index
      %get3A_1136 = tpu.vector_load %arg9[%get3A_1134, %get3A_1135] {strides = array<i32>} : memref<8x128xf32, #tpu.memory_space<vmem>>, vector<1x16xf32>,
      %get3A_1137 = vector.shape_cast %get3A_1136 : vector<1x16xf32> to vector<16xf32>
      %convert_element_type3A_1138 = arith.fptosi %get3A_1137 : vector<16xf32> to vector<16xi32>
      %swap3A_1139 = arith.constant 5 : i32
      %swap3A_1140 = arith.index_cast %swap3A_1139 : i32 to index
      %swap3A_1141 = arith.constant 96 : index
      %swap3A_1142 = tpu.vector_load %arg11[%swap3A_1140, %swap3A_1141] {strides = array<i32>} : memref<8x128xi32, #tpu.memory_space<vmem>>, vector<1x16xi32>,
      %swap3A_1143 = vector.shape_cast %swap3A_1142 : vector<1x16xi32> to vector<16xi32>
      %swap3A_1144 = vector.shape_cast %convert_element_type3A_1138 : vector<16xi32> to vector<1x16xi32>
      tpu.vector_store %arg11[%swap3A_1140, %swap3A_1141], %swap3A_1144 {strides = array<i32>} : memref<8x128xi32, #tpu.memory_space<vmem>>, vector<1x16xi32>,
      %get3A_1145 = arith.constant 5 : i32
      %get3A_1146 = arith.index_cast %get3A_1145 : i32 to index
      %get3A_1147 = arith.constant 112 : index
      %get3A_1148 = tpu.vector_load %arg8[%get3A_1146, %get3A_1147] {strides = array<i32>} : memref<8x128xf32, #tpu.memory_space<vmem>>, vector<1x16xf32>,
      %get3A_1149 = vector.shape_cast %get3A_1148 : vector<1x16xf32> to vector<16xf32>
      %convert_element_type3A_1150 = arith.fptosi %get3A_1149 : vector<16xf32> to vector<16xi32>
      %swap3A_1151 = arith.constant 5 : i32
      %swap3A_1152 = arith.index_cast %swap3A_1151 : i32 to index
      %swap3A_1153 = arith.constant 112 : index
      %swap3A_1154 = tpu.vector_load %arg10[%swap3A_1152, %swap3A_1153] {strides = array<i32>} : memref<8x128xi32, #tpu.memory_space<vmem>>, vector<1x16xi32>,
      %swap3A_1155 = vector.shape_cast %swap3A_1154 : vector<1x16xi32> to vector<16xi32>
      %swap3A_1156 = vector.shape_cast %convert_element_type3A_1150 : vector<16xi32> to vector<1x16xi32>
      tpu.vector_store %arg10[%swap3A_1152, %swap3A_1153], %swap3A_1156 {strides = array<i32>} : memref<8x128xi32, #tpu.memory_space<vmem>>, vector<1x16xi32>,
      %get3A_1157 = arith.constant 5 : i32
      %get3A_1158 = arith.index_cast %get3A_1157 : i32 to index
      %get3A_1159 = arith.constant 112 : index
      %get3A_1160 = tpu.vector_load %arg9[%get3A_1158, %get3A_1159] {strides = array<i32>} : memref<8x128xf32, #tpu.memory_space<vmem>>, vector<1x16xf32>,
      %get3A_1161 = vector.shape_cast %get3A_1160 : vector<1x16xf32> to vector<16xf32>
      %convert_element_type3A_1162 = arith.fptosi %get3A_1161 : vector<16xf32> to vector<16xi32>
      %swap3A_1163 = arith.constant 5 : i32
      %swap3A_1164 = arith.index_cast %swap3A_1163 : i32 to index
      %swap3A_1165 = arith.constant 112 : index
      %swap3A_1166 = tpu.vector_load %arg11[%swap3A_1164, %swap3A_1165] {strides = array<i32>} : memref<8x128xi32, #tpu.memory_space<vmem>>, vector<1x16xi32>,
      %swap3A_1167 = vector.shape_cast %swap3A_1166 : vector<1x16xi32> to vector<16xi32>
      %swap3A_1168 = vector.shape_cast %convert_element_type3A_1162 : vector<16xi32> to vector<1x16xi32>
      tpu.vector_store %arg11[%swap3A_1164, %swap3A_1165], %swap3A_1168 {strides = array<i32>} : memref<8x128xi32, #tpu.memory_space<vmem>>, vector<1x16xi32>,
      %get3A_1169 = arith.constant 6 : i32
      %get3A_1170 = arith.index_cast %get3A_1169 : i32 to index
      %get3A_1171 = arith.constant 0 : index
      %get3A_1172 = tpu.vector_load %arg8[%get3A_1170, %get3A_1171] {strides = array<i32>} : memref<8x128xf32, #tpu.memory_space<vmem>>, vector<1x16xf32>,
      %get3A_1173 = vector.shape_cast %get3A_1172 : vector<1x16xf32> to vector<16xf32>
      %convert_element_type3A_1174 = arith.fptosi %get3A_1173 : vector<16xf32> to vector<16xi32>
      %swap3A_1175 = arith.constant 6 : i32
      %swap3A_1176 = arith.index_cast %swap3A_1175 : i32 to index
      %swap3A_1177 = arith.constant 0 : index
      %swap3A_1178 = tpu.vector_load %arg10[%swap3A_1176, %swap3A_1177] {strides = array<i32>} : memref<8x128xi32, #tpu.memory_space<vmem>>, vector<1x16xi32>,
      %swap3A_1179 = vector.shape_cast %swap3A_1178 : vector<1x16xi32> to vector<16xi32>
      %swap3A_1180 = vector.shape_cast %convert_element_type3A_1174 : vector<16xi32> to vector<1x16xi32>
      tpu.vector_store %arg10[%swap3A_1176, %swap3A_1177], %swap3A_1180 {strides = array<i32>} : memref<8x128xi32, #tpu.memory_space<vmem>>, vector<1x16xi32>,
      %get3A_1181 = arith.constant 6 : i32
      %get3A_1182 = arith.index_cast %get3A_1181 : i32 to index
      %get3A_1183 = arith.constant 0 : index
      %get3A_1184 = tpu.vector_load %arg9[%get3A_1182, %get3A_1183] {strides = array<i32>} : memref<8x128xf32, #tpu.memory_space<vmem>>, vector<1x16xf32>,
      %get3A_1185 = vector.shape_cast %get3A_1184 : vector<1x16xf32> to vector<16xf32>
      %convert_element_type3A_1186 = arith.fptosi %get3A_1185 : vector<16xf32> to vector<16xi32>
      %swap3A_1187 = arith.constant 6 : i32
      %swap3A_1188 = arith.index_cast %swap3A_1187 : i32 to index
      %swap3A_1189 = arith.constant 0 : index
      %swap3A_1190 = tpu.vector_load %arg11[%swap3A_1188, %swap3A_1189] {strides = array<i32>} : memref<8x128xi32, #tpu.memory_space<vmem>>, vector<1x16xi32>,
      %swap3A_1191 = vector.shape_cast %swap3A_1190 : vector<1x16xi32> to vector<16xi32>
      %swap3A_1192 = vector.shape_cast %convert_element_type3A_1186 : vector<16xi32> to vector<1x16xi32>
      tpu.vector_store %arg11[%swap3A_1188, %swap3A_1189], %swap3A_1192 {strides = array<i32>} : memref<8x128xi32, #tpu.memory_space<vmem>>, vector<1x16xi32>,
      %get3A_1193 = arith.constant 6 : i32
      %get3A_1194 = arith.index_cast %get3A_1193 : i32 to index
      %get3A_1195 = arith.constant 16 : index
      %get3A_1196 = tpu.vector_load %arg8[%get3A_1194, %get3A_1195] {strides = array<i32>} : memref<8x128xf32, #tpu.memory_space<vmem>>, vector<1x16xf32>,
      %get3A_1197 = vector.shape_cast %get3A_1196 : vector<1x16xf32> to vector<16xf32>
      %convert_element_type3A_1198 = arith.fptosi %get3A_1197 : vector<16xf32> to vector<16xi32>
      %swap3A_1199 = arith.constant 6 : i32
      %swap3A_1200 = arith.index_cast %swap3A_1199 : i32 to index
      %swap3A_1201 = arith.constant 16 : index
      %swap3A_1202 = tpu.vector_load %arg10[%swap3A_1200, %swap3A_1201] {strides = array<i32>} : memref<8x128xi32, #tpu.memory_space<vmem>>, vector<1x16xi32>,
      %swap3A_1203 = vector.shape_cast %swap3A_1202 : vector<1x16xi32> to vector<16xi32>
      %swap3A_1204 = vector.shape_cast %convert_element_type3A_1198 : vector<16xi32> to vector<1x16xi32>
      tpu.vector_store %arg10[%swap3A_1200, %swap3A_1201], %swap3A_1204 {strides = array<i32>} : memref<8x128xi32, #tpu.memory_space<vmem>>, vector<1x16xi32>,
      %get3A_1205 = arith.constant 6 : i32
      %get3A_1206 = arith.index_cast %get3A_1205 : i32 to index
      %get3A_1207 = arith.constant 16 : index
      %get3A_1208 = tpu.vector_load %arg9[%get3A_1206, %get3A_1207] {strides = array<i32>} : memref<8x128xf32, #tpu.memory_space<vmem>>, vector<1x16xf32>,
      %get3A_1209 = vector.shape_cast %get3A_1208 : vector<1x16xf32> to vector<16xf32>
      %convert_element_type3A_1210 = arith.fptosi %get3A_1209 : vector<16xf32> to vector<16xi32>
      %swap3A_1211 = arith.constant 6 : i32
      %swap3A_1212 = arith.index_cast %swap3A_1211 : i32 to index
      %swap3A_1213 = arith.constant 16 : index
      %swap3A_1214 = tpu.vector_load %arg11[%swap3A_1212, %swap3A_1213] {strides = array<i32>} : memref<8x128xi32, #tpu.memory_space<vmem>>, vector<1x16xi32>,
      %swap3A_1215 = vector.shape_cast %swap3A_1214 : vector<1x16xi32> to vector<16xi32>
      %swap3A_1216 = vector.shape_cast %convert_element_type3A_1210 : vector<16xi32> to vector<1x16xi32>
      tpu.vector_store %arg11[%swap3A_1212, %swap3A_1213], %swap3A_1216 {strides = array<i32>} : memref<8x128xi32, #tpu.memory_space<vmem>>, vector<1x16xi32>,
      %get3A_1217 = arith.constant 6 : i32
      %get3A_1218 = arith.index_cast %get3A_1217 : i32 to index
      %get3A_1219 = arith.constant 32 : index
      %get3A_1220 = tpu.vector_load %arg8[%get3A_1218, %get3A_1219] {strides = array<i32>} : memref<8x128xf32, #tpu.memory_space<vmem>>, vector<1x16xf32>,
      %get3A_1221 = vector.shape_cast %get3A_1220 : vector<1x16xf32> to vector<16xf32>
      %convert_element_type3A_1222 = arith.fptosi %get3A_1221 : vector<16xf32> to vector<16xi32>
      %swap3A_1223 = arith.constant 6 : i32
      %swap3A_1224 = arith.index_cast %swap3A_1223 : i32 to index
      %swap3A_1225 = arith.constant 32 : index
      %swap3A_1226 = tpu.vector_load %arg10[%swap3A_1224, %swap3A_1225] {strides = array<i32>} : memref<8x128xi32, #tpu.memory_space<vmem>>, vector<1x16xi32>,
      %swap3A_1227 = vector.shape_cast %swap3A_1226 : vector<1x16xi32> to vector<16xi32>
      %swap3A_1228 = vector.shape_cast %convert_element_type3A_1222 : vector<16xi32> to vector<1x16xi32>
      tpu.vector_store %arg10[%swap3A_1224, %swap3A_1225], %swap3A_1228 {strides = array<i32>} : memref<8x128xi32, #tpu.memory_space<vmem>>, vector<1x16xi32>,
      %get3A_1229 = arith.constant 6 : i32
      %get3A_1230 = arith.index_cast %get3A_1229 : i32 to index
      %get3A_1231 = arith.constant 32 : index
      %get3A_1232 = tpu.vector_load %arg9[%get3A_1230, %get3A_1231] {strides = array<i32>} : memref<8x128xf32, #tpu.memory_space<vmem>>, vector<1x16xf32>,
      %get3A_1233 = vector.shape_cast %get3A_1232 : vector<1x16xf32> to vector<16xf32>
      %convert_element_type3A_1234 = arith.fptosi %get3A_1233 : vector<16xf32> to vector<16xi32>
      %swap3A_1235 = arith.constant 6 : i32
      %swap3A_1236 = arith.index_cast %swap3A_1235 : i32 to index
      %swap3A_1237 = arith.constant 32 : index
      %swap3A_1238 = tpu.vector_load %arg11[%swap3A_1236, %swap3A_1237] {strides = array<i32>} : memref<8x128xi32, #tpu.memory_space<vmem>>, vector<1x16xi32>,
      %swap3A_1239 = vector.shape_cast %swap3A_1238 : vector<1x16xi32> to vector<16xi32>
      %swap3A_1240 = vector.shape_cast %convert_element_type3A_1234 : vector<16xi32> to vector<1x16xi32>
      tpu.vector_store %arg11[%swap3A_1236, %swap3A_1237], %swap3A_1240 {strides = array<i32>} : memref<8x128xi32, #tpu.memory_space<vmem>>, vector<1x16xi32>,
      %get3A_1241 = arith.constant 6 : i32
      %get3A_1242 = arith.index_cast %get3A_1241 : i32 to index
      %get3A_1243 = arith.constant 48 : index
      %get3A_1244 = tpu.vector_load %arg8[%get3A_1242, %get3A_1243] {strides = array<i32>} : memref<8x128xf32, #tpu.memory_space<vmem>>, vector<1x16xf32>,
      %get3A_1245 = vector.shape_cast %get3A_1244 : vector<1x16xf32> to vector<16xf32>
      %convert_element_type3A_1246 = arith.fptosi %get3A_1245 : vector<16xf32> to vector<16xi32>
      %swap3A_1247 = arith.constant 6 : i32
      %swap3A_1248 = arith.index_cast %swap3A_1247 : i32 to index
      %swap3A_1249 = arith.constant 48 : index
      %swap3A_1250 = tpu.vector_load %arg10[%swap3A_1248, %swap3A_1249] {strides = array<i32>} : memref<8x128xi32, #tpu.memory_space<vmem>>, vector<1x16xi32>,
      %swap3A_1251 = vector.shape_cast %swap3A_1250 : vector<1x16xi32> to vector<16xi32>
      %swap3A_1252 = vector.shape_cast %convert_element_type3A_1246 : vector<16xi32> to vector<1x16xi32>
      tpu.vector_store %arg10[%swap3A_1248, %swap3A_1249], %swap3A_1252 {strides = array<i32>} : memref<8x128xi32, #tpu.memory_space<vmem>>, vector<1x16xi32>,
      %get3A_1253 = arith.constant 6 : i32
      %get3A_1254 = arith.index_cast %get3A_1253 : i32 to index
      %get3A_1255 = arith.constant 48 : index
      %get3A_1256 = tpu.vector_load %arg9[%get3A_1254, %get3A_1255] {strides = array<i32>} : memref<8x128xf32, #tpu.memory_space<vmem>>, vector<1x16xf32>,
      %get3A_1257 = vector.shape_cast %get3A_1256 : vector<1x16xf32> to vector<16xf32>
      %convert_element_type3A_1258 = arith.fptosi %get3A_1257 : vector<16xf32> to vector<16xi32>
      %swap3A_1259 = arith.constant 6 : i32
      %swap3A_1260 = arith.index_cast %swap3A_1259 : i32 to index
      %swap3A_1261 = arith.constant 48 : index
      %swap3A_1262 = tpu.vector_load %arg11[%swap3A_1260, %swap3A_1261] {strides = array<i32>} : memref<8x128xi32, #tpu.memory_space<vmem>>, vector<1x16xi32>,
      %swap3A_1263 = vector.shape_cast %swap3A_1262 : vector<1x16xi32> to vector<16xi32>
      %swap3A_1264 = vector.shape_cast %convert_element_type3A_1258 : vector<16xi32> to vector<1x16xi32>
      tpu.vector_store %arg11[%swap3A_1260, %swap3A_1261], %swap3A_1264 {strides = array<i32>} : memref<8x128xi32, #tpu.memory_space<vmem>>, vector<1x16xi32>,
      %get3A_1265 = arith.constant 6 : i32
      %get3A_1266 = arith.index_cast %get3A_1265 : i32 to index
      %get3A_1267 = arith.constant 64 : index
      %get3A_1268 = tpu.vector_load %arg8[%get3A_1266, %get3A_1267] {strides = array<i32>} : memref<8x128xf32, #tpu.memory_space<vmem>>, vector<1x16xf32>,
      %get3A_1269 = vector.shape_cast %get3A_1268 : vector<1x16xf32> to vector<16xf32>
      %convert_element_type3A_1270 = arith.fptosi %get3A_1269 : vector<16xf32> to vector<16xi32>
      %swap3A_1271 = arith.constant 6 : i32
      %swap3A_1272 = arith.index_cast %swap3A_1271 : i32 to index
      %swap3A_1273 = arith.constant 64 : index
      %swap3A_1274 = tpu.vector_load %arg10[%swap3A_1272, %swap3A_1273] {strides = array<i32>} : memref<8x128xi32, #tpu.memory_space<vmem>>, vector<1x16xi32>,
      %swap3A_1275 = vector.shape_cast %swap3A_1274 : vector<1x16xi32> to vector<16xi32>
      %swap3A_1276 = vector.shape_cast %convert_element_type3A_1270 : vector<16xi32> to vector<1x16xi32>
      tpu.vector_store %arg10[%swap3A_1272, %swap3A_1273], %swap3A_1276 {strides = array<i32>} : memref<8x128xi32, #tpu.memory_space<vmem>>, vector<1x16xi32>,
      %get3A_1277 = arith.constant 6 : i32
      %get3A_1278 = arith.index_cast %get3A_1277 : i32 to index
      %get3A_1279 = arith.constant 64 : index
      %get3A_1280 = tpu.vector_load %arg9[%get3A_1278, %get3A_1279] {strides = array<i32>} : memref<8x128xf32, #tpu.memory_space<vmem>>, vector<1x16xf32>,
      %get3A_1281 = vector.shape_cast %get3A_1280 : vector<1x16xf32> to vector<16xf32>
      %convert_element_type3A_1282 = arith.fptosi %get3A_1281 : vector<16xf32> to vector<16xi32>
      %swap3A_1283 = arith.constant 6 : i32
      %swap3A_1284 = arith.index_cast %swap3A_1283 : i32 to index
      %swap3A_1285 = arith.constant 64 : index
      %swap3A_1286 = tpu.vector_load %arg11[%swap3A_1284, %swap3A_1285] {strides = array<i32>} : memref<8x128xi32, #tpu.memory_space<vmem>>, vector<1x16xi32>,
      %swap3A_1287 = vector.shape_cast %swap3A_1286 : vector<1x16xi32> to vector<16xi32>
      %swap3A_1288 = vector.shape_cast %convert_element_type3A_1282 : vector<16xi32> to vector<1x16xi32>
      tpu.vector_store %arg11[%swap3A_1284, %swap3A_1285], %swap3A_1288 {strides = array<i32>} : memref<8x128xi32, #tpu.memory_space<vmem>>, vector<1x16xi32>,
      %get3A_1289 = arith.constant 6 : i32
      %get3A_1290 = arith.index_cast %get3A_1289 : i32 to index
      %get3A_1291 = arith.constant 80 : index
      %get3A_1292 = tpu.vector_load %arg8[%get3A_1290, %get3A_1291] {strides = array<i32>} : memref<8x128xf32, #tpu.memory_space<vmem>>, vector<1x16xf32>,
      %get3A_1293 = vector.shape_cast %get3A_1292 : vector<1x16xf32> to vector<16xf32>
      %convert_element_type3A_1294 = arith.fptosi %get3A_1293 : vector<16xf32> to vector<16xi32>
      %swap3A_1295 = arith.constant 6 : i32
      %swap3A_1296 = arith.index_cast %swap3A_1295 : i32 to index
      %swap3A_1297 = arith.constant 80 : index
      %swap3A_1298 = tpu.vector_load %arg10[%swap3A_1296, %swap3A_1297] {strides = array<i32>} : memref<8x128xi32, #tpu.memory_space<vmem>>, vector<1x16xi32>,
      %swap3A_1299 = vector.shape_cast %swap3A_1298 : vector<1x16xi32> to vector<16xi32>
      %swap3A_1300 = vector.shape_cast %convert_element_type3A_1294 : vector<16xi32> to vector<1x16xi32>
      tpu.vector_store %arg10[%swap3A_1296, %swap3A_1297], %swap3A_1300 {strides = array<i32>} : memref<8x128xi32, #tpu.memory_space<vmem>>, vector<1x16xi32>,
      %get3A_1301 = arith.constant 6 : i32
      %get3A_1302 = arith.index_cast %get3A_1301 : i32 to index
      %get3A_1303 = arith.constant 80 : index
      %get3A_1304 = tpu.vector_load %arg9[%get3A_1302, %get3A_1303] {strides = array<i32>} : memref<8x128xf32, #tpu.memory_space<vmem>>, vector<1x16xf32>,
      %get3A_1305 = vector.shape_cast %get3A_1304 : vector<1x16xf32> to vector<16xf32>
      %convert_element_type3A_1306 = arith.fptosi %get3A_1305 : vector<16xf32> to vector<16xi32>
      %swap3A_1307 = arith.constant 6 : i32
      %swap3A_1308 = arith.index_cast %swap3A_1307 : i32 to index
      %swap3A_1309 = arith.constant 80 : index
      %swap3A_1310 = tpu.vector_load %arg11[%swap3A_1308, %swap3A_1309] {strides = array<i32>} : memref<8x128xi32, #tpu.memory_space<vmem>>, vector<1x16xi32>,
      %swap3A_1311 = vector.shape_cast %swap3A_1310 : vector<1x16xi32> to vector<16xi32>
      %swap3A_1312 = vector.shape_cast %convert_element_type3A_1306 : vector<16xi32> to vector<1x16xi32>
      tpu.vector_store %arg11[%swap3A_1308, %swap3A_1309], %swap3A_1312 {strides = array<i32>} : memref<8x128xi32, #tpu.memory_space<vmem>>, vector<1x16xi32>,
      %get3A_1313 = arith.constant 6 : i32
      %get3A_1314 = arith.index_cast %get3A_1313 : i32 to index
      %get3A_1315 = arith.constant 96 : index
      %get3A_1316 = tpu.vector_load %arg8[%get3A_1314, %get3A_1315] {strides = array<i32>} : memref<8x128xf32, #tpu.memory_space<vmem>>, vector<1x16xf32>,
      %get3A_1317 = vector.shape_cast %get3A_1316 : vector<1x16xf32> to vector<16xf32>
      %convert_element_type3A_1318 = arith.fptosi %get3A_1317 : vector<16xf32> to vector<16xi32>
      %swap3A_1319 = arith.constant 6 : i32
      %swap3A_1320 = arith.index_cast %swap3A_1319 : i32 to index
      %swap3A_1321 = arith.constant 96 : index
      %swap3A_1322 = tpu.vector_load %arg10[%swap3A_1320, %swap3A_1321] {strides = array<i32>} : memref<8x128xi32, #tpu.memory_space<vmem>>, vector<1x16xi32>,
      %swap3A_1323 = vector.shape_cast %swap3A_1322 : vector<1x16xi32> to vector<16xi32>
      %swap3A_1324 = vector.shape_cast %convert_element_type3A_1318 : vector<16xi32> to vector<1x16xi32>
      tpu.vector_store %arg10[%swap3A_1320, %swap3A_1321], %swap3A_1324 {strides = array<i32>} : memref<8x128xi32, #tpu.memory_space<vmem>>, vector<1x16xi32>,
      %get3A_1325 = arith.constant 6 : i32
      %get3A_1326 = arith.index_cast %get3A_1325 : i32 to index
      %get3A_1327 = arith.constant 96 : index
      %get3A_1328 = tpu.vector_load %arg9[%get3A_1326, %get3A_1327] {strides = array<i32>} : memref<8x128xf32, #tpu.memory_space<vmem>>, vector<1x16xf32>,
      %get3A_1329 = vector.shape_cast %get3A_1328 : vector<1x16xf32> to vector<16xf32>
      %convert_element_type3A_1330 = arith.fptosi %get3A_1329 : vector<16xf32> to vector<16xi32>
      %swap3A_1331 = arith.constant 6 : i32
      %swap3A_1332 = arith.index_cast %swap3A_1331 : i32 to index
      %swap3A_1333 = arith.constant 96 : index
      %swap3A_1334 = tpu.vector_load %arg11[%swap3A_1332, %swap3A_1333] {strides = array<i32>} : memref<8x128xi32, #tpu.memory_space<vmem>>, vector<1x16xi32>,
      %swap3A_1335 = vector.shape_cast %swap3A_1334 : vector<1x16xi32> to vector<16xi32>
      %swap3A_1336 = vector.shape_cast %convert_element_type3A_1330 : vector<16xi32> to vector<1x16xi32>
      tpu.vector_store %arg11[%swap3A_1332, %swap3A_1333], %swap3A_1336 {strides = array<i32>} : memref<8x128xi32, #tpu.memory_space<vmem>>, vector<1x16xi32>,
      %get3A_1337 = arith.constant 6 : i32
      %get3A_1338 = arith.index_cast %get3A_1337 : i32 to index
      %get3A_1339 = arith.constant 112 : index
      %get3A_1340 = tpu.vector_load %arg8[%get3A_1338, %get3A_1339] {strides = array<i32>} : memref<8x128xf32, #tpu.memory_space<vmem>>, vector<1x16xf32>,
      %get3A_1341 = vector.shape_cast %get3A_1340 : vector<1x16xf32> to vector<16xf32>
      %convert_element_type3A_1342 = arith.fptosi %get3A_1341 : vector<16xf32> to vector<16xi32>
      %swap3A_1343 = arith.constant 6 : i32
      %swap3A_1344 = arith.index_cast %swap3A_1343 : i32 to index
      %swap3A_1345 = arith.constant 112 : index
      %swap3A_1346 = tpu.vector_load %arg10[%swap3A_1344, %swap3A_1345] {strides = array<i32>} : memref<8x128xi32, #tpu.memory_space<vmem>>, vector<1x16xi32>,
      %swap3A_1347 = vector.shape_cast %swap3A_1346 : vector<1x16xi32> to vector<16xi32>
      %swap3A_1348 = vector.shape_cast %convert_element_type3A_1342 : vector<16xi32> to vector<1x16xi32>
      tpu.vector_store %arg10[%swap3A_1344, %swap3A_1345], %swap3A_1348 {strides = array<i32>} : memref<8x128xi32, #tpu.memory_space<vmem>>, vector<1x16xi32>,
      %get3A_1349 = arith.constant 6 : i32
      %get3A_1350 = arith.index_cast %get3A_1349 : i32 to index
      %get3A_1351 = arith.constant 112 : index
      %get3A_1352 = tpu.vector_load %arg9[%get3A_1350, %get3A_1351] {strides = array<i32>} : memref<8x128xf32, #tpu.memory_space<vmem>>, vector<1x16xf32>,
      %get3A_1353 = vector.shape_cast %get3A_1352 : vector<1x16xf32> to vector<16xf32>
      %convert_element_type3A_1354 = arith.fptosi %get3A_1353 : vector<16xf32> to vector<16xi32>
      %swap3A_1355 = arith.constant 6 : i32
      %swap3A_1356 = arith.index_cast %swap3A_1355 : i32 to index
      %swap3A_1357 = arith.constant 112 : index
      %swap3A_1358 = tpu.vector_load %arg11[%swap3A_1356, %swap3A_1357] {strides = array<i32>} : memref<8x128xi32, #tpu.memory_space<vmem>>, vector<1x16xi32>,
      %swap3A_1359 = vector.shape_cast %swap3A_1358 : vector<1x16xi32> to vector<16xi32>
      %swap3A_1360 = vector.shape_cast %convert_element_type3A_1354 : vector<16xi32> to vector<1x16xi32>
      tpu.vector_store %arg11[%swap3A_1356, %swap3A_1357], %swap3A_1360 {strides = array<i32>} : memref<8x128xi32, #tpu.memory_space<vmem>>, vector<1x16xi32>,
      %get3A_1361 = arith.constant 7 : i32
      %get3A_1362 = arith.index_cast %get3A_1361 : i32 to index
      %get3A_1363 = arith.constant 0 : index
      %get3A_1364 = tpu.vector_load %arg8[%get3A_1362, %get3A_1363] {strides = array<i32>} : memref<8x128xf32, #tpu.memory_space<vmem>>, vector<1x16xf32>,
      %get3A_1365 = vector.shape_cast %get3A_1364 : vector<1x16xf32> to vector<16xf32>
      %convert_element_type3A_1366 = arith.fptosi %get3A_1365 : vector<16xf32> to vector<16xi32>
      %swap3A_1367 = arith.constant 7 : i32
      %swap3A_1368 = arith.index_cast %swap3A_1367 : i32 to index
      %swap3A_1369 = arith.constant 0 : index
      %swap3A_1370 = tpu.vector_load %arg10[%swap3A_1368, %swap3A_1369] {strides = array<i32>} : memref<8x128xi32, #tpu.memory_space<vmem>>, vector<1x16xi32>,
      %swap3A_1371 = vector.shape_cast %swap3A_1370 : vector<1x16xi32> to vector<16xi32>
      %swap3A_1372 = vector.shape_cast %convert_element_type3A_1366 : vector<16xi32> to vector<1x16xi32>
      tpu.vector_store %arg10[%swap3A_1368, %swap3A_1369], %swap3A_1372 {strides = array<i32>} : memref<8x128xi32, #tpu.memory_space<vmem>>, vector<1x16xi32>,
      %get3A_1373 = arith.constant 7 : i32
      %get3A_1374 = arith.index_cast %get3A_1373 : i32 to index
      %get3A_1375 = arith.constant 0 : index
      %get3A_1376 = tpu.vector_load %arg9[%get3A_1374, %get3A_1375] {strides = array<i32>} : memref<8x128xf32, #tpu.memory_space<vmem>>, vector<1x16xf32>,
      %get3A_1377 = vector.shape_cast %get3A_1376 : vector<1x16xf32> to vector<16xf32>
      %convert_element_type3A_1378 = arith.fptosi %get3A_1377 : vector<16xf32> to vector<16xi32>
      %swap3A_1379 = arith.constant 7 : i32
      %swap3A_1380 = arith.index_cast %swap3A_1379 : i32 to index
      %swap3A_1381 = arith.constant 0 : index
      %swap3A_1382 = tpu.vector_load %arg11[%swap3A_1380, %swap3A_1381] {strides = array<i32>} : memref<8x128xi32, #tpu.memory_space<vmem>>, vector<1x16xi32>,
      %swap3A_1383 = vector.shape_cast %swap3A_1382 : vector<1x16xi32> to vector<16xi32>
      %swap3A_1384 = vector.shape_cast %convert_element_type3A_1378 : vector<16xi32> to vector<1x16xi32>
      tpu.vector_store %arg11[%swap3A_1380, %swap3A_1381], %swap3A_1384 {strides = array<i32>} : memref<8x128xi32, #tpu.memory_space<vmem>>, vector<1x16xi32>,
      %get3A_1385 = arith.constant 7 : i32
      %get3A_1386 = arith.index_cast %get3A_1385 : i32 to index
      %get3A_1387 = arith.constant 16 : index
      %get3A_1388 = tpu.vector_load %arg8[%get3A_1386, %get3A_1387] {strides = array<i32>} : memref<8x128xf32, #tpu.memory_space<vmem>>, vector<1x16xf32>,
      %get3A_1389 = vector.shape_cast %get3A_1388 : vector<1x16xf32> to vector<16xf32>
      %convert_element_type3A_1390 = arith.fptosi %get3A_1389 : vector<16xf32> to vector<16xi32>
      %swap3A_1391 = arith.constant 7 : i32
      %swap3A_1392 = arith.index_cast %swap3A_1391 : i32 to index
      %swap3A_1393 = arith.constant 16 : index
      %swap3A_1394 = tpu.vector_load %arg10[%swap3A_1392, %swap3A_1393] {strides = array<i32>} : memref<8x128xi32, #tpu.memory_space<vmem>>, vector<1x16xi32>,
      %swap3A_1395 = vector.shape_cast %swap3A_1394 : vector<1x16xi32> to vector<16xi32>
      %swap3A_1396 = vector.shape_cast %convert_element_type3A_1390 : vector<16xi32> to vector<1x16xi32>
      tpu.vector_store %arg10[%swap3A_1392, %swap3A_1393], %swap3A_1396 {strides = array<i32>} : memref<8x128xi32, #tpu.memory_space<vmem>>, vector<1x16xi32>,
      %get3A_1397 = arith.constant 7 : i32
      %get3A_1398 = arith.index_cast %get3A_1397 : i32 to index
      %get3A_1399 = arith.constant 16 : index
      %get3A_1400 = tpu.vector_load %arg9[%get3A_1398, %get3A_1399] {strides = array<i32>} : memref<8x128xf32, #tpu.memory_space<vmem>>, vector<1x16xf32>,
      %get3A_1401 = vector.shape_cast %get3A_1400 : vector<1x16xf32> to vector<16xf32>
      %convert_element_type3A_1402 = arith.fptosi %get3A_1401 : vector<16xf32> to vector<16xi32>
      %swap3A_1403 = arith.constant 7 : i32
      %swap3A_1404 = arith.index_cast %swap3A_1403 : i32 to index
      %swap3A_1405 = arith.constant 16 : index
      %swap3A_1406 = tpu.vector_load %arg11[%swap3A_1404, %swap3A_1405] {strides = array<i32>} : memref<8x128xi32, #tpu.memory_space<vmem>>, vector<1x16xi32>,
      %swap3A_1407 = vector.shape_cast %swap3A_1406 : vector<1x16xi32> to vector<16xi32>
      %swap3A_1408 = vector.shape_cast %convert_element_type3A_1402 : vector<16xi32> to vector<1x16xi32>
      tpu.vector_store %arg11[%swap3A_1404, %swap3A_1405], %swap3A_1408 {strides = array<i32>} : memref<8x128xi32, #tpu.memory_space<vmem>>, vector<1x16xi32>,
      %get3A_1409 = arith.constant 7 : i32
      %get3A_1410 = arith.index_cast %get3A_1409 : i32 to index
      %get3A_1411 = arith.constant 32 : index
      %get3A_1412 = tpu.vector_load %arg8[%get3A_1410, %get3A_1411] {strides = array<i32>} : memref<8x128xf32, #tpu.memory_space<vmem>>, vector<1x16xf32>,
      %get3A_1413 = vector.shape_cast %get3A_1412 : vector<1x16xf32> to vector<16xf32>
      %convert_element_type3A_1414 = arith.fptosi %get3A_1413 : vector<16xf32> to vector<16xi32>
      %swap3A_1415 = arith.constant 7 : i32
      %swap3A_1416 = arith.index_cast %swap3A_1415 : i32 to index
      %swap3A_1417 = arith.constant 32 : index
      %swap3A_1418 = tpu.vector_load %arg10[%swap3A_1416, %swap3A_1417] {strides = array<i32>} : memref<8x128xi32, #tpu.memory_space<vmem>>, vector<1x16xi32>,
      %swap3A_1419 = vector.shape_cast %swap3A_1418 : vector<1x16xi32> to vector<16xi32>
      %swap3A_1420 = vector.shape_cast %convert_element_type3A_1414 : vector<16xi32> to vector<1x16xi32>
      tpu.vector_store %arg10[%swap3A_1416, %swap3A_1417], %swap3A_1420 {strides = array<i32>} : memref<8x128xi32, #tpu.memory_space<vmem>>, vector<1x16xi32>,
      %get3A_1421 = arith.constant 7 : i32
      %get3A_1422 = arith.index_cast %get3A_1421 : i32 to index
      %get3A_1423 = arith.constant 32 : index
      %get3A_1424 = tpu.vector_load %arg9[%get3A_1422, %get3A_1423] {strides = array<i32>} : memref<8x128xf32, #tpu.memory_space<vmem>>, vector<1x16xf32>,
      %get3A_1425 = vector.shape_cast %get3A_1424 : vector<1x16xf32> to vector<16xf32>
      %convert_element_type3A_1426 = arith.fptosi %get3A_1425 : vector<16xf32> to vector<16xi32>
      %swap3A_1427 = arith.constant 7 : i32
      %swap3A_1428 = arith.index_cast %swap3A_1427 : i32 to index
      %swap3A_1429 = arith.constant 32 : index
      %swap3A_1430 = tpu.vector_load %arg11[%swap3A_1428, %swap3A_1429] {strides = array<i32>} : memref<8x128xi32, #tpu.memory_space<vmem>>, vector<1x16xi32>,
      %swap3A_1431 = vector.shape_cast %swap3A_1430 : vector<1x16xi32> to vector<16xi32>
      %swap3A_1432 = vector.shape_cast %convert_element_type3A_1426 : vector<16xi32> to vector<1x16xi32>
      tpu.vector_store %arg11[%swap3A_1428, %swap3A_1429], %swap3A_1432 {strides = array<i32>} : memref<8x128xi32, #tpu.memory_space<vmem>>, vector<1x16xi32>,
      %get3A_1433 = arith.constant 7 : i32
      %get3A_1434 = arith.index_cast %get3A_1433 : i32 to index
      %get3A_1435 = arith.constant 48 : index
      %get3A_1436 = tpu.vector_load %arg8[%get3A_1434, %get3A_1435] {strides = array<i32>} : memref<8x128xf32, #tpu.memory_space<vmem>>, vector<1x16xf32>,
      %get3A_1437 = vector.shape_cast %get3A_1436 : vector<1x16xf32> to vector<16xf32>
      %convert_element_type3A_1438 = arith.fptosi %get3A_1437 : vector<16xf32> to vector<16xi32>
      %swap3A_1439 = arith.constant 7 : i32
      %swap3A_1440 = arith.index_cast %swap3A_1439 : i32 to index
      %swap3A_1441 = arith.constant 48 : index
      %swap3A_1442 = tpu.vector_load %arg10[%swap3A_1440, %swap3A_1441] {strides = array<i32>} : memref<8x128xi32, #tpu.memory_space<vmem>>, vector<1x16xi32>,
      %swap3A_1443 = vector.shape_cast %swap3A_1442 : vector<1x16xi32> to vector<16xi32>
      %swap3A_1444 = vector.shape_cast %convert_element_type3A_1438 : vector<16xi32> to vector<1x16xi32>
      tpu.vector_store %arg10[%swap3A_1440, %swap3A_1441], %swap3A_1444 {strides = array<i32>} : memref<8x128xi32, #tpu.memory_space<vmem>>, vector<1x16xi32>,
      %get3A_1445 = arith.constant 7 : i32
      %get3A_1446 = arith.index_cast %get3A_1445 : i32 to index
      %get3A_1447 = arith.constant 48 : index
      %get3A_1448 = tpu.vector_load %arg9[%get3A_1446, %get3A_1447] {strides = array<i32>} : memref<8x128xf32, #tpu.memory_space<vmem>>, vector<1x16xf32>,
      %get3A_1449 = vector.shape_cast %get3A_1448 : vector<1x16xf32> to vector<16xf32>
      %convert_element_type3A_1450 = arith.fptosi %get3A_1449 : vector<16xf32> to vector<16xi32>
      %swap3A_1451 = arith.constant 7 : i32
      %swap3A_1452 = arith.index_cast %swap3A_1451 : i32 to index
      %swap3A_1453 = arith.constant 48 : index
      %swap3A_1454 = tpu.vector_load %arg11[%swap3A_1452, %swap3A_1453] {strides = array<i32>} : memref<8x128xi32, #tpu.memory_space<vmem>>, vector<1x16xi32>,
      %swap3A_1455 = vector.shape_cast %swap3A_1454 : vector<1x16xi32> to vector<16xi32>
      %swap3A_1456 = vector.shape_cast %convert_element_type3A_1450 : vector<16xi32> to vector<1x16xi32>
      tpu.vector_store %arg11[%swap3A_1452, %swap3A_1453], %swap3A_1456 {strides = array<i32>} : memref<8x128xi32, #tpu.memory_space<vmem>>, vector<1x16xi32>,
      %get3A_1457 = arith.constant 7 : i32
      %get3A_1458 = arith.index_cast %get3A_1457 : i32 to index
      %get3A_1459 = arith.constant 64 : index
      %get3A_1460 = tpu.vector_load %arg8[%get3A_1458, %get3A_1459] {strides = array<i32>} : memref<8x128xf32, #tpu.memory_space<vmem>>, vector<1x16xf32>,
      %get3A_1461 = vector.shape_cast %get3A_1460 : vector<1x16xf32> to vector<16xf32>
      %convert_element_type3A_1462 = arith.fptosi %get3A_1461 : vector<16xf32> to vector<16xi32>
      %swap3A_1463 = arith.constant 7 : i32
      %swap3A_1464 = arith.index_cast %swap3A_1463 : i32 to index
      %swap3A_1465 = arith.constant 64 : index
      %swap3A_1466 = tpu.vector_load %arg10[%swap3A_1464, %swap3A_1465] {strides = array<i32>} : memref<8x128xi32, #tpu.memory_space<vmem>>, vector<1x16xi32>,
      %swap3A_1467 = vector.shape_cast %swap3A_1466 : vector<1x16xi32> to vector<16xi32>
      %swap3A_1468 = vector.shape_cast %convert_element_type3A_1462 : vector<16xi32> to vector<1x16xi32>
      tpu.vector_store %arg10[%swap3A_1464, %swap3A_1465], %swap3A_1468 {strides = array<i32>} : memref<8x128xi32, #tpu.memory_space<vmem>>, vector<1x16xi32>,
      %get3A_1469 = arith.constant 7 : i32
      %get3A_1470 = arith.index_cast %get3A_1469 : i32 to index
      %get3A_1471 = arith.constant 64 : index
      %get3A_1472 = tpu.vector_load %arg9[%get3A_1470, %get3A_1471] {strides = array<i32>} : memref<8x128xf32, #tpu.memory_space<vmem>>, vector<1x16xf32>,
      %get3A_1473 = vector.shape_cast %get3A_1472 : vector<1x16xf32> to vector<16xf32>
      %convert_element_type3A_1474 = arith.fptosi %get3A_1473 : vector<16xf32> to vector<16xi32>
      %swap3A_1475 = arith.constant 7 : i32
      %swap3A_1476 = arith.index_cast %swap3A_1475 : i32 to index
      %swap3A_1477 = arith.constant 64 : index
      %swap3A_1478 = tpu.vector_load %arg11[%swap3A_1476, %swap3A_1477] {strides = array<i32>} : memref<8x128xi32, #tpu.memory_space<vmem>>, vector<1x16xi32>,
      %swap3A_1479 = vector.shape_cast %swap3A_1478 : vector<1x16xi32> to vector<16xi32>
      %swap3A_1480 = vector.shape_cast %convert_element_type3A_1474 : vector<16xi32> to vector<1x16xi32>
      tpu.vector_store %arg11[%swap3A_1476, %swap3A_1477], %swap3A_1480 {strides = array<i32>} : memref<8x128xi32, #tpu.memory_space<vmem>>, vector<1x16xi32>,
      %get3A_1481 = arith.constant 7 : i32
      %get3A_1482 = arith.index_cast %get3A_1481 : i32 to index
      %get3A_1483 = arith.constant 80 : index
      %get3A_1484 = tpu.vector_load %arg8[%get3A_1482, %get3A_1483] {strides = array<i32>} : memref<8x128xf32, #tpu.memory_space<vmem>>, vector<1x16xf32>,
      %get3A_1485 = vector.shape_cast %get3A_1484 : vector<1x16xf32> to vector<16xf32>
      %convert_element_type3A_1486 = arith.fptosi %get3A_1485 : vector<16xf32> to vector<16xi32>
      %swap3A_1487 = arith.constant 7 : i32
      %swap3A_1488 = arith.index_cast %swap3A_1487 : i32 to index
      %swap3A_1489 = arith.constant 80 : index
      %swap3A_1490 = tpu.vector_load %arg10[%swap3A_1488, %swap3A_1489] {strides = array<i32>} : memref<8x128xi32, #tpu.memory_space<vmem>>, vector<1x16xi32>,
      %swap3A_1491 = vector.shape_cast %swap3A_1490 : vector<1x16xi32> to vector<16xi32>
      %swap3A_1492 = vector.shape_cast %convert_element_type3A_1486 : vector<16xi32> to vector<1x16xi32>
      tpu.vector_store %arg10[%swap3A_1488, %swap3A_1489], %swap3A_1492 {strides = array<i32>} : memref<8x128xi32, #tpu.memory_space<vmem>>, vector<1x16xi32>,
      %get3A_1493 = arith.constant 7 : i32
      %get3A_1494 = arith.index_cast %get3A_1493 : i32 to index
      %get3A_1495 = arith.constant 80 : index
      %get3A_1496 = tpu.vector_load %arg9[%get3A_1494, %get3A_1495] {strides = array<i32>} : memref<8x128xf32, #tpu.memory_space<vmem>>, vector<1x16xf32>,
      %get3A_1497 = vector.shape_cast %get3A_1496 : vector<1x16xf32> to vector<16xf32>
      %convert_element_type3A_1498 = arith.fptosi %get3A_1497 : vector<16xf32> to vector<16xi32>
      %swap3A_1499 = arith.constant 7 : i32
      %swap3A_1500 = arith.index_cast %swap3A_1499 : i32 to index
      %swap3A_1501 = arith.constant 80 : index
      %swap3A_1502 = tpu.vector_load %arg11[%swap3A_1500, %swap3A_1501] {strides = array<i32>} : memref<8x128xi32, #tpu.memory_space<vmem>>, vector<1x16xi32>,
      %swap3A_1503 = vector.shape_cast %swap3A_1502 : vector<1x16xi32> to vector<16xi32>
      %swap3A_1504 = vector.shape_cast %convert_element_type3A_1498 : vector<16xi32> to vector<1x16xi32>
      tpu.vector_store %arg11[%swap3A_1500, %swap3A_1501], %swap3A_1504 {strides = array<i32>} : memref<8x128xi32, #tpu.memory_space<vmem>>, vector<1x16xi32>,
      %get3A_1505 = arith.constant 7 : i32
      %get3A_1506 = arith.index_cast %get3A_1505 : i32 to index
      %get3A_1507 = arith.constant 96 : index
      %get3A_1508 = tpu.vector_load %arg8[%get3A_1506, %get3A_1507] {strides = array<i32>} : memref<8x128xf32, #tpu.memory_space<vmem>>, vector<1x16xf32>,
      %get3A_1509 = vector.shape_cast %get3A_1508 : vector<1x16xf32> to vector<16xf32>
      %convert_element_type3A_1510 = arith.fptosi %get3A_1509 : vector<16xf32> to vector<16xi32>
      %swap3A_1511 = arith.constant 7 : i32
      %swap3A_1512 = arith.index_cast %swap3A_1511 : i32 to index
      %swap3A_1513 = arith.constant 96 : index
      %swap3A_1514 = tpu.vector_load %arg10[%swap3A_1512, %swap3A_1513] {strides = array<i32>} : memref<8x128xi32, #tpu.memory_space<vmem>>, vector<1x16xi32>,
      %swap3A_1515 = vector.shape_cast %swap3A_1514 : vector<1x16xi32> to vector<16xi32>
      %swap3A_1516 = vector.shape_cast %convert_element_type3A_1510 : vector<16xi32> to vector<1x16xi32>
      tpu.vector_store %arg10[%swap3A_1512, %swap3A_1513], %swap3A_1516 {strides = array<i32>} : memref<8x128xi32, #tpu.memory_space<vmem>>, vector<1x16xi32>,
      %get3A_1517 = arith.constant 7 : i32
      %get3A_1518 = arith.index_cast %get3A_1517 : i32 to index
      %get3A_1519 = arith.constant 96 : index
      %get3A_1520 = tpu.vector_load %arg9[%get3A_1518, %get3A_1519] {strides = array<i32>} : memref<8x128xf32, #tpu.memory_space<vmem>>, vector<1x16xf32>,
      %get3A_1521 = vector.shape_cast %get3A_1520 : vector<1x16xf32> to vector<16xf32>
      %convert_element_type3A_1522 = arith.fptosi %get3A_1521 : vector<16xf32> to vector<16xi32>
      %swap3A_1523 = arith.constant 7 : i32
      %swap3A_1524 = arith.index_cast %swap3A_1523 : i32 to index
      %swap3A_1525 = arith.constant 96 : index
      %swap3A_1526 = tpu.vector_load %arg11[%swap3A_1524, %swap3A_1525] {strides = array<i32>} : memref<8x128xi32, #tpu.memory_space<vmem>>, vector<1x16xi32>,
      %swap3A_1527 = vector.shape_cast %swap3A_1526 : vector<1x16xi32> to vector<16xi32>
      %swap3A_1528 = vector.shape_cast %convert_element_type3A_1522 : vector<16xi32> to vector<1x16xi32>
      tpu.vector_store %arg11[%swap3A_1524, %swap3A_1525], %swap3A_1528 {strides = array<i32>} : memref<8x128xi32, #tpu.memory_space<vmem>>, vector<1x16xi32>,
      %get3A_1529 = arith.constant 7 : i32
      %get3A_1530 = arith.index_cast %get3A_1529 : i32 to index
      %get3A_1531 = arith.constant 112 : index
      %get3A_1532 = tpu.vector_load %arg8[%get3A_1530, %get3A_1531] {strides = array<i32>} : memref<8x128xf32, #tpu.memory_space<vmem>>, vector<1x16xf32>,
      %get3A_1533 = vector.shape_cast %get3A_1532 : vector<1x16xf32> to vector<16xf32>
      %convert_element_type3A_1534 = arith.fptosi %get3A_1533 : vector<16xf32> to vector<16xi32>
      %swap3A_1535 = arith.constant 7 : i32
      %swap3A_1536 = arith.index_cast %swap3A_1535 : i32 to index
      %swap3A_1537 = arith.constant 112 : index
      %swap3A_1538 = tpu.vector_load %arg10[%swap3A_1536, %swap3A_1537] {strides = array<i32>} : memref<8x128xi32, #tpu.memory_space<vmem>>, vector<1x16xi32>,
      %swap3A_1539 = vector.shape_cast %swap3A_1538 : vector<1x16xi32> to vector<16xi32>
      %swap3A_1540 = vector.shape_cast %convert_element_type3A_1534 : vector<16xi32> to vector<1x16xi32>
      tpu.vector_store %arg10[%swap3A_1536, %swap3A_1537], %swap3A_1540 {strides = array<i32>} : memref<8x128xi32, #tpu.memory_space<vmem>>, vector<1x16xi32>,
      %get3A_1541 = arith.constant 7 : i32
      %get3A_1542 = arith.index_cast %get3A_1541 : i32 to index
      %get3A_1543 = arith.constant 112 : index
      %get3A_1544 = tpu.vector_load %arg9[%get3A_1542, %get3A_1543] {strides = array<i32>} : memref<8x128xf32, #tpu.memory_space<vmem>>, vector<1x16xf32>,
      %get3A_1545 = vector.shape_cast %get3A_1544 : vector<1x16xf32> to vector<16xf32>
      %convert_element_type3A_1546 = arith.fptosi %get3A_1545 : vector<16xf32> to vector<16xi32>
      %swap3A_1547 = arith.constant 7 : i32
      %swap3A_1548 = arith.index_cast %swap3A_1547 : i32 to index
      %swap3A_1549 = arith.constant 112 : index
      %swap3A_1550 = tpu.vector_load %arg11[%swap3A_1548, %swap3A_1549] {strides = array<i32>} : memref<8x128xi32, #tpu.memory_space<vmem>>, vector<1x16xi32>,
      %swap3A_1551 = vector.shape_cast %swap3A_1550 : vector<1x16xi32> to vector<16xi32>
      %swap3A_1552 = vector.shape_cast %convert_element_type3A_1546 : vector<16xi32> to vector<1x16xi32>
      tpu.vector_store %arg11[%swap3A_1548, %swap3A_1549], %swap3A_1552 {strides = array<i32>} : memref<8x128xi32, #tpu.memory_space<vmem>>, vector<1x16xi32>,
      %dma_start3A = arith.constant 0 : i32
      %dma_start3A_1553 = arith.constant 0 : i32
      %dma_start3A_1554 = arith.constant 0 : i32
      %dma_start3A_1555 = arith.constant 0 : i32
      %dma_start3A_1556 = tpu.memref_slice %arg12[%dma_start3A_1553, %dma_start3A_1554, %dma_start3A_1555] : memref<2x128x128xf32, #tpu.memory_space<vmem>> -> memref<1x128x128xf32, #tpu.memory_space<vmem>>
      %dma_start3A_1557 = tpu.memref_squeeze %dma_start3A_1556 : memref<1x128x128xf32, #tpu.memory_space<vmem>> -> memref<128x128xf32, #tpu.memory_space<vmem>>
      %dma_start3A_1558 = arith.constant 0 : i32
      %dma_start3A_1559 = tpu.memref_slice %arg10[%dma_start3A, %dma_start3A_1558] : memref<8x128xi32, #tpu.memory_space<vmem>> -> memref<1x128xi32, #tpu.memory_space<vmem>>
      %dma_start3A_1560 = tpu.memref_squeeze %dma_start3A_1559 : memref<1x128xi32, #tpu.memory_space<vmem>> -> memref<128xi32, #tpu.memory_space<vmem>>
      %dma_start3A_1561 = arith.constant 0 : i32
      %dma_start3A_1562 = arith.constant 0 : i32
      %dma_start3A_1563 = tpu.memref_slice %arg2[%dma_start3A_1561, %dma_start3A_1562] : memref<20480x128xf32, #tpu.memory_space<hbm>> -> memref<20480x128xf32, #tpu.memory_space<hbm>>
      tpu.enqueue_indirect_dma source(%dma_start3A_1563 : memref<20480x128xf32, #tpu.memory_space<hbm>>) target(%dma_start3A_1557 : memref<128x128xf32, #tpu.memory_space<vmem>>) offsets(%dma_start3A_1560 : memref<128xi32, #tpu.memory_space<vmem>>) semaphore(%arg13 : memref<!tpu.dma_semaphore, #tpu.memory_space<semaphore_mem>>)
      %dma_start3A_1564 = arith.constant 1 : i32
      %dma_start3A_1565 = arith.constant 1 : i32
      %dma_start3A_1566 = arith.constant 0 : i32
      %dma_start3A_1567 = arith.constant 0 : i32
      %dma_start3A_1568 = tpu.memref_slice %arg12[%dma_start3A_1565, %dma_start3A_1566, %dma_start3A_1567] : memref<2x128x128xf32, #tpu.memory_space<vmem>> -> memref<1x128x128xf32, #tpu.memory_space<vmem>>
      %dma_start3A_1569 = tpu.memref_squeeze %dma_start3A_1568 : memref<1x128x128xf32, #tpu.memory_space<vmem>> -> memref<128x128xf32, #tpu.memory_space<vmem>>
      %dma_start3A_1570 = arith.constant 0 : i32
      %dma_start3A_1571 = tpu.memref_slice %arg10[%dma_start3A_1564, %dma_start3A_1570] : memref<8x128xi32, #tpu.memory_space<vmem>> -> memref<1x128xi32, #tpu.memory_space<vmem>>
      %dma_start3A_1572 = tpu.memref_squeeze %dma_start3A_1571 : memref<1x128xi32, #tpu.memory_space<vmem>> -> memref<128xi32, #tpu.memory_space<vmem>>
      %dma_start3A_1573 = arith.constant 0 : i32
      %dma_start3A_1574 = arith.constant 0 : i32
      %dma_start3A_1575 = tpu.memref_slice %arg2[%dma_start3A_1573, %dma_start3A_1574] : memref<20480x128xf32, #tpu.memory_space<hbm>> -> memref<20480x128xf32, #tpu.memory_space<hbm>>
      tpu.enqueue_indirect_dma source(%dma_start3A_1575 : memref<20480x128xf32, #tpu.memory_space<hbm>>) target(%dma_start3A_1569 : memref<128x128xf32, #tpu.memory_space<vmem>>) offsets(%dma_start3A_1572 : memref<128xi32, #tpu.memory_space<vmem>>) semaphore(%arg14 : memref<!tpu.dma_semaphore, #tpu.memory_space<semaphore_mem>>)
      %dma_wait3A = arith.constant 0 : i32
      %dma_wait3A_1576 = arith.constant 0 : i32
      %dma_wait3A_1577 = arith.constant 0 : i32
      %dma_wait3A_1578 = arith.constant 0 : i32
      %dma_wait3A_1579 = tpu.memref_slice %arg12[%dma_wait3A_1576, %dma_wait3A_1577, %dma_wait3A_1578] : memref<2x128x128xf32, #tpu.memory_space<vmem>> -> memref<1x128x128xf32, #tpu.memory_space<vmem>>
      %dma_wait3A_1580 = tpu.memref_squeeze %dma_wait3A_1579 : memref<1x128x128xf32, #tpu.memory_space<vmem>> -> memref<128x128xf32, #tpu.memory_space<vmem>>
      %dma_wait3A_1581 = arith.constant 0 : i32
      %dma_wait3A_1582 = tpu.memref_slice %arg10[%dma_wait3A, %dma_wait3A_1581] : memref<8x128xi32, #tpu.memory_space<vmem>> -> memref<1x128xi32, #tpu.memory_space<vmem>>
      %dma_wait3A_1583 = tpu.memref_squeeze %dma_wait3A_1582 : memref<1x128xi32, #tpu.memory_space<vmem>> -> memref<128xi32, #tpu.memory_space<vmem>>
      %dma_wait3A_1584 = arith.constant 0 : i32
      %dma_wait3A_1585 = arith.constant 0 : i32
      %dma_wait3A_1586 = tpu.memref_slice %arg2[%dma_wait3A_1584, %dma_wait3A_1585] : memref<20480x128xf32, #tpu.memory_space<hbm>> -> memref<20480x128xf32, #tpu.memory_space<hbm>>
      tpu.wait_indirect_dma semaphore(%arg13 : memref<!tpu.dma_semaphore, #tpu.memory_space<semaphore_mem>>) src(%dma_wait3A_1586 : memref<20480x128xf32, #tpu.memory_space<hbm>>) dst(%dma_wait3A_1580 : memref<128x128xf32, #tpu.memory_space<vmem>>)
      %run_scoped3A = arith.constant 0 : i32
      %run_scoped3A_1587 = arith.constant 0 : i32
      "tpu.region"() ({
        %run_scoped3A_1758 = tpu.sem_alloc : memref<!tpu.dma_semaphore, #tpu.memory_space<semaphore_mem>>
        %dma_start3A_1759 = arith.constant 0 : i32
        %dma_start3A_1760 = arith.constant 0 : i32
        %dma_start3A_1761 = tpu.memref_slice %arg12[%run_scoped3A, %dma_start3A_1759, %dma_start3A_1760] : memref<2x128x128xf32, #tpu.memory_space<vmem>> -> memref<1x128x128xf32, #tpu.memory_space<vmem>>
        %dma_start3A_1762 = tpu.memref_squeeze %dma_start3A_1761 : memref<1x128x128xf32, #tpu.memory_space<vmem>> -> memref<128x128xf32, #tpu.memory_space<vmem>>
        %dma_start3A_1763 = arith.constant 0 : i32
        %dma_start3A_1764 = tpu.memref_slice %arg11[%run_scoped3A_1587, %dma_start3A_1763] : memref<8x128xi32, #tpu.memory_space<vmem>> -> memref<1x128xi32, #tpu.memory_space<vmem>>
        %dma_start3A_1765 = tpu.memref_squeeze %dma_start3A_1764 : memref<1x128xi32, #tpu.memory_space<vmem>> -> memref<128xi32, #tpu.memory_space<vmem>>
        %dma_start3A_1766 = arith.constant 0 : i32
        %dma_start3A_1767 = arith.constant 0 : i32
        %dma_start3A_1768 = tpu.memref_slice %arg7[%dma_start3A_1766, %dma_start3A_1767] : memref<10240x128xf32, #tpu.memory_space<vmem_shared>> -> memref<10240x128xf32, #tpu.memory_space<vmem_shared>>
        tpu.enqueue_indirect_dma source(%dma_start3A_1762 : memref<128x128xf32, #tpu.memory_space<vmem>>) target(%dma_start3A_1768 : memref<10240x128xf32, #tpu.memory_space<vmem_shared>>) offsets(%dma_start3A_1765 : memref<128xi32, #tpu.memory_space<vmem>>) semaphore(%run_scoped3A_1758 : memref<!tpu.dma_semaphore, #tpu.memory_space<semaphore_mem>>) {add = true}
        %dma_wait3A_1769 = arith.constant 0 : i32
        %dma_wait3A_1770 = arith.constant 0 : i32
        %dma_wait3A_1771 = tpu.memref_slice %arg12[%run_scoped3A, %dma_wait3A_1769, %dma_wait3A_1770] : memref<2x128x128xf32, #tpu.memory_space<vmem>> -> memref<1x128x128xf32, #tpu.memory_space<vmem>>
        %dma_wait3A_1772 = tpu.memref_squeeze %dma_wait3A_1771 : memref<1x128x128xf32, #tpu.memory_space<vmem>> -> memref<128x128xf32, #tpu.memory_space<vmem>>
        %dma_wait3A_1773 = arith.constant 0 : i32
        %dma_wait3A_1774 = tpu.memref_slice %arg11[%run_scoped3A_1587, %dma_wait3A_1773] : memref<8x128xi32, #tpu.memory_space<vmem>> -> memref<1x128xi32, #tpu.memory_space<vmem>>
        %dma_wait3A_1775 = tpu.memref_squeeze %dma_wait3A_1774 : memref<1x128xi32, #tpu.memory_space<vmem>> -> memref<128xi32, #tpu.memory_space<vmem>>
        %dma_wait3A_1776 = arith.constant 0 : i32
        %dma_wait3A_1777 = arith.constant 0 : i32
        %dma_wait3A_1778 = tpu.memref_slice %arg7[%dma_wait3A_1776, %dma_wait3A_1777] : memref<10240x128xf32, #tpu.memory_space<vmem_shared>> -> memref<10240x128xf32, #tpu.memory_space<vmem_shared>>
        tpu.wait_indirect_dma semaphore(%run_scoped3A_1758 : memref<!tpu.dma_semaphore, #tpu.memory_space<semaphore_mem>>) src(%dma_wait3A_1772 : memref<128x128xf32, #tpu.memory_space<vmem>>) dst(%dma_wait3A_1778 : memref<10240x128xf32, #tpu.memory_space<vmem_shared>>)
        tpu.yield
      }) : () -> ()
      %dma_start3A_1588 = arith.constant 2 : i32
      %dma_start3A_1589 = arith.constant 0 : i32
      %dma_start3A_1590 = arith.constant 0 : i32
      %dma_start3A_1591 = arith.constant 0 : i32
      %dma_start3A_1592 = tpu.memref_slice %arg12[%dma_start3A_1589, %dma_start3A_1590, %dma_start3A_1591] : memref<2x128x128xf32, #tpu.memory_space<vmem>> -> memref<1x128x128xf32, #tpu.memory_space<vmem>>
      %dma_start3A_1593 = tpu.memref_squeeze %dma_start3A_1592 : memref<1x128x128xf32, #tpu.memory_space<vmem>> -> memref<128x128xf32, #tpu.memory_space<vmem>>
      %dma_start3A_1594 = arith.constant 0 : i32
      %dma_start3A_1595 = tpu.memref_slice %arg10[%dma_start3A_1588, %dma_start3A_1594] : memref<8x128xi32, #tpu.memory_space<vmem>> -> memref<1x128xi32, #tpu.memory_space<vmem>>
      %dma_start3A_1596 = tpu.memref_squeeze %dma_start3A_1595 : memref<1x128xi32, #tpu.memory_space<vmem>> -> memref<128xi32, #tpu.memory_space<vmem>>
      %dma_start3A_1597 = arith.constant 0 : i32
      %dma_start3A_1598 = arith.constant 0 : i32
      %dma_start3A_1599 = tpu.memref_slice %arg2[%dma_start3A_1597, %dma_start3A_1598] : memref<20480x128xf32, #tpu.memory_space<hbm>> -> memref<20480x128xf32, #tpu.memory_space<hbm>>
      tpu.enqueue_indirect_dma source(%dma_start3A_1599 : memref<20480x128xf32, #tpu.memory_space<hbm>>) target(%dma_start3A_1593 : memref<128x128xf32, #tpu.memory_space<vmem>>) offsets(%dma_start3A_1596 : memref<128xi32, #tpu.memory_space<vmem>>) semaphore(%arg13 : memref<!tpu.dma_semaphore, #tpu.memory_space<semaphore_mem>>)
      %dma_wait3A_1600 = arith.constant 1 : i32
      %dma_wait3A_1601 = arith.constant 1 : i32
      %dma_wait3A_1602 = arith.constant 0 : i32
      %dma_wait3A_1603 = arith.constant 0 : i32
      %dma_wait3A_1604 = tpu.memref_slice %arg12[%dma_wait3A_1601, %dma_wait3A_1602, %dma_wait3A_1603] : memref<2x128x128xf32, #tpu.memory_space<vmem>> -> memref<1x128x128xf32, #tpu.memory_space<vmem>>
      %dma_wait3A_1605 = tpu.memref_squeeze %dma_wait3A_1604 : memref<1x128x128xf32, #tpu.memory_space<vmem>> -> memref<128x128xf32, #tpu.memory_space<vmem>>
      %dma_wait3A_1606 = arith.constant 0 : i32
      %dma_wait3A_1607 = tpu.memref_slice %arg10[%dma_wait3A_1600, %dma_wait3A_1606] : memref<8x128xi32, #tpu.memory_space<vmem>> -> memref<1x128xi32, #tpu.memory_space<vmem>>
      %dma_wait3A_1608 = tpu.memref_squeeze %dma_wait3A_1607 : memref<1x128xi32, #tpu.memory_space<vmem>> -> memref<128xi32, #tpu.memory_space<vmem>>
      %dma_wait3A_1609 = arith.constant 0 : i32
      %dma_wait3A_1610 = arith.constant 0 : i32
      %dma_wait3A_1611 = tpu.memref_slice %arg2[%dma_wait3A_1609, %dma_wait3A_1610] : memref<20480x128xf32, #tpu.memory_space<hbm>> -> memref<20480x128xf32, #tpu.memory_space<hbm>>
      tpu.wait_indirect_dma semaphore(%arg14 : memref<!tpu.dma_semaphore, #tpu.memory_space<semaphore_mem>>) src(%dma_wait3A_1611 : memref<20480x128xf32, #tpu.memory_space<hbm>>) dst(%dma_wait3A_1605 : memref<128x128xf32, #tpu.memory_space<vmem>>)
      %run_scoped3A_1612 = arith.constant 1 : i32
      %run_scoped3A_1613 = arith.constant 1 : i32
      "tpu.region"() ({
        %run_scoped3A_1758 = tpu.sem_alloc : memref<!tpu.dma_semaphore, #tpu.memory_space<semaphore_mem>>
        %dma_start3A_1759 = arith.constant 0 : i32
        %dma_start3A_1760 = arith.constant 0 : i32
        %dma_start3A_1761 = tpu.memref_slice %arg12[%run_scoped3A_1612, %dma_start3A_1759, %dma_start3A_1760] : memref<2x128x128xf32, #tpu.memory_space<vmem>> -> memref<1x128x128xf32, #tpu.memory_space<vmem>>
        %dma_start3A_1762 = tpu.memref_squeeze %dma_start3A_1761 : memref<1x128x128xf32, #tpu.memory_space<vmem>> -> memref<128x128xf32, #tpu.memory_space<vmem>>
        %dma_start3A_1763 = arith.constant 0 : i32
        %dma_start3A_1764 = tpu.memref_slice %arg11[%run_scoped3A_1613, %dma_start3A_1763] : memref<8x128xi32, #tpu.memory_space<vmem>> -> memref<1x128xi32, #tpu.memory_space<vmem>>
        %dma_start3A_1765 = tpu.memref_squeeze %dma_start3A_1764 : memref<1x128xi32, #tpu.memory_space<vmem>> -> memref<128xi32, #tpu.memory_space<vmem>>
        %dma_start3A_1766 = arith.constant 0 : i32
        %dma_start3A_1767 = arith.constant 0 : i32
        %dma_start3A_1768 = tpu.memref_slice %arg7[%dma_start3A_1766, %dma_start3A_1767] : memref<10240x128xf32, #tpu.memory_space<vmem_shared>> -> memref<10240x128xf32, #tpu.memory_space<vmem_shared>>
        tpu.enqueue_indirect_dma source(%dma_start3A_1762 : memref<128x128xf32, #tpu.memory_space<vmem>>) target(%dma_start3A_1768 : memref<10240x128xf32, #tpu.memory_space<vmem_shared>>) offsets(%dma_start3A_1765 : memref<128xi32, #tpu.memory_space<vmem>>) semaphore(%run_scoped3A_1758 : memref<!tpu.dma_semaphore, #tpu.memory_space<semaphore_mem>>) {add = true}
        %dma_wait3A_1769 = arith.constant 0 : i32
        %dma_wait3A_1770 = arith.constant 0 : i32
        %dma_wait3A_1771 = tpu.memref_slice %arg12[%run_scoped3A_1612, %dma_wait3A_1769, %dma_wait3A_1770] : memref<2x128x128xf32, #tpu.memory_space<vmem>> -> memref<1x128x128xf32, #tpu.memory_space<vmem>>
        %dma_wait3A_1772 = tpu.memref_squeeze %dma_wait3A_1771 : memref<1x128x128xf32, #tpu.memory_space<vmem>> -> memref<128x128xf32, #tpu.memory_space<vmem>>
        %dma_wait3A_1773 = arith.constant 0 : i32
        %dma_wait3A_1774 = tpu.memref_slice %arg11[%run_scoped3A_1613, %dma_wait3A_1773] : memref<8x128xi32, #tpu.memory_space<vmem>> -> memref<1x128xi32, #tpu.memory_space<vmem>>
        %dma_wait3A_1775 = tpu.memref_squeeze %dma_wait3A_1774 : memref<1x128xi32, #tpu.memory_space<vmem>> -> memref<128xi32, #tpu.memory_space<vmem>>
        %dma_wait3A_1776 = arith.constant 0 : i32
        %dma_wait3A_1777 = arith.constant 0 : i32
        %dma_wait3A_1778 = tpu.memref_slice %arg7[%dma_wait3A_1776, %dma_wait3A_1777] : memref<10240x128xf32, #tpu.memory_space<vmem_shared>> -> memref<10240x128xf32, #tpu.memory_space<vmem_shared>>
        tpu.wait_indirect_dma semaphore(%run_scoped3A_1758 : memref<!tpu.dma_semaphore, #tpu.memory_space<semaphore_mem>>) src(%dma_wait3A_1772 : memref<128x128xf32, #tpu.memory_space<vmem>>) dst(%dma_wait3A_1778 : memref<10240x128xf32, #tpu.memory_space<vmem_shared>>)
        tpu.yield
      }) : () -> ()
      %dma_start3A_1614 = arith.constant 3 : i32
      %dma_start3A_1615 = arith.constant 1 : i32
      %dma_start3A_1616 = arith.constant 0 : i32
      %dma_start3A_1617 = arith.constant 0 : i32
      %dma_start3A_1618 = tpu.memref_slice %arg12[%dma_start3A_1615, %dma_start3A_1616, %dma_start3A_1617] : memref<2x128x128xf32, #tpu.memory_space<vmem>> -> memref<1x128x128xf32, #tpu.memory_space<vmem>>
      %dma_start3A_1619 = tpu.memref_squeeze %dma_start3A_1618 : memref<1x128x128xf32, #tpu.memory_space<vmem>> -> memref<128x128xf32, #tpu.memory_space<vmem>>
      %dma_start3A_1620 = arith.constant 0 : i32
      %dma_start3A_1621 = tpu.memref_slice %arg10[%dma_start3A_1614, %dma_start3A_1620] : memref<8x128xi32, #tpu.memory_space<vmem>> -> memref<1x128xi32, #tpu.memory_space<vmem>>
      %dma_start3A_1622 = tpu.memref_squeeze %dma_start3A_1621 : memref<1x128xi32, #tpu.memory_space<vmem>> -> memref<128xi32, #tpu.memory_space<vmem>>
      %dma_start3A_1623 = arith.constant 0 : i32
      %dma_start3A_1624 = arith.constant 0 : i32
      %dma_start3A_1625 = tpu.memref_slice %arg2[%dma_start3A_1623, %dma_start3A_1624] : memref<20480x128xf32, #tpu.memory_space<hbm>> -> memref<20480x128xf32, #tpu.memory_space<hbm>>
      tpu.enqueue_indirect_dma source(%dma_start3A_1625 : memref<20480x128xf32, #tpu.memory_space<hbm>>) target(%dma_start3A_1619 : memref<128x128xf32, #tpu.memory_space<vmem>>) offsets(%dma_start3A_1622 : memref<128xi32, #tpu.memory_space<vmem>>) semaphore(%arg14 : memref<!tpu.dma_semaphore, #tpu.memory_space<semaphore_mem>>)
      %dma_wait3A_1626 = arith.constant 2 : i32
      %dma_wait3A_1627 = arith.constant 0 : i32
      %dma_wait3A_1628 = arith.constant 0 : i32
      %dma_wait3A_1629 = arith.constant 0 : i32
      %dma_wait3A_1630 = tpu.memref_slice %arg12[%dma_wait3A_1627, %dma_wait3A_1628, %dma_wait3A_1629] : memref<2x128x128xf32, #tpu.memory_space<vmem>> -> memref<1x128x128xf32, #tpu.memory_space<vmem>>
      %dma_wait3A_1631 = tpu.memref_squeeze %dma_wait3A_1630 : memref<1x128x128xf32, #tpu.memory_space<vmem>> -> memref<128x128xf32, #tpu.memory_space<vmem>>
      %dma_wait3A_1632 = arith.constant 0 : i32
      %dma_wait3A_1633 = tpu.memref_slice %arg10[%dma_wait3A_1626, %dma_wait3A_1632] : memref<8x128xi32, #tpu.memory_space<vmem>> -> memref<1x128xi32, #tpu.memory_space<vmem>>
      %dma_wait3A_1634 = tpu.memref_squeeze %dma_wait3A_1633 : memref<1x128xi32, #tpu.memory_space<vmem>> -> memref<128xi32, #tpu.memory_space<vmem>>
      %dma_wait3A_1635 = arith.constant 0 : i32
      %dma_wait3A_1636 = arith.constant 0 : i32
      %dma_wait3A_1637 = tpu.memref_slice %arg2[%dma_wait3A_1635, %dma_wait3A_1636] : memref<20480x128xf32, #tpu.memory_space<hbm>> -> memref<20480x128xf32, #tpu.memory_space<hbm>>
      tpu.wait_indirect_dma semaphore(%arg13 : memref<!tpu.dma_semaphore, #tpu.memory_space<semaphore_mem>>) src(%dma_wait3A_1637 : memref<20480x128xf32, #tpu.memory_space<hbm>>) dst(%dma_wait3A_1631 : memref<128x128xf32, #tpu.memory_space<vmem>>)
      %run_scoped3A_1638 = arith.constant 0 : i32
      %run_scoped3A_1639 = arith.constant 2 : i32
      "tpu.region"() ({
        %run_scoped3A_1758 = tpu.sem_alloc : memref<!tpu.dma_semaphore, #tpu.memory_space<semaphore_mem>>
        %dma_start3A_1759 = arith.constant 0 : i32
        %dma_start3A_1760 = arith.constant 0 : i32
        %dma_start3A_1761 = tpu.memref_slice %arg12[%run_scoped3A_1638, %dma_start3A_1759, %dma_start3A_1760] : memref<2x128x128xf32, #tpu.memory_space<vmem>> -> memref<1x128x128xf32, #tpu.memory_space<vmem>>
        %dma_start3A_1762 = tpu.memref_squeeze %dma_start3A_1761 : memref<1x128x128xf32, #tpu.memory_space<vmem>> -> memref<128x128xf32, #tpu.memory_space<vmem>>
        %dma_start3A_1763 = arith.constant 0 : i32
        %dma_start3A_1764 = tpu.memref_slice %arg11[%run_scoped3A_1639, %dma_start3A_1763] : memref<8x128xi32, #tpu.memory_space<vmem>> -> memref<1x128xi32, #tpu.memory_space<vmem>>
        %dma_start3A_1765 = tpu.memref_squeeze %dma_start3A_1764 : memref<1x128xi32, #tpu.memory_space<vmem>> -> memref<128xi32, #tpu.memory_space<vmem>>
        %dma_start3A_1766 = arith.constant 0 : i32
        %dma_start3A_1767 = arith.constant 0 : i32
        %dma_start3A_1768 = tpu.memref_slice %arg7[%dma_start3A_1766, %dma_start3A_1767] : memref<10240x128xf32, #tpu.memory_space<vmem_shared>> -> memref<10240x128xf32, #tpu.memory_space<vmem_shared>>
        tpu.enqueue_indirect_dma source(%dma_start3A_1762 : memref<128x128xf32, #tpu.memory_space<vmem>>) target(%dma_start3A_1768 : memref<10240x128xf32, #tpu.memory_space<vmem_shared>>) offsets(%dma_start3A_1765 : memref<128xi32, #tpu.memory_space<vmem>>) semaphore(%run_scoped3A_1758 : memref<!tpu.dma_semaphore, #tpu.memory_space<semaphore_mem>>) {add = true}
        %dma_wait3A_1769 = arith.constant 0 : i32
        %dma_wait3A_1770 = arith.constant 0 : i32
        %dma_wait3A_1771 = tpu.memref_slice %arg12[%run_scoped3A_1638, %dma_wait3A_1769, %dma_wait3A_1770] : memref<2x128x128xf32, #tpu.memory_space<vmem>> -> memref<1x128x128xf32, #tpu.memory_space<vmem>>
        %dma_wait3A_1772 = tpu.memref_squeeze %dma_wait3A_1771 : memref<1x128x128xf32, #tpu.memory_space<vmem>> -> memref<128x128xf32, #tpu.memory_space<vmem>>
        %dma_wait3A_1773 = arith.constant 0 : i32
        %dma_wait3A_1774 = tpu.memref_slice %arg11[%run_scoped3A_1639, %dma_wait3A_1773] : memref<8x128xi32, #tpu.memory_space<vmem>> -> memref<1x128xi32, #tpu.memory_space<vmem>>
        %dma_wait3A_1775 = tpu.memref_squeeze %dma_wait3A_1774 : memref<1x128xi32, #tpu.memory_space<vmem>> -> memref<128xi32, #tpu.memory_space<vmem>>
        %dma_wait3A_1776 = arith.constant 0 : i32
        %dma_wait3A_1777 = arith.constant 0 : i32
        %dma_wait3A_1778 = tpu.memref_slice %arg7[%dma_wait3A_1776, %dma_wait3A_1777] : memref<10240x128xf32, #tpu.memory_space<vmem_shared>> -> memref<10240x128xf32, #tpu.memory_space<vmem_shared>>
        tpu.wait_indirect_dma semaphore(%run_scoped3A_1758 : memref<!tpu.dma_semaphore, #tpu.memory_space<semaphore_mem>>) src(%dma_wait3A_1772 : memref<128x128xf32, #tpu.memory_space<vmem>>) dst(%dma_wait3A_1778 : memref<10240x128xf32, #tpu.memory_space<vmem_shared>>)
        tpu.yield
      }) : () -> ()
      %dma_start3A_1640 = arith.constant 4 : i32
      %dma_start3A_1641 = arith.constant 0 : i32
      %dma_start3A_1642 = arith.constant 0 : i32
      %dma_start3A_1643 = arith.constant 0 : i32
      %dma_start3A_1644 = tpu.memref_slice %arg12[%dma_start3A_1641, %dma_start3A_1642, %dma_start3A_1643] : memref<2x128x128xf32, #tpu.memory_space<vmem>> -> memref<1x128x128xf32, #tpu.memory_space<vmem>>
      %dma_start3A_1645 = tpu.memref_squeeze %dma_start3A_1644 : memref<1x128x128xf32, #tpu.memory_space<vmem>> -> memref<128x128xf32, #tpu.memory_space<vmem>>
      %dma_start3A_1646 = arith.constant 0 : i32
      %dma_start3A_1647 = tpu.memref_slice %arg10[%dma_start3A_1640, %dma_start3A_1646] : memref<8x128xi32, #tpu.memory_space<vmem>> -> memref<1x128xi32, #tpu.memory_space<vmem>>
      %dma_start3A_1648 = tpu.memref_squeeze %dma_start3A_1647 : memref<1x128xi32, #tpu.memory_space<vmem>> -> memref<128xi32, #tpu.memory_space<vmem>>
      %dma_start3A_1649 = arith.constant 0 : i32
      %dma_start3A_1650 = arith.constant 0 : i32
      %dma_start3A_1651 = tpu.memref_slice %arg2[%dma_start3A_1649, %dma_start3A_1650] : memref<20480x128xf32, #tpu.memory_space<hbm>> -> memref<20480x128xf32, #tpu.memory_space<hbm>>
      tpu.enqueue_indirect_dma source(%dma_start3A_1651 : memref<20480x128xf32, #tpu.memory_space<hbm>>) target(%dma_start3A_1645 : memref<128x128xf32, #tpu.memory_space<vmem>>) offsets(%dma_start3A_1648 : memref<128xi32, #tpu.memory_space<vmem>>) semaphore(%arg13 : memref<!tpu.dma_semaphore, #tpu.memory_space<semaphore_mem>>)
      %dma_wait3A_1652 = arith.constant 3 : i32
      %dma_wait3A_1653 = arith.constant 1 : i32
      %dma_wait3A_1654 = arith.constant 0 : i32
      %dma_wait3A_1655 = arith.constant 0 : i32
      %dma_wait3A_1656 = tpu.memref_slice %arg12[%dma_wait3A_1653, %dma_wait3A_1654, %dma_wait3A_1655] : memref<2x128x128xf32, #tpu.memory_space<vmem>> -> memref<1x128x128xf32, #tpu.memory_space<vmem>>
      %dma_wait3A_1657 = tpu.memref_squeeze %dma_wait3A_1656 : memref<1x128x128xf32, #tpu.memory_space<vmem>> -> memref<128x128xf32, #tpu.memory_space<vmem>>
      %dma_wait3A_1658 = arith.constant 0 : i32
      %dma_wait3A_1659 = tpu.memref_slice %arg10[%dma_wait3A_1652, %dma_wait3A_1658] : memref<8x128xi32, #tpu.memory_space<vmem>> -> memref<1x128xi32, #tpu.memory_space<vmem>>
      %dma_wait3A_1660 = tpu.memref_squeeze %dma_wait3A_1659 : memref<1x128xi32, #tpu.memory_space<vmem>> -> memref<128xi32, #tpu.memory_space<vmem>>
      %dma_wait3A_1661 = arith.constant 0 : i32
      %dma_wait3A_1662 = arith.constant 0 : i32
      %dma_wait3A_1663 = tpu.memref_slice %arg2[%dma_wait3A_1661, %dma_wait3A_1662] : memref<20480x128xf32, #tpu.memory_space<hbm>> -> memref<20480x128xf32, #tpu.memory_space<hbm>>
      tpu.wait_indirect_dma semaphore(%arg14 : memref<!tpu.dma_semaphore, #tpu.memory_space<semaphore_mem>>) src(%dma_wait3A_1663 : memref<20480x128xf32, #tpu.memory_space<hbm>>) dst(%dma_wait3A_1657 : memref<128x128xf32, #tpu.memory_space<vmem>>)
      %run_scoped3A_1664 = arith.constant 1 : i32
      %run_scoped3A_1665 = arith.constant 3 : i32
      "tpu.region"() ({
        %run_scoped3A_1758 = tpu.sem_alloc : memref<!tpu.dma_semaphore, #tpu.memory_space<semaphore_mem>>
        %dma_start3A_1759 = arith.constant 0 : i32
        %dma_start3A_1760 = arith.constant 0 : i32
        %dma_start3A_1761 = tpu.memref_slice %arg12[%run_scoped3A_1664, %dma_start3A_1759, %dma_start3A_1760] : memref<2x128x128xf32, #tpu.memory_space<vmem>> -> memref<1x128x128xf32, #tpu.memory_space<vmem>>
        %dma_start3A_1762 = tpu.memref_squeeze %dma_start3A_1761 : memref<1x128x128xf32, #tpu.memory_space<vmem>> -> memref<128x128xf32, #tpu.memory_space<vmem>>
        %dma_start3A_1763 = arith.constant 0 : i32
        %dma_start3A_1764 = tpu.memref_slice %arg11[%run_scoped3A_1665, %dma_start3A_1763] : memref<8x128xi32, #tpu.memory_space<vmem>> -> memref<1x128xi32, #tpu.memory_space<vmem>>
        %dma_start3A_1765 = tpu.memref_squeeze %dma_start3A_1764 : memref<1x128xi32, #tpu.memory_space<vmem>> -> memref<128xi32, #tpu.memory_space<vmem>>
        %dma_start3A_1766 = arith.constant 0 : i32
        %dma_start3A_1767 = arith.constant 0 : i32
        %dma_start3A_1768 = tpu.memref_slice %arg7[%dma_start3A_1766, %dma_start3A_1767] : memref<10240x128xf32, #tpu.memory_space<vmem_shared>> -> memref<10240x128xf32, #tpu.memory_space<vmem_shared>>
        tpu.enqueue_indirect_dma source(%dma_start3A_1762 : memref<128x128xf32, #tpu.memory_space<vmem>>) target(%dma_start3A_1768 : memref<10240x128xf32, #tpu.memory_space<vmem_shared>>) offsets(%dma_start3A_1765 : memref<128xi32, #tpu.memory_space<vmem>>) semaphore(%run_scoped3A_1758 : memref<!tpu.dma_semaphore, #tpu.memory_space<semaphore_mem>>) {add = true}
        %dma_wait3A_1769 = arith.constant 0 : i32
        %dma_wait3A_1770 = arith.constant 0 : i32
        %dma_wait3A_1771 = tpu.memref_slice %arg12[%run_scoped3A_1664, %dma_wait3A_1769, %dma_wait3A_1770] : memref<2x128x128xf32, #tpu.memory_space<vmem>> -> memref<1x128x128xf32, #tpu.memory_space<vmem>>
        %dma_wait3A_1772 = tpu.memref_squeeze %dma_wait3A_1771 : memref<1x128x128xf32, #tpu.memory_space<vmem>> -> memref<128x128xf32, #tpu.memory_space<vmem>>
        %dma_wait3A_1773 = arith.constant 0 : i32
        %dma_wait3A_1774 = tpu.memref_slice %arg11[%run_scoped3A_1665, %dma_wait3A_1773] : memref<8x128xi32, #tpu.memory_space<vmem>> -> memref<1x128xi32, #tpu.memory_space<vmem>>
        %dma_wait3A_1775 = tpu.memref_squeeze %dma_wait3A_1774 : memref<1x128xi32, #tpu.memory_space<vmem>> -> memref<128xi32, #tpu.memory_space<vmem>>
        %dma_wait3A_1776 = arith.constant 0 : i32
        %dma_wait3A_1777 = arith.constant 0 : i32
        %dma_wait3A_1778 = tpu.memref_slice %arg7[%dma_wait3A_1776, %dma_wait3A_1777] : memref<10240x128xf32, #tpu.memory_space<vmem_shared>> -> memref<10240x128xf32, #tpu.memory_space<vmem_shared>>
        tpu.wait_indirect_dma semaphore(%run_scoped3A_1758 : memref<!tpu.dma_semaphore, #tpu.memory_space<semaphore_mem>>) src(%dma_wait3A_1772 : memref<128x128xf32, #tpu.memory_space<vmem>>) dst(%dma_wait3A_1778 : memref<10240x128xf32, #tpu.memory_space<vmem_shared>>)
        tpu.yield
      }) : () -> ()
      %dma_start3A_1666 = arith.constant 5 : i32
      %dma_start3A_1667 = arith.constant 1 : i32
      %dma_start3A_1668 = arith.constant 0 : i32
      %dma_start3A_1669 = arith.constant 0 : i32
      %dma_start3A_1670 = tpu.memref_slice %arg12[%dma_start3A_1667, %dma_start3A_1668, %dma_start3A_1669] : memref<2x128x128xf32, #tpu.memory_space<vmem>> -> memref<1x128x128xf32, #tpu.memory_space<vmem>>
      %dma_start3A_1671 = tpu.memref_squeeze %dma_start3A_1670 : memref<1x128x128xf32, #tpu.memory_space<vmem>> -> memref<128x128xf32, #tpu.memory_space<vmem>>
      %dma_start3A_1672 = arith.constant 0 : i32
      %dma_start3A_1673 = tpu.memref_slice %arg10[%dma_start3A_1666, %dma_start3A_1672] : memref<8x128xi32, #tpu.memory_space<vmem>> -> memref<1x128xi32, #tpu.memory_space<vmem>>
      %dma_start3A_1674 = tpu.memref_squeeze %dma_start3A_1673 : memref<1x128xi32, #tpu.memory_space<vmem>> -> memref<128xi32, #tpu.memory_space<vmem>>
      %dma_start3A_1675 = arith.constant 0 : i32
      %dma_start3A_1676 = arith.constant 0 : i32
      %dma_start3A_1677 = tpu.memref_slice %arg2[%dma_start3A_1675, %dma_start3A_1676] : memref<20480x128xf32, #tpu.memory_space<hbm>> -> memref<20480x128xf32, #tpu.memory_space<hbm>>
      tpu.enqueue_indirect_dma source(%dma_start3A_1677 : memref<20480x128xf32, #tpu.memory_space<hbm>>) target(%dma_start3A_1671 : memref<128x128xf32, #tpu.memory_space<vmem>>) offsets(%dma_start3A_1674 : memref<128xi32, #tpu.memory_space<vmem>>) semaphore(%arg14 : memref<!tpu.dma_semaphore, #tpu.memory_space<semaphore_mem>>)
      %dma_wait3A_1678 = arith.constant 4 : i32
      %dma_wait3A_1679 = arith.constant 0 : i32
      %dma_wait3A_1680 = arith.constant 0 : i32
      %dma_wait3A_1681 = arith.constant 0 : i32
      %dma_wait3A_1682 = tpu.memref_slice %arg12[%dma_wait3A_1679, %dma_wait3A_1680, %dma_wait3A_1681] : memref<2x128x128xf32, #tpu.memory_space<vmem>> -> memref<1x128x128xf32, #tpu.memory_space<vmem>>
      %dma_wait3A_1683 = tpu.memref_squeeze %dma_wait3A_1682 : memref<1x128x128xf32, #tpu.memory_space<vmem>> -> memref<128x128xf32, #tpu.memory_space<vmem>>
      %dma_wait3A_1684 = arith.constant 0 : i32
      %dma_wait3A_1685 = tpu.memref_slice %arg10[%dma_wait3A_1678, %dma_wait3A_1684] : memref<8x128xi32, #tpu.memory_space<vmem>> -> memref<1x128xi32, #tpu.memory_space<vmem>>
      %dma_wait3A_1686 = tpu.memref_squeeze %dma_wait3A_1685 : memref<1x128xi32, #tpu.memory_space<vmem>> -> memref<128xi32, #tpu.memory_space<vmem>>
      %dma_wait3A_1687 = arith.constant 0 : i32
      %dma_wait3A_1688 = arith.constant 0 : i32
      %dma_wait3A_1689 = tpu.memref_slice %arg2[%dma_wait3A_1687, %dma_wait3A_1688] : memref<20480x128xf32, #tpu.memory_space<hbm>> -> memref<20480x128xf32, #tpu.memory_space<hbm>>
      tpu.wait_indirect_dma semaphore(%arg13 : memref<!tpu.dma_semaphore, #tpu.memory_space<semaphore_mem>>) src(%dma_wait3A_1689 : memref<20480x128xf32, #tpu.memory_space<hbm>>) dst(%dma_wait3A_1683 : memref<128x128xf32, #tpu.memory_space<vmem>>)
      %run_scoped3A_1690 = arith.constant 0 : i32
      %run_scoped3A_1691 = arith.constant 4 : i32
      "tpu.region"() ({
        %run_scoped3A_1758 = tpu.sem_alloc : memref<!tpu.dma_semaphore, #tpu.memory_space<semaphore_mem>>
        %dma_start3A_1759 = arith.constant 0 : i32
        %dma_start3A_1760 = arith.constant 0 : i32
        %dma_start3A_1761 = tpu.memref_slice %arg12[%run_scoped3A_1690, %dma_start3A_1759, %dma_start3A_1760] : memref<2x128x128xf32, #tpu.memory_space<vmem>> -> memref<1x128x128xf32, #tpu.memory_space<vmem>>
        %dma_start3A_1762 = tpu.memref_squeeze %dma_start3A_1761 : memref<1x128x128xf32, #tpu.memory_space<vmem>> -> memref<128x128xf32, #tpu.memory_space<vmem>>
        %dma_start3A_1763 = arith.constant 0 : i32
        %dma_start3A_1764 = tpu.memref_slice %arg11[%run_scoped3A_1691, %dma_start3A_1763] : memref<8x128xi32, #tpu.memory_space<vmem>> -> memref<1x128xi32, #tpu.memory_space<vmem>>
        %dma_start3A_1765 = tpu.memref_squeeze %dma_start3A_1764 : memref<1x128xi32, #tpu.memory_space<vmem>> -> memref<128xi32, #tpu.memory_space<vmem>>
        %dma_start3A_1766 = arith.constant 0 : i32
        %dma_start3A_1767 = arith.constant 0 : i32
        %dma_start3A_1768 = tpu.memref_slice %arg7[%dma_start3A_1766, %dma_start3A_1767] : memref<10240x128xf32, #tpu.memory_space<vmem_shared>> -> memref<10240x128xf32, #tpu.memory_space<vmem_shared>>
        tpu.enqueue_indirect_dma source(%dma_start3A_1762 : memref<128x128xf32, #tpu.memory_space<vmem>>) target(%dma_start3A_1768 : memref<10240x128xf32, #tpu.memory_space<vmem_shared>>) offsets(%dma_start3A_1765 : memref<128xi32, #tpu.memory_space<vmem>>) semaphore(%run_scoped3A_1758 : memref<!tpu.dma_semaphore, #tpu.memory_space<semaphore_mem>>) {add = true}
        %dma_wait3A_1769 = arith.constant 0 : i32
        %dma_wait3A_1770 = arith.constant 0 : i32
        %dma_wait3A_1771 = tpu.memref_slice %arg12[%run_scoped3A_1690, %dma_wait3A_1769, %dma_wait3A_1770] : memref<2x128x128xf32, #tpu.memory_space<vmem>> -> memref<1x128x128xf32, #tpu.memory_space<vmem>>
        %dma_wait3A_1772 = tpu.memref_squeeze %dma_wait3A_1771 : memref<1x128x128xf32, #tpu.memory_space<vmem>> -> memref<128x128xf32, #tpu.memory_space<vmem>>
        %dma_wait3A_1773 = arith.constant 0 : i32
        %dma_wait3A_1774 = tpu.memref_slice %arg11[%run_scoped3A_1691, %dma_wait3A_1773] : memref<8x128xi32, #tpu.memory_space<vmem>> -> memref<1x128xi32, #tpu.memory_space<vmem>>
        %dma_wait3A_1775 = tpu.memref_squeeze %dma_wait3A_1774 : memref<1x128xi32, #tpu.memory_space<vmem>> -> memref<128xi32, #tpu.memory_space<vmem>>
        %dma_wait3A_1776 = arith.constant 0 : i32
        %dma_wait3A_1777 = arith.constant 0 : i32
        %dma_wait3A_1778 = tpu.memref_slice %arg7[%dma_wait3A_1776, %dma_wait3A_1777] : memref<10240x128xf32, #tpu.memory_space<vmem_shared>> -> memref<10240x128xf32, #tpu.memory_space<vmem_shared>>
        tpu.wait_indirect_dma semaphore(%run_scoped3A_1758 : memref<!tpu.dma_semaphore, #tpu.memory_space<semaphore_mem>>) src(%dma_wait3A_1772 : memref<128x128xf32, #tpu.memory_space<vmem>>) dst(%dma_wait3A_1778 : memref<10240x128xf32, #tpu.memory_space<vmem_shared>>)
        tpu.yield
      }) : () -> ()
      %dma_start3A_1692 = arith.constant 6 : i32
      %dma_start3A_1693 = arith.constant 0 : i32
      %dma_start3A_1694 = arith.constant 0 : i32
      %dma_start3A_1695 = arith.constant 0 : i32
      %dma_start3A_1696 = tpu.memref_slice %arg12[%dma_start3A_1693, %dma_start3A_1694, %dma_start3A_1695] : memref<2x128x128xf32, #tpu.memory_space<vmem>> -> memref<1x128x128xf32, #tpu.memory_space<vmem>>
      %dma_start3A_1697 = tpu.memref_squeeze %dma_start3A_1696 : memref<1x128x128xf32, #tpu.memory_space<vmem>> -> memref<128x128xf32, #tpu.memory_space<vmem>>
      %dma_start3A_1698 = arith.constant 0 : i32
      %dma_start3A_1699 = tpu.memref_slice %arg10[%dma_start3A_1692, %dma_start3A_1698] : memref<8x128xi32, #tpu.memory_space<vmem>> -> memref<1x128xi32, #tpu.memory_space<vmem>>
      %dma_start3A_1700 = tpu.memref_squeeze %dma_start3A_1699 : memref<1x128xi32, #tpu.memory_space<vmem>> -> memref<128xi32, #tpu.memory_space<vmem>>
      %dma_start3A_1701 = arith.constant 0 : i32
      %dma_start3A_1702 = arith.constant 0 : i32
      %dma_start3A_1703 = tpu.memref_slice %arg2[%dma_start3A_1701, %dma_start3A_1702] : memref<20480x128xf32, #tpu.memory_space<hbm>> -> memref<20480x128xf32, #tpu.memory_space<hbm>>
      tpu.enqueue_indirect_dma source(%dma_start3A_1703 : memref<20480x128xf32, #tpu.memory_space<hbm>>) target(%dma_start3A_1697 : memref<128x128xf32, #tpu.memory_space<vmem>>) offsets(%dma_start3A_1700 : memref<128xi32, #tpu.memory_space<vmem>>) semaphore(%arg13 : memref<!tpu.dma_semaphore, #tpu.memory_space<semaphore_mem>>)
      %dma_wait3A_1704 = arith.constant 5 : i32
      %dma_wait3A_1705 = arith.constant 1 : i32
      %dma_wait3A_1706 = arith.constant 0 : i32
      %dma_wait3A_1707 = arith.constant 0 : i32
      %dma_wait3A_1708 = tpu.memref_slice %arg12[%dma_wait3A_1705, %dma_wait3A_1706, %dma_wait3A_1707] : memref<2x128x128xf32, #tpu.memory_space<vmem>> -> memref<1x128x128xf32, #tpu.memory_space<vmem>>
      %dma_wait3A_1709 = tpu.memref_squeeze %dma_wait3A_1708 : memref<1x128x128xf32, #tpu.memory_space<vmem>> -> memref<128x128xf32, #tpu.memory_space<vmem>>
      %dma_wait3A_1710 = arith.constant 0 : i32
      %dma_wait3A_1711 = tpu.memref_slice %arg10[%dma_wait3A_1704, %dma_wait3A_1710] : memref<8x128xi32, #tpu.memory_space<vmem>> -> memref<1x128xi32, #tpu.memory_space<vmem>>
      %dma_wait3A_1712 = tpu.memref_squeeze %dma_wait3A_1711 : memref<1x128xi32, #tpu.memory_space<vmem>> -> memref<128xi32, #tpu.memory_space<vmem>>
      %dma_wait3A_1713 = arith.constant 0 : i32
      %dma_wait3A_1714 = arith.constant 0 : i32
      %dma_wait3A_1715 = tpu.memref_slice %arg2[%dma_wait3A_1713, %dma_wait3A_1714] : memref<20480x128xf32, #tpu.memory_space<hbm>> -> memref<20480x128xf32, #tpu.memory_space<hbm>>
      tpu.wait_indirect_dma semaphore(%arg14 : memref<!tpu.dma_semaphore, #tpu.memory_space<semaphore_mem>>) src(%dma_wait3A_1715 : memref<20480x128xf32, #tpu.memory_space<hbm>>) dst(%dma_wait3A_1709 : memref<128x128xf32, #tpu.memory_space<vmem>>)
      %run_scoped3A_1716 = arith.constant 1 : i32
      %run_scoped3A_1717 = arith.constant 5 : i32
      "tpu.region"() ({
        %run_scoped3A_1758 = tpu.sem_alloc : memref<!tpu.dma_semaphore, #tpu.memory_space<semaphore_mem>>
        %dma_start3A_1759 = arith.constant 0 : i32
        %dma_start3A_1760 = arith.constant 0 : i32
        %dma_start3A_1761 = tpu.memref_slice %arg12[%run_scoped3A_1716, %dma_start3A_1759, %dma_start3A_1760] : memref<2x128x128xf32, #tpu.memory_space<vmem>> -> memref<1x128x128xf32, #tpu.memory_space<vmem>>
        %dma_start3A_1762 = tpu.memref_squeeze %dma_start3A_1761 : memref<1x128x128xf32, #tpu.memory_space<vmem>> -> memref<128x128xf32, #tpu.memory_space<vmem>>
        %dma_start3A_1763 = arith.constant 0 : i32
        %dma_start3A_1764 = tpu.memref_slice %arg11[%run_scoped3A_1717, %dma_start3A_1763] : memref<8x128xi32, #tpu.memory_space<vmem>> -> memref<1x128xi32, #tpu.memory_space<vmem>>
        %dma_start3A_1765 = tpu.memref_squeeze %dma_start3A_1764 : memref<1x128xi32, #tpu.memory_space<vmem>> -> memref<128xi32, #tpu.memory_space<vmem>>
        %dma_start3A_1766 = arith.constant 0 : i32
        %dma_start3A_1767 = arith.constant 0 : i32
        %dma_start3A_1768 = tpu.memref_slice %arg7[%dma_start3A_1766, %dma_start3A_1767] : memref<10240x128xf32, #tpu.memory_space<vmem_shared>> -> memref<10240x128xf32, #tpu.memory_space<vmem_shared>>
        tpu.enqueue_indirect_dma source(%dma_start3A_1762 : memref<128x128xf32, #tpu.memory_space<vmem>>) target(%dma_start3A_1768 : memref<10240x128xf32, #tpu.memory_space<vmem_shared>>) offsets(%dma_start3A_1765 : memref<128xi32, #tpu.memory_space<vmem>>) semaphore(%run_scoped3A_1758 : memref<!tpu.dma_semaphore, #tpu.memory_space<semaphore_mem>>) {add = true}
        %dma_wait3A_1769 = arith.constant 0 : i32
        %dma_wait3A_1770 = arith.constant 0 : i32
        %dma_wait3A_1771 = tpu.memref_slice %arg12[%run_scoped3A_1716, %dma_wait3A_1769, %dma_wait3A_1770] : memref<2x128x128xf32, #tpu.memory_space<vmem>> -> memref<1x128x128xf32, #tpu.memory_space<vmem>>
        %dma_wait3A_1772 = tpu.memref_squeeze %dma_wait3A_1771 : memref<1x128x128xf32, #tpu.memory_space<vmem>> -> memref<128x128xf32, #tpu.memory_space<vmem>>
        %dma_wait3A_1773 = arith.constant 0 : i32
        %dma_wait3A_1774 = tpu.memref_slice %arg11[%run_scoped3A_1717, %dma_wait3A_1773] : memref<8x128xi32, #tpu.memory_space<vmem>> -> memref<1x128xi32, #tpu.memory_space<vmem>>
        %dma_wait3A_1775 = tpu.memref_squeeze %dma_wait3A_1774 : memref<1x128xi32, #tpu.memory_space<vmem>> -> memref<128xi32, #tpu.memory_space<vmem>>
        %dma_wait3A_1776 = arith.constant 0 : i32
        %dma_wait3A_1777 = arith.constant 0 : i32
        %dma_wait3A_1778 = tpu.memref_slice %arg7[%dma_wait3A_1776, %dma_wait3A_1777] : memref<10240x128xf32, #tpu.memory_space<vmem_shared>> -> memref<10240x128xf32, #tpu.memory_space<vmem_shared>>
        tpu.wait_indirect_dma semaphore(%run_scoped3A_1758 : memref<!tpu.dma_semaphore, #tpu.memory_space<semaphore_mem>>) src(%dma_wait3A_1772 : memref<128x128xf32, #tpu.memory_space<vmem>>) dst(%dma_wait3A_1778 : memref<10240x128xf32, #tpu.memory_space<vmem_shared>>)
        tpu.yield
      }) : () -> ()
      %dma_start3A_1718 = arith.constant 7 : i32
      %dma_start3A_1719 = arith.constant 1 : i32
      %dma_start3A_1720 = arith.constant 0 : i32
      %dma_start3A_1721 = arith.constant 0 : i32
      %dma_start3A_1722 = tpu.memref_slice %arg12[%dma_start3A_1719, %dma_start3A_1720, %dma_start3A_1721] : memref<2x128x128xf32, #tpu.memory_space<vmem>> -> memref<1x128x128xf32, #tpu.memory_space<vmem>>
      %dma_start3A_1723 = tpu.memref_squeeze %dma_start3A_1722 : memref<1x128x128xf32, #tpu.memory_space<vmem>> -> memref<128x128xf32, #tpu.memory_space<vmem>>
      %dma_start3A_1724 = arith.constant 0 : i32
      %dma_start3A_1725 = tpu.memref_slice %arg10[%dma_start3A_1718, %dma_start3A_1724] : memref<8x128xi32, #tpu.memory_space<vmem>> -> memref<1x128xi32, #tpu.memory_space<vmem>>
      %dma_start3A_1726 = tpu.memref_squeeze %dma_start3A_1725 : memref<1x128xi32, #tpu.memory_space<vmem>> -> memref<128xi32, #tpu.memory_space<vmem>>
      %dma_start3A_1727 = arith.constant 0 : i32
      %dma_start3A_1728 = arith.constant 0 : i32
      %dma_start3A_1729 = tpu.memref_slice %arg2[%dma_start3A_1727, %dma_start3A_1728] : memref<20480x128xf32, #tpu.memory_space<hbm>> -> memref<20480x128xf32, #tpu.memory_space<hbm>>
      tpu.enqueue_indirect_dma source(%dma_start3A_1729 : memref<20480x128xf32, #tpu.memory_space<hbm>>) target(%dma_start3A_1723 : memref<128x128xf32, #tpu.memory_space<vmem>>) offsets(%dma_start3A_1726 : memref<128xi32, #tpu.memory_space<vmem>>) semaphore(%arg14 : memref<!tpu.dma_semaphore, #tpu.memory_space<semaphore_mem>>)
      %dma_wait3A_1730 = arith.constant 6 : i32
      %dma_wait3A_1731 = arith.constant 0 : i32
      %dma_wait3A_1732 = arith.constant 0 : i32
      %dma_wait3A_1733 = arith.constant 0 : i32
      %dma_wait3A_1734 = tpu.memref_slice %arg12[%dma_wait3A_1731, %dma_wait3A_1732, %dma_wait3A_1733] : memref<2x128x128xf32, #tpu.memory_space<vmem>> -> memref<1x128x128xf32, #tpu.memory_space<vmem>>
      %dma_wait3A_1735 = tpu.memref_squeeze %dma_wait3A_1734 : memref<1x128x128xf32, #tpu.memory_space<vmem>> -> memref<128x128xf32, #tpu.memory_space<vmem>>
      %dma_wait3A_1736 = arith.constant 0 : i32
      %dma_wait3A_1737 = tpu.memref_slice %arg10[%dma_wait3A_1730, %dma_wait3A_1736] : memref<8x128xi32, #tpu.memory_space<vmem>> -> memref<1x128xi32, #tpu.memory_space<vmem>>
      %dma_wait3A_1738 = tpu.memref_squeeze %dma_wait3A_1737 : memref<1x128xi32, #tpu.memory_space<vmem>> -> memref<128xi32, #tpu.memory_space<vmem>>
      %dma_wait3A_1739 = arith.constant 0 : i32
      %dma_wait3A_1740 = arith.constant 0 : i32
      %dma_wait3A_1741 = tpu.memref_slice %arg2[%dma_wait3A_1739, %dma_wait3A_1740] : memref<20480x128xf32, #tpu.memory_space<hbm>> -> memref<20480x128xf32, #tpu.memory_space<hbm>>
      tpu.wait_indirect_dma semaphore(%arg13 : memref<!tpu.dma_semaphore, #tpu.memory_space<semaphore_mem>>) src(%dma_wait3A_1741 : memref<20480x128xf32, #tpu.memory_space<hbm>>) dst(%dma_wait3A_1735 : memref<128x128xf32, #tpu.memory_space<vmem>>)
      %run_scoped3A_1742 = arith.constant 0 : i32
      %run_scoped3A_1743 = arith.constant 6 : i32
      "tpu.region"() ({
        %run_scoped3A_1758 = tpu.sem_alloc : memref<!tpu.dma_semaphore, #tpu.memory_space<semaphore_mem>>
        %dma_start3A_1759 = arith.constant 0 : i32
        %dma_start3A_1760 = arith.constant 0 : i32
        %dma_start3A_1761 = tpu.memref_slice %arg12[%run_scoped3A_1742, %dma_start3A_1759, %dma_start3A_1760] : memref<2x128x128xf32, #tpu.memory_space<vmem>> -> memref<1x128x128xf32, #tpu.memory_space<vmem>>
        %dma_start3A_1762 = tpu.memref_squeeze %dma_start3A_1761 : memref<1x128x128xf32, #tpu.memory_space<vmem>> -> memref<128x128xf32, #tpu.memory_space<vmem>>
        %dma_start3A_1763 = arith.constant 0 : i32
        %dma_start3A_1764 = tpu.memref_slice %arg11[%run_scoped3A_1743, %dma_start3A_1763] : memref<8x128xi32, #tpu.memory_space<vmem>> -> memref<1x128xi32, #tpu.memory_space<vmem>>
        %dma_start3A_1765 = tpu.memref_squeeze %dma_start3A_1764 : memref<1x128xi32, #tpu.memory_space<vmem>> -> memref<128xi32, #tpu.memory_space<vmem>>
        %dma_start3A_1766 = arith.constant 0 : i32
        %dma_start3A_1767 = arith.constant 0 : i32
        %dma_start3A_1768 = tpu.memref_slice %arg7[%dma_start3A_1766, %dma_start3A_1767] : memref<10240x128xf32, #tpu.memory_space<vmem_shared>> -> memref<10240x128xf32, #tpu.memory_space<vmem_shared>>
        tpu.enqueue_indirect_dma source(%dma_start3A_1762 : memref<128x128xf32, #tpu.memory_space<vmem>>) target(%dma_start3A_1768 : memref<10240x128xf32, #tpu.memory_space<vmem_shared>>) offsets(%dma_start3A_1765 : memref<128xi32, #tpu.memory_space<vmem>>) semaphore(%run_scoped3A_1758 : memref<!tpu.dma_semaphore, #tpu.memory_space<semaphore_mem>>) {add = true}
        %dma_wait3A_1769 = arith.constant 0 : i32
        %dma_wait3A_1770 = arith.constant 0 : i32
        %dma_wait3A_1771 = tpu.memref_slice %arg12[%run_scoped3A_1742, %dma_wait3A_1769, %dma_wait3A_1770] : memref<2x128x128xf32, #tpu.memory_space<vmem>> -> memref<1x128x128xf32, #tpu.memory_space<vmem>>
        %dma_wait3A_1772 = tpu.memref_squeeze %dma_wait3A_1771 : memref<1x128x128xf32, #tpu.memory_space<vmem>> -> memref<128x128xf32, #tpu.memory_space<vmem>>
        %dma_wait3A_1773 = arith.constant 0 : i32
        %dma_wait3A_1774 = tpu.memref_slice %arg11[%run_scoped3A_1743, %dma_wait3A_1773] : memref<8x128xi32, #tpu.memory_space<vmem>> -> memref<1x128xi32, #tpu.memory_space<vmem>>
        %dma_wait3A_1775 = tpu.memref_squeeze %dma_wait3A_1774 : memref<1x128xi32, #tpu.memory_space<vmem>> -> memref<128xi32, #tpu.memory_space<vmem>>
        %dma_wait3A_1776 = arith.constant 0 : i32
        %dma_wait3A_1777 = arith.constant 0 : i32
        %dma_wait3A_1778 = tpu.memref_slice %arg7[%dma_wait3A_1776, %dma_wait3A_1777] : memref<10240x128xf32, #tpu.memory_space<vmem_shared>> -> memref<10240x128xf32, #tpu.memory_space<vmem_shared>>
        tpu.wait_indirect_dma semaphore(%run_scoped3A_1758 : memref<!tpu.dma_semaphore, #tpu.memory_space<semaphore_mem>>) src(%dma_wait3A_1772 : memref<128x128xf32, #tpu.memory_space<vmem>>) dst(%dma_wait3A_1778 : memref<10240x128xf32, #tpu.memory_space<vmem_shared>>)
        tpu.yield
      }) : () -> ()
      %dma_wait3A_1744 = arith.constant 7 : i32
      %dma_wait3A_1745 = arith.constant 1 : i32
      %dma_wait3A_1746 = arith.constant 0 : i32
      %dma_wait3A_1747 = arith.constant 0 : i32
      %dma_wait3A_1748 = tpu.memref_slice %arg12[%dma_wait3A_1745, %dma_wait3A_1746, %dma_wait3A_1747] : memref<2x128x128xf32, #tpu.memory_space<vmem>> -> memref<1x128x128xf32, #tpu.memory_space<vmem>>
      %dma_wait3A_1749 = tpu.memref_squeeze %dma_wait3A_1748 : memref<1x128x128xf32, #tpu.memory_space<vmem>> -> memref<128x128xf32, #tpu.memory_space<vmem>>
      %dma_wait3A_1750 = arith.constant 0 : i32
      %dma_wait3A_1751 = tpu.memref_slice %arg10[%dma_wait3A_1744, %dma_wait3A_1750] : memref<8x128xi32, #tpu.memory_space<vmem>> -> memref<1x128xi32, #tpu.memory_space<vmem>>
      %dma_wait3A_1752 = tpu.memref_squeeze %dma_wait3A_1751 : memref<1x128xi32, #tpu.memory_space<vmem>> -> memref<128xi32, #tpu.memory_space<vmem>>
      %dma_wait3A_1753 = arith.constant 0 : i32
      %dma_wait3A_1754 = arith.constant 0 : i32
      %dma_wait3A_1755 = tpu.memref_slice %arg2[%dma_wait3A_1753, %dma_wait3A_1754] : memref<20480x128xf32, #tpu.memory_space<hbm>> -> memref<20480x128xf32, #tpu.memory_space<hbm>>
      tpu.wait_indirect_dma semaphore(%arg14 : memref<!tpu.dma_semaphore, #tpu.memory_space<semaphore_mem>>) src(%dma_wait3A_1755 : memref<20480x128xf32, #tpu.memory_space<hbm>>) dst(%dma_wait3A_1749 : memref<128x128xf32, #tpu.memory_space<vmem>>)
      %run_scoped3A_1756 = arith.constant 1 : i32
      %run_scoped3A_1757 = arith.constant 7 : i32
      "tpu.region"() ({
        %run_scoped3A_1758 = tpu.sem_alloc : memref<!tpu.dma_semaphore, #tpu.memory_space<semaphore_mem>>
        %dma_start3A_1759 = arith.constant 0 : i32
        %dma_start3A_1760 = arith.constant 0 : i32
        %dma_start3A_1761 = tpu.memref_slice %arg12[%run_scoped3A_1756, %dma_start3A_1759, %dma_start3A_1760] : memref<2x128x128xf32, #tpu.memory_space<vmem>> -> memref<1x128x128xf32, #tpu.memory_space<vmem>>
        %dma_start3A_1762 = tpu.memref_squeeze %dma_start3A_1761 : memref<1x128x128xf32, #tpu.memory_space<vmem>> -> memref<128x128xf32, #tpu.memory_space<vmem>>
        %dma_start3A_1763 = arith.constant 0 : i32
        %dma_start3A_1764 = tpu.memref_slice %arg11[%run_scoped3A_1757, %dma_start3A_1763] : memref<8x128xi32, #tpu.memory_space<vmem>> -> memref<1x128xi32, #tpu.memory_space<vmem>>
        %dma_start3A_1765 = tpu.memref_squeeze %dma_start3A_1764 : memref<1x128xi32, #tpu.memory_space<vmem>> -> memref<128xi32, #tpu.memory_space<vmem>>
        %dma_start3A_1766 = arith.constant 0 : i32
        %dma_start3A_1767 = arith.constant 0 : i32
        %dma_start3A_1768 = tpu.memref_slice %arg7[%dma_start3A_1766, %dma_start3A_1767] : memref<10240x128xf32, #tpu.memory_space<vmem_shared>> -> memref<10240x128xf32, #tpu.memory_space<vmem_shared>>
        tpu.enqueue_indirect_dma source(%dma_start3A_1762 : memref<128x128xf32, #tpu.memory_space<vmem>>) target(%dma_start3A_1768 : memref<10240x128xf32, #tpu.memory_space<vmem_shared>>) offsets(%dma_start3A_1765 : memref<128xi32, #tpu.memory_space<vmem>>) semaphore(%run_scoped3A_1758 : memref<!tpu.dma_semaphore, #tpu.memory_space<semaphore_mem>>) {add = true}
        %dma_wait3A_1769 = arith.constant 0 : i32
        %dma_wait3A_1770 = arith.constant 0 : i32
        %dma_wait3A_1771 = tpu.memref_slice %arg12[%run_scoped3A_1756, %dma_wait3A_1769, %dma_wait3A_1770] : memref<2x128x128xf32, #tpu.memory_space<vmem>> -> memref<1x128x128xf32, #tpu.memory_space<vmem>>
        %dma_wait3A_1772 = tpu.memref_squeeze %dma_wait3A_1771 : memref<1x128x128xf32, #tpu.memory_space<vmem>> -> memref<128x128xf32, #tpu.memory_space<vmem>>
        %dma_wait3A_1773 = arith.constant 0 : i32
        %dma_wait3A_1774 = tpu.memref_slice %arg11[%run_scoped3A_1757, %dma_wait3A_1773] : memref<8x128xi32, #tpu.memory_space<vmem>> -> memref<1x128xi32, #tpu.memory_space<vmem>>
        %dma_wait3A_1775 = tpu.memref_squeeze %dma_wait3A_1774 : memref<1x128xi32, #tpu.memory_space<vmem>> -> memref<128xi32, #tpu.memory_space<vmem>>
        %dma_wait3A_1776 = arith.constant 0 : i32
        %dma_wait3A_1777 = arith.constant 0 : i32
        %dma_wait3A_1778 = tpu.memref_slice %arg7[%dma_wait3A_1776, %dma_wait3A_1777] : memref<10240x128xf32, #tpu.memory_space<vmem_shared>> -> memref<10240x128xf32, #tpu.memory_space<vmem_shared>>
        tpu.wait_indirect_dma semaphore(%run_scoped3A_1758 : memref<!tpu.dma_semaphore, #tpu.memory_space<semaphore_mem>>) src(%dma_wait3A_1772 : memref<128x128xf32, #tpu.memory_space<vmem>>) dst(%dma_wait3A_1778 : memref<10240x128xf32, #tpu.memory_space<vmem_shared>>)
        tpu.yield
      }) : () -> ()
    }
    %scan3A_11 = arith.constant 10 : i32
    %barrier3A_12 = arith.constant 0 : index
    tpu.barrier barrier_id(%barrier3A_12)
    "tpu.region"() ({
      %run_scoped3A = tpu.sem_alloc : memref<!tpu.dma_semaphore, #tpu.memory_space<semaphore_mem>>
      %dma_start3A = arith.constant 0 : i32
      %dma_start3A_13 = tpu.memref_slice %arg6[%arg0, %mul3A_0, %dma_start3A] : memref<2x10240x128xf32, #tpu.memory_space<hbm>> -> memref<1x640x128xf32, #tpu.memory_space<hbm>>
      %dma_start3A_14 = tpu.memref_squeeze %dma_start3A_13 : memref<1x640x128xf32, #tpu.memory_space<hbm>> -> memref<640x128xf32, #tpu.memory_space<hbm>>
      %dma_start3A_15 = arith.constant 0 : i32
      %dma_start3A_16 = tpu.memref_slice %arg7[%mul3A_0, %dma_start3A_15] : memref<10240x128xf32, #tpu.memory_space<vmem_shared>> -> memref<640x128xf32, #tpu.memory_space<vmem_shared>>
      tpu.enqueue_dma source(%dma_start3A_16 : memref<640x128xf32, #tpu.memory_space<vmem_shared>>) target(%dma_start3A_14 : memref<640x128xf32, #tpu.memory_space<hbm>>) target_semaphore(%run_scoped3A : memref<!tpu.dma_semaphore, #tpu.memory_space<semaphore_mem>>)
      %dma_wait3A = arith.constant 0 : i32
      %dma_wait3A_17 = tpu.memref_slice %arg6[%arg0, %mul3A_0, %dma_wait3A] : memref<2x10240x128xf32, #tpu.memory_space<hbm>> -> memref<1x640x128xf32, #tpu.memory_space<hbm>>
      %dma_wait3A_18 = tpu.memref_squeeze %dma_wait3A_17 : memref<1x640x128xf32, #tpu.memory_space<hbm>> -> memref<640x128xf32, #tpu.memory_space<hbm>>
      %dma_wait3A_19 = arith.constant 0 : i32
      %dma_wait3A_20 = tpu.memref_slice %arg7[%mul3A_0, %dma_wait3A_19] : memref<10240x128xf32, #tpu.memory_space<vmem_shared>> -> memref<640x128xf32, #tpu.memory_space<vmem_shared>>
      tpu.wait_dma2 semaphore(%run_scoped3A : memref<!tpu.dma_semaphore, #tpu.memory_space<semaphore_mem>>) src(%dma_wait3A_20 : memref<640x128xf32, #tpu.memory_space<vmem_shared>>) dst(%dma_wait3A_18 : memref<640x128xf32, #tpu.memory_space<hbm>>)
      tpu.yield
    }) : () -> ()
    return
  }
}

#map = affine_map<(d0, d1) -> (0, 0)>
#map1 = affine_map<(d0, d1) -> (0, 0, 0)>
module attributes {stable_mosaic.version = 14 : i64} {
  func.func @_deg_body(%arg0: i32, %arg1: i32, %arg2: memref<1280x128xf32, #tpu.memory_space<hbm>>, %arg3: memref<640x128xf32, #tpu.memory_space<hbm>>, %arg4: memref<128x128xf32, #tpu.memory_space<hbm>>, %arg5: memref<2x10240x128xf32, #tpu.memory_space<hbm>>, %arg6: memref<10240x128xf32, #tpu.memory_space<vmem_shared>>, %arg7: memref<1x128xf32, #tpu.memory_space<vmem>>, %arg8: memref<1x128xi32, #tpu.memory_space<vmem>>, %arg9: memref<128x128xf32, #tpu.memory_space<vmem>>) attributes {dimension_semantics = [#tpu.dimension_semantics<core_parallel>, #tpu.dimension_semantics<subcore_parallel>], iteration_bounds = array<i64: 2, 16>, scalar_prefetch = 0 : i64, scratch_operands = 4 : i64, tpu.core_type = #tpu.core_type<sc_vector_subcore>, window_params = [{transform_indices = #map}, {transform_indices = #map}, {transform_indices = #map}, {transform_indices = #map1}]} {
    %mul3A = arith.constant 640 : i32
    %mul3A_0 = arith.muli %arg1, %mul3A : i32
    "tpu.region"() ({
      %run_scoped3A = tpu.sem_alloc : memref<!tpu.dma_semaphore, #tpu.memory_space<semaphore_mem>>
      %dma_start3A = arith.constant 0 : i32
      %dma_start3A_11 = tpu.memref_slice %arg6[%mul3A_0, %dma_start3A] : memref<10240x128xf32, #tpu.memory_space<vmem_shared>> -> memref<640x128xf32, #tpu.memory_space<vmem_shared>>
      tpu.enqueue_dma source(%arg3 : memref<640x128xf32, #tpu.memory_space<hbm>>) target(%dma_start3A_11 : memref<640x128xf32, #tpu.memory_space<vmem_shared>>) target_semaphore(%run_scoped3A : memref<!tpu.dma_semaphore, #tpu.memory_space<semaphore_mem>>)
      %dma_wait3A = arith.constant 0 : i32
      %dma_wait3A_12 = tpu.memref_slice %arg6[%mul3A_0, %dma_wait3A] : memref<10240x128xf32, #tpu.memory_space<vmem_shared>> -> memref<640x128xf32, #tpu.memory_space<vmem_shared>>
      tpu.wait_dma2 semaphore(%run_scoped3A : memref<!tpu.dma_semaphore, #tpu.memory_space<semaphore_mem>>) src(%arg3 : memref<640x128xf32, #tpu.memory_space<hbm>>) dst(%dma_wait3A_12 : memref<640x128xf32, #tpu.memory_space<vmem_shared>>)
      tpu.yield
    }) : () -> ()
    "tpu.region"() ({
      %run_scoped3A = tpu.sem_alloc : memref<!tpu.dma_semaphore, #tpu.memory_space<semaphore_mem>>
      tpu.enqueue_dma source(%arg4 : memref<128x128xf32, #tpu.memory_space<hbm>>) target(%arg9 : memref<128x128xf32, #tpu.memory_space<vmem>>) target_semaphore(%run_scoped3A : memref<!tpu.dma_semaphore, #tpu.memory_space<semaphore_mem>>)
      tpu.wait_dma2 semaphore(%run_scoped3A : memref<!tpu.dma_semaphore, #tpu.memory_space<semaphore_mem>>) src(%arg4 : memref<128x128xf32, #tpu.memory_space<hbm>>) dst(%arg9 : memref<128x128xf32, #tpu.memory_space<vmem>>)
      tpu.yield
    }) : () -> ()
    %barrier3A = arith.constant 0 : index
    tpu.barrier barrier_id(%barrier3A)
    %mul3A_1 = arith.constant 16 : i32
    %mul3A_2 = arith.muli %arg0, %mul3A_1 : i32
    %add3A = arith.addi %mul3A_2, %arg1 : i32
    %mul3A_3 = arith.constant 40 : i32
    %mul3A_4 = arith.muli %add3A, %mul3A_3 : i32
    %scan3A = arith.constant 0 : i32
    %scan3A_5 = arith.constant 0 : i32
    %scan3A_6 = arith.constant 40 : i32
    %scan3A_7 = arith.addi %scan3A_5, %scan3A_6 : i32
    %scan3A_8 = arith.constant 1 : i32
    scf.for %scan3A_11 = %scan3A_5 to %scan3A_7 step %scan3A_8  : i32 {
      %add3A_12 = arith.addi %mul3A_4, %scan3A_11 : i32
      "tpu.region"() ({
        %run_scoped3A_106 = tpu.sem_alloc : memref<!tpu.dma_semaphore, #tpu.memory_space<semaphore_mem>>
        %dma_start3A = arith.constant 0 : i32
        %dma_start3A_107 = tpu.memref_slice %arg2[%add3A_12, %dma_start3A] : memref<1280x128xf32, #tpu.memory_space<hbm>> -> memref<1x128xf32, #tpu.memory_space<hbm>>
        %dma_start3A_108 = arith.constant 0 : i32
        %dma_start3A_109 = tpu.memref_slice %arg2[%add3A_12, %dma_start3A_108] : memref<1280x128xf32, #tpu.memory_space<hbm>> -> memref<1x128xf32, #tpu.memory_space<hbm>>
        tpu.enqueue_dma source(%dma_start3A_109 : memref<1x128xf32, #tpu.memory_space<hbm>>) target(%arg7 : memref<1x128xf32, #tpu.memory_space<vmem>>) target_semaphore(%run_scoped3A_106 : memref<!tpu.dma_semaphore, #tpu.memory_space<semaphore_mem>>)
        %dma_wait3A = arith.constant 0 : i32
        %dma_wait3A_110 = tpu.memref_slice %arg2[%add3A_12, %dma_wait3A] : memref<1280x128xf32, #tpu.memory_space<hbm>> -> memref<1x128xf32, #tpu.memory_space<hbm>>
        %dma_wait3A_111 = arith.constant 0 : i32
        %dma_wait3A_112 = tpu.memref_slice %arg2[%add3A_12, %dma_wait3A_111] : memref<1280x128xf32, #tpu.memory_space<hbm>> -> memref<1x128xf32, #tpu.memory_space<hbm>>
        tpu.wait_dma2 semaphore(%run_scoped3A_106 : memref<!tpu.dma_semaphore, #tpu.memory_space<semaphore_mem>>) src(%dma_wait3A_112 : memref<1x128xf32, #tpu.memory_space<hbm>>) dst(%arg7 : memref<1x128xf32, #tpu.memory_space<vmem>>)
        tpu.yield
      }) : () -> ()
      %get3A = arith.constant 0 : i32
      %get3A_13 = arith.index_cast %get3A : i32 to index
      %get3A_14 = arith.constant 0 : index
      %get3A_15 = tpu.vector_load %arg7[%get3A_13, %get3A_14] {strides = array<i32>} : memref<1x128xf32, #tpu.memory_space<vmem>>, vector<1x16xf32>,
      %get3A_16 = vector.shape_cast %get3A_15 : vector<1x16xf32> to vector<16xf32>
      %convert_element_type3A = arith.fptosi %get3A_16 : vector<16xf32> to vector<16xi32>
      %swap3A = arith.constant 0 : i32
      %swap3A_17 = arith.index_cast %swap3A : i32 to index
      %swap3A_18 = arith.constant 0 : index
      %swap3A_19 = tpu.vector_load %arg8[%swap3A_17, %swap3A_18] {strides = array<i32>} : memref<1x128xi32, #tpu.memory_space<vmem>>, vector<1x16xi32>,
      %swap3A_20 = vector.shape_cast %swap3A_19 : vector<1x16xi32> to vector<16xi32>
      %swap3A_21 = vector.shape_cast %convert_element_type3A : vector<16xi32> to vector<1x16xi32>
      tpu.vector_store %arg8[%swap3A_17, %swap3A_18], %swap3A_21 {strides = array<i32>} : memref<1x128xi32, #tpu.memory_space<vmem>>, vector<1x16xi32>,
      %get3A_22 = arith.constant 0 : i32
      %get3A_23 = arith.index_cast %get3A_22 : i32 to index
      %get3A_24 = arith.constant 16 : index
      %get3A_25 = tpu.vector_load %arg7[%get3A_23, %get3A_24] {strides = array<i32>} : memref<1x128xf32, #tpu.memory_space<vmem>>, vector<1x16xf32>,
      %get3A_26 = vector.shape_cast %get3A_25 : vector<1x16xf32> to vector<16xf32>
      %convert_element_type3A_27 = arith.fptosi %get3A_26 : vector<16xf32> to vector<16xi32>
      %swap3A_28 = arith.constant 0 : i32
      %swap3A_29 = arith.index_cast %swap3A_28 : i32 to index
      %swap3A_30 = arith.constant 16 : index
      %swap3A_31 = tpu.vector_load %arg8[%swap3A_29, %swap3A_30] {strides = array<i32>} : memref<1x128xi32, #tpu.memory_space<vmem>>, vector<1x16xi32>,
      %swap3A_32 = vector.shape_cast %swap3A_31 : vector<1x16xi32> to vector<16xi32>
      %swap3A_33 = vector.shape_cast %convert_element_type3A_27 : vector<16xi32> to vector<1x16xi32>
      tpu.vector_store %arg8[%swap3A_29, %swap3A_30], %swap3A_33 {strides = array<i32>} : memref<1x128xi32, #tpu.memory_space<vmem>>, vector<1x16xi32>,
      %get3A_34 = arith.constant 0 : i32
      %get3A_35 = arith.index_cast %get3A_34 : i32 to index
      %get3A_36 = arith.constant 32 : index
      %get3A_37 = tpu.vector_load %arg7[%get3A_35, %get3A_36] {strides = array<i32>} : memref<1x128xf32, #tpu.memory_space<vmem>>, vector<1x16xf32>,
      %get3A_38 = vector.shape_cast %get3A_37 : vector<1x16xf32> to vector<16xf32>
      %convert_element_type3A_39 = arith.fptosi %get3A_38 : vector<16xf32> to vector<16xi32>
      %swap3A_40 = arith.constant 0 : i32
      %swap3A_41 = arith.index_cast %swap3A_40 : i32 to index
      %swap3A_42 = arith.constant 32 : index
      %swap3A_43 = tpu.vector_load %arg8[%swap3A_41, %swap3A_42] {strides = array<i32>} : memref<1x128xi32, #tpu.memory_space<vmem>>, vector<1x16xi32>,
      %swap3A_44 = vector.shape_cast %swap3A_43 : vector<1x16xi32> to vector<16xi32>
      %swap3A_45 = vector.shape_cast %convert_element_type3A_39 : vector<16xi32> to vector<1x16xi32>
      tpu.vector_store %arg8[%swap3A_41, %swap3A_42], %swap3A_45 {strides = array<i32>} : memref<1x128xi32, #tpu.memory_space<vmem>>, vector<1x16xi32>,
      %get3A_46 = arith.constant 0 : i32
      %get3A_47 = arith.index_cast %get3A_46 : i32 to index
      %get3A_48 = arith.constant 48 : index
      %get3A_49 = tpu.vector_load %arg7[%get3A_47, %get3A_48] {strides = array<i32>} : memref<1x128xf32, #tpu.memory_space<vmem>>, vector<1x16xf32>,
      %get3A_50 = vector.shape_cast %get3A_49 : vector<1x16xf32> to vector<16xf32>
      %convert_element_type3A_51 = arith.fptosi %get3A_50 : vector<16xf32> to vector<16xi32>
      %swap3A_52 = arith.constant 0 : i32
      %swap3A_53 = arith.index_cast %swap3A_52 : i32 to index
      %swap3A_54 = arith.constant 48 : index
      %swap3A_55 = tpu.vector_load %arg8[%swap3A_53, %swap3A_54] {strides = array<i32>} : memref<1x128xi32, #tpu.memory_space<vmem>>, vector<1x16xi32>,
      %swap3A_56 = vector.shape_cast %swap3A_55 : vector<1x16xi32> to vector<16xi32>
      %swap3A_57 = vector.shape_cast %convert_element_type3A_51 : vector<16xi32> to vector<1x16xi32>
      tpu.vector_store %arg8[%swap3A_53, %swap3A_54], %swap3A_57 {strides = array<i32>} : memref<1x128xi32, #tpu.memory_space<vmem>>, vector<1x16xi32>,
      %get3A_58 = arith.constant 0 : i32
      %get3A_59 = arith.index_cast %get3A_58 : i32 to index
      %get3A_60 = arith.constant 64 : index
      %get3A_61 = tpu.vector_load %arg7[%get3A_59, %get3A_60] {strides = array<i32>} : memref<1x128xf32, #tpu.memory_space<vmem>>, vector<1x16xf32>,
      %get3A_62 = vector.shape_cast %get3A_61 : vector<1x16xf32> to vector<16xf32>
      %convert_element_type3A_63 = arith.fptosi %get3A_62 : vector<16xf32> to vector<16xi32>
      %swap3A_64 = arith.constant 0 : i32
      %swap3A_65 = arith.index_cast %swap3A_64 : i32 to index
      %swap3A_66 = arith.constant 64 : index
      %swap3A_67 = tpu.vector_load %arg8[%swap3A_65, %swap3A_66] {strides = array<i32>} : memref<1x128xi32, #tpu.memory_space<vmem>>, vector<1x16xi32>,
      %swap3A_68 = vector.shape_cast %swap3A_67 : vector<1x16xi32> to vector<16xi32>
      %swap3A_69 = vector.shape_cast %convert_element_type3A_63 : vector<16xi32> to vector<1x16xi32>
      tpu.vector_store %arg8[%swap3A_65, %swap3A_66], %swap3A_69 {strides = array<i32>} : memref<1x128xi32, #tpu.memory_space<vmem>>, vector<1x16xi32>,
      %get3A_70 = arith.constant 0 : i32
      %get3A_71 = arith.index_cast %get3A_70 : i32 to index
      %get3A_72 = arith.constant 80 : index
      %get3A_73 = tpu.vector_load %arg7[%get3A_71, %get3A_72] {strides = array<i32>} : memref<1x128xf32, #tpu.memory_space<vmem>>, vector<1x16xf32>,
      %get3A_74 = vector.shape_cast %get3A_73 : vector<1x16xf32> to vector<16xf32>
      %convert_element_type3A_75 = arith.fptosi %get3A_74 : vector<16xf32> to vector<16xi32>
      %swap3A_76 = arith.constant 0 : i32
      %swap3A_77 = arith.index_cast %swap3A_76 : i32 to index
      %swap3A_78 = arith.constant 80 : index
      %swap3A_79 = tpu.vector_load %arg8[%swap3A_77, %swap3A_78] {strides = array<i32>} : memref<1x128xi32, #tpu.memory_space<vmem>>, vector<1x16xi32>,
      %swap3A_80 = vector.shape_cast %swap3A_79 : vector<1x16xi32> to vector<16xi32>
      %swap3A_81 = vector.shape_cast %convert_element_type3A_75 : vector<16xi32> to vector<1x16xi32>
      tpu.vector_store %arg8[%swap3A_77, %swap3A_78], %swap3A_81 {strides = array<i32>} : memref<1x128xi32, #tpu.memory_space<vmem>>, vector<1x16xi32>,
      %get3A_82 = arith.constant 0 : i32
      %get3A_83 = arith.index_cast %get3A_82 : i32 to index
      %get3A_84 = arith.constant 96 : index
      %get3A_85 = tpu.vector_load %arg7[%get3A_83, %get3A_84] {strides = array<i32>} : memref<1x128xf32, #tpu.memory_space<vmem>>, vector<1x16xf32>,
      %get3A_86 = vector.shape_cast %get3A_85 : vector<1x16xf32> to vector<16xf32>
      %convert_element_type3A_87 = arith.fptosi %get3A_86 : vector<16xf32> to vector<16xi32>
      %swap3A_88 = arith.constant 0 : i32
      %swap3A_89 = arith.index_cast %swap3A_88 : i32 to index
      %swap3A_90 = arith.constant 96 : index
      %swap3A_91 = tpu.vector_load %arg8[%swap3A_89, %swap3A_90] {strides = array<i32>} : memref<1x128xi32, #tpu.memory_space<vmem>>, vector<1x16xi32>,
      %swap3A_92 = vector.shape_cast %swap3A_91 : vector<1x16xi32> to vector<16xi32>
      %swap3A_93 = vector.shape_cast %convert_element_type3A_87 : vector<16xi32> to vector<1x16xi32>
      tpu.vector_store %arg8[%swap3A_89, %swap3A_90], %swap3A_93 {strides = array<i32>} : memref<1x128xi32, #tpu.memory_space<vmem>>, vector<1x16xi32>,
      %get3A_94 = arith.constant 0 : i32
      %get3A_95 = arith.index_cast %get3A_94 : i32 to index
      %get3A_96 = arith.constant 112 : index
      %get3A_97 = tpu.vector_load %arg7[%get3A_95, %get3A_96] {strides = array<i32>} : memref<1x128xf32, #tpu.memory_space<vmem>>, vector<1x16xf32>,
      %get3A_98 = vector.shape_cast %get3A_97 : vector<1x16xf32> to vector<16xf32>
      %convert_element_type3A_99 = arith.fptosi %get3A_98 : vector<16xf32> to vector<16xi32>
      %swap3A_100 = arith.constant 0 : i32
      %swap3A_101 = arith.index_cast %swap3A_100 : i32 to index
      %swap3A_102 = arith.constant 112 : index
      %swap3A_103 = tpu.vector_load %arg8[%swap3A_101, %swap3A_102] {strides = array<i32>} : memref<1x128xi32, #tpu.memory_space<vmem>>, vector<1x16xi32>,
      %swap3A_104 = vector.shape_cast %swap3A_103 : vector<1x16xi32> to vector<16xi32>
      %swap3A_105 = vector.shape_cast %convert_element_type3A_99 : vector<16xi32> to vector<1x16xi32>
      tpu.vector_store %arg8[%swap3A_101, %swap3A_102], %swap3A_105 {strides = array<i32>} : memref<1x128xi32, #tpu.memory_space<vmem>>, vector<1x16xi32>,
      %run_scoped3A = arith.constant 0 : i32
      "tpu.region"() ({
        %run_scoped3A_106 = tpu.sem_alloc : memref<!tpu.dma_semaphore, #tpu.memory_space<semaphore_mem>>
        %dma_start3A = arith.constant 0 : i32
        %dma_start3A_107 = tpu.memref_slice %arg8[%run_scoped3A, %dma_start3A] : memref<1x128xi32, #tpu.memory_space<vmem>> -> memref<1x128xi32, #tpu.memory_space<vmem>>
        %dma_start3A_108 = tpu.memref_squeeze %dma_start3A_107 : memref<1x128xi32, #tpu.memory_space<vmem>> -> memref<128xi32, #tpu.memory_space<vmem>>
        %dma_start3A_109 = arith.constant 0 : i32
        %dma_start3A_110 = arith.constant 0 : i32
        %dma_start3A_111 = tpu.memref_slice %arg6[%dma_start3A_109, %dma_start3A_110] : memref<10240x128xf32, #tpu.memory_space<vmem_shared>> -> memref<10240x128xf32, #tpu.memory_space<vmem_shared>>
        tpu.enqueue_indirect_dma source(%arg9 : memref<128x128xf32, #tpu.memory_space<vmem>>) target(%dma_start3A_111 : memref<10240x128xf32, #tpu.memory_space<vmem_shared>>) offsets(%dma_start3A_108 : memref<128xi32, #tpu.memory_space<vmem>>) semaphore(%run_scoped3A_106 : memref<!tpu.dma_semaphore, #tpu.memory_space<semaphore_mem>>) {add = true}
        %dma_wait3A = arith.constant 0 : i32
        %dma_wait3A_112 = tpu.memref_slice %arg8[%run_scoped3A, %dma_wait3A] : memref<1x128xi32, #tpu.memory_space<vmem>> -> memref<1x128xi32, #tpu.memory_space<vmem>>
        %dma_wait3A_113 = tpu.memref_squeeze %dma_wait3A_112 : memref<1x128xi32, #tpu.memory_space<vmem>> -> memref<128xi32, #tpu.memory_space<vmem>>
        %dma_wait3A_114 = arith.constant 0 : i32
        %dma_wait3A_115 = arith.constant 0 : i32
        %dma_wait3A_116 = tpu.memref_slice %arg6[%dma_wait3A_114, %dma_wait3A_115] : memref<10240x128xf32, #tpu.memory_space<vmem_shared>> -> memref<10240x128xf32, #tpu.memory_space<vmem_shared>>
        tpu.wait_indirect_dma semaphore(%run_scoped3A_106 : memref<!tpu.dma_semaphore, #tpu.memory_space<semaphore_mem>>) src(%arg9 : memref<128x128xf32, #tpu.memory_space<vmem>>) dst(%dma_wait3A_116 : memref<10240x128xf32, #tpu.memory_space<vmem_shared>>)
        tpu.yield
      }) : () -> ()
    }
    %scan3A_9 = arith.constant 40 : i32
    %barrier3A_10 = arith.constant 0 : index
    tpu.barrier barrier_id(%barrier3A_10)
    "tpu.region"() ({
      %run_scoped3A = tpu.sem_alloc : memref<!tpu.dma_semaphore, #tpu.memory_space<semaphore_mem>>
      %dma_start3A = arith.constant 0 : i32
      %dma_start3A_11 = tpu.memref_slice %arg5[%arg0, %mul3A_0, %dma_start3A] : memref<2x10240x128xf32, #tpu.memory_space<hbm>> -> memref<1x640x128xf32, #tpu.memory_space<hbm>>
      %dma_start3A_12 = tpu.memref_squeeze %dma_start3A_11 : memref<1x640x128xf32, #tpu.memory_space<hbm>> -> memref<640x128xf32, #tpu.memory_space<hbm>>
      %dma_start3A_13 = arith.constant 0 : i32
      %dma_start3A_14 = tpu.memref_slice %arg6[%mul3A_0, %dma_start3A_13] : memref<10240x128xf32, #tpu.memory_space<vmem_shared>> -> memref<640x128xf32, #tpu.memory_space<vmem_shared>>
      tpu.enqueue_dma source(%dma_start3A_14 : memref<640x128xf32, #tpu.memory_space<vmem_shared>>) target(%dma_start3A_12 : memref<640x128xf32, #tpu.memory_space<hbm>>) target_semaphore(%run_scoped3A : memref<!tpu.dma_semaphore, #tpu.memory_space<semaphore_mem>>)
      %dma_wait3A = arith.constant 0 : i32
      %dma_wait3A_15 = tpu.memref_slice %arg5[%arg0, %mul3A_0, %dma_wait3A] : memref<2x10240x128xf32, #tpu.memory_space<hbm>> -> memref<1x640x128xf32, #tpu.memory_space<hbm>>
      %dma_wait3A_16 = tpu.memref_squeeze %dma_wait3A_15 : memref<1x640x128xf32, #tpu.memory_space<hbm>> -> memref<640x128xf32, #tpu.memory_space<hbm>>
      %dma_wait3A_17 = arith.constant 0 : i32
      %dma_wait3A_18 = tpu.memref_slice %arg6[%mul3A_0, %dma_wait3A_17] : memref<10240x128xf32, #tpu.memory_space<vmem_shared>> -> memref<640x128xf32, #tpu.memory_space<vmem_shared>>
      tpu.wait_dma2 semaphore(%run_scoped3A : memref<!tpu.dma_semaphore, #tpu.memory_space<semaphore_mem>>) src(%dma_wait3A_18 : memref<640x128xf32, #tpu.memory_space<vmem_shared>>) dst(%dma_wait3A_16 : memref<640x128xf32, #tpu.memory_space<hbm>>)
      tpu.yield
    }) : () -> ()
    return
  }
}

module attributes {stable_mosaic.version = 14 : i64} {
  func.func @body(%arg0: i32, %arg1: memref<2x512x128xf32, #tpu.memory_space<vmem>>, %arg2: memref<2x512x128xf32, #tpu.memory_space<vmem>>, %arg3: memref<512x256xf32, #tpu.memory_space<vmem>>, %arg4: memref<2x128x512xf32, #tpu.memory_space<vmem>>, %arg5: memref<1x512xf32, #tpu.memory_space<vmem>>, %arg6: memref<256x512xf32, #tpu.memory_space<vmem>>, %arg7: memref<512x256xf32, #tpu.memory_space<vmem>>, %arg8: memref<512x256xf32, #tpu.memory_space<vmem>>, %arg9: memref<2x512x128xf32, #tpu.memory_space<vmem>>, %arg10: memref<512x256xf32, #tpu.memory_space<vmem>>) attributes {dimension_semantics = [#tpu.dimension_semantics<arbitrary>], iteration_bounds = array<i64: 20>, scalar_prefetch = 0 : i64, scratch_operands = 0 : i64, tpu.core_type = #tpu.core_type<tc>, window_params = [{transform_indices = @transform_0, window_bounds = array<i64: 2, 512, 128>}, {transform_indices = @transform_1, window_bounds = array<i64: 2, 512, 128>}, {transform_indices = @transform_2, window_bounds = array<i64: 512, 256>}, {pipeline_mode = #tpu.pipeline_mode<synchronous>, transform_indices = @transform_3, window_bounds = array<i64: 2, 128, 512>}, {pipeline_mode = #tpu.pipeline_mode<synchronous>, transform_indices = @transform_4, window_bounds = array<i64: 1, 512>}, {pipeline_mode = #tpu.pipeline_mode<synchronous>, transform_indices = @transform_5, window_bounds = array<i64: 256, 512>}, {pipeline_mode = #tpu.pipeline_mode<synchronous>, transform_indices = @transform_6, window_bounds = array<i64: 512, 256>}, {pipeline_mode = #tpu.pipeline_mode<synchronous>, transform_indices = @transform_7, window_bounds = array<i64: 512, 256>}, {transform_indices = @transform_8, window_bounds = array<i64: 2, 512, 128>}, {transform_indices = @transform_9, window_bounds = array<i64: 512, 256>}]} {
    %get3A = arith.constant 0 : index
    %get3A_0 = arith.constant 0 : index
    %get3A_1 = arith.constant 0 : index
    %get3A_2 = vector.load %arg2[%get3A, %get3A_0, %get3A_1] : memref<2x512x128xf32, #tpu.memory_space<vmem>>, vector<1x512x128xf32>
    %get3A_3 = vector.shape_cast %get3A_2 : vector<1x512x128xf32> to vector<512x128xf32>
    %slice3A = vector.extract_strided_slice %get3A_3 {offsets = [0, 0], sizes = [512, 1], strides = [1, 1]} : vector<512x128xf32> to vector<512x1xf32>
    %get3A_4 = arith.constant 1 : index
    %get3A_5 = arith.constant 0 : index
    %get3A_6 = arith.constant 0 : index
    %get3A_7 = vector.load %arg2[%get3A_4, %get3A_5, %get3A_6] : memref<2x512x128xf32, #tpu.memory_space<vmem>>, vector<1x512x128xf32>
    %get3A_8 = vector.shape_cast %get3A_7 : vector<1x512x128xf32> to vector<512x128xf32>
    %slice3A_9 = vector.extract_strided_slice %get3A_8 {offsets = [0, 0], sizes = [512, 1], strides = [1, 1]} : vector<512x128xf32> to vector<512x1xf32>
    %add3A = arith.addf %slice3A, %slice3A_9 : vector<512x1xf32>
    %max3A = arith.constant 1.000000e+00 : f32
    %max3A_10 = vector.broadcast %max3A : f32 to vector<512x1xf32>
    %max3A_11 = arith.maximumf %add3A, %max3A_10 : vector<512x1xf32>
    %div3A = arith.constant 1.000000e+00 : f32
    %div3A_12 = vector.broadcast %div3A : f32 to vector<512x1xf32>
    %div3A_13 = arith.divf %div3A_12, %max3A_11 : vector<512x1xf32>
    %get3A_14 = arith.constant 0 : index
    %get3A_15 = arith.constant 0 : index
    %get3A_16 = arith.constant 0 : index
    %get3A_17 = vector.load %arg1[%get3A_14, %get3A_15, %get3A_16] : memref<2x512x128xf32, #tpu.memory_space<vmem>>, vector<1x512x128xf32>
    %get3A_18 = vector.shape_cast %get3A_17 : vector<1x512x128xf32> to vector<512x128xf32>
    %mul3A = vector.broadcast %div3A_13 : vector<512x1xf32> to vector<512x128xf32>
    %mul3A_19 = arith.mulf %get3A_18, %mul3A : vector<512x128xf32>
    %get3A_20 = arith.constant 1 : index
    %get3A_21 = arith.constant 0 : index
    %get3A_22 = arith.constant 0 : index
    %get3A_23 = vector.load %arg1[%get3A_20, %get3A_21, %get3A_22] : memref<2x512x128xf32, #tpu.memory_space<vmem>>, vector<1x512x128xf32>
    %get3A_24 = vector.shape_cast %get3A_23 : vector<1x512x128xf32> to vector<512x128xf32>
    %mul3A_25 = vector.broadcast %div3A_13 : vector<512x1xf32> to vector<512x128xf32>
    %mul3A_26 = arith.mulf %get3A_24, %mul3A_25 : vector<512x128xf32>
    %get3A_27 = arith.constant 0 : index
    %get3A_28 = arith.constant 0 : index
    %get3A_29 = arith.constant 0 : index
    %get3A_30 = vector.load %arg4[%get3A_27, %get3A_28, %get3A_29] : memref<2x128x512xf32, #tpu.memory_space<vmem>>, vector<1x128x512xf32>
    %get3A_31 = vector.shape_cast %get3A_30 : vector<1x128x512xf32> to vector<128x512xf32>
    %dot_general3A = arith.constant dense<0.000000e+00> : vector<512x512xf32>
    %dot_general3A_32 = tpu.matmul %mul3A_19, %get3A_31, %dot_general3A {dimension_numbers = #tpu.dot_dimension_numbers<[1], [0], [0], [1], [0, 0, 1, 1], [], []>, transpose_lhs_hint = false} : vector<512x128xf32>, vector<128x512xf32>, vector<512x512xf32> -> vector<512x512xf32>
    %get3A_33 = arith.constant 1 : index
    %get3A_34 = arith.constant 0 : index
    %get3A_35 = arith.constant 0 : index
    %get3A_36 = vector.load %arg4[%get3A_33, %get3A_34, %get3A_35] : memref<2x128x512xf32, #tpu.memory_space<vmem>>, vector<1x128x512xf32>
    %get3A_37 = vector.shape_cast %get3A_36 : vector<1x128x512xf32> to vector<128x512xf32>
    %dot_general3A_38 = arith.constant dense<0.000000e+00> : vector<512x512xf32>
    %dot_general3A_39 = tpu.matmul %mul3A_26, %get3A_37, %dot_general3A_38 {dimension_numbers = #tpu.dot_dimension_numbers<[1], [0], [0], [1], [0, 0, 1, 1], [], []>, transpose_lhs_hint = false} : vector<512x128xf32>, vector<128x512xf32>, vector<512x512xf32> -> vector<512x512xf32>
    %add3A_40 = arith.addf %dot_general3A_32, %dot_general3A_39 : vector<512x512xf32>
    %get3A_41 = arith.constant 0 : index
    %get3A_42 = arith.constant 0 : index
    %get3A_43 = vector.load %arg3[%get3A_41, %get3A_42] : memref<512x256xf32, #tpu.memory_space<vmem>>, vector<512x256xf32>
    %get3A_44 = arith.constant 0 : index
    %get3A_45 = arith.constant 0 : index
    %get3A_46 = vector.load %arg6[%get3A_44, %get3A_45] : memref<256x512xf32, #tpu.memory_space<vmem>>, vector<256x512xf32>
    %dot_general3A_47 = arith.constant dense<0.000000e+00> : vector<512x512xf32>
    %dot_general3A_48 = tpu.matmul %get3A_43, %get3A_46, %dot_general3A_47 {dimension_numbers = #tpu.dot_dimension_numbers<[1], [0], [0], [1], [0, 0, 1, 1], [], []>, transpose_lhs_hint = false} : vector<512x256xf32>, vector<256x512xf32>, vector<512x512xf32> -> vector<512x512xf32>
    %add3A_49 = arith.addf %add3A_40, %dot_general3A_48 : vector<512x512xf32>
    %get3A_50 = arith.constant 0 : index
    %get3A_51 = arith.constant 0 : index
    %get3A_52 = vector.load %arg5[%get3A_50, %get3A_51] : memref<1x512xf32, #tpu.memory_space<vmem>>, vector<1x512xf32>
    %add3A_53 = vector.broadcast %get3A_52 : vector<1x512xf32> to vector<512x512xf32>
    %add3A_54 = arith.addf %add3A_49, %add3A_53 : vector<512x512xf32>
    %max3A_55 = arith.constant 0.000000e+00 : f32
    %max3A_56 = vector.broadcast %max3A_55 : f32 to vector<512x512xf32>
    %max3A_57 = arith.maximumf %add3A_54, %max3A_56 : vector<512x512xf32>
    %get3A_58 = arith.constant 0 : index
    %get3A_59 = arith.constant 0 : index
    %get3A_60 = vector.load %arg7[%get3A_58, %get3A_59] : memref<512x256xf32, #tpu.memory_space<vmem>>, vector<512x256xf32>
    %dot_general3A_61 = arith.constant dense<0.000000e+00> : vector<512x256xf32>
    %dot_general3A_62 = tpu.matmul %max3A_57, %get3A_60, %dot_general3A_61 {dimension_numbers = #tpu.dot_dimension_numbers<[1], [0], [0], [1], [0, 0, 1, 1], [], []>, transpose_lhs_hint = false} : vector<512x512xf32>, vector<512x256xf32>, vector<512x256xf32> -> vector<512x256xf32>
    %get3A_63 = arith.constant 0 : index
    %get3A_64 = arith.constant 0 : index
    %get3A_65 = vector.load %arg8[%get3A_63, %get3A_64] : memref<512x256xf32, #tpu.memory_space<vmem>>, vector<512x256xf32>
    %dot_general3A_66 = arith.constant dense<0.000000e+00> : vector<512x256xf32>
    %dot_general3A_67 = tpu.matmul %max3A_57, %get3A_65, %dot_general3A_66 {dimension_numbers = #tpu.dot_dimension_numbers<[1], [0], [0], [1], [0, 0, 1, 1], [], []>, transpose_lhs_hint = false} : vector<512x512xf32>, vector<512x256xf32>, vector<512x256xf32> -> vector<512x256xf32>
    %swap3A = arith.constant 0 : index
    %swap3A_68 = arith.constant 0 : index
    %swap3A_69 = vector.load %arg10[%swap3A, %swap3A_68] : memref<512x256xf32, #tpu.memory_space<vmem>>, vector<512x256xf32>
    tpu.vector_store %arg10[%swap3A, %swap3A_68], %dot_general3A_67 {strides = array<i32>} : memref<512x256xf32, #tpu.memory_space<vmem>>, vector<512x256xf32>,
    %slice3A_70 = vector.extract_strided_slice %dot_general3A_62 {offsets = [0, 0], sizes = [512, 128], strides = [1, 1]} : vector<512x256xf32> to vector<512x128xf32>
    %swap3A_71 = arith.constant 0 : index
    %swap3A_72 = arith.constant 0 : index
    %swap3A_73 = arith.constant 0 : index
    %swap3A_74 = vector.load %arg9[%swap3A_71, %swap3A_72, %swap3A_73] : memref<2x512x128xf32, #tpu.memory_space<vmem>>, vector<1x512x128xf32>
    %swap3A_75 = vector.shape_cast %swap3A_74 : vector<1x512x128xf32> to vector<512x128xf32>
    %swap3A_76 = vector.shape_cast %slice3A_70 : vector<512x128xf32> to vector<1x512x128xf32>
    tpu.vector_store %arg9[%swap3A_71, %swap3A_72, %swap3A_73], %swap3A_76 {strides = array<i32>} : memref<2x512x128xf32, #tpu.memory_space<vmem>>, vector<1x512x128xf32>,
    %slice3A_77 = vector.extract_strided_slice %dot_general3A_62 {offsets = [0, 128], sizes = [512, 128], strides = [1, 1]} : vector<512x256xf32> to vector<512x128xf32>
    %swap3A_78 = arith.constant 1 : index
    %swap3A_79 = arith.constant 0 : index
    %swap3A_80 = arith.constant 0 : index
    %swap3A_81 = vector.load %arg9[%swap3A_78, %swap3A_79, %swap3A_80] : memref<2x512x128xf32, #tpu.memory_space<vmem>>, vector<1x512x128xf32>
    %swap3A_82 = vector.shape_cast %swap3A_81 : vector<1x512x128xf32> to vector<512x128xf32>
    %swap3A_83 = vector.shape_cast %slice3A_77 : vector<512x128xf32> to vector<1x512x128xf32>
    tpu.vector_store %arg9[%swap3A_78, %swap3A_79, %swap3A_80], %swap3A_83 {strides = array<i32>} : memref<2x512x128xf32, #tpu.memory_space<vmem>>, vector<1x512x128xf32>,
    return
  }
  func.func @transform_0(%arg0: i32) -> (i32, i32, i32) {
    %c0_i32 = arith.constant 0 : i32
    %c0_i32_0 = arith.constant 0 : i32
    %c0_i32_1 = arith.constant 0 : i32
    return %c0_i32, %arg0, %c0_i32_0 : i32, i32, i32
  }
  func.func @transform_1(%arg0: i32) -> (i32, i32, i32) {
    %c0_i32 = arith.constant 0 : i32
    %c0_i32_0 = arith.constant 0 : i32
    %c0_i32_1 = arith.constant 0 : i32
    return %c0_i32, %arg0, %c0_i32_0 : i32, i32, i32
  }
  func.func @transform_2(%arg0: i32) -> (i32, i32) {
    %c0_i32 = arith.constant 0 : i32
    %c0_i32_0 = arith.constant 0 : i32
    return %arg0, %c0_i32 : i32, i32
  }
  func.func @transform_3(%arg0: i32) -> (i32, i32, i32) {
    %c0_i32 = arith.constant 0 : i32
    %c0_i32_0 = arith.constant 0 : i32
    %c0_i32_1 = arith.constant 0 : i32
    %c0_i32_2 = arith.constant 0 : i32
    return %c0_i32, %c0_i32_0, %c0_i32_1 : i32, i32, i32
  }
  func.func @transform_4(%arg0: i32) -> (i32, i32) {
    %c0_i32 = arith.constant 0 : i32
    %c0_i32_0 = arith.constant 0 : i32
    %c0_i32_1 = arith.constant 0 : i32
    return %c0_i32, %c0_i32_0 : i32, i32
  }
  func.func @transform_5(%arg0: i32) -> (i32, i32) {
    %c0_i32 = arith.constant 0 : i32
    %c0_i32_0 = arith.constant 0 : i32
    %c0_i32_1 = arith.constant 0 : i32
    return %c0_i32, %c0_i32_0 : i32, i32
  }
  func.func @transform_6(%arg0: i32) -> (i32, i32) {
    %c0_i32 = arith.constant 0 : i32
    %c0_i32_0 = arith.constant 0 : i32
    %c0_i32_1 = arith.constant 0 : i32
    return %c0_i32, %c0_i32_0 : i32, i32
  }
  func.func @transform_7(%arg0: i32) -> (i32, i32) {
    %c0_i32 = arith.constant 0 : i32
    %c0_i32_0 = arith.constant 0 : i32
    %c0_i32_1 = arith.constant 0 : i32
    return %c0_i32, %c0_i32_0 : i32, i32
  }
  func.func @transform_8(%arg0: i32) -> (i32, i32, i32) {
    %c0_i32 = arith.constant 0 : i32
    %c0_i32_0 = arith.constant 0 : i32
    %c0_i32_1 = arith.constant 0 : i32
    return %c0_i32, %arg0, %c0_i32_0 : i32, i32, i32
  }
  func.func @transform_9(%arg0: i32) -> (i32, i32) {
    %c0_i32 = arith.constant 0 : i32
    %c0_i32_0 = arith.constant 0 : i32
    return %arg0, %c0_i32 : i32, i32
  }
}

module attributes {stable_mosaic.version = 14 : i64} {
  func.func @body(%arg0: i32, %arg1: memref<2x512x128xf32, #tpu.memory_space<vmem>>, %arg2: memref<2x512x128xf32, #tpu.memory_space<vmem>>, %arg3: memref<512x256xf32, #tpu.memory_space<vmem>>, %arg4: memref<1x256xf32, #tpu.memory_space<vmem>>, %arg5: memref<512x256xf32, #tpu.memory_space<vmem>>) attributes {dimension_semantics = [#tpu.dimension_semantics<arbitrary>], iteration_bounds = array<i64: 20>, scalar_prefetch = 0 : i64, scratch_operands = 0 : i64, tpu.core_type = #tpu.core_type<tc>, window_params = [{transform_indices = @transform_0, window_bounds = array<i64: 2, 512, 128>}, {transform_indices = @transform_1, window_bounds = array<i64: 2, 512, 128>}, {transform_indices = @transform_2, window_bounds = array<i64: 512, 256>}, {pipeline_mode = #tpu.pipeline_mode<synchronous>, transform_indices = @transform_3, window_bounds = array<i64: 1, 256>}, {transform_indices = @transform_4, window_bounds = array<i64: 512, 256>}]} {
    %get3A = arith.constant 0 : index
    %get3A_0 = arith.constant 0 : index
    %get3A_1 = arith.constant 0 : index
    %get3A_2 = vector.load %arg2[%get3A, %get3A_0, %get3A_1] : memref<2x512x128xf32, #tpu.memory_space<vmem>>, vector<1x512x128xf32>
    %get3A_3 = vector.shape_cast %get3A_2 : vector<1x512x128xf32> to vector<512x128xf32>
    %slice3A = vector.extract_strided_slice %get3A_3 {offsets = [0, 0], sizes = [512, 1], strides = [1, 1]} : vector<512x128xf32> to vector<512x1xf32>
    %get3A_4 = arith.constant 1 : index
    %get3A_5 = arith.constant 0 : index
    %get3A_6 = arith.constant 0 : index
    %get3A_7 = vector.load %arg2[%get3A_4, %get3A_5, %get3A_6] : memref<2x512x128xf32, #tpu.memory_space<vmem>>, vector<1x512x128xf32>
    %get3A_8 = vector.shape_cast %get3A_7 : vector<1x512x128xf32> to vector<512x128xf32>
    %slice3A_9 = vector.extract_strided_slice %get3A_8 {offsets = [0, 0], sizes = [512, 1], strides = [1, 1]} : vector<512x128xf32> to vector<512x1xf32>
    %add3A = arith.addf %slice3A, %slice3A_9 : vector<512x1xf32>
    %max3A = arith.constant 1.000000e+00 : f32
    %max3A_10 = vector.broadcast %max3A : f32 to vector<512x1xf32>
    %max3A_11 = arith.maximumf %add3A, %max3A_10 : vector<512x1xf32>
    %div3A = arith.constant 1.000000e+00 : f32
    %div3A_12 = vector.broadcast %div3A : f32 to vector<512x1xf32>
    %div3A_13 = arith.divf %div3A_12, %max3A_11 : vector<512x1xf32>
    %get3A_14 = arith.constant 0 : index
    %get3A_15 = arith.constant 0 : index
    %get3A_16 = arith.constant 0 : index
    %get3A_17 = vector.load %arg1[%get3A_14, %get3A_15, %get3A_16] : memref<2x512x128xf32, #tpu.memory_space<vmem>>, vector<1x512x128xf32>
    %get3A_18 = vector.shape_cast %get3A_17 : vector<1x512x128xf32> to vector<512x128xf32>
    %mul3A = vector.broadcast %div3A_13 : vector<512x1xf32> to vector<512x128xf32>
    %mul3A_19 = arith.mulf %get3A_18, %mul3A : vector<512x128xf32>
    %get3A_20 = arith.constant 0 : index
    %get3A_21 = arith.constant 0 : index
    %get3A_22 = vector.load %arg4[%get3A_20, %get3A_21] : memref<1x256xf32, #tpu.memory_space<vmem>>, vector<1x128xf32>
    %add3A_23 = vector.broadcast %get3A_22 : vector<1x128xf32> to vector<512x128xf32>
    %add3A_24 = arith.addf %mul3A_19, %add3A_23 : vector<512x128xf32>
    %get3A_25 = arith.constant 0 : index
    %get3A_26 = arith.constant 0 : index
    %get3A_27 = vector.load %arg3[%get3A_25, %get3A_26] : memref<512x256xf32, #tpu.memory_space<vmem>>, vector<512x128xf32>
    %add3A_28 = arith.addf %add3A_24, %get3A_27 : vector<512x128xf32>
    %swap3A = arith.constant 0 : index
    %swap3A_29 = arith.constant 0 : index
    %swap3A_30 = vector.load %arg5[%swap3A, %swap3A_29] : memref<512x256xf32, #tpu.memory_space<vmem>>, vector<512x128xf32>
    tpu.vector_store %arg5[%swap3A, %swap3A_29], %add3A_28 {strides = array<i32>} : memref<512x256xf32, #tpu.memory_space<vmem>>, vector<512x128xf32>,
    %get3A_31 = arith.constant 1 : index
    %get3A_32 = arith.constant 0 : index
    %get3A_33 = arith.constant 0 : index
    %get3A_34 = vector.load %arg1[%get3A_31, %get3A_32, %get3A_33] : memref<2x512x128xf32, #tpu.memory_space<vmem>>, vector<1x512x128xf32>
    %get3A_35 = vector.shape_cast %get3A_34 : vector<1x512x128xf32> to vector<512x128xf32>
    %mul3A_36 = vector.broadcast %div3A_13 : vector<512x1xf32> to vector<512x128xf32>
    %mul3A_37 = arith.mulf %get3A_35, %mul3A_36 : vector<512x128xf32>
    %get3A_38 = arith.constant 0 : index
    %get3A_39 = arith.constant 128 : index
    %get3A_40 = vector.load %arg4[%get3A_38, %get3A_39] : memref<1x256xf32, #tpu.memory_space<vmem>>, vector<1x128xf32>
    %add3A_41 = vector.broadcast %get3A_40 : vector<1x128xf32> to vector<512x128xf32>
    %add3A_42 = arith.addf %mul3A_37, %add3A_41 : vector<512x128xf32>
    %get3A_43 = arith.constant 0 : index
    %get3A_44 = arith.constant 128 : index
    %get3A_45 = vector.load %arg3[%get3A_43, %get3A_44] : memref<512x256xf32, #tpu.memory_space<vmem>>, vector<512x128xf32>
    %add3A_46 = arith.addf %add3A_42, %get3A_45 : vector<512x128xf32>
    %swap3A_47 = arith.constant 0 : index
    %swap3A_48 = arith.constant 128 : index
    %swap3A_49 = vector.load %arg5[%swap3A_47, %swap3A_48] : memref<512x256xf32, #tpu.memory_space<vmem>>, vector<512x128xf32>
    tpu.vector_store %arg5[%swap3A_47, %swap3A_48], %add3A_46 {strides = array<i32>} : memref<512x256xf32, #tpu.memory_space<vmem>>, vector<512x128xf32>,
    return
  }
  func.func @transform_0(%arg0: i32) -> (i32, i32, i32) {
    %c0_i32 = arith.constant 0 : i32
    %c0_i32_0 = arith.constant 0 : i32
    %c0_i32_1 = arith.constant 0 : i32
    return %c0_i32, %arg0, %c0_i32_0 : i32, i32, i32
  }
  func.func @transform_1(%arg0: i32) -> (i32, i32, i32) {
    %c0_i32 = arith.constant 0 : i32
    %c0_i32_0 = arith.constant 0 : i32
    %c0_i32_1 = arith.constant 0 : i32
    return %c0_i32, %arg0, %c0_i32_0 : i32, i32, i32
  }
  func.func @transform_2(%arg0: i32) -> (i32, i32) {
    %c0_i32 = arith.constant 0 : i32
    %c0_i32_0 = arith.constant 0 : i32
    return %arg0, %c0_i32 : i32, i32
  }
  func.func @transform_3(%arg0: i32) -> (i32, i32) {
    %c0_i32 = arith.constant 0 : i32
    %c0_i32_0 = arith.constant 0 : i32
    %c0_i32_1 = arith.constant 0 : i32
    return %c0_i32, %c0_i32_0 : i32, i32
  }
  func.func @transform_4(%arg0: i32) -> (i32, i32) {
    %c0_i32 = arith.constant 0 : i32
    %c0_i32_0 = arith.constant 0 : i32
    return %arg0, %c0_i32 : i32, i32
  }
}

</mosaic_0001>

<sc_bundles>
// kernel: kernel.10.cloned.1.call-start
scs
__scs_entry_jumppad:
0x0: {  	(pc) =	sbr.rel $0x88, $3  }
0x1: {  	(tag) =	ssettag $0x0;
	lr =	simm.s32 $0x1  }
0x2: {  	[smem:$0x3F99] =	sst lr;
	_ =	strace $0xD0000000  }
0x3: {  	_ = 	snop  }
0x4: {  	_ = 	snop  }
0x5: {  	_ = 	snop  }
0x6: {  	_ = 	snop  }
0x7: {  	_ = 	snop  }
__scs_overlays_trampoline_lowered:
0x8: {  	[smem:$0x3FA8] =	sst s0  }
0x9: {  	[smem:$0x3FA9] =	sst s1  }
0xa: {  	[smem:$0x3FAA] =	sst s2  }
0xb: {  	[smem:$0x3FAB] =	sst s3  }
0xc: {  	[smem:$0x3FAC] =	sst s4  }
0xd: {  	[smem:$0x3FAD] =	sst s5  }
0xe: {  	[smem:$0x3FAE] =	sst s6  }
0xf: {  	[smem:$0x3FAF] =	sst s7  }
0x10: {  	[smem:$0x3FB0] =	sst s8  }
0x11: {  	[smem:$0x3FB1] =	sst s9;
	s0 =	simm.s32 @!p0 $0x0  }
0x12: {  	s1 =	sld [smem:$0x3F97];
	s0 =	simm.s32 @p0 $0x1  }
0x13: {  	[smem:$0x3FB2] =	sst s0;
	s0 =	simm.s32 @!p1 $0x0  }
0x14: {  	s2 =	sld [smem:$0x3F96];
	s0 =	simm.s32 @p1 $0x1  }
0x15: {  	[smem:$0x3FB3] =	sst s0;
	s0 =	simm.s32 @!p2 $0x0  }
0x16: {  	s3 =	sld [smem:$0x3FDB];
	s0 =	simm.s32 @p2 $0x1  }
0x17: {  	s4 =	simm.s32 $0x1BF5;
	[smem:$0x3FB5] =	sst s0  }
0x18: {  	s0 =	sld [smem:$0x3F98];
	_ =	swait.ge [sflag:s4], $0x0  }
0x19: {  	s7 =	sld [smem:$0x3F99]  }
0x1a: {  	s8 =	sadd.s32 $0xFFFFE003, lr  }
0x1b: {  	s9 =	sadd.s32 $0xFFFFFEF7, lr;
	s5 =	simm.s32 $0xFFFFFFFF;
	p2 =	slt.u32 s8, $0xFFFFF086  }
0x1c: {  	p1 =	slt.u32 s9, $0xF7A;
	s5 =	simm.s32 @!p2 $0x0  }
0x1d: {  	s5 =	simm.s32 @p1 $0x1;
	p0 =	seq.s32 s7, s2  }
0x1e: {  	s7 =	smul.u32 @!p0 $0xF7A, s2;
	p2 =	seq.s32 @!p0 s5, $0x0  }
0x1f: {  	s9 =	smul.u32 $0xF7A, s1;
	s8 =	simm.s32 @!p0 $0x1BF5;
	p2 =	por !p2, p0  }
0x20: {  	[sflag:s8] =	ssyncset.s32 @!p0 $0xFFFFF086;
	s6 =	sadd.s32 @!p0 s3, s7;
	s7 =	simm.s32 @!p0 $0x108  }
0x21: {  	s3 =	sadd.s32 s3, s9;
	s6 =	sadd.s32 @!p0 $0x88, s6;
	s7 =	simm.s32 @p2 $0x1082  }
0x22: {  	[simem:s7], [sflag:s8] =	dma.local @!p0 [hbm:s6], $0xF7A  }
0x23: {  	s9 =	sor.u32 $0xD0000000, s2;
	s6 =	simm.s32 $0x108;
	_ =	swait.ge @!p0 [sflag:s8], $0x0  }
0x24: {  	s3 =	sadd.s32 $0x88, s3;
	s6 =	simm.s32 @!p1 $0x1082;
	[sflag:s4] =	ssyncset.s32 $0xFFFFF086  }
0x25: {  	[simem:s6], [sflag:s4] =	dma.local [hbm:s3], $0xF7A  }
0x26: {  	[smem:$0x3F99] =	sst s1;
	(tag) =	ssettag s2;
	_ =	strace s9  }
0x27: {  	s1 =	sld [smem:$0x3FA9]  }
0x28: {  	s2 =	sld [smem:$0x3FAA]  }
0x29: {  	s4 =	sld [smem:$0x3FAC]  }
0x2a: {  	p0 =	seq.s32 s5, $0x0;
	s5 =	sld [smem:$0x3FAD]  }
0x2b: {  	s6 =	sld [smem:$0x3FAE]  }
0x2c: {  	s7 =	sld [smem:$0x3FAF]  }
0x2d: {  	s3 =	simm.s32 $0x108;
	s8 =	sld [smem:$0x3FB0]  }
0x2e: {  	s3 =	simm.s32 @!p0 $0x1082;
	s9 =	sld [smem:$0x3FB1]  }
0x2f: {  	lr =	sadd.s32 s0, s3;
	s0 =	sld [smem:$0x3FA8]  }
0x30: {  	s3 =	sld [smem:$0x3FAB]  }
0x31: {  	[smem:$0x3FB4] =	sst s10  }
0x32: {  	s10 =	sld [smem:$0x3FB2];
	_ =	sdelay $0x3  }
0x33: {  	p0 =	seq.s32 s10, $0x1;
	s10 =	sld [smem:$0x3FB4];
	_ =	sdelay $0x3  }
0x34: {  	[smem:$0x3FB4] =	sst s10  }
0x35: {  	s10 =	sld [smem:$0x3FB3];
	_ =	sdelay $0x3  }
0x36: {  	p1 =	seq.s32 s10, $0x1;
	s10 =	sld [smem:$0x3FB4];
	_ =	sdelay $0x3  }
0x37: {  	[smem:$0x3FB4] =	sst s10  }
0x38: {  	s10 =	sld [smem:$0x3FB5]  }
0x39: {  	_ = 	snop;
	(pc) =	sbr.ind lr, $3  }
0x3a: {  	_ = 	snop  }
0x3b: {  	_ = 	snop  }
0x3c: {  	p2 =	seq.s32 s10, $0x1;
	s10 =	sld [smem:$0x3FB4]  }
0x3d: {  	_ =	shalt  }
0x3e: {  	_ =	shalt  }
0x3f: {  	_ =	shalt  }
0x40: {  	_ =	shalt  }
0x41: {  	_ =	shalt  }
0x42: {  	_ =	shalt  }
0x43: {  	_ =	shalt  }
0x44: {  	_ =	shalt  }
0x45: {  	_ =	shalt  }
0x46: {  	_ =	shalt  }
0x47: {  	_ =	shalt  }
0x48: {  	_ =	shalt  }
0x49: {  	_ =	shalt  }
0x4a: {  	_ =	shalt  }
0x4b: {  	_ =	shalt  }
0x4c: {  	_ =	shalt  }
0x4d: {  	_ =	shalt  }
0x4e: {  	_ =	shalt  }
0x4f: {  	_ =	shalt  }
0x50: {  	_ =	shalt  }
0x51: {  	_ =	shalt  }
0x52: {  	_ =	shalt  }
0x53: {  	_ =	shalt  }
0x54: {  	_ =	shalt  }
0x55: {  	_ =	shalt  }
0x56: {  	_ =	shalt  }
0x57: {  	_ =	shalt  }
0x58: {  	_ =	shalt  }
0x59: {  	_ =	shalt  }
0x5a: {  	_ =	shalt  }
0x5b: {  	_ =	shalt  }
0x5c: {  	_ =	shalt  }
0x5d: {  	_ =	shalt  }
0x5e: {  	_ =	shalt  }
0x5f: {  	_ =	shalt  }
0x60: {  	_ =	shalt  }
0x61: {  	_ =	shalt  }
0x62: {  	_ =	shalt  }
0x63: {  	_ =	shalt  }
0x64: {  	_ =	shalt  }
0x65: {  	_ =	shalt  }
0x66: {  	_ =	shalt  }
0x67: {  	_ =	shalt  }
0x68: {  	_ =	shalt  }
0x69: {  	_ =	shalt  }
0x6a: {  	_ =	shalt  }
0x6b: {  	_ =	shalt  }
0x6c: {  	_ =	shalt  }
0x6d: {  	_ =	shalt  }
0x6e: {  	_ =	shalt  }
0x6f: {  	_ =	shalt  }
0x70: {  	_ =	shalt  }
0x71: {  	_ =	shalt  }
0x72: {  	_ =	shalt  }
0x73: {  	_ =	shalt  }
0x74: {  	_ =	shalt  }
0x75: {  	_ =	shalt  }
0x76: {  	_ =	shalt  }
0x77: {  	_ =	shalt  }
0x78: {  	_ =	shalt  }
0x79: {  	_ =	shalt  }
0x7a: {  	_ =	shalt  }
0x7b: {  	_ =	shalt  }
0x7c: {  	_ =	shalt  }
0x7d: {  	_ =	shalt  }
0x7e: {  	_ =	shalt  }
0x7f: {  	_ =	shalt  }
0x80: {  	_ =	shalt  }
0x81: {  	_ =	shalt  }
0x82: {  	_ =	shalt  }
0x83: {  	_ =	shalt  }
0x84: {  	_ =	shalt  }
0x85: {  	_ =	shalt  }
0x86: {  	_ =	shalt  }
0x87: {  	_ =	shalt  }
.Lfunc_end0:
.L_simem_size_0:
called_computation.1_lowered:
.L_overlay_start_0:
0x88: {  	s2 =	sld [smem:$0x3FD9]  }
0x89: {  	s3 =	sld [smem:$0x3FFE];
	_ =	sdelay $0x1  }
0x8a: {  	s1 =	srdreg.scid  }
0x8b: {  	s0 =	sand.u32 $0x1, s1  }
0x8c: {  	s17 =	sshll.u32 s0, $0xA;
	s2 =	sadd.s32 s3, s2  }
0x8d: {  	s2 =	sadd.s32 s2, s17  }
0x8e: {  	[smem:$0x3FC0] =	sst s2  }
0x8f: {  	_ = 	snop  }
0x90: {  	s2 =	sld [smem:$0x3FD0];
	(tm) =	ssettm $0x1  }
0x91: {  	s18 =	sld [smem:$0x3FFB];
	_ =	sdelay $0x3  }
0x92: {  	_ =	strace s18  }
0x93: {  	s3 =	sld [smem:$0x3FFC];
	_ =	sdelay $0x3  }
0x94: {  	_ =	strace s3  }
0x95: {  	s3 =	sld [smem:$0x3FFD];
	_ =	sdelay $0x3  }
0x96: {  	_ =	strace s3  }
0x97: {  	_ =	strace $0x8FFFFFFF  }
0x98: {  	s19 =	sld [smem:$0x3FDB];
	_ =	sdelay $0x1  }
0x99: {  	s4 =	simm.s32 $_scs_section_size  }
0x9a: {  	s5 =	simm.s32 $_size__tile_overlayer_lowered;
	s6 =	simm.s32 $_tile_overlayer_lowered  }
0x9b: {  	s22 =	simm.s32 $0x1BFF;
	s21 =	sshll.u32 s6, $0x1;
	s3 =	sadd.s32 s4, s19  }
0x9c: {  	s7 =	simm.s32 $0x0;
	s20 =	sshll.u32 s5, $0x1;
	s5 =	sadd.s32 s21, s3  }
0x9d: {  	[timem:s7], [sflag:s22] =	dma.local [hbm:s5], s20  }
0x9e: {  	_ =	swait.ge [sflag:s22], s20  }
0x9f: {  	s4 =	ssub.s32 $0x0, s20;
	[sflag:s22] =	ssyncset.done $0x0  }
0xa0: {  	[sflag:s22] =	ssyncadd.s32 s4;
	_ =	sdelay $0x1  }
0xa1: {  	s23 =	simm.s32 $0x1B8B  }
0xa2: {  	_ =	swait.ge [sflag:s23], $0x1  }
0xa3: {  	[sflag:s23] =	ssyncset.done $0x0  }
0xa4: {  	s25 =	simm.s32 $0x1B8E;
	s24 =	sld [smem:$0x3FFE];
	[sflag:s23] =	ssyncadd.s32 $0xFFFFFFFF  }
0xa5: {  	s26 =	simm.s32 $execute0_lowered;
	[smem:$0x3FD2] =	sst s25  }
0xa6: {  	s5 =	sshll.u32 s26, $0x1;
	_ =	strace $0x80000046;
	[dreg:$0x1] =	wrdreg $0xFFFFFFFF  }
0xa7: {  	s28 =	simm.s32 $_size_execute0_lowered;
	s3 =	sadd.s32 s3, s5;
	[dreg:$0x0] =	wrdreg $0x0  }
0xa8: {  	s5 =	sshll.u32 s28, $0x1;
	[dreg:$0x2] =	wrdreg s3  }
0xa9: {  	[dreg:$0x3] =	wrdreg s5  }
0xaa: {  	[dreg:$0x4] =	wrdreg $0xC0  }
0xab: {  	_ =	task [dreg:s7], $0x5FFFF  }
0xac: {  	[dreg:$0x1] =	wrdreg $0xFFFFFFFF  }
0xad: {  	[dreg:$0x0] =	wrdreg $0x60  }
0xae: {  	[dreg:$0x2] =	wrdreg s24  }
0xaf: {  	[dreg:$0x3] =	wrdreg s2  }
0xb0: {  	[dreg:$0x4] =	wrdreg $0x0  }
0xb1: {  	[dreg:$0x5] =	wrdreg $0xA  }
0xb2: {  	_ =	task.clear_ibuf [dreg:s7], $0x6FFFF;
	_ =	strace $0x90000046  }
0xb3: {  	s29 =	simm.s32 $0xA;
	_ =	strace $0x80000048  }
0xb4: {  	_ =	swait.ge [sflag:s29], $0x1  }
0xb5: {  	[sflag:s29] =	ssyncadd.s32 $0xFFFFFFFF  }
0xb6: {  	_ =	strace $0x90000048  }
0xb7: {  	_ =	sfence  }
0xb8: {  	s30 =	sld [smem:$0x0];
	_ =	sdelay $0x2  }
0xb9: {  	s31 =	sshll.u32 s1, $0xD;
	s1 =	sshrl.u32 s1, $0x2  }
0xba: {  	s3 =	sand.u32 $0x4000, s31;
	s1 =	sadd.s32 s1, s30  }
0xbb: {  	s0 =	sor.u32 s3, s0;
	s1 =	sshll.u32 s1, $0x11  }
0xbc: {  	s0 =	sor.u32 s1, s0  }
0xbd: {  	s0 =	sadd.s32 $0x8F2B, s0  }
0xbe: {  	[sflag:s0] =	ssyncadd.remote.s32 $0x1  }
0xbf: {  	_ =	sfence.sel $0xFFFF  }
0xc0: {  	[dreg:$0x0] =	wrdreg $0xFFFFFFFF;
	(pc) =	sbr.abs _section_cstart, $3  }
0xc1: {  	[dreg:$0x1] =	wrdreg $0xFFFFFFFF  }
0xc2: {  	_ =	task.clear_ibuf [dreg:s7], $0x2FFFF;
	_ =	strace $0x9FFFFFFF  }
0xc3: {  	(tm) =	ssettm $0x7FFFFFFF  }
tec
execute0_lowered:
.L_overlay_start_1:
0x0: {  	(tag) =	ssettag $0x1  }
0x1: {  	s0 =	rddreg [dreg:$0x0]  }
0x2: {  	s1 =	rddreg [dreg:$0x1]  }
0x3: {  	s2 =	rddreg [dreg:$0x2]  }
0x4: {  	s12 =	stileid.u32;
	s4 =	srdreg.scid;
	s3 =	simm.s32 $0x0  }
0x5: {  	s13 =	simm.s32 $0x80;
	s14 =	simm.s32 $0x14800;
	s15 =	simm.s32 $0x15000  }
0x6: {  	s16 =	simm.s32 $0x14880;
	s17 =	simm.s32 $0x19000;
	s28 =	simm.s32 $0x14A80  }
0x7: {  	s29 =	simm.s32 $0x14E00;
	s30 =	simm.s32 $0x14B00;
	s31 =	simm.s32 $0x14E80  }
0x8: {  	s5 =	smul.u32 $0x500, s12;
	s6 =	sand.u32 $0x1, s4;
	[smem:$0x7FF] =	sst s3  }
0x9: {  	s8 =	smul.u32 $0x14000, s12;
	s4 =	sadd.s32 $0x56A00, s0;
	s10 =	sadd.s32 $0xA6A00, s0  }
0xa: {  	s19 =	smul.u32 $0x50000, s12;
	s22 =	sshll.u32 s12, $0x6;
	s12 =	simm.s32 $0x14400  }
0xb: {  	s7 =	smul.u32 $0x140000, s6;
	_ =	strace $0x80000047;
	[dreg:$0x6] =	wrdreg s10  }
0xc: {  	s18 =	ssub.s32 $0x2, s6;
	s6 =	smul.u32 $0x5000, s6;
	s23 =	sor.u32 $0x1C03, s22  }
0xd: {  	s10 =	simm.s32 $0x3;
	s22 =	simm.s32 $0x14C80;
	s9 =	sadd.s32 s5, s0  }
0xe: {  	s11 =	sshrl.u32 s18, $0x1;
	s21 =	sshrl.u32 s19, $0x2;
	s19 =	simm.s32 $0x14C00  }
0xf: {  	s7 =	sadd.s32 s8, s7;
	s20 =	ssub.s32 s18, s11;
	s8 =	sadd.s32 s21, s2  }
0x10: {  	s1 =	sadd.s32 s6, s1;
	s26 =	sadd.s32 $0x1A00, s9;
	s11 =	simm.s32 $0x14000  }
0x11: {  	s18 =	simm.s32 $0x1;
	s21 =	simm.s32 $0x2;
	s7 =	sshrl.u32 s7, $0x3  }
0x12: {  	s24 =	sadd.s32 s5, s1;
	s25 =	smax.u32 s20, $0x1;
	[dreg:$0x5] =	wrdreg s26  }
0x13: {  	s9 =	sshrl.u32 s8, $0x3;
	s8 =	smov.u32 s23;
	s20 =	simm.s32 $0x14900  }
0x14: {  	s23 =	simm.s32 $0x14980;
	s26 =	simm.s32 $0x14D80;
	[dreg:$0x8] =	wrdreg s25  }
0x15: {  	s1 =	simm.s32 $0x14F00;
	s5 =	simm.s32 $0x14F80;
	[dreg:$0x4] =	wrdreg s24  }
0x16: {  	s0 =	sadd.s32 s7, s0;
	s24 =	simm.s32 $0x14D00;
	[dreg:$0x9] =	wrdreg s8  }
0x17: {  	s25 =	simm.s32 $0x14A00;
	[dreg:$0xa] =	wrdreg s9;
	s0 =	sadd.s32 $0xA9200, s0  }
0x18: {  	s7 =	simm.s32 $0x0;
	[dreg:$0x7] =	wrdreg s0;
	s0 =	simm.s32 $0x14B80  }
.LBB2_1:
0x19: {  	s6 =	rddreg [dreg:$0x6]  }
0x1a: {  	[spmem:s9], [sflag:s8] =	dma.local [hbm:s6], $0x2800  }
0x1b: {  	_ =	swait.ge [sflag:s10], $0x2800  }
0x1c: {  	[sflag:s10] =	ssyncset.done $0x0  }
0x1d: {  	[sflag:s10] =	ssyncadd.s32 $0xFFFFD800  }
0x1e: {  	s8 =	simm.s32 $0x0;
	[bflag:$0x0] =	sbarrier.arrive $0xFFFF  }
.LBB2_2:
0x1f: {  	s6 =	rddreg [dreg:$0x4]  }
0x20: {  	s6 =	sadd.s32 s8, s6  }
0x21: {  	[tilespmem:s11], [sflag:$0x3] =	stream.linear.gather [hbm4b:s6+s3], $0x400, $0x38;
	[tilespmem:$0x1D000] =	vst v63  }
0x22: {  	_ =	swait.ge [sflag:s10], $0x400  }
0x23: {  	s9 =	rddreg [dreg:$0x5];
	[sflag:s10] =	ssyncset.done $0x0  }
0x24: {  	[sflag:s10] =	ssyncadd.s32 $0xFFFFFC00;
	s6 =	sadd.s32 s8, s9  }
0x25: {  	[tilespmem:s12], [sflag:$0x3] =	stream.linear.gather [hbm4b:s6+s3], $0x400, $0x38;
	[tilespmem:$0x1D000] =	vst v63  }
0x26: {  	_ =	swait.ge [sflag:s10], $0x400  }
0x27: {  	[sflag:s10] =	ssyncset.done $0x0  }
0x28: {  	[sflag:s10] =	ssyncadd.s32 $0xFFFFFC00  }
0x29: {  	v0 =	vld [tilespmem:$0x14000]  }
0x2a: {  	v1 =	vld [tilespmem:$0x14400]  }
0x2b: {  	v2 =	vld [tilespmem:$0x14010]  }
0x2c: {  	v3 =	vld [tilespmem:$0x14410]  }
0x2d: {  	v4 =	vld [tilespmem:$0x14020]  }
0x2e: {  	v5 =	vld [tilespmem:$0x14420]  }
0x2f: {  	v6 =	vld [tilespmem:$0x14030]  }
0x30: {  	v7 =	vld [tilespmem:$0x14430]  }
0x31: {  	v29 =	vld [tilespmem:$0x14040];
	v0 =	vtrunc.f32 v0;
	v1 =	vtrunc.f32 v1  }
0x32: {  	v32 =	vld [tilespmem:$0x14440];
	v2 =	vtrunc.f32 v2;
	v28 =	vtrunc.f32 v3  }
0x33: {  	v35 =	vld [tilespmem:$0x14050];
	v31 =	vtrunc.f32 v4;
	v34 =	vtrunc.f32 v5  }
0x34: {  	v38 =	vld [tilespmem:$0x14450];
	v37 =	vtrunc.f32 v6;
	v0 =	vcvt.f32.s32 v0  }
0x35: {  	v41 =	vld [tilespmem:$0x14060];
	v40 =	vtrunc.f32 v7;
	v1 =	vcvt.f32.s32 v1  }
0x36: {  	v44 =	vld [tilespmem:$0x14460];
	v43 =	vtrunc.f32 v29;
	v27 =	vcvt.f32.s32 v2;
	[tilespmem:$0x14800] =	vst v0  }
0x37: {  	v47 =	vld [tilespmem:$0x14070];
	v46 =	vtrunc.f32 v32;
	v30 =	vcvt.f32.s32 v28;
	[tilespmem:$0x14C00] =	vst v1  }
0x38: {  	v50 =	vld [tilespmem:$0x14470];
	v49 =	vtrunc.f32 v35;
	v33 =	vcvt.f32.s32 v31;
	[tilespmem:$0x14810] =	vst v27  }
0x39: {  	v53 =	vld [tilespmem:$0x14080];
	v52 =	vtrunc.f32 v38;
	v36 =	vcvt.f32.s32 v34;
	[tilespmem:$0x14C10] =	vst v30  }
0x3a: {  	v56 =	vld [tilespmem:$0x14480];
	v55 =	vtrunc.f32 v41;
	v39 =	vcvt.f32.s32 v37;
	[tilespmem:$0x14820] =	vst v33  }
0x3b: {  	v59 =	vld [tilespmem:$0x14090];
	v58 =	vtrunc.f32 v44;
	v42 =	vcvt.f32.s32 v40;
	[tilespmem:$0x14C20] =	vst v36  }
0x3c: {  	v62 =	vld [tilespmem:$0x14490];
	v61 =	vtrunc.f32 v47;
	v45 =	vcvt.f32.s32 v43;
	[tilespmem:$0x14830] =	vst v39  }
0x3d: {  	v9 =	vld [tilespmem:$0x140A0];
	v8 =	vtrunc.f32 v50;
	v48 =	vcvt.f32.s32 v46;
	[tilespmem:$0x14C30] =	vst v42  }
0x3e: {  	v12 =	vld [tilespmem:$0x144A0];
	v11 =	vtrunc.f32 v53;
	v51 =	vcvt.f32.s32 v49;
	[tilespmem:$0x14840] =	vst v45  }
0x3f: {  	v15 =	vld [tilespmem:$0x140B0];
	v14 =	vtrunc.f32 v56;
	v54 =	vcvt.f32.s32 v52;
	[tilespmem:$0x14C40] =	vst v48  }
0x40: {  	v18 =	vld [tilespmem:$0x144B0];
	v17 =	vtrunc.f32 v59;
	v57 =	vcvt.f32.s32 v55;
	[tilespmem:$0x14850] =	vst v51  }
0x41: {  	v21 =	vld [tilespmem:$0x140C0];
	v20 =	vtrunc.f32 v62;
	v60 =	vcvt.f32.s32 v58;
	[tilespmem:$0x14C50] =	vst v54  }
0x42: {  	v24 =	vld [tilespmem:$0x144C0];
	v23 =	vtrunc.f32 v9;
	v63 =	vcvt.f32.s32 v61;
	[tilespmem:$0x14860] =	vst v57  }
0x43: {  	v26 =	vtrunc.f32 v12;
	v10 =	vcvt.f32.s32 v8;
	[tilespmem:$0x14C60] =	vst v60;
	v27 =	vld [tilespmem:$0x140D0]  }
0x44: {  	v29 =	vtrunc.f32 v15;
	v13 =	vcvt.f32.s32 v11;
	[tilespmem:$0x14870] =	vst v63;
	v30 =	vld [tilespmem:$0x144D0]  }
0x45: {  	v32 =	vtrunc.f32 v18;
	v16 =	vcvt.f32.s32 v14;
	[tilespmem:$0x14C70] =	vst v10;
	v33 =	vld [tilespmem:$0x140E0]  }
0x46: {  	v35 =	vtrunc.f32 v21;
	v19 =	vcvt.f32.s32 v17;
	[tilespmem:$0x14880] =	vst v13;
	v36 =	vld [tilespmem:$0x144E0]  }
0x47: {  	v38 =	vtrunc.f32 v24;
	v22 =	vcvt.f32.s32 v20;
	[tilespmem:$0x14C80] =	vst v16;
	v39 =	vld [tilespmem:$0x140F0]  }
0x48: {  	v25 =	vcvt.f32.s32 v23;
	v28 =	vcvt.f32.s32 v26;
	[tilespmem:$0x14890] =	vst v19;
	v42 =	vld [tilespmem:$0x144F0]  }
0x49: {  	v31 =	vcvt.f32.s32 v29;
	v34 =	vcvt.f32.s32 v32;
	[tilespmem:$0x14C90] =	vst v22;
	v45 =	vld [tilespmem:$0x14100]  }
0x4a: {  	v37 =	vcvt.f32.s32 v35;
	v40 =	vcvt.f32.s32 v38;
	[tilespmem:$0x148A0] =	vst v25;
	v48 =	vld [tilespmem:$0x14500]  }
0x4b: {  	[tilespmem:$0x14CA0] =	vst v28;
	v51 =	vld [tilespmem:$0x14110];
	v41 =	vtrunc.f32 v27;
	v44 =	vtrunc.f32 v30  }
0x4c: {  	[tilespmem:$0x148B0] =	vst v31;
	v54 =	vld [tilespmem:$0x14510];
	v47 =	vtrunc.f32 v33;
	v50 =	vtrunc.f32 v36  }
0x4d: {  	[tilespmem:$0x14CB0] =	vst v34;
	v57 =	vld [tilespmem:$0x14120];
	v53 =	vtrunc.f32 v39;
	v56 =	vtrunc.f32 v42  }
0x4e: {  	[tilespmem:$0x148C0] =	vst v37;
	v60 =	vld [tilespmem:$0x14520];
	v59 =	vtrunc.f32 v45;
	v43 =	vcvt.f32.s32 v41  }
0x4f: {  	[tilespmem:$0x14CC0] =	vst v40;
	v63 =	vld [tilespmem:$0x14130];
	v62 =	vtrunc.f32 v48;
	v46 =	vcvt.f32.s32 v44  }
0x50: {  	v10 =	vld [tilespmem:$0x14530];
	v9 =	vtrunc.f32 v51;
	v49 =	vcvt.f32.s32 v47;
	[tilespmem:$0x148D0] =	vst v43  }
0x51: {  	v13 =	vld [tilespmem:$0x14140];
	v12 =	vtrunc.f32 v54;
	v52 =	vcvt.f32.s32 v50;
	[tilespmem:$0x14CD0] =	vst v46  }
0x52: {  	v16 =	vld [tilespmem:$0x14540];
	v15 =	vtrunc.f32 v57;
	v55 =	vcvt.f32.s32 v53;
	[tilespmem:$0x148E0] =	vst v49  }
0x53: {  	v19 =	vld [tilespmem:$0x14150];
	v18 =	vtrunc.f32 v60;
	v58 =	vcvt.f32.s32 v56;
	[tilespmem:$0x14CE0] =	vst v52  }
0x54: {  	v22 =	vld [tilespmem:$0x14550];
	v21 =	vtrunc.f32 v63;
	v61 =	vcvt.f32.s32 v59;
	[tilespmem:$0x148F0] =	vst v55  }
0x55: {  	v25 =	vld [tilespmem:$0x14160];
	v24 =	vtrunc.f32 v10;
	v8 =	vcvt.f32.s32 v62;
	[tilespmem:$0x14CF0] =	vst v58  }
0x56: {  	v28 =	vld [tilespmem:$0x14560];
	v27 =	vtrunc.f32 v13;
	v11 =	vcvt.f32.s32 v9;
	[tilespmem:$0x14900] =	vst v61  }
0x57: {  	v31 =	vld [tilespmem:$0x14170];
	v30 =	vtrunc.f32 v16;
	v14 =	vcvt.f32.s32 v12;
	[tilespmem:$0x14D00] =	vst v8  }
0x58: {  	v34 =	vld [tilespmem:$0x14570];
	v33 =	vtrunc.f32 v19;
	v17 =	vcvt.f32.s32 v15;
	[tilespmem:$0x14910] =	vst v11  }
0x59: {  	v37 =	vld [tilespmem:$0x14180];
	v36 =	vtrunc.f32 v22;
	v20 =	vcvt.f32.s32 v18;
	[tilespmem:$0x14D10] =	vst v14  }
0x5a: {  	v40 =	vld [tilespmem:$0x14580];
	v39 =	vtrunc.f32 v25;
	v23 =	vcvt.f32.s32 v21;
	[tilespmem:$0x14920] =	vst v17  }
0x5b: {  	v42 =	vtrunc.f32 v28;
	v26 =	vcvt.f32.s32 v24;
	v9 =	vld [tilespmem:$0x145C0];
	[tilespmem:$0x14D20] =	vst v20  }
0x5c: {  	v45 =	vtrunc.f32 v31;
	v29 =	vcvt.f32.s32 v27;
	v12 =	vld [tilespmem:$0x141D0];
	[tilespmem:$0x14930] =	vst v23  }
0x5d: {  	v48 =	vtrunc.f32 v34;
	v32 =	vcvt.f32.s32 v30;
	v15 =	vld [tilespmem:$0x145D0];
	[tilespmem:$0x14D30] =	vst v26  }
0x5e: {  	v51 =	vtrunc.f32 v37;
	v35 =	vcvt.f32.s32 v33;
	v18 =	vld [tilespmem:$0x141E0];
	[tilespmem:$0x14940] =	vst v29  }
0x5f: {  	v54 =	vtrunc.f32 v40;
	v38 =	vcvt.f32.s32 v36;
	v21 =	vld [tilespmem:$0x145E0];
	[tilespmem:$0x14D40] =	vst v32  }
0x60: {  	v41 =	vcvt.f32.s32 v39;
	v44 =	vcvt.f32.s32 v42;
	v24 =	vld [tilespmem:$0x141F0];
	[tilespmem:$0x14950] =	vst v35  }
0x61: {  	v47 =	vcvt.f32.s32 v45;
	v50 =	vcvt.f32.s32 v48;
	v27 =	vld [tilespmem:$0x145F0];
	[tilespmem:$0x14D50] =	vst v38  }
0x62: {  	v53 =	vcvt.f32.s32 v51;
	v56 =	vcvt.f32.s32 v54;
	v30 =	vld [tilespmem:$0x14200];
	[tilespmem:$0x14960] =	vst v41  }
0x63: {  	v33 =	vld [tilespmem:$0x14600];
	[tilespmem:$0x14D60] =	vst v44;
	v23 =	vtrunc.f32 v9;
	v26 =	vtrunc.f32 v12  }
0x64: {  	v36 =	vld [tilespmem:$0x14210];
	[tilespmem:$0x14970] =	vst v47;
	v29 =	vtrunc.f32 v15;
	v32 =	vtrunc.f32 v18  }
0x65: {  	v39 =	vld [tilespmem:$0x14610];
	[tilespmem:$0x14D70] =	vst v50;
	v35 =	vtrunc.f32 v21;
	v38 =	vtrunc.f32 v24  }
0x66: {  	v42 =	vld [tilespmem:$0x14220];
	[tilespmem:$0x14980] =	vst v53;
	v41 =	vtrunc.f32 v27;
	v25 =	vcvt.f32.s32 v23  }
0x67: {  	v43 =	vld [tilespmem:$0x14190];
	[tilespmem:$0x14D80] =	vst v56;
	v44 =	vtrunc.f32 v30;
	v28 =	vcvt.f32.s32 v26  }
0x68: {  	v46 =	vld [tilespmem:$0x14590];
	v47 =	vtrunc.f32 v33;
	v31 =	vcvt.f32.s32 v29;
	[tilespmem:$0x14DC0] =	vst v25  }
0x69: {  	v49 =	vld [tilespmem:$0x141A0];
	v50 =	vtrunc.f32 v36;
	v34 =	vcvt.f32.s32 v32;
	[tilespmem:$0x149D0] =	vst v28  }
0x6a: {  	v52 =	vld [tilespmem:$0x145A0];
	v53 =	vtrunc.f32 v39;
	v37 =	vcvt.f32.s32 v35;
	[tilespmem:$0x14DD0] =	vst v31  }
0x6b: {  	v55 =	vld [tilespmem:$0x141B0];
	v56 =	vtrunc.f32 v42;
	v40 =	vcvt.f32.s32 v38;
	[tilespmem:$0x149E0] =	vst v34  }
0x6c: {  	v58 =	vld [tilespmem:$0x145B0];
	v57 =	vtrunc.f32 v43;
	v43 =	vcvt.f32.s32 v41;
	[tilespmem:$0x14DE0] =	vst v37  }
0x6d: {  	v60 =	vtrunc.f32 v46;
	v46 =	vcvt.f32.s32 v44;
	[tilespmem:$0x149F0] =	vst v40  }
0x6e: {  	v63 =	vtrunc.f32 v49;
	v49 =	vcvt.f32.s32 v47;
	[tilespmem:$0x14DF0] =	vst v43  }
0x6f: {  	v11 =	vtrunc.f32 v52;
	v52 =	vcvt.f32.s32 v50;
	[tilespmem:$0x14A00] =	vst v46  }
0x70: {  	v61 =	vld [tilespmem:$0x141C0];
	v14 =	vtrunc.f32 v55;
	v55 =	vcvt.f32.s32 v53;
	[tilespmem:$0x14E00] =	vst v49  }
0x71: {  	v45 =	vld [tilespmem:$0x14620];
	v17 =	vtrunc.f32 v58;
	v58 =	vcvt.f32.s32 v56;
	[tilespmem:$0x14A10] =	vst v52  }
0x72: {  	v48 =	vld [tilespmem:$0x14230];
	v59 =	vcvt.f32.s32 v57;
	[tilespmem:$0x14E10] =	vst v55  }
0x73: {  	v51 =	vld [tilespmem:$0x14630];
	v62 =	vcvt.f32.s32 v60;
	[tilespmem:$0x14A20] =	vst v58  }
0x74: {  	v54 =	vld [tilespmem:$0x14240];
	v10 =	vcvt.f32.s32 v63;
	[tilespmem:$0x14990] =	vst v59  }
0x75: {  	v23 =	vld [tilespmem:$0x14280];
	v20 =	vtrunc.f32 v61;
	v13 =	vcvt.f32.s32 v11;
	[tilespmem:$0x14D90] =	vst v62  }
0x76: {  	v26 =	vld [tilespmem:$0x14680];
	v16 =	vcvt.f32.s32 v14;
	v19 =	vcvt.f32.s32 v17;
	[tilespmem:$0x149A0] =	vst v10  }
0x77: {  	v29 =	vld [tilespmem:$0x14290];
	v22 =	vcvt.f32.s32 v20;
	[tilespmem:$0x14DA0] =	vst v13;
	v59 =	vtrunc.f32 v45  }
0x78: {  	v32 =	vld [tilespmem:$0x14690];
	[tilespmem:$0x149B0] =	vst v16;
	v62 =	vtrunc.f32 v48;
	v10 =	vtrunc.f32 v51  }
0x79: {  	v35 =	vld [tilespmem:$0x142A0];
	[tilespmem:$0x14DB0] =	vst v19;
	v13 =	vtrunc.f32 v54;
	v61 =	vcvt.f32.s32 v59  }
0x7a: {  	v38 =	vld [tilespmem:$0x146A0];
	[tilespmem:$0x149C0] =	vst v22;
	v9 =	vcvt.f32.s32 v62;
	v12 =	vcvt.f32.s32 v10  }
0x7b: {  	v41 =	vld [tilespmem:$0x142B0];
	v15 =	vcvt.f32.s32 v13;
	v37 =	vtrunc.f32 v23;
	[tilespmem:$0x14E20] =	vst v61  }
0x7c: {  	v44 =	vld [tilespmem:$0x146B0];
	v40 =	vtrunc.f32 v26;
	v43 =	vtrunc.f32 v29;
	[tilespmem:$0x14A30] =	vst v9  }
0x7d: {  	v50 =	vld [tilespmem:$0x146C0];
	v46 =	vtrunc.f32 v32;
	v39 =	vcvt.f32.s32 v37;
	[tilespmem:$0x14E30] =	vst v12  }
0x7e: {  	v57 =	vld [tilespmem:$0x14640];
	v49 =	vtrunc.f32 v35;
	v42 =	vcvt.f32.s32 v40;
	[tilespmem:$0x14A40] =	vst v15  }
0x7f: {  	v60 =	vld [tilespmem:$0x14250];
	v52 =	vtrunc.f32 v38;
	v45 =	vcvt.f32.s32 v43;
	[tilespmem:$0x14A80] =	vst v39  }
0x80: {  	v48 =	vcvt.f32.s32 v46;
	v51 =	vcvt.f32.s32 v49;
	[tilespmem:$0x14E80] =	vst v42  }
0x81: {  	v54 =	vcvt.f32.s32 v52;
	v55 =	vtrunc.f32 v41;
	[tilespmem:$0x14A90] =	vst v45  }
0x82: {  	v63 =	vld [tilespmem:$0x14650];
	v58 =	vtrunc.f32 v44;
	v8 =	vtrunc.f32 v50;
	[tilespmem:$0x14E90] =	vst v48  }
0x83: {  	v11 =	vld [tilespmem:$0x14260];
	v16 =	vtrunc.f32 v57;
	v57 =	vcvt.f32.s32 v55;
	[tilespmem:$0x14AA0] =	vst v51  }
0x84: {  	v14 =	vld [tilespmem:$0x14660];
	v19 =	vtrunc.f32 v60;
	v60 =	vcvt.f32.s32 v58;
	[tilespmem:$0x14EA0] =	vst v54  }
0x85: {  	v17 =	vld [tilespmem:$0x14270];
	v10 =	vcvt.f32.s32 v8;
	[tilespmem:$0x14AB0] =	vst v57  }
0x86: {  	v20 =	vld [tilespmem:$0x14670];
	v18 =	vcvt.f32.s32 v16;
	[tilespmem:$0x14EB0] =	vst v60  }
0x87: {  	v47 =	vld [tilespmem:$0x142C0];
	v22 =	vtrunc.f32 v63;
	v21 =	vcvt.f32.s32 v19;
	[tilespmem:$0x14EC0] =	vst v10  }
0x88: {  	v53 =	vld [tilespmem:$0x142D0];
	v25 =	vtrunc.f32 v11;
	v24 =	vcvt.f32.s32 v22;
	[tilespmem:$0x14E40] =	vst v18  }
0x89: {  	v56 =	vld [tilespmem:$0x146D0];
	v28 =	vtrunc.f32 v14;
	v27 =	vcvt.f32.s32 v25;
	[tilespmem:$0x14A50] =	vst v21  }
0x8a: {  	v59 =	vld [tilespmem:$0x142E0];
	v31 =	vtrunc.f32 v17;
	v30 =	vcvt.f32.s32 v28;
	[tilespmem:$0x14E50] =	vst v24  }
0x8b: {  	v62 =	vld [tilespmem:$0x146E0];
	v34 =	vtrunc.f32 v20;
	v33 =	vcvt.f32.s32 v31;
	[tilespmem:$0x14A60] =	vst v27  }
0x8c: {  	v61 =	vtrunc.f32 v47;
	v9 =	vld [tilespmem:$0x142F0];
	v36 =	vcvt.f32.s32 v34;
	[tilespmem:$0x14E60] =	vst v30  }
0x8d: {  	v11 =	vtrunc.f32 v53;
	v12 =	vld [tilespmem:$0x146F0];
	v63 =	vcvt.f32.s32 v61;
	[tilespmem:$0x14A70] =	vst v33  }
0x8e: {  	v14 =	vtrunc.f32 v56;
	v15 =	vld [tilespmem:$0x14300];
	v13 =	vcvt.f32.s32 v11;
	[tilespmem:$0x14E70] =	vst v36  }
0x8f: {  	v16 =	vcvt.f32.s32 v14;
	v39 =	vld [tilespmem:$0x14340];
	[tilespmem:$0x14AC0] =	vst v63;
	v17 =	vtrunc.f32 v59  }
0x90: {  	v42 =	vld [tilespmem:$0x14740];
	[tilespmem:$0x14AD0] =	vst v13;
	v20 =	vtrunc.f32 v62;
	v19 =	vcvt.f32.s32 v17  }
0x91: {  	v45 =	vld [tilespmem:$0x14350];
	[tilespmem:$0x14ED0] =	vst v16;
	v22 =	vcvt.f32.s32 v20;
	v23 =	vtrunc.f32 v9  }
0x92: {  	v48 =	vld [tilespmem:$0x14750];
	v26 =	vtrunc.f32 v12;
	[tilespmem:$0x14AE0] =	vst v19;
	v25 =	vcvt.f32.s32 v23  }
0x93: {  	v51 =	vld [tilespmem:$0x14360];
	v29 =	vtrunc.f32 v15;
	[tilespmem:$0x14EE0] =	vst v22;
	v28 =	vcvt.f32.s32 v26  }
0x94: {  	v54 =	vld [tilespmem:$0x14760];
	v31 =	vcvt.f32.s32 v29;
	v53 =	vtrunc.f32 v39;
	[tilespmem:$0x14AF0] =	vst v25  }
0x95: {  	v57 =	vld [tilespmem:$0x14370];
	v56 =	vtrunc.f32 v42;
	v55 =	vcvt.f32.s32 v53;
	[tilespmem:$0x14EF0] =	vst v28  }
0x96: {  	v18 =	vld [tilespmem:$0x14700];
	v59 =	vtrunc.f32 v45;
	v58 =	vcvt.f32.s32 v56;
	[tilespmem:$0x14B00] =	vst v31  }
0x97: {  	v21 =	vld [tilespmem:$0x14310];
	v62 =	vtrunc.f32 v48;
	v61 =	vcvt.f32.s32 v59;
	[tilespmem:$0x14B40] =	vst v55  }
0x98: {  	v24 =	vld [tilespmem:$0x14710];
	v9 =	vtrunc.f32 v51;
	v8 =	vcvt.f32.s32 v62;
	[tilespmem:$0x14F40] =	vst v58  }
0x99: {  	v27 =	vld [tilespmem:$0x14320];
	v12 =	vtrunc.f32 v54;
	v11 =	vcvt.f32.s32 v9;
	[tilespmem:$0x14B50] =	vst v61  }
0x9a: {  	v30 =	vld [tilespmem:$0x14720];
	v14 =	vcvt.f32.s32 v12;
	v15 =	vtrunc.f32 v57;
	[tilespmem:$0x14F50] =	vst v8  }
0x9b: {  	v33 =	vld [tilespmem:$0x14330];
	v32 =	vtrunc.f32 v18;
	v17 =	vcvt.f32.s32 v15;
	[tilespmem:$0x14B60] =	vst v11  }
0x9c: {  	v36 =	vld [tilespmem:$0x14730];
	v35 =	vtrunc.f32 v21;
	v34 =	vcvt.f32.s32 v32;
	[tilespmem:$0x14F60] =	vst v14  }
0x9d: {  	v60 =	vld [tilespmem:$0x14770];
	v38 =	vtrunc.f32 v24;
	v37 =	vcvt.f32.s32 v35;
	[tilespmem:$0x14B70] =	vst v17  }
0x9e: {  	v63 =	vld [tilespmem:$0x14380];
	v41 =	vtrunc.f32 v27;
	v40 =	vcvt.f32.s32 v38;
	[tilespmem:$0x14F00] =	vst v34  }
0x9f: {  	v10 =	vld [tilespmem:$0x14780];
	v44 =	vtrunc.f32 v30;
	v43 =	vcvt.f32.s32 v41;
	[tilespmem:$0x14B10] =	vst v37  }
0xa0: {  	v13 =	vld [tilespmem:$0x14390];
	v47 =	vtrunc.f32 v33;
	v46 =	vcvt.f32.s32 v44;
	[tilespmem:$0x14F10] =	vst v40  }
0xa1: {  	v16 =	vld [tilespmem:$0x14790];
	v50 =	vtrunc.f32 v36;
	v49 =	vcvt.f32.s32 v47;
	[tilespmem:$0x14B20] =	vst v43  }
0xa2: {  	v19 =	vld [tilespmem:$0x143A0];
	v18 =	vtrunc.f32 v60;
	v52 =	vcvt.f32.s32 v50;
	[tilespmem:$0x14F20] =	vst v46  }
0xa3: {  	v22 =	vld [tilespmem:$0x147A0];
	v21 =	vtrunc.f32 v63;
	v20 =	vcvt.f32.s32 v18;
	[tilespmem:$0x14B30] =	vst v49  }
0xa4: {  	v24 =	vtrunc.f32 v10;
	v25 =	vld [tilespmem:$0x143B0];
	v23 =	vcvt.f32.s32 v21;
	[tilespmem:$0x14F30] =	vst v52  }
0xa5: {  	v27 =	vtrunc.f32 v13;
	v28 =	vld [tilespmem:$0x147B0];
	v26 =	vcvt.f32.s32 v24;
	[tilespmem:$0x14F70] =	vst v20  }
0xa6: {  	v30 =	vtrunc.f32 v16;
	v31 =	vld [tilespmem:$0x143C0];
	v29 =	vcvt.f32.s32 v27;
	[tilespmem:$0x14B80] =	vst v23  }
0xa7: {  	v32 =	vcvt.f32.s32 v30;
	[tilespmem:$0x14F80] =	vst v26;
	v33 =	vtrunc.f32 v19;
	v34 =	vld [tilespmem:$0x147C0]  }
0xa8: {  	[tilespmem:$0x14B90] =	vst v29;
	v36 =	vtrunc.f32 v22;
	v37 =	vld [tilespmem:$0x143D0];
	v35 =	vcvt.f32.s32 v33  }
0xa9: {  	[tilespmem:$0x14F90] =	vst v32;
	v40 =	vld [tilespmem:$0x147D0];
	v38 =	vcvt.f32.s32 v36;
	v39 =	vtrunc.f32 v25  }
0xaa: {  	v43 =	vld [tilespmem:$0x143E0];
	v42 =	vtrunc.f32 v28;
	[tilespmem:$0x14BA0] =	vst v35;
	v41 =	vcvt.f32.s32 v39  }
0xab: {  	v46 =	vld [tilespmem:$0x147E0];
	v45 =	vtrunc.f32 v31;
	[tilespmem:$0x14FA0] =	vst v38;
	v44 =	vcvt.f32.s32 v42  }
0xac: {  	v49 =	vld [tilespmem:$0x143F0];
	v47 =	vcvt.f32.s32 v45;
	[tilespmem:$0x14BB0] =	vst v41;
	v48 =	vtrunc.f32 v34  }
0xad: {  	v52 =	vld [tilespmem:$0x147F0];
	[tilespmem:$0x14FB0] =	vst v44;
	v51 =	vtrunc.f32 v37;
	v50 =	vcvt.f32.s32 v48  }
0xae: {  	[tilespmem:$0x14BC0] =	vst v47;
	v54 =	vtrunc.f32 v40;
	v53 =	vcvt.f32.s32 v51  }
0xaf: {  	v56 =	vtrunc.f32 v43;
	v55 =	vcvt.f32.s32 v54;
	[tilespmem:$0x14FC0] =	vst v50  }
0xb0: {  	v58 =	vtrunc.f32 v46;
	v57 =	vcvt.f32.s32 v56;
	[tilespmem:$0x14BD0] =	vst v53  }
0xb1: {  	v60 =	vtrunc.f32 v49;
	v59 =	vcvt.f32.s32 v58;
	[tilespmem:$0x14FD0] =	vst v55  }
0xb2: {  	v62 =	vtrunc.f32 v52;
	v61 =	vcvt.f32.s32 v60;
	[tilespmem:$0x14BE0] =	vst v57  }
0xb3: {  	v63 =	vcvt.f32.s32 v62;
	[tilespmem:$0x14FE0] =	vst v59  }
0xb4: {  	[tilespmem:$0x14BF0] =	vst v61  }
0xb5: {  	[tilespmem:$0x14FF0] =	vst v63  }
0xb6: {  	[tilespmem:s15], [sflag:$0x1] =	stream.indirect.gather [hbm4b:s4+s13], $0x80, s14, s13, $0xb8;
	[tilespmem:$0x1D000] =	vst v63  }
0xb7: {  	_ = 	snop  }
0xb8: {  	[tilespmem:s17], [sflag:$0x2] =	stream.indirect.gather [hbm4b:s4+s13], $0x80, s16, s13, $0xb8;
	[tilespmem:$0x1D000] =	vst v63  }
0xb9: {  	_ =	swait.ge [sflag:s18], $0x4000  }
0xba: {  	[sflag:s18] =	ssyncset.done $0x0  }
0xbb: {  	[sflag:s18] =	ssyncadd.s32 $0xFFFFC000  }
0xbc: {  	[spmem:s2] =	stream.indirect.scatter.add.f32 [tilespmem:s15], [sflag:$0x3], $0x80, s19, s13, $0xb8;
	[tilespmem:$0x1D000] =	vst v63  }
0xbd: {  	_ =	swait.ge [sflag:s10], $0x4000  }
0xbe: {  	[sflag:s10] =	ssyncset.done $0x0  }
0xbf: {  	[sflag:s10] =	ssyncadd.s32 $0xFFFFC000  }
0xc0: {  	[tilespmem:s15], [sflag:$0x1] =	stream.indirect.gather [hbm4b:s4+s13], $0x80, s20, s13, $0xb8;
	[tilespmem:$0x1D000] =	vst v63  }
0xc1: {  	_ =	swait.ge [sflag:s21], $0x4000  }
0xc2: {  	[sflag:s21] =	ssyncset.done $0x0  }
0xc3: {  	[sflag:s21] =	ssyncadd.s32 $0xFFFFC000  }
0xc4: {  	[spmem:s2] =	stream.indirect.scatter.add.f32 [tilespmem:s17], [sflag:$0x3], $0x80, s22, s13, $0xb8;
	[tilespmem:$0x1D000] =	vst v63  }
0xc5: {  	_ =	swait.ge [sflag:s10], $0x4000  }
0xc6: {  	[sflag:s10] =	ssyncset.done $0x0  }
0xc7: {  	[sflag:s10] =	ssyncadd.s32 $0xFFFFC000  }
0xc8: {  	[tilespmem:s17], [sflag:$0x2] =	stream.indirect.gather [hbm4b:s4+s13], $0x80, s23, s13, $0xb8;
	[tilespmem:$0x1D000] =	vst v63  }
0xc9: {  	_ =	swait.ge [sflag:s18], $0x4000  }
0xca: {  	[sflag:s18] =	ssyncset.done $0x0  }
0xcb: {  	[sflag:s18] =	ssyncadd.s32 $0xFFFFC000  }
0xcc: {  	[spmem:s2] =	stream.indirect.scatter.add.f32 [tilespmem:s15], [sflag:$0x3], $0x80, s24, s13, $0xb8;
	[tilespmem:$0x1D000] =	vst v63  }
0xcd: {  	_ =	swait.ge [sflag:s10], $0x4000  }
0xce: {  	[sflag:s10] =	ssyncset.done $0x0  }
0xcf: {  	[sflag:s10] =	ssyncadd.s32 $0xFFFFC000  }
0xd0: {  	[tilespmem:s15], [sflag:$0x1] =	stream.indirect.gather [hbm4b:s4+s13], $0x80, s25, s13, $0xb8;
	[tilespmem:$0x1D000] =	vst v63  }
0xd1: {  	_ =	swait.ge [sflag:s21], $0x4000  }
0xd2: {  	[sflag:s21] =	ssyncset.done $0x0  }
0xd3: {  	[sflag:s21] =	ssyncadd.s32 $0xFFFFC000  }
0xd4: {  	[spmem:s2] =	stream.indirect.scatter.add.f32 [tilespmem:s17], [sflag:$0x3], $0x80, s26, s13, $0xb8;
	[tilespmem:$0x1D000] =	vst v63  }
0xd5: {  	_ =	swait.ge [sflag:s10], $0x4000  }
0xd6: {  	[sflag:s10] =	ssyncset.done $0x0  }
0xd7: {  	[sflag:s10] =	ssyncadd.s32 $0xFFFFC000  }
0xd8: {  	[tilespmem:s17], [sflag:$0x2] =	stream.indirect.gather [hbm4b:s4+s13], $0x80, s28, s13, $0xb8;
	[tilespmem:$0x1D000] =	vst v63  }
0xd9: {  	_ =	swait.ge [sflag:s18], $0x4000  }
0xda: {  	[sflag:s18] =	ssyncset.done $0x0  }
0xdb: {  	[sflag:s18] =	ssyncadd.s32 $0xFFFFC000  }
0xdc: {  	[spmem:s2] =	stream.indirect.scatter.add.f32 [tilespmem:s15], [sflag:$0x3], $0x80, s29, s13, $0xb8;
	[tilespmem:$0x1D000] =	vst v63  }
0xdd: {  	_ =	swait.ge [sflag:s10], $0x4000  }
0xde: {  	[sflag:s10] =	ssyncset.done $0x0  }
0xdf: {  	[sflag:s10] =	ssyncadd.s32 $0xFFFFC000  }
0xe0: {  	[tilespmem:s15], [sflag:$0x1] =	stream.indirect.gather [hbm4b:s4+s13], $0x80, s30, s13, $0xb8;
	[tilespmem:$0x1D000] =	vst v63  }
0xe1: {  	_ =	swait.ge [sflag:s21], $0x4000  }
0xe2: {  	[sflag:s21] =	ssyncset.done $0x0  }
0xe3: {  	[sflag:s21] =	ssyncadd.s32 $0xFFFFC000  }
0xe4: {  	[spmem:s2] =	stream.indirect.scatter.add.f32 [tilespmem:s17], [sflag:$0x3], $0x80, s31, s13, $0xb8;
	[tilespmem:$0x1D000] =	vst v63  }
0xe5: {  	_ =	swait.ge [sflag:s10], $0x4000  }
0xe6: {  	[sflag:s10] =	ssyncset.done $0x0  }
0xe7: {  	[sflag:s10] =	ssyncadd.s32 $0xFFFFC000  }
0xe8: {  	[tilespmem:s17], [sflag:$0x2] =	stream.indirect.gather [hbm4b:s4+s13], $0x80, s0, s13, $0xb8;
	[tilespmem:$0x1D000] =	vst v63  }
0xe9: {  	_ =	swait.ge [sflag:s18], $0x4000  }
0xea: {  	[sflag:s18] =	ssyncset.done $0x0  }
0xeb: {  	[sflag:s18] =	ssyncadd.s32 $0xFFFFC000  }
0xec: {  	[spmem:s2] =	stream.indirect.scatter.add.f32 [tilespmem:s15], [sflag:$0x3], $0x80, s1, s13, $0xb8;
	[tilespmem:$0x1D000] =	vst v63  }
0xed: {  	_ =	swait.ge [sflag:s10], $0x4000  }
0xee: {  	[sflag:s10] =	ssyncset.done $0x0  }
0xef: {  	[sflag:s10] =	ssyncadd.s32 $0xFFFFC000  }
0xf0: {  	_ =	swait.ge [sflag:s21], $0x4000  }
0xf1: {  	p0 =	sne.s32 s8, $0x480;
	[sflag:s21] =	ssyncset.done $0x0  }
.Ltmp0:
0xf2: {  	[sflag:s21] =	ssyncadd.s32 $0xFFFFC000;
	(pc) =	sbr.rel @p0 .LBB2_2-.Ltmp0, $4  }
0xf3: {  	[spmem:s2] =	stream.indirect.scatter.add.f32 [tilespmem:s17], [sflag:$0x3], $0x80, s5, s13, $0xb8;
	[tilespmem:$0x1D000] =	vst v63  }
0xf4: {  	_ =	swait.ge [sflag:s10], $0x4000  }
0xf5: {  	[sflag:s10] =	ssyncset.done $0x0  }
0xf6: {  	s8 =	sadd.s32 $0x80, s8;
	[sflag:s10] =	ssyncadd.s32 $0xFFFFC000  }
0xf7: {  	[bflag:$0x0] =	sbarrier.arrive $0xFFFF  }
0xf8: {  	s8 =	rddreg [dreg:$0x9]  }
0xf9: {  	s6 =	rddreg [dreg:$0x7]  }
0xfa: {  	s9 =	rddreg [dreg:$0xa]  }
0xfb: {  	[hbm:s6], [sflag:s8] =	dma.local [spmem:s9], $0x2800  }
0xfc: {  	_ =	swait.ge [sflag:s10], $0x2800  }
0xfd: {  	s7 =	sadd.s32 $0x1, s7;
	s6 =	rddreg [dreg:$0x8]  }
0xfe: {  	p0 =	sne.s32 s7, s6  }
.Ltmp1:
0xff: {  	_ = 	snop;
	(pc) =	sbr.rel @p0 .LBB2_1-.Ltmp1, $3  }
0x100: {  	_ =	sdelay $0x1  }
0x101: {  	[sflag:s10] =	ssyncset.done $0x0  }
0x102: {  	[sflag:s10] =	ssyncadd.s32 $0xFFFFD800  }
0x103: {  	_ =	sfence.sel $0x180000  }
0x104: {  	[bflag:$0x0] =	sbarrier.arrive $0xFFFF  }
0x105: {  	_ =	strace $0x90000047  }
0x106: {  	s0 =	stileid.u32;
	[bflag:$0x2] =	sbarrier.arrive $0xFFFF  }
0x107: {  	p0 =	sne.s32 s0, $0x0;
	s0 =	rddreg [dreg:$0x3]  }
0x108: {  	s0 =	sadd.s32 @!p0 $0x100000, s0  }
0x109: {  	[sflag:s0] =	ssyncadd.tile.s32 @!p0 $0x1;
	_ =	shalt  }
.Lfunc_end2:
_tile_overlayer_lowered:
.L_overlay_start_2:
0x10a: {  	(tag) =	ssettag $0x2  }
0x10b: {  	s0 =	rddreg [dreg:$0x0];
	s2 =	stileid.u32  }
0x10c: {  	s1 =	rddreg [dreg:$0x1];
	p0 =	sne.s32 s2, $0x0  }
0x10d: {  	s3 =	rddreg [dreg:$0x2];
	[bflag:$0x3] =	sbarrier.arrive $0xFFFF;
	s2 =	simm.s32 @!p0 $0x1C03  }
0x10e: {  	[timem:s3], [sflag:s2] =	dma.local @!p0 [hbm:s0], s1  }
0x10f: {  	s0 =	simm.s32 @!p0 $0x3  }
0x110: {  	_ =	swait.ge @!p0 [sflag:s0], s1  }
0x111: {  	s1 =	ssub.s32 @!p0 $0x0, s1;
	[sflag:s0] =	ssyncset.done @!p0 $0x0  }
0x112: {  	[sflag:s0] =	ssyncadd.s32 @!p0 s1  }
0x113: {  	[bflag:$0x3] =	sbarrier.arrive $0xFFFF  }
0x114: {  	_ =	shalt  }

// kernel: kernel.13.cloned.1.call-start
scs
__scs_entry_jumppad:
0x0: {  	(pc) =	sbr.rel $0x88, $3  }
0x1: {  	(tag) =	ssettag $0x0;
	lr =	simm.s32 $0x1  }
0x2: {  	[smem:$0x3F99] =	sst lr;
	_ =	strace $0xD0000000  }
0x3: {  	_ = 	snop  }
0x4: {  	_ = 	snop  }
0x5: {  	_ = 	snop  }
0x6: {  	_ = 	snop  }
0x7: {  	_ = 	snop  }
__scs_overlays_trampoline_lowered:
0x8: {  	[smem:$0x3FA8] =	sst s0  }
0x9: {  	[smem:$0x3FA9] =	sst s1  }
0xa: {  	[smem:$0x3FAA] =	sst s2  }
0xb: {  	[smem:$0x3FAB] =	sst s3  }
0xc: {  	[smem:$0x3FAC] =	sst s4  }
0xd: {  	[smem:$0x3FAD] =	sst s5  }
0xe: {  	[smem:$0x3FAE] =	sst s6  }
0xf: {  	[smem:$0x3FAF] =	sst s7  }
0x10: {  	[smem:$0x3FB0] =	sst s8  }
0x11: {  	[smem:$0x3FB1] =	sst s9;
	s0 =	simm.s32 @!p0 $0x0  }
0x12: {  	s1 =	sld [smem:$0x3F97];
	s0 =	simm.s32 @p0 $0x1  }
0x13: {  	[smem:$0x3FB2] =	sst s0;
	s0 =	simm.s32 @!p1 $0x0  }
0x14: {  	s2 =	sld [smem:$0x3F96];
	s0 =	simm.s32 @p1 $0x1  }
0x15: {  	[smem:$0x3FB3] =	sst s0;
	s0 =	simm.s32 @!p2 $0x0  }
0x16: {  	s3 =	sld [smem:$0x3FDB];
	s0 =	simm.s32 @p2 $0x1  }
0x17: {  	s4 =	simm.s32 $0x1BF5;
	[smem:$0x3FB5] =	sst s0  }
0x18: {  	s0 =	sld [smem:$0x3F98];
	_ =	swait.ge [sflag:s4], $0x0  }
0x19: {  	s7 =	sld [smem:$0x3F99]  }
0x1a: {  	s8 =	sadd.s32 $0xFFFFE003, lr  }
0x1b: {  	s9 =	sadd.s32 $0xFFFFFEF7, lr;
	s5 =	simm.s32 $0xFFFFFFFF;
	p2 =	slt.u32 s8, $0xFFFFF086  }
0x1c: {  	p1 =	slt.u32 s9, $0xF7A;
	s5 =	simm.s32 @!p2 $0x0  }
0x1d: {  	s5 =	simm.s32 @p1 $0x1;
	p0 =	seq.s32 s7, s2  }
0x1e: {  	s7 =	smul.u32 @!p0 $0xF7A, s2;
	p2 =	seq.s32 @!p0 s5, $0x0  }
0x1f: {  	s9 =	smul.u32 $0xF7A, s1;
	s8 =	simm.s32 @!p0 $0x1BF5;
	p2 =	por !p2, p0  }
0x20: {  	[sflag:s8] =	ssyncset.s32 @!p0 $0xFFFFF086;
	s6 =	sadd.s32 @!p0 s3, s7;
	s7 =	simm.s32 @!p0 $0x108  }
0x21: {  	s3 =	sadd.s32 s3, s9;
	s6 =	sadd.s32 @!p0 $0x88, s6;
	s7 =	simm.s32 @p2 $0x1082  }
0x22: {  	[simem:s7], [sflag:s8] =	dma.local @!p0 [hbm:s6], $0xF7A  }
0x23: {  	s9 =	sor.u32 $0xD0000000, s2;
	s6 =	simm.s32 $0x108;
	_ =	swait.ge @!p0 [sflag:s8], $0x0  }
0x24: {  	s3 =	sadd.s32 $0x88, s3;
	s6 =	simm.s32 @!p1 $0x1082;
	[sflag:s4] =	ssyncset.s32 $0xFFFFF086  }
0x25: {  	[simem:s6], [sflag:s4] =	dma.local [hbm:s3], $0xF7A  }
0x26: {  	[smem:$0x3F99] =	sst s1;
	(tag) =	ssettag s2;
	_ =	strace s9  }
0x27: {  	s1 =	sld [smem:$0x3FA9]  }
0x28: {  	s2 =	sld [smem:$0x3FAA]  }
0x29: {  	s4 =	sld [smem:$0x3FAC]  }
0x2a: {  	p0 =	seq.s32 s5, $0x0;
	s5 =	sld [smem:$0x3FAD]  }
0x2b: {  	s6 =	sld [smem:$0x3FAE]  }
0x2c: {  	s7 =	sld [smem:$0x3FAF]  }
0x2d: {  	s3 =	simm.s32 $0x108;
	s8 =	sld [smem:$0x3FB0]  }
0x2e: {  	s3 =	simm.s32 @!p0 $0x1082;
	s9 =	sld [smem:$0x3FB1]  }
0x2f: {  	lr =	sadd.s32 s0, s3;
	s0 =	sld [smem:$0x3FA8]  }
0x30: {  	s3 =	sld [smem:$0x3FAB]  }
0x31: {  	[smem:$0x3FB4] =	sst s10  }
0x32: {  	s10 =	sld [smem:$0x3FB2];
	_ =	sdelay $0x3  }
0x33: {  	p0 =	seq.s32 s10, $0x1;
	s10 =	sld [smem:$0x3FB4];
	_ =	sdelay $0x3  }
0x34: {  	[smem:$0x3FB4] =	sst s10  }
0x35: {  	s10 =	sld [smem:$0x3FB3];
	_ =	sdelay $0x3  }
0x36: {  	p1 =	seq.s32 s10, $0x1;
	s10 =	sld [smem:$0x3FB4];
	_ =	sdelay $0x3  }
0x37: {  	[smem:$0x3FB4] =	sst s10  }
0x38: {  	s10 =	sld [smem:$0x3FB5]  }
0x39: {  	_ = 	snop;
	(pc) =	sbr.ind lr, $3  }
0x3a: {  	_ = 	snop  }
0x3b: {  	_ = 	snop  }
0x3c: {  	p2 =	seq.s32 s10, $0x1;
	s10 =	sld [smem:$0x3FB4]  }
0x3d: {  	_ =	shalt  }
0x3e: {  	_ =	shalt  }
0x3f: {  	_ =	shalt  }
0x40: {  	_ =	shalt  }
0x41: {  	_ =	shalt  }
0x42: {  	_ =	shalt  }
0x43: {  	_ =	shalt  }
0x44: {  	_ =	shalt  }
0x45: {  	_ =	shalt  }
0x46: {  	_ =	shalt  }
0x47: {  	_ =	shalt  }
0x48: {  	_ =	shalt  }
0x49: {  	_ =	shalt  }
0x4a: {  	_ =	shalt  }
0x4b: {  	_ =	shalt  }
0x4c: {  	_ =	shalt  }
0x4d: {  	_ =	shalt  }
0x4e: {  	_ =	shalt  }
0x4f: {  	_ =	shalt  }
0x50: {  	_ =	shalt  }
0x51: {  	_ =	shalt  }
0x52: {  	_ =	shalt  }
0x53: {  	_ =	shalt  }
0x54: {  	_ =	shalt  }
0x55: {  	_ =	shalt  }
0x56: {  	_ =	shalt  }
0x57: {  	_ =	shalt  }
0x58: {  	_ =	shalt  }
0x59: {  	_ =	shalt  }
0x5a: {  	_ =	shalt  }
0x5b: {  	_ =	shalt  }
0x5c: {  	_ =	shalt  }
0x5d: {  	_ =	shalt  }
0x5e: {  	_ =	shalt  }
0x5f: {  	_ =	shalt  }
0x60: {  	_ =	shalt  }
0x61: {  	_ =	shalt  }
0x62: {  	_ =	shalt  }
0x63: {  	_ =	shalt  }
0x64: {  	_ =	shalt  }
0x65: {  	_ =	shalt  }
0x66: {  	_ =	shalt  }
0x67: {  	_ =	shalt  }
0x68: {  	_ =	shalt  }
0x69: {  	_ =	shalt  }
0x6a: {  	_ =	shalt  }
0x6b: {  	_ =	shalt  }
0x6c: {  	_ =	shalt  }
0x6d: {  	_ =	shalt  }
0x6e: {  	_ =	shalt  }
0x6f: {  	_ =	shalt  }
0x70: {  	_ =	shalt  }
0x71: {  	_ =	shalt  }
0x72: {  	_ =	shalt  }
0x73: {  	_ =	shalt  }
0x74: {  	_ =	shalt  }
0x75: {  	_ =	shalt  }
0x76: {  	_ =	shalt  }
0x77: {  	_ =	shalt  }
0x78: {  	_ =	shalt  }
0x79: {  	_ =	shalt  }
0x7a: {  	_ =	shalt  }
0x7b: {  	_ =	shalt  }
0x7c: {  	_ =	shalt  }
0x7d: {  	_ =	shalt  }
0x7e: {  	_ =	shalt  }
0x7f: {  	_ =	shalt  }
0x80: {  	_ =	shalt  }
0x81: {  	_ =	shalt  }
0x82: {  	_ =	shalt  }
0x83: {  	_ =	shalt  }
0x84: {  	_ =	shalt  }
0x85: {  	_ =	shalt  }
0x86: {  	_ =	shalt  }
0x87: {  	_ =	shalt  }
.Lfunc_end0:
.L_simem_size_0:
called_computation.2_lowered:
.L_overlay_start_0:
0x88: {  	s2 =	sld [smem:$0x3FD9]  }
0x89: {  	s3 =	sld [smem:$0x3FFE];
	_ =	sdelay $0x1  }
0x8a: {  	s1 =	srdreg.scid  }
0x8b: {  	s0 =	sand.u32 $0x1, s1  }
0x8c: {  	s17 =	sshll.u32 s0, $0xA;
	s2 =	sadd.s32 s3, s2  }
0x8d: {  	s2 =	sadd.s32 s2, s17  }
0x8e: {  	[smem:$0x3FC0] =	sst s2  }
0x8f: {  	_ = 	snop  }
0x90: {  	s2 =	sld [smem:$0x3FD0];
	(tm) =	ssettm $0x1  }
0x91: {  	s18 =	sld [smem:$0x3FFB];
	_ =	sdelay $0x3  }
0x92: {  	_ =	strace s18  }
0x93: {  	s3 =	sld [smem:$0x3FFC];
	_ =	sdelay $0x3  }
0x94: {  	_ =	strace s3  }
0x95: {  	s3 =	sld [smem:$0x3FFD];
	_ =	sdelay $0x3  }
0x96: {  	_ =	strace s3  }
0x97: {  	_ =	strace $0x8FFFFFFF  }
0x98: {  	s19 =	sld [smem:$0x3FDB];
	_ =	sdelay $0x1  }
0x99: {  	s4 =	simm.s32 $_scs_section_size  }
0x9a: {  	s5 =	simm.s32 $_size__tile_overlayer_lowered;
	s6 =	simm.s32 $_tile_overlayer_lowered  }
0x9b: {  	s22 =	simm.s32 $0x1BFF;
	s21 =	sshll.u32 s6, $0x1;
	s3 =	sadd.s32 s4, s19  }
0x9c: {  	s7 =	simm.s32 $0x0;
	s20 =	sshll.u32 s5, $0x1;
	s5 =	sadd.s32 s21, s3  }
0x9d: {  	[timem:s7], [sflag:s22] =	dma.local [hbm:s5], s20  }
0x9e: {  	_ =	swait.ge [sflag:s22], s20  }
0x9f: {  	s4 =	ssub.s32 $0x0, s20;
	[sflag:s22] =	ssyncset.done $0x0  }
0xa0: {  	[sflag:s22] =	ssyncadd.s32 s4;
	_ =	sdelay $0x1  }
0xa1: {  	s23 =	simm.s32 $0x1B8B  }
0xa2: {  	_ =	swait.ge [sflag:s23], $0x1  }
0xa3: {  	[sflag:s23] =	ssyncset.done $0x0  }
0xa4: {  	s25 =	simm.s32 $0x1B8E;
	s24 =	sld [smem:$0x3FFE];
	[sflag:s23] =	ssyncadd.s32 $0xFFFFFFFF  }
0xa5: {  	s26 =	simm.s32 $execute0_lowered;
	[smem:$0x3FD2] =	sst s25  }
0xa6: {  	s5 =	sshll.u32 s26, $0x1;
	_ =	strace $0x8000004C;
	[dreg:$0x1] =	wrdreg $0xFFFFFFFF  }
0xa7: {  	s28 =	simm.s32 $_size_execute0_lowered;
	s3 =	sadd.s32 s3, s5;
	[dreg:$0x0] =	wrdreg $0x0  }
0xa8: {  	s5 =	sshll.u32 s28, $0x1;
	[dreg:$0x2] =	wrdreg s3  }
0xa9: {  	[dreg:$0x3] =	wrdreg s5  }
0xaa: {  	[dreg:$0x4] =	wrdreg $0xC0  }
0xab: {  	_ =	task [dreg:s7], $0x5FFFF  }
0xac: {  	[dreg:$0x1] =	wrdreg $0xFFFFFFFF  }
0xad: {  	[dreg:$0x0] =	wrdreg $0x60  }
0xae: {  	[dreg:$0x2] =	wrdreg s24  }
0xaf: {  	[dreg:$0x3] =	wrdreg s2  }
0xb0: {  	[dreg:$0x4] =	wrdreg $0x0  }
0xb1: {  	[dreg:$0x5] =	wrdreg $0x9  }
0xb2: {  	_ =	task.clear_ibuf [dreg:s7], $0x6FFFF;
	_ =	strace $0x9000004C  }
0xb3: {  	s29 =	simm.s32 $0x9;
	_ =	strace $0x8000004E  }
0xb4: {  	_ =	swait.ge [sflag:s29], $0x1  }
0xb5: {  	[sflag:s29] =	ssyncadd.s32 $0xFFFFFFFF  }
0xb6: {  	_ =	strace $0x9000004E  }
0xb7: {  	_ =	sfence  }
0xb8: {  	s30 =	sld [smem:$0x0];
	_ =	sdelay $0x2  }
0xb9: {  	s31 =	sshll.u32 s1, $0xD;
	s1 =	sshrl.u32 s1, $0x2  }
0xba: {  	s3 =	sand.u32 $0x4000, s31;
	s1 =	sadd.s32 s1, s30  }
0xbb: {  	s0 =	sor.u32 s3, s0;
	s1 =	sshll.u32 s1, $0x11  }
0xbc: {  	s0 =	sor.u32 s1, s0  }
0xbd: {  	s0 =	sadd.s32 $0x8F2B, s0  }
0xbe: {  	[sflag:s0] =	ssyncadd.remote.s32 $0x1  }
0xbf: {  	_ =	sfence.sel $0xFFFF  }
0xc0: {  	[dreg:$0x0] =	wrdreg $0xFFFFFFFF;
	(pc) =	sbr.abs _section_cstart, $3  }
0xc1: {  	[dreg:$0x1] =	wrdreg $0xFFFFFFFF  }
0xc2: {  	_ =	task.clear_ibuf [dreg:s7], $0x2FFFF;
	_ =	strace $0x9FFFFFFF  }
0xc3: {  	(tm) =	ssettm $0x7FFFFFFF  }
tec
execute0_lowered:
.L_overlay_start_1:
0x0: {  	(tag) =	ssettag $0x1  }
0x1: {  	s0 =	rddreg [dreg:$0x0]  }
0x2: {  	s1 =	rddreg [dreg:$0x1]  }
0x3: {  	s2 =	rddreg [dreg:$0x2]  }
0x4: {  	s12 =	stileid.u32;
	s4 =	srdreg.scid;
	s3 =	simm.s32 $0x0  }
0x5: {  	s13 =	simm.s32 $0x80;
	s14 =	simm.s32 $0x14800;
	s15 =	simm.s32 $0x15000  }
0x6: {  	s16 =	simm.s32 $0x14880;
	s17 =	simm.s32 $0x19000;
	s28 =	simm.s32 $0x14A80  }
0x7: {  	s29 =	simm.s32 $0x14E00;
	s30 =	simm.s32 $0x14B00;
	s31 =	simm.s32 $0x14E80  }
0x8: {  	s5 =	smul.u32 $0x500, s12;
	s6 =	sand.u32 $0x1, s4;
	[smem:$0x7FF] =	sst s3  }
0x9: {  	s8 =	smul.u32 $0x14000, s12;
	s4 =	sadd.s32 $0x6A00, s0;
	s10 =	sadd.s32 $0xA6A00, s0  }
0xa: {  	s19 =	smul.u32 $0x50000, s12;
	s22 =	sshll.u32 s12, $0x6;
	s12 =	simm.s32 $0x14400  }
0xb: {  	s7 =	smul.u32 $0x140000, s6;
	_ =	strace $0x8000004D;
	[dreg:$0x6] =	wrdreg s10  }
0xc: {  	s18 =	ssub.s32 $0x2, s6;
	s6 =	smul.u32 $0x5000, s6;
	s23 =	sor.u32 $0x1C03, s22  }
0xd: {  	s10 =	simm.s32 $0x3;
	s22 =	simm.s32 $0x14C80;
	s9 =	sadd.s32 s5, s0  }
0xe: {  	s11 =	sshrl.u32 s18, $0x1;
	s21 =	sshrl.u32 s19, $0x2;
	s19 =	simm.s32 $0x14C00  }
0xf: {  	s7 =	sadd.s32 s8, s7;
	s20 =	ssub.s32 s18, s11;
	s8 =	sadd.s32 s21, s2  }
0x10: {  	s1 =	sadd.s32 s6, s1;
	s26 =	sadd.s32 $0x1A00, s9;
	s11 =	simm.s32 $0x14000  }
0x11: {  	s18 =	simm.s32 $0x1;
	s21 =	simm.s32 $0x2;
	s7 =	sshrl.u32 s7, $0x3  }
0x12: {  	s24 =	sadd.s32 s5, s1;
	s25 =	smax.u32 s20, $0x1;
	[dreg:$0x5] =	wrdreg s26  }
0x13: {  	s9 =	sshrl.u32 s8, $0x3;
	s8 =	smov.u32 s23;
	s20 =	simm.s32 $0x14900  }
0x14: {  	s23 =	simm.s32 $0x14980;
	s26 =	simm.s32 $0x14D80;
	[dreg:$0x8] =	wrdreg s25  }
0x15: {  	s1 =	simm.s32 $0x14F00;
	s5 =	simm.s32 $0x14F80;
	[dreg:$0x4] =	wrdreg s24  }
0x16: {  	s0 =	sadd.s32 s7, s0;
	s24 =	simm.s32 $0x14D00;
	[dreg:$0x9] =	wrdreg s8  }
0x17: {  	s25 =	simm.s32 $0x14A00;
	[dreg:$0xa] =	wrdreg s9;
	s0 =	sadd.s32 $0xA9200, s0  }
0x18: {  	s7 =	simm.s32 $0x0;
	[dreg:$0x7] =	wrdreg s0;
	s0 =	simm.s32 $0x14B80  }
.LBB2_1:
0x19: {  	s6 =	rddreg [dreg:$0x6]  }
0x1a: {  	[spmem:s9], [sflag:s8] =	dma.local [hbm:s6], $0x2800  }
0x1b: {  	_ =	swait.ge [sflag:s10], $0x2800  }
0x1c: {  	[sflag:s10] =	ssyncset.done $0x0  }
0x1d: {  	[sflag:s10] =	ssyncadd.s32 $0xFFFFD800  }
0x1e: {  	s8 =	simm.s32 $0x0;
	[bflag:$0x0] =	sbarrier.arrive $0xFFFF  }
.LBB2_2:
0x1f: {  	s6 =	rddreg [dreg:$0x4]  }
0x20: {  	s6 =	sadd.s32 s8, s6  }
0x21: {  	[tilespmem:s11], [sflag:$0x3] =	stream.linear.gather [hbm4b:s6+s3], $0x400, $0x38;
	[tilespmem:$0x1D000] =	vst v63  }
0x22: {  	_ =	swait.ge [sflag:s10], $0x400  }
0x23: {  	s9 =	rddreg [dreg:$0x5];
	[sflag:s10] =	ssyncset.done $0x0  }
0x24: {  	[sflag:s10] =	ssyncadd.s32 $0xFFFFFC00;
	s6 =	sadd.s32 s8, s9  }
0x25: {  	[tilespmem:s12], [sflag:$0x3] =	stream.linear.gather [hbm4b:s6+s3], $0x400, $0x38;
	[tilespmem:$0x1D000] =	vst v63  }
0x26: {  	_ =	swait.ge [sflag:s10], $0x400  }
0x27: {  	[sflag:s10] =	ssyncset.done $0x0  }
0x28: {  	[sflag:s10] =	ssyncadd.s32 $0xFFFFFC00  }
0x29: {  	v0 =	vld [tilespmem:$0x14000]  }
0x2a: {  	v1 =	vld [tilespmem:$0x14400]  }
0x2b: {  	v2 =	vld [tilespmem:$0x14010]  }
0x2c: {  	v3 =	vld [tilespmem:$0x14410]  }
0x2d: {  	v4 =	vld [tilespmem:$0x14020]  }
0x2e: {  	v5 =	vld [tilespmem:$0x14420]  }
0x2f: {  	v6 =	vld [tilespmem:$0x14030]  }
0x30: {  	v7 =	vld [tilespmem:$0x14430]  }
0x31: {  	v29 =	vld [tilespmem:$0x14040];
	v0 =	vtrunc.f32 v0;
	v1 =	vtrunc.f32 v1  }
0x32: {  	v32 =	vld [tilespmem:$0x14440];
	v2 =	vtrunc.f32 v2;
	v28 =	vtrunc.f32 v3  }
0x33: {  	v35 =	vld [tilespmem:$0x14050];
	v31 =	vtrunc.f32 v4;
	v34 =	vtrunc.f32 v5  }
0x34: {  	v38 =	vld [tilespmem:$0x14450];
	v37 =	vtrunc.f32 v6;
	v0 =	vcvt.f32.s32 v0  }
0x35: {  	v41 =	vld [tilespmem:$0x14060];
	v40 =	vtrunc.f32 v7;
	v1 =	vcvt.f32.s32 v1  }
0x36: {  	v44 =	vld [tilespmem:$0x14460];
	v43 =	vtrunc.f32 v29;
	v27 =	vcvt.f32.s32 v2;
	[tilespmem:$0x14800] =	vst v0  }
0x37: {  	v47 =	vld [tilespmem:$0x14070];
	v46 =	vtrunc.f32 v32;
	v30 =	vcvt.f32.s32 v28;
	[tilespmem:$0x14C00] =	vst v1  }
0x38: {  	v50 =	vld [tilespmem:$0x14470];
	v49 =	vtrunc.f32 v35;
	v33 =	vcvt.f32.s32 v31;
	[tilespmem:$0x14810] =	vst v27  }
0x39: {  	v53 =	vld [tilespmem:$0x14080];
	v52 =	vtrunc.f32 v38;
	v36 =	vcvt.f32.s32 v34;
	[tilespmem:$0x14C10] =	vst v30  }
0x3a: {  	v56 =	vld [tilespmem:$0x14480];
	v55 =	vtrunc.f32 v41;
	v39 =	vcvt.f32.s32 v37;
	[tilespmem:$0x14820] =	vst v33  }
0x3b: {  	v59 =	vld [tilespmem:$0x14090];
	v58 =	vtrunc.f32 v44;
	v42 =	vcvt.f32.s32 v40;
	[tilespmem:$0x14C20] =	vst v36  }
0x3c: {  	v62 =	vld [tilespmem:$0x14490];
	v61 =	vtrunc.f32 v47;
	v45 =	vcvt.f32.s32 v43;
	[tilespmem:$0x14830] =	vst v39  }
0x3d: {  	v9 =	vld [tilespmem:$0x140A0];
	v8 =	vtrunc.f32 v50;
	v48 =	vcvt.f32.s32 v46;
	[tilespmem:$0x14C30] =	vst v42  }
0x3e: {  	v12 =	vld [tilespmem:$0x144A0];
	v11 =	vtrunc.f32 v53;
	v51 =	vcvt.f32.s32 v49;
	[tilespmem:$0x14840] =	vst v45  }
0x3f: {  	v15 =	vld [tilespmem:$0x140B0];
	v14 =	vtrunc.f32 v56;
	v54 =	vcvt.f32.s32 v52;
	[tilespmem:$0x14C40] =	vst v48  }
0x40: {  	v18 =	vld [tilespmem:$0x144B0];
	v17 =	vtrunc.f32 v59;
	v57 =	vcvt.f32.s32 v55;
	[tilespmem:$0x14850] =	vst v51  }
0x41: {  	v21 =	vld [tilespmem:$0x140C0];
	v20 =	vtrunc.f32 v62;
	v60 =	vcvt.f32.s32 v58;
	[tilespmem:$0x14C50] =	vst v54  }
0x42: {  	v24 =	vld [tilespmem:$0x144C0];
	v23 =	vtrunc.f32 v9;
	v63 =	vcvt.f32.s32 v61;
	[tilespmem:$0x14860] =	vst v57  }
0x43: {  	v26 =	vtrunc.f32 v12;
	v10 =	vcvt.f32.s32 v8;
	[tilespmem:$0x14C60] =	vst v60;
	v27 =	vld [tilespmem:$0x140D0]  }
0x44: {  	v29 =	vtrunc.f32 v15;
	v13 =	vcvt.f32.s32 v11;
	[tilespmem:$0x14870] =	vst v63;
	v30 =	vld [tilespmem:$0x144D0]  }
0x45: {  	v32 =	vtrunc.f32 v18;
	v16 =	vcvt.f32.s32 v14;
	[tilespmem:$0x14C70] =	vst v10;
	v33 =	vld [tilespmem:$0x140E0]  }
0x46: {  	v35 =	vtrunc.f32 v21;
	v19 =	vcvt.f32.s32 v17;
	[tilespmem:$0x14880] =	vst v13;
	v36 =	vld [tilespmem:$0x144E0]  }
0x47: {  	v38 =	vtrunc.f32 v24;
	v22 =	vcvt.f32.s32 v20;
	[tilespmem:$0x14C80] =	vst v16;
	v39 =	vld [tilespmem:$0x140F0]  }
0x48: {  	v25 =	vcvt.f32.s32 v23;
	v28 =	vcvt.f32.s32 v26;
	[tilespmem:$0x14890] =	vst v19;
	v42 =	vld [tilespmem:$0x144F0]  }
0x49: {  	v31 =	vcvt.f32.s32 v29;
	v34 =	vcvt.f32.s32 v32;
	[tilespmem:$0x14C90] =	vst v22;
	v45 =	vld [tilespmem:$0x14100]  }
0x4a: {  	v37 =	vcvt.f32.s32 v35;
	v40 =	vcvt.f32.s32 v38;
	[tilespmem:$0x148A0] =	vst v25;
	v48 =	vld [tilespmem:$0x14500]  }
0x4b: {  	[tilespmem:$0x14CA0] =	vst v28;
	v51 =	vld [tilespmem:$0x14110];
	v41 =	vtrunc.f32 v27;
	v44 =	vtrunc.f32 v30  }
0x4c: {  	[tilespmem:$0x148B0] =	vst v31;
	v54 =	vld [tilespmem:$0x14510];
	v47 =	vtrunc.f32 v33;
	v50 =	vtrunc.f32 v36  }
0x4d: {  	[tilespmem:$0x14CB0] =	vst v34;
	v57 =	vld [tilespmem:$0x14120];
	v53 =	vtrunc.f32 v39;
	v56 =	vtrunc.f32 v42  }
0x4e: {  	[tilespmem:$0x148C0] =	vst v37;
	v60 =	vld [tilespmem:$0x14520];
	v59 =	vtrunc.f32 v45;
	v43 =	vcvt.f32.s32 v41  }
0x4f: {  	[tilespmem:$0x14CC0] =	vst v40;
	v63 =	vld [tilespmem:$0x14130];
	v62 =	vtrunc.f32 v48;
	v46 =	vcvt.f32.s32 v44  }
0x50: {  	v10 =	vld [tilespmem:$0x14530];
	v9 =	vtrunc.f32 v51;
	v49 =	vcvt.f32.s32 v47;
	[tilespmem:$0x148D0] =	vst v43  }
0x51: {  	v13 =	vld [tilespmem:$0x14140];
	v12 =	vtrunc.f32 v54;
	v52 =	vcvt.f32.s32 v50;
	[tilespmem:$0x14CD0] =	vst v46  }
0x52: {  	v16 =	vld [tilespmem:$0x14540];
	v15 =	vtrunc.f32 v57;
	v55 =	vcvt.f32.s32 v53;
	[tilespmem:$0x148E0] =	vst v49  }
0x53: {  	v19 =	vld [tilespmem:$0x14150];
	v18 =	vtrunc.f32 v60;
	v58 =	vcvt.f32.s32 v56;
	[tilespmem:$0x14CE0] =	vst v52  }
0x54: {  	v22 =	vld [tilespmem:$0x14550];
	v21 =	vtrunc.f32 v63;
	v61 =	vcvt.f32.s32 v59;
	[tilespmem:$0x148F0] =	vst v55  }
0x55: {  	v25 =	vld [tilespmem:$0x14160];
	v24 =	vtrunc.f32 v10;
	v8 =	vcvt.f32.s32 v62;
	[tilespmem:$0x14CF0] =	vst v58  }
0x56: {  	v28 =	vld [tilespmem:$0x14560];
	v27 =	vtrunc.f32 v13;
	v11 =	vcvt.f32.s32 v9;
	[tilespmem:$0x14900] =	vst v61  }
0x57: {  	v31 =	vld [tilespmem:$0x14170];
	v30 =	vtrunc.f32 v16;
	v14 =	vcvt.f32.s32 v12;
	[tilespmem:$0x14D00] =	vst v8  }
0x58: {  	v34 =	vld [tilespmem:$0x14570];
	v33 =	vtrunc.f32 v19;
	v17 =	vcvt.f32.s32 v15;
	[tilespmem:$0x14910] =	vst v11  }
0x59: {  	v37 =	vld [tilespmem:$0x14180];
	v36 =	vtrunc.f32 v22;
	v20 =	vcvt.f32.s32 v18;
	[tilespmem:$0x14D10] =	vst v14  }
0x5a: {  	v40 =	vld [tilespmem:$0x14580];
	v39 =	vtrunc.f32 v25;
	v23 =	vcvt.f32.s32 v21;
	[tilespmem:$0x14920] =	vst v17  }
0x5b: {  	v42 =	vtrunc.f32 v28;
	v26 =	vcvt.f32.s32 v24;
	v9 =	vld [tilespmem:$0x145C0];
	[tilespmem:$0x14D20] =	vst v20  }
0x5c: {  	v45 =	vtrunc.f32 v31;
	v29 =	vcvt.f32.s32 v27;
	v12 =	vld [tilespmem:$0x141D0];
	[tilespmem:$0x14930] =	vst v23  }
0x5d: {  	v48 =	vtrunc.f32 v34;
	v32 =	vcvt.f32.s32 v30;
	v15 =	vld [tilespmem:$0x145D0];
	[tilespmem:$0x14D30] =	vst v26  }
0x5e: {  	v51 =	vtrunc.f32 v37;
	v35 =	vcvt.f32.s32 v33;
	v18 =	vld [tilespmem:$0x141E0];
	[tilespmem:$0x14940] =	vst v29  }
0x5f: {  	v54 =	vtrunc.f32 v40;
	v38 =	vcvt.f32.s32 v36;
	v21 =	vld [tilespmem:$0x145E0];
	[tilespmem:$0x14D40] =	vst v32  }
0x60: {  	v41 =	vcvt.f32.s32 v39;
	v44 =	vcvt.f32.s32 v42;
	v24 =	vld [tilespmem:$0x141F0];
	[tilespmem:$0x14950] =	vst v35  }
0x61: {  	v47 =	vcvt.f32.s32 v45;
	v50 =	vcvt.f32.s32 v48;
	v27 =	vld [tilespmem:$0x145F0];
	[tilespmem:$0x14D50] =	vst v38  }
0x62: {  	v53 =	vcvt.f32.s32 v51;
	v56 =	vcvt.f32.s32 v54;
	v30 =	vld [tilespmem:$0x14200];
	[tilespmem:$0x14960] =	vst v41  }
0x63: {  	v33 =	vld [tilespmem:$0x14600];
	[tilespmem:$0x14D60] =	vst v44;
	v23 =	vtrunc.f32 v9;
	v26 =	vtrunc.f32 v12  }
0x64: {  	v36 =	vld [tilespmem:$0x14210];
	[tilespmem:$0x14970] =	vst v47;
	v29 =	vtrunc.f32 v15;
	v32 =	vtrunc.f32 v18  }
0x65: {  	v39 =	vld [tilespmem:$0x14610];
	[tilespmem:$0x14D70] =	vst v50;
	v35 =	vtrunc.f32 v21;
	v38 =	vtrunc.f32 v24  }
0x66: {  	v42 =	vld [tilespmem:$0x14220];
	[tilespmem:$0x14980] =	vst v53;
	v41 =	vtrunc.f32 v27;
	v25 =	vcvt.f32.s32 v23  }
0x67: {  	v43 =	vld [tilespmem:$0x14190];
	[tilespmem:$0x14D80] =	vst v56;
	v44 =	vtrunc.f32 v30;
	v28 =	vcvt.f32.s32 v26  }
0x68: {  	v46 =	vld [tilespmem:$0x14590];
	v47 =	vtrunc.f32 v33;
	v31 =	vcvt.f32.s32 v29;
	[tilespmem:$0x14DC0] =	vst v25  }
0x69: {  	v49 =	vld [tilespmem:$0x141A0];
	v50 =	vtrunc.f32 v36;
	v34 =	vcvt.f32.s32 v32;
	[tilespmem:$0x149D0] =	vst v28  }
0x6a: {  	v52 =	vld [tilespmem:$0x145A0];
	v53 =	vtrunc.f32 v39;
	v37 =	vcvt.f32.s32 v35;
	[tilespmem:$0x14DD0] =	vst v31  }
0x6b: {  	v55 =	vld [tilespmem:$0x141B0];
	v56 =	vtrunc.f32 v42;
	v40 =	vcvt.f32.s32 v38;
	[tilespmem:$0x149E0] =	vst v34  }
0x6c: {  	v58 =	vld [tilespmem:$0x145B0];
	v57 =	vtrunc.f32 v43;
	v43 =	vcvt.f32.s32 v41;
	[tilespmem:$0x14DE0] =	vst v37  }
0x6d: {  	v60 =	vtrunc.f32 v46;
	v46 =	vcvt.f32.s32 v44;
	[tilespmem:$0x149F0] =	vst v40  }
0x6e: {  	v63 =	vtrunc.f32 v49;
	v49 =	vcvt.f32.s32 v47;
	[tilespmem:$0x14DF0] =	vst v43  }
0x6f: {  	v11 =	vtrunc.f32 v52;
	v52 =	vcvt.f32.s32 v50;
	[tilespmem:$0x14A00] =	vst v46  }
0x70: {  	v61 =	vld [tilespmem:$0x141C0];
	v14 =	vtrunc.f32 v55;
	v55 =	vcvt.f32.s32 v53;
	[tilespmem:$0x14E00] =	vst v49  }
0x71: {  	v45 =	vld [tilespmem:$0x14620];
	v17 =	vtrunc.f32 v58;
	v58 =	vcvt.f32.s32 v56;
	[tilespmem:$0x14A10] =	vst v52  }
0x72: {  	v48 =	vld [tilespmem:$0x14230];
	v59 =	vcvt.f32.s32 v57;
	[tilespmem:$0x14E10] =	vst v55  }
0x73: {  	v51 =	vld [tilespmem:$0x14630];
	v62 =	vcvt.f32.s32 v60;
	[tilespmem:$0x14A20] =	vst v58  }
0x74: {  	v54 =	vld [tilespmem:$0x14240];
	v10 =	vcvt.f32.s32 v63;
	[tilespmem:$0x14990] =	vst v59  }
0x75: {  	v23 =	vld [tilespmem:$0x14280];
	v20 =	vtrunc.f32 v61;
	v13 =	vcvt.f32.s32 v11;
	[tilespmem:$0x14D90] =	vst v62  }
0x76: {  	v26 =	vld [tilespmem:$0x14680];
	v16 =	vcvt.f32.s32 v14;
	v19 =	vcvt.f32.s32 v17;
	[tilespmem:$0x149A0] =	vst v10  }
0x77: {  	v29 =	vld [tilespmem:$0x14290];
	v22 =	vcvt.f32.s32 v20;
	[tilespmem:$0x14DA0] =	vst v13;
	v59 =	vtrunc.f32 v45  }
0x78: {  	v32 =	vld [tilespmem:$0x14690];
	[tilespmem:$0x149B0] =	vst v16;
	v62 =	vtrunc.f32 v48;
	v10 =	vtrunc.f32 v51  }
0x79: {  	v35 =	vld [tilespmem:$0x142A0];
	[tilespmem:$0x14DB0] =	vst v19;
	v13 =	vtrunc.f32 v54;
	v61 =	vcvt.f32.s32 v59  }
0x7a: {  	v38 =	vld [tilespmem:$0x146A0];
	[tilespmem:$0x149C0] =	vst v22;
	v9 =	vcvt.f32.s32 v62;
	v12 =	vcvt.f32.s32 v10  }
0x7b: {  	v41 =	vld [tilespmem:$0x142B0];
	v15 =	vcvt.f32.s32 v13;
	v37 =	vtrunc.f32 v23;
	[tilespmem:$0x14E20] =	vst v61  }
0x7c: {  	v44 =	vld [tilespmem:$0x146B0];
	v40 =	vtrunc.f32 v26;
	v43 =	vtrunc.f32 v29;
	[tilespmem:$0x14A30] =	vst v9  }
0x7d: {  	v50 =	vld [tilespmem:$0x146C0];
	v46 =	vtrunc.f32 v32;
	v39 =	vcvt.f32.s32 v37;
	[tilespmem:$0x14E30] =	vst v12  }
0x7e: {  	v57 =	vld [tilespmem:$0x14640];
	v49 =	vtrunc.f32 v35;
	v42 =	vcvt.f32.s32 v40;
	[tilespmem:$0x14A40] =	vst v15  }
0x7f: {  	v60 =	vld [tilespmem:$0x14250];
	v52 =	vtrunc.f32 v38;
	v45 =	vcvt.f32.s32 v43;
	[tilespmem:$0x14A80] =	vst v39  }
0x80: {  	v48 =	vcvt.f32.s32 v46;
	v51 =	vcvt.f32.s32 v49;
	[tilespmem:$0x14E80] =	vst v42  }
0x81: {  	v54 =	vcvt.f32.s32 v52;
	v55 =	vtrunc.f32 v41;
	[tilespmem:$0x14A90] =	vst v45  }
0x82: {  	v63 =	vld [tilespmem:$0x14650];
	v58 =	vtrunc.f32 v44;
	v8 =	vtrunc.f32 v50;
	[tilespmem:$0x14E90] =	vst v48  }
0x83: {  	v11 =	vld [tilespmem:$0x14260];
	v16 =	vtrunc.f32 v57;
	v57 =	vcvt.f32.s32 v55;
	[tilespmem:$0x14AA0] =	vst v51  }
0x84: {  	v14 =	vld [tilespmem:$0x14660];
	v19 =	vtrunc.f32 v60;
	v60 =	vcvt.f32.s32 v58;
	[tilespmem:$0x14EA0] =	vst v54  }
0x85: {  	v17 =	vld [tilespmem:$0x14270];
	v10 =	vcvt.f32.s32 v8;
	[tilespmem:$0x14AB0] =	vst v57  }
0x86: {  	v20 =	vld [tilespmem:$0x14670];
	v18 =	vcvt.f32.s32 v16;
	[tilespmem:$0x14EB0] =	vst v60  }
0x87: {  	v47 =	vld [tilespmem:$0x142C0];
	v22 =	vtrunc.f32 v63;
	v21 =	vcvt.f32.s32 v19;
	[tilespmem:$0x14EC0] =	vst v10  }
0x88: {  	v53 =	vld [tilespmem:$0x142D0];
	v25 =	vtrunc.f32 v11;
	v24 =	vcvt.f32.s32 v22;
	[tilespmem:$0x14E40] =	vst v18  }
0x89: {  	v56 =	vld [tilespmem:$0x146D0];
	v28 =	vtrunc.f32 v14;
	v27 =	vcvt.f32.s32 v25;
	[tilespmem:$0x14A50] =	vst v21  }
0x8a: {  	v59 =	vld [tilespmem:$0x142E0];
	v31 =	vtrunc.f32 v17;
	v30 =	vcvt.f32.s32 v28;
	[tilespmem:$0x14E50] =	vst v24  }
0x8b: {  	v62 =	vld [tilespmem:$0x146E0];
	v34 =	vtrunc.f32 v20;
	v33 =	vcvt.f32.s32 v31;
	[tilespmem:$0x14A60] =	vst v27  }
0x8c: {  	v61 =	vtrunc.f32 v47;
	v9 =	vld [tilespmem:$0x142F0];
	v36 =	vcvt.f32.s32 v34;
	[tilespmem:$0x14E60] =	vst v30  }
0x8d: {  	v11 =	vtrunc.f32 v53;
	v12 =	vld [tilespmem:$0x146F0];
	v63 =	vcvt.f32.s32 v61;
	[tilespmem:$0x14A70] =	vst v33  }
0x8e: {  	v14 =	vtrunc.f32 v56;
	v15 =	vld [tilespmem:$0x14300];
	v13 =	vcvt.f32.s32 v11;
	[tilespmem:$0x14E70] =	vst v36  }
0x8f: {  	v16 =	vcvt.f32.s32 v14;
	v39 =	vld [tilespmem:$0x14340];
	[tilespmem:$0x14AC0] =	vst v63;
	v17 =	vtrunc.f32 v59  }
0x90: {  	v42 =	vld [tilespmem:$0x14740];
	[tilespmem:$0x14AD0] =	vst v13;
	v20 =	vtrunc.f32 v62;
	v19 =	vcvt.f32.s32 v17  }
0x91: {  	v45 =	vld [tilespmem:$0x14350];
	[tilespmem:$0x14ED0] =	vst v16;
	v22 =	vcvt.f32.s32 v20;
	v23 =	vtrunc.f32 v9  }
0x92: {  	v48 =	vld [tilespmem:$0x14750];
	v26 =	vtrunc.f32 v12;
	[tilespmem:$0x14AE0] =	vst v19;
	v25 =	vcvt.f32.s32 v23  }
0x93: {  	v51 =	vld [tilespmem:$0x14360];
	v29 =	vtrunc.f32 v15;
	[tilespmem:$0x14EE0] =	vst v22;
	v28 =	vcvt.f32.s32 v26  }
0x94: {  	v54 =	vld [tilespmem:$0x14760];
	v31 =	vcvt.f32.s32 v29;
	v53 =	vtrunc.f32 v39;
	[tilespmem:$0x14AF0] =	vst v25  }
0x95: {  	v57 =	vld [tilespmem:$0x14370];
	v56 =	vtrunc.f32 v42;
	v55 =	vcvt.f32.s32 v53;
	[tilespmem:$0x14EF0] =	vst v28  }
0x96: {  	v18 =	vld [tilespmem:$0x14700];
	v59 =	vtrunc.f32 v45;
	v58 =	vcvt.f32.s32 v56;
	[tilespmem:$0x14B00] =	vst v31  }
0x97: {  	v21 =	vld [tilespmem:$0x14310];
	v62 =	vtrunc.f32 v48;
	v61 =	vcvt.f32.s32 v59;
	[tilespmem:$0x14B40] =	vst v55  }
0x98: {  	v24 =	vld [tilespmem:$0x14710];
	v9 =	vtrunc.f32 v51;
	v8 =	vcvt.f32.s32 v62;
	[tilespmem:$0x14F40] =	vst v58  }
0x99: {  	v27 =	vld [tilespmem:$0x14320];
	v12 =	vtrunc.f32 v54;
	v11 =	vcvt.f32.s32 v9;
	[tilespmem:$0x14B50] =	vst v61  }
0x9a: {  	v30 =	vld [tilespmem:$0x14720];
	v14 =	vcvt.f32.s32 v12;
	v15 =	vtrunc.f32 v57;
	[tilespmem:$0x14F50] =	vst v8  }
0x9b: {  	v33 =	vld [tilespmem:$0x14330];
	v32 =	vtrunc.f32 v18;
	v17 =	vcvt.f32.s32 v15;
	[tilespmem:$0x14B60] =	vst v11  }
0x9c: {  	v36 =	vld [tilespmem:$0x14730];
	v35 =	vtrunc.f32 v21;
	v34 =	vcvt.f32.s32 v32;
	[tilespmem:$0x14F60] =	vst v14  }
0x9d: {  	v60 =	vld [tilespmem:$0x14770];
	v38 =	vtrunc.f32 v24;
	v37 =	vcvt.f32.s32 v35;
	[tilespmem:$0x14B70] =	vst v17  }
0x9e: {  	v63 =	vld [tilespmem:$0x14380];
	v41 =	vtrunc.f32 v27;
	v40 =	vcvt.f32.s32 v38;
	[tilespmem:$0x14F00] =	vst v34  }
0x9f: {  	v10 =	vld [tilespmem:$0x14780];
	v44 =	vtrunc.f32 v30;
	v43 =	vcvt.f32.s32 v41;
	[tilespmem:$0x14B10] =	vst v37  }
0xa0: {  	v13 =	vld [tilespmem:$0x14390];
	v47 =	vtrunc.f32 v33;
	v46 =	vcvt.f32.s32 v44;
	[tilespmem:$0x14F10] =	vst v40  }
0xa1: {  	v16 =	vld [tilespmem:$0x14790];
	v50 =	vtrunc.f32 v36;
	v49 =	vcvt.f32.s32 v47;
	[tilespmem:$0x14B20] =	vst v43  }
0xa2: {  	v19 =	vld [tilespmem:$0x143A0];
	v18 =	vtrunc.f32 v60;
	v52 =	vcvt.f32.s32 v50;
	[tilespmem:$0x14F20] =	vst v46  }
0xa3: {  	v22 =	vld [tilespmem:$0x147A0];
	v21 =	vtrunc.f32 v63;
	v20 =	vcvt.f32.s32 v18;
	[tilespmem:$0x14B30] =	vst v49  }
0xa4: {  	v24 =	vtrunc.f32 v10;
	v25 =	vld [tilespmem:$0x143B0];
	v23 =	vcvt.f32.s32 v21;
	[tilespmem:$0x14F30] =	vst v52  }
0xa5: {  	v27 =	vtrunc.f32 v13;
	v28 =	vld [tilespmem:$0x147B0];
	v26 =	vcvt.f32.s32 v24;
	[tilespmem:$0x14F70] =	vst v20  }
0xa6: {  	v30 =	vtrunc.f32 v16;
	v31 =	vld [tilespmem:$0x143C0];
	v29 =	vcvt.f32.s32 v27;
	[tilespmem:$0x14B80] =	vst v23  }
0xa7: {  	v32 =	vcvt.f32.s32 v30;
	[tilespmem:$0x14F80] =	vst v26;
	v33 =	vtrunc.f32 v19;
	v34 =	vld [tilespmem:$0x147C0]  }
0xa8: {  	[tilespmem:$0x14B90] =	vst v29;
	v36 =	vtrunc.f32 v22;
	v37 =	vld [tilespmem:$0x143D0];
	v35 =	vcvt.f32.s32 v33  }
0xa9: {  	[tilespmem:$0x14F90] =	vst v32;
	v40 =	vld [tilespmem:$0x147D0];
	v38 =	vcvt.f32.s32 v36;
	v39 =	vtrunc.f32 v25  }
0xaa: {  	v43 =	vld [tilespmem:$0x143E0];
	v42 =	vtrunc.f32 v28;
	[tilespmem:$0x14BA0] =	vst v35;
	v41 =	vcvt.f32.s32 v39  }
0xab: {  	v46 =	vld [tilespmem:$0x147E0];
	v45 =	vtrunc.f32 v31;
	[tilespmem:$0x14FA0] =	vst v38;
	v44 =	vcvt.f32.s32 v42  }
0xac: {  	v49 =	vld [tilespmem:$0x143F0];
	v47 =	vcvt.f32.s32 v45;
	[tilespmem:$0x14BB0] =	vst v41;
	v48 =	vtrunc.f32 v34  }
0xad: {  	v52 =	vld [tilespmem:$0x147F0];
	[tilespmem:$0x14FB0] =	vst v44;
	v51 =	vtrunc.f32 v37;
	v50 =	vcvt.f32.s32 v48  }
0xae: {  	[tilespmem:$0x14BC0] =	vst v47;
	v54 =	vtrunc.f32 v40;
	v53 =	vcvt.f32.s32 v51  }
0xaf: {  	v56 =	vtrunc.f32 v43;
	v55 =	vcvt.f32.s32 v54;
	[tilespmem:$0x14FC0] =	vst v50  }
0xb0: {  	v58 =	vtrunc.f32 v46;
	v57 =	vcvt.f32.s32 v56;
	[tilespmem:$0x14BD0] =	vst v53  }
0xb1: {  	v60 =	vtrunc.f32 v49;
	v59 =	vcvt.f32.s32 v58;
	[tilespmem:$0x14FD0] =	vst v55  }
0xb2: {  	v62 =	vtrunc.f32 v52;
	v61 =	vcvt.f32.s32 v60;
	[tilespmem:$0x14BE0] =	vst v57  }
0xb3: {  	v63 =	vcvt.f32.s32 v62;
	[tilespmem:$0x14FE0] =	vst v59  }
0xb4: {  	[tilespmem:$0x14BF0] =	vst v61  }
0xb5: {  	[tilespmem:$0x14FF0] =	vst v63  }
0xb6: {  	[tilespmem:s15], [sflag:$0x1] =	stream.indirect.gather [hbm4b:s4+s13], $0x80, s14, s13, $0xb8;
	[tilespmem:$0x1D000] =	vst v63  }
0xb7: {  	_ = 	snop  }
0xb8: {  	[tilespmem:s17], [sflag:$0x2] =	stream.indirect.gather [hbm4b:s4+s13], $0x80, s16, s13, $0xb8;
	[tilespmem:$0x1D000] =	vst v63  }
0xb9: {  	_ =	swait.ge [sflag:s18], $0x4000  }
0xba: {  	[sflag:s18] =	ssyncset.done $0x0  }
0xbb: {  	[sflag:s18] =	ssyncadd.s32 $0xFFFFC000  }
0xbc: {  	[spmem:s2] =	stream.indirect.scatter.add.f32 [tilespmem:s15], [sflag:$0x3], $0x80, s19, s13, $0xb8;
	[tilespmem:$0x1D000] =	vst v63  }
0xbd: {  	_ =	swait.ge [sflag:s10], $0x4000  }
0xbe: {  	[sflag:s10] =	ssyncset.done $0x0  }
0xbf: {  	[sflag:s10] =	ssyncadd.s32 $0xFFFFC000  }
0xc0: {  	[tilespmem:s15], [sflag:$0x1] =	stream.indirect.gather [hbm4b:s4+s13], $0x80, s20, s13, $0xb8;
	[tilespmem:$0x1D000] =	vst v63  }
0xc1: {  	_ =	swait.ge [sflag:s21], $0x4000  }
0xc2: {  	[sflag:s21] =	ssyncset.done $0x0  }
0xc3: {  	[sflag:s21] =	ssyncadd.s32 $0xFFFFC000  }
0xc4: {  	[spmem:s2] =	stream.indirect.scatter.add.f32 [tilespmem:s17], [sflag:$0x3], $0x80, s22, s13, $0xb8;
	[tilespmem:$0x1D000] =	vst v63  }
0xc5: {  	_ =	swait.ge [sflag:s10], $0x4000  }
0xc6: {  	[sflag:s10] =	ssyncset.done $0x0  }
0xc7: {  	[sflag:s10] =	ssyncadd.s32 $0xFFFFC000  }
0xc8: {  	[tilespmem:s17], [sflag:$0x2] =	stream.indirect.gather [hbm4b:s4+s13], $0x80, s23, s13, $0xb8;
	[tilespmem:$0x1D000] =	vst v63  }
0xc9: {  	_ =	swait.ge [sflag:s18], $0x4000  }
0xca: {  	[sflag:s18] =	ssyncset.done $0x0  }
0xcb: {  	[sflag:s18] =	ssyncadd.s32 $0xFFFFC000  }
0xcc: {  	[spmem:s2] =	stream.indirect.scatter.add.f32 [tilespmem:s15], [sflag:$0x3], $0x80, s24, s13, $0xb8;
	[tilespmem:$0x1D000] =	vst v63  }
0xcd: {  	_ =	swait.ge [sflag:s10], $0x4000  }
0xce: {  	[sflag:s10] =	ssyncset.done $0x0  }
0xcf: {  	[sflag:s10] =	ssyncadd.s32 $0xFFFFC000  }
0xd0: {  	[tilespmem:s15], [sflag:$0x1] =	stream.indirect.gather [hbm4b:s4+s13], $0x80, s25, s13, $0xb8;
	[tilespmem:$0x1D000] =	vst v63  }
0xd1: {  	_ =	swait.ge [sflag:s21], $0x4000  }
0xd2: {  	[sflag:s21] =	ssyncset.done $0x0  }
0xd3: {  	[sflag:s21] =	ssyncadd.s32 $0xFFFFC000  }
0xd4: {  	[spmem:s2] =	stream.indirect.scatter.add.f32 [tilespmem:s17], [sflag:$0x3], $0x80, s26, s13, $0xb8;
	[tilespmem:$0x1D000] =	vst v63  }
0xd5: {  	_ =	swait.ge [sflag:s10], $0x4000  }
0xd6: {  	[sflag:s10] =	ssyncset.done $0x0  }
0xd7: {  	[sflag:s10] =	ssyncadd.s32 $0xFFFFC000  }
0xd8: {  	[tilespmem:s17], [sflag:$0x2] =	stream.indirect.gather [hbm4b:s4+s13], $0x80, s28, s13, $0xb8;
	[tilespmem:$0x1D000] =	vst v63  }
0xd9: {  	_ =	swait.ge [sflag:s18], $0x4000  }
0xda: {  	[sflag:s18] =	ssyncset.done $0x0  }
0xdb: {  	[sflag:s18] =	ssyncadd.s32 $0xFFFFC000  }
0xdc: {  	[spmem:s2] =	stream.indirect.scatter.add.f32 [tilespmem:s15], [sflag:$0x3], $0x80, s29, s13, $0xb8;
	[tilespmem:$0x1D000] =	vst v63  }
0xdd: {  	_ =	swait.ge [sflag:s10], $0x4000  }
0xde: {  	[sflag:s10] =	ssyncset.done $0x0  }
0xdf: {  	[sflag:s10] =	ssyncadd.s32 $0xFFFFC000  }
0xe0: {  	[tilespmem:s15], [sflag:$0x1] =	stream.indirect.gather [hbm4b:s4+s13], $0x80, s30, s13, $0xb8;
	[tilespmem:$0x1D000] =	vst v63  }
0xe1: {  	_ =	swait.ge [sflag:s21], $0x4000  }
0xe2: {  	[sflag:s21] =	ssyncset.done $0x0  }
0xe3: {  	[sflag:s21] =	ssyncadd.s32 $0xFFFFC000  }
0xe4: {  	[spmem:s2] =	stream.indirect.scatter.add.f32 [tilespmem:s17], [sflag:$0x3], $0x80, s31, s13, $0xb8;
	[tilespmem:$0x1D000] =	vst v63  }
0xe5: {  	_ =	swait.ge [sflag:s10], $0x4000  }
0xe6: {  	[sflag:s10] =	ssyncset.done $0x0  }
0xe7: {  	[sflag:s10] =	ssyncadd.s32 $0xFFFFC000  }
0xe8: {  	[tilespmem:s17], [sflag:$0x2] =	stream.indirect.gather [hbm4b:s4+s13], $0x80, s0, s13, $0xb8;
	[tilespmem:$0x1D000] =	vst v63  }
0xe9: {  	_ =	swait.ge [sflag:s18], $0x4000  }
0xea: {  	[sflag:s18] =	ssyncset.done $0x0  }
0xeb: {  	[sflag:s18] =	ssyncadd.s32 $0xFFFFC000  }
0xec: {  	[spmem:s2] =	stream.indirect.scatter.add.f32 [tilespmem:s15], [sflag:$0x3], $0x80, s1, s13, $0xb8;
	[tilespmem:$0x1D000] =	vst v63  }
0xed: {  	_ =	swait.ge [sflag:s10], $0x4000  }
0xee: {  	[sflag:s10] =	ssyncset.done $0x0  }
0xef: {  	[sflag:s10] =	ssyncadd.s32 $0xFFFFC000  }
0xf0: {  	_ =	swait.ge [sflag:s21], $0x4000  }
0xf1: {  	p0 =	sne.s32 s8, $0x480;
	[sflag:s21] =	ssyncset.done $0x0  }
.Ltmp0:
0xf2: {  	[sflag:s21] =	ssyncadd.s32 $0xFFFFC000;
	(pc) =	sbr.rel @p0 .LBB2_2-.Ltmp0, $4  }
0xf3: {  	[spmem:s2] =	stream.indirect.scatter.add.f32 [tilespmem:s17], [sflag:$0x3], $0x80, s5, s13, $0xb8;
	[tilespmem:$0x1D000] =	vst v63  }
0xf4: {  	_ =	swait.ge [sflag:s10], $0x4000  }
0xf5: {  	[sflag:s10] =	ssyncset.done $0x0  }
0xf6: {  	s8 =	sadd.s32 $0x80, s8;
	[sflag:s10] =	ssyncadd.s32 $0xFFFFC000  }
0xf7: {  	[bflag:$0x0] =	sbarrier.arrive $0xFFFF  }
0xf8: {  	s8 =	rddreg [dreg:$0x9]  }
0xf9: {  	s6 =	rddreg [dreg:$0x7]  }
0xfa: {  	s9 =	rddreg [dreg:$0xa]  }
0xfb: {  	[hbm:s6], [sflag:s8] =	dma.local [spmem:s9], $0x2800  }
0xfc: {  	_ =	swait.ge [sflag:s10], $0x2800  }
0xfd: {  	s7 =	sadd.s32 $0x1, s7;
	s6 =	rddreg [dreg:$0x8]  }
0xfe: {  	p0 =	sne.s32 s7, s6  }
.Ltmp1:
0xff: {  	_ = 	snop;
	(pc) =	sbr.rel @p0 .LBB2_1-.Ltmp1, $3  }
0x100: {  	_ =	sdelay $0x1  }
0x101: {  	[sflag:s10] =	ssyncset.done $0x0  }
0x102: {  	[sflag:s10] =	ssyncadd.s32 $0xFFFFD800  }
0x103: {  	_ =	sfence.sel $0x180000  }
0x104: {  	[bflag:$0x0] =	sbarrier.arrive $0xFFFF  }
0x105: {  	_ =	strace $0x9000004D  }
0x106: {  	s0 =	stileid.u32;
	[bflag:$0x2] =	sbarrier.arrive $0xFFFF  }
0x107: {  	p0 =	sne.s32 s0, $0x0;
	s0 =	rddreg [dreg:$0x3]  }
0x108: {  	s0 =	sadd.s32 @!p0 $0x100000, s0  }
0x109: {  	[sflag:s0] =	ssyncadd.tile.s32 @!p0 $0x1;
	_ =	shalt  }
.Lfunc_end2:
_tile_overlayer_lowered:
.L_overlay_start_2:
0x10a: {  	(tag) =	ssettag $0x2  }
0x10b: {  	s0 =	rddreg [dreg:$0x0];
	s2 =	stileid.u32  }
0x10c: {  	s1 =	rddreg [dreg:$0x1];
	p0 =	sne.s32 s2, $0x0  }
0x10d: {  	s3 =	rddreg [dreg:$0x2];
	[bflag:$0x3] =	sbarrier.arrive $0xFFFF;
	s2 =	simm.s32 @!p0 $0x1C03  }
0x10e: {  	[timem:s3], [sflag:s2] =	dma.local @!p0 [hbm:s0], s1  }
0x10f: {  	s0 =	simm.s32 @!p0 $0x3  }
0x110: {  	_ =	swait.ge @!p0 [sflag:s0], s1  }
0x111: {  	s1 =	ssub.s32 @!p0 $0x0, s1;
	[sflag:s0] =	ssyncset.done @!p0 $0x0  }
0x112: {  	[sflag:s0] =	ssyncadd.s32 @!p0 s1  }
0x113: {  	[bflag:$0x3] =	sbarrier.arrive $0xFFFF  }
0x114: {  	_ =	shalt  }

// kernel: kernel.7.cloned.1.call-start
scs
__scs_entry_jumppad:
0x0: {  	(pc) =	sbr.rel $0x88, $3  }
0x1: {  	(tag) =	ssettag $0x0;
	lr =	simm.s32 $0x1  }
0x2: {  	[smem:$0x3F99] =	sst lr;
	_ =	strace $0xD0000000  }
0x3: {  	_ = 	snop  }
0x4: {  	_ = 	snop  }
0x5: {  	_ = 	snop  }
0x6: {  	_ = 	snop  }
0x7: {  	_ = 	snop  }
__scs_overlays_trampoline_lowered:
0x8: {  	[smem:$0x3FA8] =	sst s0  }
0x9: {  	[smem:$0x3FA9] =	sst s1  }
0xa: {  	[smem:$0x3FAA] =	sst s2  }
0xb: {  	[smem:$0x3FAB] =	sst s3  }
0xc: {  	[smem:$0x3FAC] =	sst s4  }
0xd: {  	[smem:$0x3FAD] =	sst s5  }
0xe: {  	[smem:$0x3FAE] =	sst s6  }
0xf: {  	[smem:$0x3FAF] =	sst s7  }
0x10: {  	[smem:$0x3FB0] =	sst s8  }
0x11: {  	[smem:$0x3FB1] =	sst s9;
	s0 =	simm.s32 @!p0 $0x0  }
0x12: {  	s1 =	sld [smem:$0x3F97];
	s0 =	simm.s32 @p0 $0x1  }
0x13: {  	[smem:$0x3FB2] =	sst s0;
	s0 =	simm.s32 @!p1 $0x0  }
0x14: {  	s2 =	sld [smem:$0x3F96];
	s0 =	simm.s32 @p1 $0x1  }
0x15: {  	[smem:$0x3FB3] =	sst s0;
	s0 =	simm.s32 @!p2 $0x0  }
0x16: {  	s3 =	sld [smem:$0x3FDB];
	s0 =	simm.s32 @p2 $0x1  }
0x17: {  	s4 =	simm.s32 $0x1BF5;
	[smem:$0x3FB5] =	sst s0  }
0x18: {  	s0 =	sld [smem:$0x3F98];
	_ =	swait.ge [sflag:s4], $0x0  }
0x19: {  	s7 =	sld [smem:$0x3F99]  }
0x1a: {  	s8 =	sadd.s32 $0xFFFFE003, lr  }
0x1b: {  	s9 =	sadd.s32 $0xFFFFFEF7, lr;
	s5 =	simm.s32 $0xFFFFFFFF;
	p2 =	slt.u32 s8, $0xFFFFF086  }
0x1c: {  	p1 =	slt.u32 s9, $0xF7A;
	s5 =	simm.s32 @!p2 $0x0  }
0x1d: {  	s5 =	simm.s32 @p1 $0x1;
	p0 =	seq.s32 s7, s2  }
0x1e: {  	s7 =	smul.u32 @!p0 $0xF7A, s2;
	p2 =	seq.s32 @!p0 s5, $0x0  }
0x1f: {  	s9 =	smul.u32 $0xF7A, s1;
	s8 =	simm.s32 @!p0 $0x1BF5;
	p2 =	por !p2, p0  }
0x20: {  	[sflag:s8] =	ssyncset.s32 @!p0 $0xFFFFF086;
	s6 =	sadd.s32 @!p0 s3, s7;
	s7 =	simm.s32 @!p0 $0x108  }
0x21: {  	s3 =	sadd.s32 s3, s9;
	s6 =	sadd.s32 @!p0 $0x88, s6;
	s7 =	simm.s32 @p2 $0x1082  }
0x22: {  	[simem:s7], [sflag:s8] =	dma.local @!p0 [hbm:s6], $0xF7A  }
0x23: {  	s9 =	sor.u32 $0xD0000000, s2;
	s6 =	simm.s32 $0x108;
	_ =	swait.ge @!p0 [sflag:s8], $0x0  }
0x24: {  	s3 =	sadd.s32 $0x88, s3;
	s6 =	simm.s32 @!p1 $0x1082;
	[sflag:s4] =	ssyncset.s32 $0xFFFFF086  }
0x25: {  	[simem:s6], [sflag:s4] =	dma.local [hbm:s3], $0xF7A  }
0x26: {  	[smem:$0x3F99] =	sst s1;
	(tag) =	ssettag s2;
	_ =	strace s9  }
0x27: {  	s1 =	sld [smem:$0x3FA9]  }
0x28: {  	s2 =	sld [smem:$0x3FAA]  }
0x29: {  	s4 =	sld [smem:$0x3FAC]  }
0x2a: {  	p0 =	seq.s32 s5, $0x0;
	s5 =	sld [smem:$0x3FAD]  }
0x2b: {  	s6 =	sld [smem:$0x3FAE]  }
0x2c: {  	s7 =	sld [smem:$0x3FAF]  }
0x2d: {  	s3 =	simm.s32 $0x108;
	s8 =	sld [smem:$0x3FB0]  }
0x2e: {  	s3 =	simm.s32 @!p0 $0x1082;
	s9 =	sld [smem:$0x3FB1]  }
0x2f: {  	lr =	sadd.s32 s0, s3;
	s0 =	sld [smem:$0x3FA8]  }
0x30: {  	s3 =	sld [smem:$0x3FAB]  }
0x31: {  	[smem:$0x3FB4] =	sst s10  }
0x32: {  	s10 =	sld [smem:$0x3FB2];
	_ =	sdelay $0x3  }
0x33: {  	p0 =	seq.s32 s10, $0x1;
	s10 =	sld [smem:$0x3FB4];
	_ =	sdelay $0x3  }
0x34: {  	[smem:$0x3FB4] =	sst s10  }
0x35: {  	s10 =	sld [smem:$0x3FB3];
	_ =	sdelay $0x3  }
0x36: {  	p1 =	seq.s32 s10, $0x1;
	s10 =	sld [smem:$0x3FB4];
	_ =	sdelay $0x3  }
0x37: {  	[smem:$0x3FB4] =	sst s10  }
0x38: {  	s10 =	sld [smem:$0x3FB5]  }
0x39: {  	_ = 	snop;
	(pc) =	sbr.ind lr, $3  }
0x3a: {  	_ = 	snop  }
0x3b: {  	_ = 	snop  }
0x3c: {  	p2 =	seq.s32 s10, $0x1;
	s10 =	sld [smem:$0x3FB4]  }
0x3d: {  	_ =	shalt  }
0x3e: {  	_ =	shalt  }
0x3f: {  	_ =	shalt  }
0x40: {  	_ =	shalt  }
0x41: {  	_ =	shalt  }
0x42: {  	_ =	shalt  }
0x43: {  	_ =	shalt  }
0x44: {  	_ =	shalt  }
0x45: {  	_ =	shalt  }
0x46: {  	_ =	shalt  }
0x47: {  	_ =	shalt  }
0x48: {  	_ =	shalt  }
0x49: {  	_ =	shalt  }
0x4a: {  	_ =	shalt  }
0x4b: {  	_ =	shalt  }
0x4c: {  	_ =	shalt  }
0x4d: {  	_ =	shalt  }
0x4e: {  	_ =	shalt  }
0x4f: {  	_ =	shalt  }
0x50: {  	_ =	shalt  }
0x51: {  	_ =	shalt  }
0x52: {  	_ =	shalt  }
0x53: {  	_ =	shalt  }
0x54: {  	_ =	shalt  }
0x55: {  	_ =	shalt  }
0x56: {  	_ =	shalt  }
0x57: {  	_ =	shalt  }
0x58: {  	_ =	shalt  }
0x59: {  	_ =	shalt  }
0x5a: {  	_ =	shalt  }
0x5b: {  	_ =	shalt  }
0x5c: {  	_ =	shalt  }
0x5d: {  	_ =	shalt  }
0x5e: {  	_ =	shalt  }
0x5f: {  	_ =	shalt  }
0x60: {  	_ =	shalt  }
0x61: {  	_ =	shalt  }
0x62: {  	_ =	shalt  }
0x63: {  	_ =	shalt  }
0x64: {  	_ =	shalt  }
0x65: {  	_ =	shalt  }
0x66: {  	_ =	shalt  }
0x67: {  	_ =	shalt  }
0x68: {  	_ =	shalt  }
0x69: {  	_ =	shalt  }
0x6a: {  	_ =	shalt  }
0x6b: {  	_ =	shalt  }
0x6c: {  	_ =	shalt  }
0x6d: {  	_ =	shalt  }
0x6e: {  	_ =	shalt  }
0x6f: {  	_ =	shalt  }
0x70: {  	_ =	shalt  }
0x71: {  	_ =	shalt  }
0x72: {  	_ =	shalt  }
0x73: {  	_ =	shalt  }
0x74: {  	_ =	shalt  }
0x75: {  	_ =	shalt  }
0x76: {  	_ =	shalt  }
0x77: {  	_ =	shalt  }
0x78: {  	_ =	shalt  }
0x79: {  	_ =	shalt  }
0x7a: {  	_ =	shalt  }
0x7b: {  	_ =	shalt  }
0x7c: {  	_ =	shalt  }
0x7d: {  	_ =	shalt  }
0x7e: {  	_ =	shalt  }
0x7f: {  	_ =	shalt  }
0x80: {  	_ =	shalt  }
0x81: {  	_ =	shalt  }
0x82: {  	_ =	shalt  }
0x83: {  	_ =	shalt  }
0x84: {  	_ =	shalt  }
0x85: {  	_ =	shalt  }
0x86: {  	_ =	shalt  }
0x87: {  	_ =	shalt  }
.Lfunc_end0:
.L_simem_size_0:
called_computation_lowered:
.L_overlay_start_0:
0x88: {  	s2 =	sld [smem:$0x3FD9]  }
0x89: {  	s3 =	sld [smem:$0x3FFE];
	_ =	sdelay $0x1  }
0x8a: {  	s1 =	srdreg.scid  }
0x8b: {  	s0 =	sand.u32 $0x1, s1  }
0x8c: {  	s17 =	sshll.u32 s0, $0xA;
	s2 =	sadd.s32 s3, s2  }
0x8d: {  	s2 =	sadd.s32 s2, s17  }
0x8e: {  	[smem:$0x3FC0] =	sst s2  }
0x8f: {  	_ = 	snop  }
0x90: {  	(tm) =	ssettm $0x1  }
0x91: {  	s18 =	sld [smem:$0x3FFB];
	_ =	sdelay $0x3  }
0x92: {  	_ =	strace s18  }
0x93: {  	s2 =	sld [smem:$0x3FFC];
	_ =	sdelay $0x3  }
0x94: {  	_ =	strace s2  }
0x95: {  	s2 =	sld [smem:$0x3FFD];
	_ =	sdelay $0x3  }
0x96: {  	_ =	strace s2  }
0x97: {  	_ =	strace $0x8FFFFFFF  }
0x98: {  	s19 =	sld [smem:$0x3FDB];
	_ =	sdelay $0x1  }
0x99: {  	s20 =	simm.s32 $_scs_section_size  }
0x9a: {  	s4 =	simm.s32 $_size__tile_overlayer_lowered;
	s5 =	simm.s32 $_tile_overlayer_lowered  }
0x9b: {  	s6 =	simm.s32 $0x1BFF;
	s21 =	sshll.u32 s5, $0x1;
	s3 =	sadd.s32 s20, s19  }
0x9c: {  	s22 =	simm.s32 $0x0;
	s4 =	sshll.u32 s4, $0x1;
	s5 =	sadd.s32 s21, s3  }
0x9d: {  	[timem:s22], [sflag:s6] =	dma.local [hbm:s5], s4  }
0x9e: {  	_ =	swait.ge [sflag:s6], s4  }
0x9f: {  	s4 =	ssub.s32 $0x0, s4;
	[sflag:s6] =	ssyncset.done $0x0  }
0xa0: {  	[sflag:s6] =	ssyncadd.s32 s4;
	_ =	sdelay $0x1  }
0xa1: {  	s23 =	simm.s32 $0x1B8B  }
0xa2: {  	_ =	swait.ge [sflag:s23], $0x1  }
0xa3: {  	[sflag:s23] =	ssyncset.done $0x0  }
0xa4: {  	[sflag:s23] =	ssyncadd.s32 $0xFFFFFFFF  }
0xa5: {  	s4 =	sld [smem:$0x0]  }
0xa6: {  	s5 =	sand.u32 $0xFFFFFFFE, s1  }
0xa7: {  	p0 =	sne.s32 s1, s5  }
0xa8: {  	s5 =	sshll.u32 @p0 s5, $0xE  }
0xa9: {  	s5 =	sadd.s32 @p0 $0x11B8D, s5;
	s6 =	sshll.u32 @p0 s4, $0x11  }
0xaa: {  	s5 =	sor.u32 @p0 s6, s5  }
0xab: {  	[sflag:s5] =	ssyncadd.remote.s32 @p0 $0x1;
	_ =	sdelay $0x1  }
0xac: {  	s5 =	simm.s32 @p0 $0x1B8D  }
0xad: {  	_ =	swait.eq @p0 [sflag:s5], $0x1  }
0xae: {  	[sflag:s5] =	ssyncadd.s32 @p0 $0xFFFFFFFF  }
0xaf: {  	s6 =	sshll.u32 @!p0 s1, $0xE  }
0xb0: {  	s6 =	sor.u32 @!p0 $0x4000, s6;
	s5 =	simm.s32 @!p0 $0x1B8D  }
0xb1: {  	s4 =	sshll.u32 @!p0 s4, $0x11;
	s6 =	sadd.s32 @!p0 $0x11B8D, s6;
	_ =	swait.eq @!p0 [sflag:s5], $0x1  }
0xb2: {  	s4 =	sor.u32 @!p0 s4, s6;
	[sflag:s5] =	ssyncadd.s32 @!p0 $0xFFFFFFFF  }
0xb3: {  	s25 =	simm.s32 $0x1B8E;
	s24 =	sld [smem:$0x3FFE];
	[sflag:s4] =	ssyncadd.remote.s32 @!p0 $0x1  }
0xb4: {  	s26 =	simm.s32 $execute0_lowered;
	[smem:$0x3FD2] =	sst s25  }
0xb5: {  	s5 =	sshll.u32 s26, $0x1;
	_ =	strace $0x80000049;
	[dreg:$0x1] =	wrdreg $0xFFFFFFFF  }
0xb6: {  	s28 =	simm.s32 $_size_execute0_lowered;
	s3 =	sadd.s32 s3, s5;
	[dreg:$0x0] =	wrdreg $0x0  }
0xb7: {  	s5 =	sshll.u32 s28, $0x1;
	[dreg:$0x2] =	wrdreg s3  }
0xb8: {  	[dreg:$0x3] =	wrdreg s5  }
0xb9: {  	[dreg:$0x4] =	wrdreg $0xC0  }
0xba: {  	_ =	task [dreg:s22], $0x5FFFF  }
0xbb: {  	[dreg:$0x1] =	wrdreg $0xFFFFFFFF  }
0xbc: {  	[dreg:$0x0] =	wrdreg $0x60  }
0xbd: {  	[dreg:$0x2] =	wrdreg s24  }
0xbe: {  	[dreg:$0x3] =	wrdreg $0x0  }
0xbf: {  	[dreg:$0x4] =	wrdreg $0x9  }
0xc0: {  	_ =	task.clear_ibuf [dreg:s22], $0x5FFFF;
	_ =	strace $0x90000049  }
0xc1: {  	s29 =	simm.s32 $0x9;
	_ =	strace $0x8000004B  }
0xc2: {  	_ =	swait.ge [sflag:s29], $0x1  }
0xc3: {  	[sflag:s29] =	ssyncadd.s32 $0xFFFFFFFF  }
0xc4: {  	_ =	strace $0x9000004B  }
0xc5: {  	_ =	sfence  }
0xc6: {  	s30 =	sld [smem:$0x0];
	_ =	sdelay $0x2  }
0xc7: {  	s31 =	sshll.u32 s1, $0xD;
	s1 =	sshrl.u32 s1, $0x2  }
0xc8: {  	s4 =	sand.u32 $0x4000, s31;
	s1 =	sadd.s32 s1, s30  }
0xc9: {  	s0 =	sor.u32 s4, s0;
	s1 =	sshll.u32 s1, $0x11  }
0xca: {  	s0 =	sor.u32 s1, s0  }
0xcb: {  	s0 =	sadd.s32 $0x8F2B, s0  }
0xcc: {  	[sflag:s0] =	ssyncadd.remote.s32 $0x1  }
0xcd: {  	_ =	sfence.sel $0xFFFF  }
0xce: {  	[dreg:$0x0] =	wrdreg $0xFFFFFFFF;
	(pc) =	sbr.abs _section_cstart, $3  }
0xcf: {  	[dreg:$0x1] =	wrdreg $0xFFFFFFFF  }
0xd0: {  	_ =	task.clear_ibuf [dreg:s22], $0x2FFFF;
	_ =	strace $0x9FFFFFFF  }
0xd1: {  	(tm) =	ssettm $0x7FFFFFFF  }
tec
execute0_lowered:
.L_overlay_start_1:
0x0: {  	(tag) =	ssettag $0x1  }
0x1: {  	s7 =	rddreg [dreg:$0x0]  }
0x2: {  	s1 =	rddreg [dreg:$0x1]  }
0x3: {  	s2 =	srdreg.scid;
	s0 =	rddreg [dreg:$0x2]  }
0x4: {  	s3 =	simm.s32 $0x0;
	s14 =	simm.s32 $0x14000;
	s15 =	simm.s32 $0x80  }
0x5: {  	s16 =	simm.s32 $0x14080;
	s8 =	sand.u32 $0x1, s2;
	s2 =	stileid.u32  }
0x6: {  	s17 =	simm.s32 $0x0;
	[smem:$0x7FF] =	sst s3;
	s9 =	smul.u32 $0x140000, s8  }
0x7: {  	s4 =	sadd.s32 $0x1A00, s7;
	s5 =	sadd.s32 $0xA6A00, s7;
	s10 =	smul.u32 $0x14000, s2  }
0x8: {  	s6 =	sadd.s32 $0xF9200, s7;
	_ =	strace $0x8000004A;
	s12 =	smul.u32 $0x50000, s2  }
0x9: {  	s26 =	ssub.s32 $0x2, s8;
	s28 =	smul.u32 $0x2800, s8;
	s30 =	sshll.u32 s2, $0x6  }
0xa: {  	s31 =	smul.u32 $0x280, s2;
	s11 =	sshrl.u32 s26, $0x1;
	s9 =	sadd.s32 s10, s9  }
0xb: {  	s10 =	ssub.s32 s26, s11;
	s29 =	sshrl.u32 s12, $0x2;
	s9 =	sshrl.u32 s9, $0x3  }
0xc: {  	s12 =	simm.s32 $0x1;
	s13 =	sadd.s32 s29, s1;
	s9 =	sadd.s32 s9, s7  }
0xd: {  	s7 =	sor.u32 $0x1C01, s30;
	s11 =	sshrl.u32 s13, $0x3;
	s13 =	simm.s32 $0x14100  }
0xe: {  	s8 =	sadd.s32 $0xF9A00, s9;
	s9 =	smax.u32 s10, $0x1;
	s10 =	sadd.s32 s31, s28  }
.LBB2_1:
0xf: {  	[spmem:s11], [sflag:s7] =	dma.local [hbm:s5], $0x2800  }
0x10: {  	_ =	swait.ge [sflag:s12], $0x2800  }
0x11: {  	[sflag:s12] =	ssyncset.done $0x0  }
0x12: {  	[sflag:s12] =	ssyncadd.s32 $0xFFFFD800  }
0x13: {  	[tilespmem:s13], [sflag:$0x1] =	stream.linear.gather [hbm4b:s6+s3], $0x4000, $0x38;
	[tilespmem:$0x18100] =	vst v63  }
0x14: {  	_ =	swait.ge [sflag:s12], $0x4000  }
0x15: {  	s18 =	sadd.s32 $0x0, s10;
	s19 =	sand.u32 $0x70, s3;
	[sflag:s12] =	ssyncset.done $0x0  }
0x16: {  	s18 =	sand.u32 $0xFFFFF80, s18;
	s19 =	sadd.s32 s4, s19;
	[sflag:s12] =	ssyncadd.s32 $0xFFFFC000  }
0x17: {  	s18 =	sadd.s32 s18, s19;
	[bflag:$0x0] =	sbarrier.arrive $0xFFFF  }
0x18: {  	[tilespmem:s14], [sflag:$0x1] =	stream.linear.gather [hbm4b:s18+s3], $0x80, $0x38;
	[tilespmem:$0x18100] =	vst v63  }
0x19: {  	s30 =	simm.s32 $0x10;
	_ =	swait.ge [sflag:s12], $0x80  }
0x1a: {  	s31 =	sadd.s32 $0x10, s10;
	s18 =	sand.u32 $0x70, s30;
	[sflag:s12] =	ssyncset.done $0x0  }
0x1b: {  	s20 =	sand.u32 $0xFFFFF80, s31;
	s18 =	sadd.s32 s4, s18;
	[sflag:s12] =	ssyncadd.s32 $0xFFFFFF80  }
0x1c: {  	s19 =	simm.s32 $0x20;
	s18 =	sadd.s32 s20, s18;
	v0 =	vld [tilespmem:$0x14030]  }
.LBB2_2:
0x1d: {  	p0 =	sne.s32 s19, $0x270;
	v1 =	vld [tilespmem:$0x14020];
	s20 =	smov.u32 s19;
	s19 =	sadd.s32 $0x10, s19  }
0x1e: {  	v2 =	vld [tilespmem:$0x14060]  }
0x1f: {  	v3 =	vld [tilespmem:$0x14050]  }
0x20: {  	v4 =	vld [tilespmem:$0x14010]  }
0x21: {  	v5 =	vld [tilespmem:$0x14040]  }
0x22: {  	s21 =	sadd.s32 s20, s10;
	s20 =	sand.u32 $0x70, s20;
	v1 =	vtrunc.f32 v1;
	v6 =	vld [tilespmem:$0x14070]  }
0x23: {  	s21 =	sand.u32 $0xFFFFF80, s21;
	s20 =	sadd.s32 s4, s20;
	v7 =	vld [tilespmem:$0x14000];
	v1 =	vcvt.f32.s32 v1;
	v2 =	vtrunc.f32 v2  }
0x24: {  	s20 =	sadd.s32 s21, s20;
	v0 =	vtrunc.f32 v0;
	v2 =	vcvt.f32.s32 v2  }
0x25: {  	v0 =	vcvt.f32.s32 v0;
	[tilespmem:$0x140A0] =	vst v1;
	v1 =	vtrunc.f32 v3  }
0x26: {  	v3 =	vtrunc.f32 v4;
	v1 =	vcvt.f32.s32 v1;
	[tilespmem:$0x140E0] =	vst v2  }
0x27: {  	v2 =	vcvt.f32.s32 v3;
	[tilespmem:$0x140B0] =	vst v0;
	v0 =	vtrunc.f32 v5  }
0x28: {  	v0 =	vcvt.f32.s32 v0;
	[tilespmem:$0x140D0] =	vst v1;
	v1 =	vtrunc.f32 v6  }
0x29: {  	v3 =	vtrunc.f32 v7;
	[tilespmem:$0x14090] =	vst v2;
	v1 =	vcvt.f32.s32 v1  }
0x2a: {  	v2 =	vcvt.f32.s32 v3;
	[tilespmem:$0x140C0] =	vst v0  }
0x2b: {  	[tilespmem:$0x140F0] =	vst v1  }
0x2c: {  	[tilespmem:$0x14080] =	vst v2  }
0x2d: {  	[spmem:s1] =	stream.indirect.scatter.add.f32 [tilespmem:s13], [sflag:$0x1], $0x80, s16, s15, $0xb8;
	[tilespmem:$0x18100] =	vst v63  }
0x2e: {  	_ =	swait.ge [sflag:s12], $0x4000  }
0x2f: {  	[sflag:s12] =	ssyncset.done $0x0  }
0x30: {  	[sflag:s12] =	ssyncadd.s32 $0xFFFFC000  }
0x31: {  	[tilespmem:s14], [sflag:$0x1] =	stream.linear.gather [hbm4b:s18+s3], $0x80, $0x38;
	[tilespmem:$0x18100] =	vst v63  }
.Ltmp0:
0x32: {  	_ = 	snop;
	(pc) =	sbr.rel @p0 .LBB2_2-.Ltmp0, $4  }
0x33: {  	s18 =	smov.u32 s20;
	_ =	swait.ge [sflag:s12], $0x80  }
0x34: {  	[sflag:s12] =	ssyncset.done $0x0  }
0x35: {  	[sflag:s12] =	ssyncadd.s32 $0xFFFFFF80  }
0x36: {  	v0 =	vld [tilespmem:$0x14030]  }
0x37: {  	v1 =	vld [tilespmem:$0x14020]  }
0x38: {  	v2 =	vld [tilespmem:$0x14060]  }
0x39: {  	v4 =	vld [tilespmem:$0x14010]  }
0x3a: {  	v7 =	vld [tilespmem:$0x14000]  }
0x3b: {  	v3 =	vld [tilespmem:$0x14050];
	v0 =	vtrunc.f32 v0  }
0x3c: {  	v5 =	vld [tilespmem:$0x14040];
	v1 =	vtrunc.f32 v1;
	v0 =	vcvt.f32.s32 v0  }
0x3d: {  	v6 =	vld [tilespmem:$0x14070];
	v2 =	vtrunc.f32 v2;
	v1 =	vcvt.f32.s32 v1  }
0x3e: {  	v41 =	vtrunc.f32 v4;
	v2 =	vcvt.f32.s32 v2;
	[tilespmem:$0x140B0] =	vst v0  }
0x3f: {  	v45 =	vtrunc.f32 v7;
	v42 =	vcvt.f32.s32 v41;
	[tilespmem:$0x140A0] =	vst v1  }
0x40: {  	v40 =	vtrunc.f32 v3;
	v46 =	vcvt.f32.s32 v45;
	[tilespmem:$0x140E0] =	vst v2  }
0x41: {  	v43 =	vtrunc.f32 v5;
	v1 =	vcvt.f32.s32 v40;
	[tilespmem:$0x14090] =	vst v42  }
0x42: {  	v44 =	vtrunc.f32 v6;
	v0 =	vcvt.f32.s32 v43;
	[tilespmem:$0x14080] =	vst v46  }
0x43: {  	[tilespmem:$0x140D0] =	vst v1;
	v1 =	vcvt.f32.s32 v44  }
0x44: {  	[tilespmem:$0x140C0] =	vst v0  }
0x45: {  	[tilespmem:$0x140F0] =	vst v1  }
0x46: {  	[spmem:s1] =	stream.indirect.scatter.add.f32 [tilespmem:s13], [sflag:$0x1], $0x80, s16, s15, $0xb8;
	[tilespmem:$0x18100] =	vst v63  }
0x47: {  	_ =	swait.ge [sflag:s12], $0x4000  }
0x48: {  	[sflag:s12] =	ssyncset.done $0x0  }
0x49: {  	[sflag:s12] =	ssyncadd.s32 $0xFFFFC000  }
0x4a: {  	[tilespmem:s14], [sflag:$0x1] =	stream.linear.gather [hbm4b:s18+s3], $0x80, $0x38;
	[tilespmem:$0x18100] =	vst v63  }
0x4b: {  	_ =	swait.ge [sflag:s12], $0x80  }
0x4c: {  	[sflag:s12] =	ssyncset.done $0x0  }
0x4d: {  	[sflag:s12] =	ssyncadd.s32 $0xFFFFFF80  }
0x4e: {  	v47 =	vld [tilespmem:$0x14020]  }
0x4f: {  	v48 =	vld [tilespmem:$0x14060]  }
0x50: {  	v49 =	vld [tilespmem:$0x14030]  }
0x51: {  	v50 =	vld [tilespmem:$0x14050]  }
0x52: {  	v51 =	vld [tilespmem:$0x14010]  }
0x53: {  	v53 =	vld [tilespmem:$0x14070];
	v0 =	vtrunc.f32 v47  }
0x54: {  	v54 =	vld [tilespmem:$0x14000];
	v1 =	vtrunc.f32 v48;
	v0 =	vcvt.f32.s32 v0  }
0x55: {  	v52 =	vld [tilespmem:$0x14040];
	v2 =	vtrunc.f32 v49;
	v1 =	vcvt.f32.s32 v1  }
0x56: {  	v56 =	vtrunc.f32 v50;
	v55 =	vcvt.f32.s32 v2;
	[tilespmem:$0x140A0] =	vst v0  }
0x57: {  	v57 =	vtrunc.f32 v51;
	v2 =	vcvt.f32.s32 v56;
	[tilespmem:$0x140E0] =	vst v1  }
0x58: {  	v60 =	vtrunc.f32 v53;
	v58 =	vcvt.f32.s32 v57;
	[tilespmem:$0x140B0] =	vst v55  }
0x59: {  	v61 =	vtrunc.f32 v54;
	v62 =	vcvt.f32.s32 v60;
	[tilespmem:$0x140D0] =	vst v2  }
0x5a: {  	v59 =	vtrunc.f32 v52;
	v63 =	vcvt.f32.s32 v61;
	[tilespmem:$0x14090] =	vst v58  }
0x5b: {  	v0 =	vcvt.f32.s32 v59;
	[tilespmem:$0x140F0] =	vst v62  }
0x5c: {  	[tilespmem:$0x14080] =	vst v63  }
0x5d: {  	[tilespmem:$0x140C0] =	vst v0  }
0x5e: {  	[spmem:s1] =	stream.indirect.scatter.add.f32 [tilespmem:s13], [sflag:$0x1], $0x80, s16, s15, $0xb8;
	[tilespmem:$0x18100] =	vst v63  }
0x5f: {  	_ =	swait.ge [sflag:s12], $0x4000  }
0x60: {  	s17 =	sadd.s32 $0x1, s17;
	[sflag:s12] =	ssyncset.done $0x0  }
0x61: {  	p0 =	sne.s32 s17, s9;
	[sflag:s12] =	ssyncadd.s32 $0xFFFFC000  }
.Ltmp1:
0x62: {  	[bflag:$0x0] =	sbarrier.arrive $0xFFFF;
	(pc) =	sbr.rel @p0 .LBB2_1-.Ltmp1, $4  }
0x63: {  	[hbm:s8], [sflag:s7] =	dma.local [spmem:s11], $0x2800  }
0x64: {  	_ =	swait.ge [sflag:s12], $0x2800  }
0x65: {  	[sflag:s12] =	ssyncset.done $0x0  }
0x66: {  	[sflag:s12] =	ssyncadd.s32 $0xFFFFD800  }
0x67: {  	_ =	sfence.sel $0x180000  }
0x68: {  	[bflag:$0x0] =	sbarrier.arrive $0xFFFF  }
0x69: {  	p0 =	sne.s32 s2, $0x0;
	_ =	strace $0x9000004A  }
0x6a: {  	s0 =	sadd.s32 @!p0 $0x100000, s0;
	[bflag:$0x2] =	sbarrier.arrive $0xFFFF  }
0x6b: {  	[sflag:s0] =	ssyncadd.tile.s32 @!p0 $0x1;
	_ =	shalt  }
.Lfunc_end2:
_tile_overlayer_lowered:
.L_overlay_start_2:
0x6c: {  	(tag) =	ssettag $0x2  }
0x6d: {  	s0 =	rddreg [dreg:$0x0];
	s2 =	stileid.u32  }
0x6e: {  	s1 =	rddreg [dreg:$0x1];
	p0 =	sne.s32 s2, $0x0  }
0x6f: {  	s3 =	rddreg [dreg:$0x2];
	[bflag:$0x3] =	sbarrier.arrive $0xFFFF;
	s2 =	simm.s32 @!p0 $0x1C01  }
0x70: {  	[timem:s3], [sflag:s2] =	dma.local @!p0 [hbm:s0], s1  }
0x71: {  	s0 =	simm.s32 @!p0 $0x1  }
0x72: {  	_ =	swait.ge @!p0 [sflag:s0], s1  }
0x73: {  	s1 =	ssub.s32 @!p0 $0x0, s1;
	[sflag:s0] =	ssyncset.done @!p0 $0x0  }
0x74: {  	[sflag:s0] =	ssyncadd.s32 @!p0 s1  }
0x75: {  	[bflag:$0x3] =	sbarrier.arrive $0xFFFF  }
0x76: {  	_ =	shalt  }

</sc_bundles>
